<compile_context>
chip_gen: v7x
topology: tpu7x:2x2x1
jax: 0.10.2.dev20260603
libtpu: 0.0.44.dev20260713+nightly
codegen_flags: <defaults>
</compile_context>

<pallas_src>
import functools

import jax
import jax.numpy as jnp
from jax import lax
from jax.experimental import pallas as pl
from jax.experimental.pallas import tpu as pltpu
from jax.experimental.pallas import tpu_sc as plsc

VOCAB = 30522
HIDDEN = 768
MAX_POS = 512
BATCH = 128
SEQ = 512

NC = 2
NS = 16
NW = NC * NS
S_PER_W = SEQ // NW
CB = 32
NCHUNK = BATCH // CB
NBUF = NCHUNK
LOOKAHEAD = NBUF // 2
LANES = 16
NJ = HIDDEN // LANES


def _sc_embed(ids_t, token_table, pos_table):
    mesh = plsc.VectorSubcoreMesh(core_axis_name="c", subcore_axis_name="s")

    @functools.partial(
        pl.kernel,
        mesh=mesh,
        out_type=jax.ShapeDtypeStruct((BATCH, SEQ, HIDDEN), jnp.float32),
        scratch_types=[
            pltpu.VMEM((S_PER_W, BATCH), jnp.int32),
            pltpu.VMEM((S_PER_W, HIDDEN), jnp.float32),
            pltpu.VMEM((NBUF, CB, HIDDEN), jnp.float32),
        ] + [pltpu.SemaphoreType.DMA] * (2 * NBUF),
    )
    def k(ids_hbm, tok_hbm, pos_hbm, out_hbm, idx_v, pos_v, buf_v, *sems):
        gsems, osems = sems[:NBUF], sems[NBUF:]
        wid = lax.axis_index("s") * NC + lax.axis_index("c")
        s0 = wid * S_PER_W
        pltpu.sync_copy(ids_hbm.at[pl.ds(s0, S_PER_W), :], idx_v)
        pltpu.sync_copy(pos_hbm.at[pl.ds(s0, S_PER_W), :], pos_v)

        def g_start(sl, c, bslot):
            return pltpu.async_copy(
                tok_hbm.at[idx_v.at[sl, pl.ds(c * CB, CB)]],
                buf_v.at[bslot], gsems[bslot])

        def g_wait(sl, c, bslot):
            pltpu.make_async_copy(
                tok_hbm.at[idx_v.at[sl, pl.ds(c * CB, CB)]],
                buf_v.at[bslot], gsems[bslot]).wait()

        def s_start(sl, c, bslot):
            return pltpu.async_copy(
                buf_v.at[bslot],
                out_hbm.at[pl.ds(c * CB, CB), s0 + sl, :], osems[bslot])

        def s_wait(sl, c, bslot):
            pltpu.make_async_copy(
                buf_v.at[bslot],
                out_hbm.at[pl.ds(c * CB, CB), s0 + sl, :],
                osems[bslot]).wait()

        for c in range(LOOKAHEAD):
            g_start(0, c, c)

        def per_k(sk, carry):
            for b in range(NBUF):
                g_wait(sk, b, b)
                if b < NBUF - LOOKAHEAD:
                    @pl.when(sk >= 1)
                    def _():
                        s_wait(sk - 1, b + LOOKAHEAD, b + LOOKAHEAD)
                    g_start(sk, b + LOOKAHEAD, b + LOOKAHEAD)
                else:
                    @pl.when(sk < S_PER_W - 1)
                    def _():
                        s_wait(sk, b - LOOKAHEAD, b - LOOKAHEAD)
                        g_start(sk + 1, b - LOOKAHEAD, b - LOOKAHEAD)
                pos_regs = [pos_v[sk, pl.ds(j * LANES, LANES)]
                            for j in range(NJ)]

                def add_row(vb, c3):
                    for j in range(NJ):
                        sl = pl.ds(j * LANES, LANES)
                        buf_v[b, vb, sl] = buf_v[b, vb, sl] + pos_regs[j]
                    return c3

                lax.fori_loop(0, CB, add_row, 0)
                s_start(sk, b, b)
            return carry

        lax.fori_loop(0, S_PER_W, per_k, 0)
        for b in range(NBUF):
            s_wait(S_PER_W - 1, b, b)

    return k(ids_t, token_table, pos_table)


def kernel(input_ids, token_table, pos_table):
    ids_t = input_ids.astype(jnp.int32).T
    return _sc_embed(ids_t, token_table, pos_table)

# --- scband reference (transcript-rebuilt; emitter-appended) ---
"""Pipeline reference for scband-embeddings-38457137168905 (READ-ONLY COPY).

The authoritative reference and input builder live on the scoring server;
editing this copy changes nothing except your own understanding.
"""

import jax, jax.numpy as jnp
import numpy as np

VOCAB = 30522
HIDDEN = 768
MAX_POS = 512
BATCH = 128
SEQ = 512


def setup_inputs(seed: int = 0) -> dict:
    key = jax.random.key(seed)
    k1, k2, k3 = jax.random.split(key, 3)
    input_ids = jax.random.randint(k1, (BATCH, SEQ), 0, VOCAB, dtype=jnp.int64 if jax.config.jax_enable_x64 else jnp.int32)
    token_table = jax.random.normal(k2, (VOCAB, HIDDEN), dtype=jnp.float32) * 0.02
    pos_table = jax.random.normal(k3, (MAX_POS, HIDDEN), dtype=jnp.float32) * 0.02
    return {"input_ids": input_ids, "token_table": token_table, "pos_table": pos_table}


def reference(input_ids, token_table, pos_table):
    seq_len = input_ids.shape[-1]
    position_ids = jnp.arange(seq_len, dtype=input_ids.dtype)[None, :]  # [1, S]
    position_embeddings = jnp.take(pos_table, position_ids, axis=0)     # [1, S, H]
    token_embeddings = jnp.take(token_table, input_ids, axis=0)         # [B, S, H]
    embeddings = position_embeddings + token_embeddings
    return embeddings

if __name__ == "__main__":
    import jax
    _d = setup_inputs()
    print(jax.jit(kernel)(*tuple(_d.values())))

</pallas_src>

<mosaic_0001>
#map = affine_map<(d0, d1) -> (0, 0)>
#map1 = affine_map<(d0, d1) -> (0, 0, 0)>
module attributes {stable_mosaic.version = 14 : i64} {
  func.func @k(%arg0: i32, %arg1: i32, %arg2: memref<512x128xi32, #tpu.memory_space<hbm>>, %arg3: memref<30522x768xf32, #tpu.memory_space<hbm>>, %arg4: memref<512x768xf32, #tpu.memory_space<hbm>>, %arg5: memref<128x512x768xf32, #tpu.memory_space<hbm>>, %arg6: memref<16x128xi32, #tpu.memory_space<vmem>>, %arg7: memref<16x768xf32, #tpu.memory_space<vmem>>, %arg8: memref<4x32x768xf32, #tpu.memory_space<vmem>>, %arg9: memref<!tpu.dma_semaphore, #tpu.memory_space<semaphore_mem>>, %arg10: memref<!tpu.dma_semaphore, #tpu.memory_space<semaphore_mem>>, %arg11: memref<!tpu.dma_semaphore, #tpu.memory_space<semaphore_mem>>, %arg12: memref<!tpu.dma_semaphore, #tpu.memory_space<semaphore_mem>>, %arg13: memref<!tpu.dma_semaphore, #tpu.memory_space<semaphore_mem>>, %arg14: memref<!tpu.dma_semaphore, #tpu.memory_space<semaphore_mem>>, %arg15: memref<!tpu.dma_semaphore, #tpu.memory_space<semaphore_mem>>, %arg16: memref<!tpu.dma_semaphore, #tpu.memory_space<semaphore_mem>>) attributes {dimension_semantics = [#tpu.dimension_semantics<core_parallel>, #tpu.dimension_semantics<subcore_parallel>], iteration_bounds = array<i64: 2, 16>, scalar_prefetch = 0 : i64, scratch_operands = 11 : i64, tpu.core_type = #tpu.core_type<sc_vector_subcore>, window_params = [{transform_indices = #map}, {transform_indices = #map}, {transform_indices = #map}, {transform_indices = #map1}]} {
    %mul3A = arith.constant 2 : i32
    %mul3A_0 = arith.muli %arg1, %mul3A : i32
    %add3A = arith.addi %mul3A_0, %arg0 : i32
    %mul3A_1 = arith.constant 16 : i32
    %mul3A_2 = arith.muli %add3A, %mul3A_1 : i32
    "tpu.region"() ({
      %run_scoped3A = tpu.sem_alloc : memref<!tpu.dma_semaphore, #tpu.memory_space<semaphore_mem>>
      %dma_start3A_106 = arith.constant 0 : i32
      %dma_start3A_107 = tpu.memref_slice %arg2[%mul3A_2, %dma_start3A_106] : memref<512x128xi32, #tpu.memory_space<hbm>> -> memref<16x128xi32, #tpu.memory_space<hbm>>
      %dma_start3A_108 = arith.constant 0 : i32
      %dma_start3A_109 = tpu.memref_slice %arg2[%mul3A_2, %dma_start3A_108] : memref<512x128xi32, #tpu.memory_space<hbm>> -> memref<16x128xi32, #tpu.memory_space<hbm>>
      tpu.enqueue_dma source(%dma_start3A_109 : memref<16x128xi32, #tpu.memory_space<hbm>>) target(%arg6 : memref<16x128xi32, #tpu.memory_space<vmem>>) target_semaphore(%run_scoped3A : memref<!tpu.dma_semaphore, #tpu.memory_space<semaphore_mem>>)
      %dma_wait3A_110 = arith.constant 0 : i32
      %dma_wait3A_111 = tpu.memref_slice %arg2[%mul3A_2, %dma_wait3A_110] : memref<512x128xi32, #tpu.memory_space<hbm>> -> memref<16x128xi32, #tpu.memory_space<hbm>>
      %dma_wait3A_112 = arith.constant 0 : i32
      %dma_wait3A_113 = tpu.memref_slice %arg2[%mul3A_2, %dma_wait3A_112] : memref<512x128xi32, #tpu.memory_space<hbm>> -> memref<16x128xi32, #tpu.memory_space<hbm>>
      tpu.wait_dma2 semaphore(%run_scoped3A : memref<!tpu.dma_semaphore, #tpu.memory_space<semaphore_mem>>) src(%dma_wait3A_113 : memref<16x128xi32, #tpu.memory_space<hbm>>) dst(%arg6 : memref<16x128xi32, #tpu.memory_space<vmem>>)
      tpu.yield
    }) : () -> ()
    "tpu.region"() ({
      %run_scoped3A = tpu.sem_alloc : memref<!tpu.dma_semaphore, #tpu.memory_space<semaphore_mem>>
      %dma_start3A_106 = arith.constant 0 : i32
      %dma_start3A_107 = tpu.memref_slice %arg4[%mul3A_2, %dma_start3A_106] : memref<512x768xf32, #tpu.memory_space<hbm>> -> memref<16x768xf32, #tpu.memory_space<hbm>>
      %dma_start3A_108 = arith.constant 0 : i32
      %dma_start3A_109 = tpu.memref_slice %arg4[%mul3A_2, %dma_start3A_108] : memref<512x768xf32, #tpu.memory_space<hbm>> -> memref<16x768xf32, #tpu.memory_space<hbm>>
      tpu.enqueue_dma source(%dma_start3A_109 : memref<16x768xf32, #tpu.memory_space<hbm>>) target(%arg7 : memref<16x768xf32, #tpu.memory_space<vmem>>) target_semaphore(%run_scoped3A : memref<!tpu.dma_semaphore, #tpu.memory_space<semaphore_mem>>)
      %dma_wait3A_110 = arith.constant 0 : i32
      %dma_wait3A_111 = tpu.memref_slice %arg4[%mul3A_2, %dma_wait3A_110] : memref<512x768xf32, #tpu.memory_space<hbm>> -> memref<16x768xf32, #tpu.memory_space<hbm>>
      %dma_wait3A_112 = arith.constant 0 : i32
      %dma_wait3A_113 = tpu.memref_slice %arg4[%mul3A_2, %dma_wait3A_112] : memref<512x768xf32, #tpu.memory_space<hbm>> -> memref<16x768xf32, #tpu.memory_space<hbm>>
      tpu.wait_dma2 semaphore(%run_scoped3A : memref<!tpu.dma_semaphore, #tpu.memory_space<semaphore_mem>>) src(%dma_wait3A_113 : memref<16x768xf32, #tpu.memory_space<hbm>>) dst(%arg7 : memref<16x768xf32, #tpu.memory_space<vmem>>)
      tpu.yield
    }) : () -> ()
    %dma_start3A = arith.constant 0 : i32
    %dma_start3A_3 = arith.constant 0 : i32
    %dma_start3A_4 = arith.constant 0 : i32
    %dma_start3A_5 = arith.constant 0 : i32
    %dma_start3A_6 = tpu.memref_slice %arg8[%dma_start3A_3, %dma_start3A_4, %dma_start3A_5] : memref<4x32x768xf32, #tpu.memory_space<vmem>> -> memref<1x32x768xf32, #tpu.memory_space<vmem>>
    %dma_start3A_7 = tpu.memref_squeeze %dma_start3A_6 : memref<1x32x768xf32, #tpu.memory_space<vmem>> -> memref<32x768xf32, #tpu.memory_space<vmem>>
    %dma_start3A_8 = arith.constant 0 : i32
    %dma_start3A_9 = tpu.memref_slice %arg6[%dma_start3A, %dma_start3A_8] : memref<16x128xi32, #tpu.memory_space<vmem>> -> memref<1x32xi32, #tpu.memory_space<vmem>>
    %dma_start3A_10 = tpu.memref_squeeze %dma_start3A_9 : memref<1x32xi32, #tpu.memory_space<vmem>> -> memref<32xi32, #tpu.memory_space<vmem>>
    %dma_start3A_11 = arith.constant 0 : i32
    %dma_start3A_12 = arith.constant 0 : i32
    %dma_start3A_13 = tpu.memref_slice %arg3[%dma_start3A_11, %dma_start3A_12] : memref<30522x768xf32, #tpu.memory_space<hbm>> -> memref<30522x768xf32, #tpu.memory_space<hbm>>
    tpu.enqueue_indirect_dma source(%dma_start3A_13 : memref<30522x768xf32, #tpu.memory_space<hbm>>) target(%dma_start3A_7 : memref<32x768xf32, #tpu.memory_space<vmem>>) offsets(%dma_start3A_10 : memref<32xi32, #tpu.memory_space<vmem>>) semaphore(%arg9 : memref<!tpu.dma_semaphore, #tpu.memory_space<semaphore_mem>>)
    %dma_start3A_14 = arith.constant 0 : i32
    %dma_start3A_15 = arith.constant 1 : i32
    %dma_start3A_16 = arith.constant 0 : i32
    %dma_start3A_17 = arith.constant 0 : i32
    %dma_start3A_18 = tpu.memref_slice %arg8[%dma_start3A_15, %dma_start3A_16, %dma_start3A_17] : memref<4x32x768xf32, #tpu.memory_space<vmem>> -> memref<1x32x768xf32, #tpu.memory_space<vmem>>
    %dma_start3A_19 = tpu.memref_squeeze %dma_start3A_18 : memref<1x32x768xf32, #tpu.memory_space<vmem>> -> memref<32x768xf32, #tpu.memory_space<vmem>>
    %dma_start3A_20 = arith.constant 32 : i32
    %dma_start3A_21 = tpu.memref_slice %arg6[%dma_start3A_14, %dma_start3A_20] : memref<16x128xi32, #tpu.memory_space<vmem>> -> memref<1x32xi32, #tpu.memory_space<vmem>>
    %dma_start3A_22 = tpu.memref_squeeze %dma_start3A_21 : memref<1x32xi32, #tpu.memory_space<vmem>> -> memref<32xi32, #tpu.memory_space<vmem>>
    %dma_start3A_23 = arith.constant 0 : i32
    %dma_start3A_24 = arith.constant 0 : i32
    %dma_start3A_25 = tpu.memref_slice %arg3[%dma_start3A_23, %dma_start3A_24] : memref<30522x768xf32, #tpu.memory_space<hbm>> -> memref<30522x768xf32, #tpu.memory_space<hbm>>
    tpu.enqueue_indirect_dma source(%dma_start3A_25 : memref<30522x768xf32, #tpu.memory_space<hbm>>) target(%dma_start3A_19 : memref<32x768xf32, #tpu.memory_space<vmem>>) offsets(%dma_start3A_22 : memref<32xi32, #tpu.memory_space<vmem>>) semaphore(%arg10 : memref<!tpu.dma_semaphore, #tpu.memory_space<semaphore_mem>>)
    %scan3A = arith.constant 0 : i32
    %scan3A_26 = arith.constant 0 : i32
    %scan3A_27 = arith.constant 16 : i32
    %scan3A_28 = arith.addi %scan3A_26, %scan3A_27 : i32
    %scan3A_29 = arith.constant 1 : i32
    scf.for %scan3A_106 = %scan3A_26 to %scan3A_28 step %scan3A_29  : i32 {
      %dma_wait3A_107 = arith.constant 0 : i32
      %dma_wait3A_108 = arith.constant 0 : i32
      %dma_wait3A_109 = arith.constant 0 : i32
      %dma_wait3A_110 = tpu.memref_slice %arg8[%dma_wait3A_107, %dma_wait3A_108, %dma_wait3A_109] : memref<4x32x768xf32, #tpu.memory_space<vmem>> -> memref<1x32x768xf32, #tpu.memory_space<vmem>>
      %dma_wait3A_111 = tpu.memref_squeeze %dma_wait3A_110 : memref<1x32x768xf32, #tpu.memory_space<vmem>> -> memref<32x768xf32, #tpu.memory_space<vmem>>
      %dma_wait3A_112 = arith.constant 0 : i32
      %dma_wait3A_113 = tpu.memref_slice %arg6[%scan3A_106, %dma_wait3A_112] : memref<16x128xi32, #tpu.memory_space<vmem>> -> memref<1x32xi32, #tpu.memory_space<vmem>>
      %dma_wait3A_114 = tpu.memref_squeeze %dma_wait3A_113 : memref<1x32xi32, #tpu.memory_space<vmem>> -> memref<32xi32, #tpu.memory_space<vmem>>
      %dma_wait3A_115 = arith.constant 0 : i32
      %dma_wait3A_116 = arith.constant 0 : i32
      %dma_wait3A_117 = tpu.memref_slice %arg3[%dma_wait3A_115, %dma_wait3A_116] : memref<30522x768xf32, #tpu.memory_space<hbm>> -> memref<30522x768xf32, #tpu.memory_space<hbm>>
      tpu.wait_indirect_dma semaphore(%arg9 : memref<!tpu.dma_semaphore, #tpu.memory_space<semaphore_mem>>) src(%dma_wait3A_117 : memref<30522x768xf32, #tpu.memory_space<hbm>>) dst(%dma_wait3A_111 : memref<32x768xf32, #tpu.memory_space<vmem>>)
      %ge3A = arith.constant 1 : i32
      %ge3A_118 = arith.cmpi sge, %scan3A_106, %ge3A : i32
      %convert_element_type3A = arith.extui %ge3A_118 : i1 to i32
      %cond3A = arith.constant 0 : i32
      %cond3A_119 = arith.cmpi ne, %convert_element_type3A, %cond3A : i32
      scf.if %cond3A_119 {
        %sub3A = arith.constant 1 : i32
        %sub3A_1052 = arith.subi %scan3A_106, %sub3A : i32
        %add3A_1053 = arith.addi %mul3A_2, %sub3A_1052 : i32
        %dma_wait3A_1054 = arith.constant 2 : i32
        %dma_wait3A_1055 = arith.constant 0 : i32
        %dma_wait3A_1056 = arith.constant 0 : i32
        %dma_wait3A_1057 = tpu.memref_slice %arg8[%dma_wait3A_1054, %dma_wait3A_1055, %dma_wait3A_1056] : memref<4x32x768xf32, #tpu.memory_space<vmem>> -> memref<1x32x768xf32, #tpu.memory_space<vmem>>
        %dma_wait3A_1058 = tpu.memref_squeeze %dma_wait3A_1057 : memref<1x32x768xf32, #tpu.memory_space<vmem>> -> memref<32x768xf32, #tpu.memory_space<vmem>>
        %dma_wait3A_1059 = arith.constant 64 : i32
        %dma_wait3A_1060 = arith.constant 0 : i32
        %dma_wait3A_1061 = tpu.memref_slice %arg5[%dma_wait3A_1059, %add3A_1053, %dma_wait3A_1060] : memref<128x512x768xf32, #tpu.memory_space<hbm>> -> memref<32x1x768xf32, #tpu.memory_space<hbm>>
        %dma_wait3A_1062 = tpu.memref_squeeze %dma_wait3A_1061 : memref<32x1x768xf32, #tpu.memory_space<hbm>> -> memref<32x768xf32, #tpu.memory_space<hbm>>
        %dma_wait3A_1063 = arith.constant 64 : i32
        %dma_wait3A_1064 = arith.constant 0 : i32
        %dma_wait3A_1065 = tpu.memref_slice %arg5[%dma_wait3A_1063, %add3A_1053, %dma_wait3A_1064] : memref<128x512x768xf32, #tpu.memory_space<hbm>> -> memref<32x1x768xf32, #tpu.memory_space<hbm>>
        %dma_wait3A_1066 = tpu.memref_squeeze %dma_wait3A_1065 : memref<32x1x768xf32, #tpu.memory_space<hbm>> -> memref<32x768xf32, #tpu.memory_space<hbm>>
        %dma_wait3A_1067 = arith.constant 0 : i32
        %dma_wait3A_1068 = arith.constant 0 : i32
        %dma_wait3A_1069 = tpu.memref_slice %arg8[%dma_wait3A_1054, %dma_wait3A_1067, %dma_wait3A_1068] : memref<4x32x768xf32, #tpu.memory_space<vmem>> -> memref<1x32x768xf32, #tpu.memory_space<vmem>>
        %dma_wait3A_1070 = tpu.memref_squeeze %dma_wait3A_1069 : memref<1x32x768xf32, #tpu.memory_space<vmem>> -> memref<32x768xf32, #tpu.memory_space<vmem>>
        tpu.wait_dma2 semaphore(%arg15 : memref<!tpu.dma_semaphore, #tpu.memory_space<semaphore_mem>>) src(%dma_wait3A_1070 : memref<32x768xf32, #tpu.memory_space<vmem>>) dst(%dma_wait3A_1066 : memref<32x768xf32, #tpu.memory_space<hbm>>)
      } else {
      }
      %dma_start3A_120 = arith.constant 2 : i32
      %dma_start3A_121 = arith.constant 0 : i32
      %dma_start3A_122 = arith.constant 0 : i32
      %dma_start3A_123 = tpu.memref_slice %arg8[%dma_start3A_120, %dma_start3A_121, %dma_start3A_122] : memref<4x32x768xf32, #tpu.memory_space<vmem>> -> memref<1x32x768xf32, #tpu.memory_space<vmem>>
      %dma_start3A_124 = tpu.memref_squeeze %dma_start3A_123 : memref<1x32x768xf32, #tpu.memory_space<vmem>> -> memref<32x768xf32, #tpu.memory_space<vmem>>
      %dma_start3A_125 = arith.constant 64 : i32
      %dma_start3A_126 = tpu.memref_slice %arg6[%scan3A_106, %dma_start3A_125] : memref<16x128xi32, #tpu.memory_space<vmem>> -> memref<1x32xi32, #tpu.memory_space<vmem>>
      %dma_start3A_127 = tpu.memref_squeeze %dma_start3A_126 : memref<1x32xi32, #tpu.memory_space<vmem>> -> memref<32xi32, #tpu.memory_space<vmem>>
      %dma_start3A_128 = arith.constant 0 : i32
      %dma_start3A_129 = arith.constant 0 : i32
      %dma_start3A_130 = tpu.memref_slice %arg3[%dma_start3A_128, %dma_start3A_129] : memref<30522x768xf32, #tpu.memory_space<hbm>> -> memref<30522x768xf32, #tpu.memory_space<hbm>>
      tpu.enqueue_indirect_dma source(%dma_start3A_130 : memref<30522x768xf32, #tpu.memory_space<hbm>>) target(%dma_start3A_124 : memref<32x768xf32, #tpu.memory_space<vmem>>) offsets(%dma_start3A_127 : memref<32xi32, #tpu.memory_space<vmem>>) semaphore(%arg11 : memref<!tpu.dma_semaphore, #tpu.memory_space<semaphore_mem>>)
      %get3A = arith.index_cast %scan3A_106 : i32 to index
      %get3A_131 = arith.constant 0 : index
      %get3A_132 = tpu.vector_load %arg7[%get3A, %get3A_131] {strides = array<i32>} : memref<16x768xf32, #tpu.memory_space<vmem>>, vector<1x16xf32>,
      %get3A_133 = vector.shape_cast %get3A_132 : vector<1x16xf32> to vector<16xf32>
      %get3A_134 = arith.index_cast %scan3A_106 : i32 to index
      %get3A_135 = arith.constant 16 : index
      %get3A_136 = tpu.vector_load %arg7[%get3A_134, %get3A_135] {strides = array<i32>} : memref<16x768xf32, #tpu.memory_space<vmem>>, vector<1x16xf32>,
      %get3A_137 = vector.shape_cast %get3A_136 : vector<1x16xf32> to vector<16xf32>
      %get3A_138 = arith.index_cast %scan3A_106 : i32 to index
      %get3A_139 = arith.constant 32 : index
      %get3A_140 = tpu.vector_load %arg7[%get3A_138, %get3A_139] {strides = array<i32>} : memref<16x768xf32, #tpu.memory_space<vmem>>, vector<1x16xf32>,
      %get3A_141 = vector.shape_cast %get3A_140 : vector<1x16xf32> to vector<16xf32>
      %get3A_142 = arith.index_cast %scan3A_106 : i32 to index
      %get3A_143 = arith.constant 48 : index
      %get3A_144 = tpu.vector_load %arg7[%get3A_142, %get3A_143] {strides = array<i32>} : memref<16x768xf32, #tpu.memory_space<vmem>>, vector<1x16xf32>,
      %get3A_145 = vector.shape_cast %get3A_144 : vector<1x16xf32> to vector<16xf32>
      %get3A_146 = arith.index_cast %scan3A_106 : i32 to index
      %get3A_147 = arith.constant 64 : index
      %get3A_148 = tpu.vector_load %arg7[%get3A_146, %get3A_147] {strides = array<i32>} : memref<16x768xf32, #tpu.memory_space<vmem>>, vector<1x16xf32>,
      %get3A_149 = vector.shape_cast %get3A_148 : vector<1x16xf32> to vector<16xf32>
      %get3A_150 = arith.index_cast %scan3A_106 : i32 to index
      %get3A_151 = arith.constant 80 : index
      %get3A_152 = tpu.vector_load %arg7[%get3A_150, %get3A_151] {strides = array<i32>} : memref<16x768xf32, #tpu.memory_space<vmem>>, vector<1x16xf32>,
      %get3A_153 = vector.shape_cast %get3A_152 : vector<1x16xf32> to vector<16xf32>
      %get3A_154 = arith.index_cast %scan3A_106 : i32 to index
      %get3A_155 = arith.constant 96 : index
      %get3A_156 = tpu.vector_load %arg7[%get3A_154, %get3A_155] {strides = array<i32>} : memref<16x768xf32, #tpu.memory_space<vmem>>, vector<1x16xf32>,
      %get3A_157 = vector.shape_cast %get3A_156 : vector<1x16xf32> to vector<16xf32>
      %get3A_158 = arith.index_cast %scan3A_106 : i32 to index
      %get3A_159 = arith.constant 112 : index
      %get3A_160 = tpu.vector_load %arg7[%get3A_158, %get3A_159] {strides = array<i32>} : memref<16x768xf32, #tpu.memory_space<vmem>>, vector<1x16xf32>,
      %get3A_161 = vector.shape_cast %get3A_160 : vector<1x16xf32> to vector<16xf32>
      %get3A_162 = arith.index_cast %scan3A_106 : i32 to index
      %get3A_163 = arith.constant 128 : index
      %get3A_164 = tpu.vector_load %arg7[%get3A_162, %get3A_163] {strides = array<i32>} : memref<16x768xf32, #tpu.memory_space<vmem>>, vector<1x16xf32>,
      %get3A_165 = vector.shape_cast %get3A_164 : vector<1x16xf32> to vector<16xf32>
      %get3A_166 = arith.index_cast %scan3A_106 : i32 to index
      %get3A_167 = arith.constant 144 : index
      %get3A_168 = tpu.vector_load %arg7[%get3A_166, %get3A_167] {strides = array<i32>} : memref<16x768xf32, #tpu.memory_space<vmem>>, vector<1x16xf32>,
      %get3A_169 = vector.shape_cast %get3A_168 : vector<1x16xf32> to vector<16xf32>
      %get3A_170 = arith.index_cast %scan3A_106 : i32 to index
      %get3A_171 = arith.constant 160 : index
      %get3A_172 = tpu.vector_load %arg7[%get3A_170, %get3A_171] {strides = array<i32>} : memref<16x768xf32, #tpu.memory_space<vmem>>, vector<1x16xf32>,
      %get3A_173 = vector.shape_cast %get3A_172 : vector<1x16xf32> to vector<16xf32>
      %get3A_174 = arith.index_cast %scan3A_106 : i32 to index
      %get3A_175 = arith.constant 176 : index
      %get3A_176 = tpu.vector_load %arg7[%get3A_174, %get3A_175] {strides = array<i32>} : memref<16x768xf32, #tpu.memory_space<vmem>>, vector<1x16xf32>,
      %get3A_177 = vector.shape_cast %get3A_176 : vector<1x16xf32> to vector<16xf32>
      %get3A_178 = arith.index_cast %scan3A_106 : i32 to index
      %get3A_179 = arith.constant 192 : index
      %get3A_180 = tpu.vector_load %arg7[%get3A_178, %get3A_179] {strides = array<i32>} : memref<16x768xf32, #tpu.memory_space<vmem>>, vector<1x16xf32>,
      %get3A_181 = vector.shape_cast %get3A_180 : vector<1x16xf32> to vector<16xf32>
      %get3A_182 = arith.index_cast %scan3A_106 : i32 to index
      %get3A_183 = arith.constant 208 : index
      %get3A_184 = tpu.vector_load %arg7[%get3A_182, %get3A_183] {strides = array<i32>} : memref<16x768xf32, #tpu.memory_space<vmem>>, vector<1x16xf32>,
      %get3A_185 = vector.shape_cast %get3A_184 : vector<1x16xf32> to vector<16xf32>
      %get3A_186 = arith.index_cast %scan3A_106 : i32 to index
      %get3A_187 = arith.constant 224 : index
      %get3A_188 = tpu.vector_load %arg7[%get3A_186, %get3A_187] {strides = array<i32>} : memref<16x768xf32, #tpu.memory_space<vmem>>, vector<1x16xf32>,
      %get3A_189 = vector.shape_cast %get3A_188 : vector<1x16xf32> to vector<16xf32>
      %get3A_190 = arith.index_cast %scan3A_106 : i32 to index
      %get3A_191 = arith.constant 240 : index
      %get3A_192 = tpu.vector_load %arg7[%get3A_190, %get3A_191] {strides = array<i32>} : memref<16x768xf32, #tpu.memory_space<vmem>>, vector<1x16xf32>,
      %get3A_193 = vector.shape_cast %get3A_192 : vector<1x16xf32> to vector<16xf32>
      %get3A_194 = arith.index_cast %scan3A_106 : i32 to index
      %get3A_195 = arith.constant 256 : index
      %get3A_196 = tpu.vector_load %arg7[%get3A_194, %get3A_195] {strides = array<i32>} : memref<16x768xf32, #tpu.memory_space<vmem>>, vector<1x16xf32>,
      %get3A_197 = vector.shape_cast %get3A_196 : vector<1x16xf32> to vector<16xf32>
      %get3A_198 = arith.index_cast %scan3A_106 : i32 to index
      %get3A_199 = arith.constant 272 : index
      %get3A_200 = tpu.vector_load %arg7[%get3A_198, %get3A_199] {strides = array<i32>} : memref<16x768xf32, #tpu.memory_space<vmem>>, vector<1x16xf32>,
      %get3A_201 = vector.shape_cast %get3A_200 : vector<1x16xf32> to vector<16xf32>
      %get3A_202 = arith.index_cast %scan3A_106 : i32 to index
      %get3A_203 = arith.constant 288 : index
      %get3A_204 = tpu.vector_load %arg7[%get3A_202, %get3A_203] {strides = array<i32>} : memref<16x768xf32, #tpu.memory_space<vmem>>, vector<1x16xf32>,
      %get3A_205 = vector.shape_cast %get3A_204 : vector<1x16xf32> to vector<16xf32>
      %get3A_206 = arith.index_cast %scan3A_106 : i32 to index
      %get3A_207 = arith.constant 304 : index
      %get3A_208 = tpu.vector_load %arg7[%get3A_206, %get3A_207] {strides = array<i32>} : memref<16x768xf32, #tpu.memory_space<vmem>>, vector<1x16xf32>,
      %get3A_209 = vector.shape_cast %get3A_208 : vector<1x16xf32> to vector<16xf32>
      %get3A_210 = arith.index_cast %scan3A_106 : i32 to index
      %get3A_211 = arith.constant 320 : index
      %get3A_212 = tpu.vector_load %arg7[%get3A_210, %get3A_211] {strides = array<i32>} : memref<16x768xf32, #tpu.memory_space<vmem>>, vector<1x16xf32>,
      %get3A_213 = vector.shape_cast %get3A_212 : vector<1x16xf32> to vector<16xf32>
      %get3A_214 = arith.index_cast %scan3A_106 : i32 to index
      %get3A_215 = arith.constant 336 : index
      %get3A_216 = tpu.vector_load %arg7[%get3A_214, %get3A_215] {strides = array<i32>} : memref<16x768xf32, #tpu.memory_space<vmem>>, vector<1x16xf32>,
      %get3A_217 = vector.shape_cast %get3A_216 : vector<1x16xf32> to vector<16xf32>
      %get3A_218 = arith.index_cast %scan3A_106 : i32 to index
      %get3A_219 = arith.constant 352 : index
      %get3A_220 = tpu.vector_load %arg7[%get3A_218, %get3A_219] {strides = array<i32>} : memref<16x768xf32, #tpu.memory_space<vmem>>, vector<1x16xf32>,
      %get3A_221 = vector.shape_cast %get3A_220 : vector<1x16xf32> to vector<16xf32>
      %get3A_222 = arith.index_cast %scan3A_106 : i32 to index
      %get3A_223 = arith.constant 368 : index
      %get3A_224 = tpu.vector_load %arg7[%get3A_222, %get3A_223] {strides = array<i32>} : memref<16x768xf32, #tpu.memory_space<vmem>>, vector<1x16xf32>,
      %get3A_225 = vector.shape_cast %get3A_224 : vector<1x16xf32> to vector<16xf32>
      %get3A_226 = arith.index_cast %scan3A_106 : i32 to index
      %get3A_227 = arith.constant 384 : index
      %get3A_228 = tpu.vector_load %arg7[%get3A_226, %get3A_227] {strides = array<i32>} : memref<16x768xf32, #tpu.memory_space<vmem>>, vector<1x16xf32>,
      %get3A_229 = vector.shape_cast %get3A_228 : vector<1x16xf32> to vector<16xf32>
      %get3A_230 = arith.index_cast %scan3A_106 : i32 to index
      %get3A_231 = arith.constant 400 : index
      %get3A_232 = tpu.vector_load %arg7[%get3A_230, %get3A_231] {strides = array<i32>} : memref<16x768xf32, #tpu.memory_space<vmem>>, vector<1x16xf32>,
      %get3A_233 = vector.shape_cast %get3A_232 : vector<1x16xf32> to vector<16xf32>
      %get3A_234 = arith.index_cast %scan3A_106 : i32 to index
      %get3A_235 = arith.constant 416 : index
      %get3A_236 = tpu.vector_load %arg7[%get3A_234, %get3A_235] {strides = array<i32>} : memref<16x768xf32, #tpu.memory_space<vmem>>, vector<1x16xf32>,
      %get3A_237 = vector.shape_cast %get3A_236 : vector<1x16xf32> to vector<16xf32>
      %get3A_238 = arith.index_cast %scan3A_106 : i32 to index
      %get3A_239 = arith.constant 432 : index
      %get3A_240 = tpu.vector_load %arg7[%get3A_238, %get3A_239] {strides = array<i32>} : memref<16x768xf32, #tpu.memory_space<vmem>>, vector<1x16xf32>,
      %get3A_241 = vector.shape_cast %get3A_240 : vector<1x16xf32> to vector<16xf32>
      %get3A_242 = arith.index_cast %scan3A_106 : i32 to index
      %get3A_243 = arith.constant 448 : index
      %get3A_244 = tpu.vector_load %arg7[%get3A_242, %get3A_243] {strides = array<i32>} : memref<16x768xf32, #tpu.memory_space<vmem>>, vector<1x16xf32>,
      %get3A_245 = vector.shape_cast %get3A_244 : vector<1x16xf32> to vector<16xf32>
      %get3A_246 = arith.index_cast %scan3A_106 : i32 to index
      %get3A_247 = arith.constant 464 : index
      %get3A_248 = tpu.vector_load %arg7[%get3A_246, %get3A_247] {strides = array<i32>} : memref<16x768xf32, #tpu.memory_space<vmem>>, vector<1x16xf32>,
      %get3A_249 = vector.shape_cast %get3A_248 : vector<1x16xf32> to vector<16xf32>
      %get3A_250 = arith.index_cast %scan3A_106 : i32 to index
      %get3A_251 = arith.constant 480 : index
      %get3A_252 = tpu.vector_load %arg7[%get3A_250, %get3A_251] {strides = array<i32>} : memref<16x768xf32, #tpu.memory_space<vmem>>, vector<1x16xf32>,
      %get3A_253 = vector.shape_cast %get3A_252 : vector<1x16xf32> to vector<16xf32>
      %get3A_254 = arith.index_cast %scan3A_106 : i32 to index
      %get3A_255 = arith.constant 496 : index
      %get3A_256 = tpu.vector_load %arg7[%get3A_254, %get3A_255] {strides = array<i32>} : memref<16x768xf32, #tpu.memory_space<vmem>>, vector<1x16xf32>,
      %get3A_257 = vector.shape_cast %get3A_256 : vector<1x16xf32> to vector<16xf32>
      %get3A_258 = arith.index_cast %scan3A_106 : i32 to index
      %get3A_259 = arith.constant 512 : index
      %get3A_260 = tpu.vector_load %arg7[%get3A_258, %get3A_259] {strides = array<i32>} : memref<16x768xf32, #tpu.memory_space<vmem>>, vector<1x16xf32>,
      %get3A_261 = vector.shape_cast %get3A_260 : vector<1x16xf32> to vector<16xf32>
      %get3A_262 = arith.index_cast %scan3A_106 : i32 to index
      %get3A_263 = arith.constant 528 : index
      %get3A_264 = tpu.vector_load %arg7[%get3A_262, %get3A_263] {strides = array<i32>} : memref<16x768xf32, #tpu.memory_space<vmem>>, vector<1x16xf32>,
      %get3A_265 = vector.shape_cast %get3A_264 : vector<1x16xf32> to vector<16xf32>
      %get3A_266 = arith.index_cast %scan3A_106 : i32 to index
      %get3A_267 = arith.constant 544 : index
      %get3A_268 = tpu.vector_load %arg7[%get3A_266, %get3A_267] {strides = array<i32>} : memref<16x768xf32, #tpu.memory_space<vmem>>, vector<1x16xf32>,
      %get3A_269 = vector.shape_cast %get3A_268 : vector<1x16xf32> to vector<16xf32>
      %get3A_270 = arith.index_cast %scan3A_106 : i32 to index
      %get3A_271 = arith.constant 560 : index
      %get3A_272 = tpu.vector_load %arg7[%get3A_270, %get3A_271] {strides = array<i32>} : memref<16x768xf32, #tpu.memory_space<vmem>>, vector<1x16xf32>,
      %get3A_273 = vector.shape_cast %get3A_272 : vector<1x16xf32> to vector<16xf32>
      %get3A_274 = arith.index_cast %scan3A_106 : i32 to index
      %get3A_275 = arith.constant 576 : index
      %get3A_276 = tpu.vector_load %arg7[%get3A_274, %get3A_275] {strides = array<i32>} : memref<16x768xf32, #tpu.memory_space<vmem>>, vector<1x16xf32>,
      %get3A_277 = vector.shape_cast %get3A_276 : vector<1x16xf32> to vector<16xf32>
      %get3A_278 = arith.index_cast %scan3A_106 : i32 to index
      %get3A_279 = arith.constant 592 : index
      %get3A_280 = tpu.vector_load %arg7[%get3A_278, %get3A_279] {strides = array<i32>} : memref<16x768xf32, #tpu.memory_space<vmem>>, vector<1x16xf32>,
      %get3A_281 = vector.shape_cast %get3A_280 : vector<1x16xf32> to vector<16xf32>
      %get3A_282 = arith.index_cast %scan3A_106 : i32 to index
      %get3A_283 = arith.constant 608 : index
      %get3A_284 = tpu.vector_load %arg7[%get3A_282, %get3A_283] {strides = array<i32>} : memref<16x768xf32, #tpu.memory_space<vmem>>, vector<1x16xf32>,
      %get3A_285 = vector.shape_cast %get3A_284 : vector<1x16xf32> to vector<16xf32>
      %get3A_286 = arith.index_cast %scan3A_106 : i32 to index
      %get3A_287 = arith.constant 624 : index
      %get3A_288 = tpu.vector_load %arg7[%get3A_286, %get3A_287] {strides = array<i32>} : memref<16x768xf32, #tpu.memory_space<vmem>>, vector<1x16xf32>,
      %get3A_289 = vector.shape_cast %get3A_288 : vector<1x16xf32> to vector<16xf32>
      %get3A_290 = arith.index_cast %scan3A_106 : i32 to index
      %get3A_291 = arith.constant 640 : index
      %get3A_292 = tpu.vector_load %arg7[%get3A_290, %get3A_291] {strides = array<i32>} : memref<16x768xf32, #tpu.memory_space<vmem>>, vector<1x16xf32>,
      %get3A_293 = vector.shape_cast %get3A_292 : vector<1x16xf32> to vector<16xf32>
      %get3A_294 = arith.index_cast %scan3A_106 : i32 to index
      %get3A_295 = arith.constant 656 : index
      %get3A_296 = tpu.vector_load %arg7[%get3A_294, %get3A_295] {strides = array<i32>} : memref<16x768xf32, #tpu.memory_space<vmem>>, vector<1x16xf32>,
      %get3A_297 = vector.shape_cast %get3A_296 : vector<1x16xf32> to vector<16xf32>
      %get3A_298 = arith.index_cast %scan3A_106 : i32 to index
      %get3A_299 = arith.constant 672 : index
      %get3A_300 = tpu.vector_load %arg7[%get3A_298, %get3A_299] {strides = array<i32>} : memref<16x768xf32, #tpu.memory_space<vmem>>, vector<1x16xf32>,
      %get3A_301 = vector.shape_cast %get3A_300 : vector<1x16xf32> to vector<16xf32>
      %get3A_302 = arith.index_cast %scan3A_106 : i32 to index
      %get3A_303 = arith.constant 688 : index
      %get3A_304 = tpu.vector_load %arg7[%get3A_302, %get3A_303] {strides = array<i32>} : memref<16x768xf32, #tpu.memory_space<vmem>>, vector<1x16xf32>,
      %get3A_305 = vector.shape_cast %get3A_304 : vector<1x16xf32> to vector<16xf32>
      %get3A_306 = arith.index_cast %scan3A_106 : i32 to index
      %get3A_307 = arith.constant 704 : index
      %get3A_308 = tpu.vector_load %arg7[%get3A_306, %get3A_307] {strides = array<i32>} : memref<16x768xf32, #tpu.memory_space<vmem>>, vector<1x16xf32>,
      %get3A_309 = vector.shape_cast %get3A_308 : vector<1x16xf32> to vector<16xf32>
      %get3A_310 = arith.index_cast %scan3A_106 : i32 to index
      %get3A_311 = arith.constant 720 : index
      %get3A_312 = tpu.vector_load %arg7[%get3A_310, %get3A_311] {strides = array<i32>} : memref<16x768xf32, #tpu.memory_space<vmem>>, vector<1x16xf32>,
      %get3A_313 = vector.shape_cast %get3A_312 : vector<1x16xf32> to vector<16xf32>
      %get3A_314 = arith.index_cast %scan3A_106 : i32 to index
      %get3A_315 = arith.constant 736 : index
      %get3A_316 = tpu.vector_load %arg7[%get3A_314, %get3A_315] {strides = array<i32>} : memref<16x768xf32, #tpu.memory_space<vmem>>, vector<1x16xf32>,
      %get3A_317 = vector.shape_cast %get3A_316 : vector<1x16xf32> to vector<16xf32>
      %get3A_318 = arith.index_cast %scan3A_106 : i32 to index
      %get3A_319 = arith.constant 752 : index
      %get3A_320 = tpu.vector_load %arg7[%get3A_318, %get3A_319] {strides = array<i32>} : memref<16x768xf32, #tpu.memory_space<vmem>>, vector<1x16xf32>,
      %get3A_321 = vector.shape_cast %get3A_320 : vector<1x16xf32> to vector<16xf32>
      %scan3A_322 = arith.constant 0 : i32
      %scan3A_323 = arith.constant 0 : i32
      %scan3A_324 = arith.constant 32 : i32
      %scan3A_325 = arith.addi %scan3A_323, %scan3A_324 : i32
      %scan3A_326 = arith.constant 1 : i32
      scf.for %scan3A_1052 = %scan3A_323 to %scan3A_325 step %scan3A_326  : i32 {
        %get3A_1053 = arith.constant 0 : i32
        %get3A_1054 = arith.index_cast %get3A_1053 : i32 to index
        %get3A_1055 = arith.index_cast %scan3A_1052 : i32 to index
        %get3A_1056 = arith.constant 0 : index
        %get3A_1057 = tpu.vector_load %arg8[%get3A_1054, %get3A_1055, %get3A_1056] {strides = array<i32>} : memref<4x32x768xf32, #tpu.memory_space<vmem>>, vector<1x1x16xf32>,
        %get3A_1058 = vector.shape_cast %get3A_1057 : vector<1x1x16xf32> to vector<16xf32>
        %add3A_1059 = arith.addf %get3A_1058, %get3A_133 : vector<16xf32>
        %swap3A = arith.constant 0 : i32
        %swap3A_1060 = arith.index_cast %swap3A : i32 to index
        %swap3A_1061 = arith.index_cast %scan3A_1052 : i32 to index
        %swap3A_1062 = arith.constant 0 : index
        %swap3A_1063 = tpu.vector_load %arg8[%swap3A_1060, %swap3A_1061, %swap3A_1062] {strides = array<i32>} : memref<4x32x768xf32, #tpu.memory_space<vmem>>, vector<1x1x16xf32>,
        %swap3A_1064 = vector.shape_cast %swap3A_1063 : vector<1x1x16xf32> to vector<16xf32>
        %swap3A_1065 = vector.shape_cast %add3A_1059 : vector<16xf32> to vector<1x1x16xf32>
        tpu.vector_store %arg8[%swap3A_1060, %swap3A_1061, %swap3A_1062], %swap3A_1065 {strides = array<i32>} : memref<4x32x768xf32, #tpu.memory_space<vmem>>, vector<1x1x16xf32>,
        %get3A_1066 = arith.constant 0 : i32
        %get3A_1067 = arith.index_cast %get3A_1066 : i32 to index
        %get3A_1068 = arith.index_cast %scan3A_1052 : i32 to index
        %get3A_1069 = arith.constant 16 : index
        %get3A_1070 = tpu.vector_load %arg8[%get3A_1067, %get3A_1068, %get3A_1069] {strides = array<i32>} : memref<4x32x768xf32, #tpu.memory_space<vmem>>, vector<1x1x16xf32>,
        %get3A_1071 = vector.shape_cast %get3A_1070 : vector<1x1x16xf32> to vector<16xf32>
        %add3A_1072 = arith.addf %get3A_1071, %get3A_137 : vector<16xf32>
        %swap3A_1073 = arith.constant 0 : i32
        %swap3A_1074 = arith.index_cast %swap3A_1073 : i32 to index
        %swap3A_1075 = arith.index_cast %scan3A_1052 : i32 to index
        %swap3A_1076 = arith.constant 16 : index
        %swap3A_1077 = tpu.vector_load %arg8[%swap3A_1074, %swap3A_1075, %swap3A_1076] {strides = array<i32>} : memref<4x32x768xf32, #tpu.memory_space<vmem>>, vector<1x1x16xf32>,
        %swap3A_1078 = vector.shape_cast %swap3A_1077 : vector<1x1x16xf32> to vector<16xf32>
        %swap3A_1079 = vector.shape_cast %add3A_1072 : vector<16xf32> to vector<1x1x16xf32>
        tpu.vector_store %arg8[%swap3A_1074, %swap3A_1075, %swap3A_1076], %swap3A_1079 {strides = array<i32>} : memref<4x32x768xf32, #tpu.memory_space<vmem>>, vector<1x1x16xf32>,
        %get3A_1080 = arith.constant 0 : i32
        %get3A_1081 = arith.index_cast %get3A_1080 : i32 to index
        %get3A_1082 = arith.index_cast %scan3A_1052 : i32 to index
        %get3A_1083 = arith.constant 32 : index
        %get3A_1084 = tpu.vector_load %arg8[%get3A_1081, %get3A_1082, %get3A_1083] {strides = array<i32>} : memref<4x32x768xf32, #tpu.memory_space<vmem>>, vector<1x1x16xf32>,
        %get3A_1085 = vector.shape_cast %get3A_1084 : vector<1x1x16xf32> to vector<16xf32>
        %add3A_1086 = arith.addf %get3A_1085, %get3A_141 : vector<16xf32>
        %swap3A_1087 = arith.constant 0 : i32
        %swap3A_1088 = arith.index_cast %swap3A_1087 : i32 to index
        %swap3A_1089 = arith.index_cast %scan3A_1052 : i32 to index
        %swap3A_1090 = arith.constant 32 : index
        %swap3A_1091 = tpu.vector_load %arg8[%swap3A_1088, %swap3A_1089, %swap3A_1090] {strides = array<i32>} : memref<4x32x768xf32, #tpu.memory_space<vmem>>, vector<1x1x16xf32>,
        %swap3A_1092 = vector.shape_cast %swap3A_1091 : vector<1x1x16xf32> to vector<16xf32>
        %swap3A_1093 = vector.shape_cast %add3A_1086 : vector<16xf32> to vector<1x1x16xf32>
        tpu.vector_store %arg8[%swap3A_1088, %swap3A_1089, %swap3A_1090], %swap3A_1093 {strides = array<i32>} : memref<4x32x768xf32, #tpu.memory_space<vmem>>, vector<1x1x16xf32>,
        %get3A_1094 = arith.constant 0 : i32
        %get3A_1095 = arith.index_cast %get3A_1094 : i32 to index
        %get3A_1096 = arith.index_cast %scan3A_1052 : i32 to index
        %get3A_1097 = arith.constant 48 : index
        %get3A_1098 = tpu.vector_load %arg8[%get3A_1095, %get3A_1096, %get3A_1097] {strides = array<i32>} : memref<4x32x768xf32, #tpu.memory_space<vmem>>, vector<1x1x16xf32>,
        %get3A_1099 = vector.shape_cast %get3A_1098 : vector<1x1x16xf32> to vector<16xf32>
        %add3A_1100 = arith.addf %get3A_1099, %get3A_145 : vector<16xf32>
        %swap3A_1101 = arith.constant 0 : i32
        %swap3A_1102 = arith.index_cast %swap3A_1101 : i32 to index
        %swap3A_1103 = arith.index_cast %scan3A_1052 : i32 to index
        %swap3A_1104 = arith.constant 48 : index
        %swap3A_1105 = tpu.vector_load %arg8[%swap3A_1102, %swap3A_1103, %swap3A_1104] {strides = array<i32>} : memref<4x32x768xf32, #tpu.memory_space<vmem>>, vector<1x1x16xf32>,
        %swap3A_1106 = vector.shape_cast %swap3A_1105 : vector<1x1x16xf32> to vector<16xf32>
        %swap3A_1107 = vector.shape_cast %add3A_1100 : vector<16xf32> to vector<1x1x16xf32>
        tpu.vector_store %arg8[%swap3A_1102, %swap3A_1103, %swap3A_1104], %swap3A_1107 {strides = array<i32>} : memref<4x32x768xf32, #tpu.memory_space<vmem>>, vector<1x1x16xf32>,
        %get3A_1108 = arith.constant 0 : i32
        %get3A_1109 = arith.index_cast %get3A_1108 : i32 to index
        %get3A_1110 = arith.index_cast %scan3A_1052 : i32 to index
        %get3A_1111 = arith.constant 64 : index
        %get3A_1112 = tpu.vector_load %arg8[%get3A_1109, %get3A_1110, %get3A_1111] {strides = array<i32>} : memref<4x32x768xf32, #tpu.memory_space<vmem>>, vector<1x1x16xf32>,
        %get3A_1113 = vector.shape_cast %get3A_1112 : vector<1x1x16xf32> to vector<16xf32>
        %add3A_1114 = arith.addf %get3A_1113, %get3A_149 : vector<16xf32>
        %swap3A_1115 = arith.constant 0 : i32
        %swap3A_1116 = arith.index_cast %swap3A_1115 : i32 to index
        %swap3A_1117 = arith.index_cast %scan3A_1052 : i32 to index
        %swap3A_1118 = arith.constant 64 : index
        %swap3A_1119 = tpu.vector_load %arg8[%swap3A_1116, %swap3A_1117, %swap3A_1118] {strides = array<i32>} : memref<4x32x768xf32, #tpu.memory_space<vmem>>, vector<1x1x16xf32>,
        %swap3A_1120 = vector.shape_cast %swap3A_1119 : vector<1x1x16xf32> to vector<16xf32>
        %swap3A_1121 = vector.shape_cast %add3A_1114 : vector<16xf32> to vector<1x1x16xf32>
        tpu.vector_store %arg8[%swap3A_1116, %swap3A_1117, %swap3A_1118], %swap3A_1121 {strides = array<i32>} : memref<4x32x768xf32, #tpu.memory_space<vmem>>, vector<1x1x16xf32>,
        %get3A_1122 = arith.constant 0 : i32
        %get3A_1123 = arith.index_cast %get3A_1122 : i32 to index
        %get3A_1124 = arith.index_cast %scan3A_1052 : i32 to index
        %get3A_1125 = arith.constant 80 : index
        %get3A_1126 = tpu.vector_load %arg8[%get3A_1123, %get3A_1124, %get3A_1125] {strides = array<i32>} : memref<4x32x768xf32, #tpu.memory_space<vmem>>, vector<1x1x16xf32>,
        %get3A_1127 = vector.shape_cast %get3A_1126 : vector<1x1x16xf32> to vector<16xf32>
        %add3A_1128 = arith.addf %get3A_1127, %get3A_153 : vector<16xf32>
        %swap3A_1129 = arith.constant 0 : i32
        %swap3A_1130 = arith.index_cast %swap3A_1129 : i32 to index
        %swap3A_1131 = arith.index_cast %scan3A_1052 : i32 to index
        %swap3A_1132 = arith.constant 80 : index
        %swap3A_1133 = tpu.vector_load %arg8[%swap3A_1130, %swap3A_1131, %swap3A_1132] {strides = array<i32>} : memref<4x32x768xf32, #tpu.memory_space<vmem>>, vector<1x1x16xf32>,
        %swap3A_1134 = vector.shape_cast %swap3A_1133 : vector<1x1x16xf32> to vector<16xf32>
        %swap3A_1135 = vector.shape_cast %add3A_1128 : vector<16xf32> to vector<1x1x16xf32>
        tpu.vector_store %arg8[%swap3A_1130, %swap3A_1131, %swap3A_1132], %swap3A_1135 {strides = array<i32>} : memref<4x32x768xf32, #tpu.memory_space<vmem>>, vector<1x1x16xf32>,
        %get3A_1136 = arith.constant 0 : i32
        %get3A_1137 = arith.index_cast %get3A_1136 : i32 to index
        %get3A_1138 = arith.index_cast %scan3A_1052 : i32 to index
        %get3A_1139 = arith.constant 96 : index
        %get3A_1140 = tpu.vector_load %arg8[%get3A_1137, %get3A_1138, %get3A_1139] {strides = array<i32>} : memref<4x32x768xf32, #tpu.memory_space<vmem>>, vector<1x1x16xf32>,
        %get3A_1141 = vector.shape_cast %get3A_1140 : vector<1x1x16xf32> to vector<16xf32>
        %add3A_1142 = arith.addf %get3A_1141, %get3A_157 : vector<16xf32>
        %swap3A_1143 = arith.constant 0 : i32
        %swap3A_1144 = arith.index_cast %swap3A_1143 : i32 to index
        %swap3A_1145 = arith.index_cast %scan3A_1052 : i32 to index
        %swap3A_1146 = arith.constant 96 : index
        %swap3A_1147 = tpu.vector_load %arg8[%swap3A_1144, %swap3A_1145, %swap3A_1146] {strides = array<i32>} : memref<4x32x768xf32, #tpu.memory_space<vmem>>, vector<1x1x16xf32>,
        %swap3A_1148 = vector.shape_cast %swap3A_1147 : vector<1x1x16xf32> to vector<16xf32>
        %swap3A_1149 = vector.shape_cast %add3A_1142 : vector<16xf32> to vector<1x1x16xf32>
        tpu.vector_store %arg8[%swap3A_1144, %swap3A_1145, %swap3A_1146], %swap3A_1149 {strides = array<i32>} : memref<4x32x768xf32, #tpu.memory_space<vmem>>, vector<1x1x16xf32>,
        %get3A_1150 = arith.constant 0 : i32
        %get3A_1151 = arith.index_cast %get3A_1150 : i32 to index
        %get3A_1152 = arith.index_cast %scan3A_1052 : i32 to index
        %get3A_1153 = arith.constant 112 : index
        %get3A_1154 = tpu.vector_load %arg8[%get3A_1151, %get3A_1152, %get3A_1153] {strides = array<i32>} : memref<4x32x768xf32, #tpu.memory_space<vmem>>, vector<1x1x16xf32>,
        %get3A_1155 = vector.shape_cast %get3A_1154 : vector<1x1x16xf32> to vector<16xf32>
        %add3A_1156 = arith.addf %get3A_1155, %get3A_161 : vector<16xf32>
        %swap3A_1157 = arith.constant 0 : i32
        %swap3A_1158 = arith.index_cast %swap3A_1157 : i32 to index
        %swap3A_1159 = arith.index_cast %scan3A_1052 : i32 to index
        %swap3A_1160 = arith.constant 112 : index
        %swap3A_1161 = tpu.vector_load %arg8[%swap3A_1158, %swap3A_1159, %swap3A_1160] {strides = array<i32>} : memref<4x32x768xf32, #tpu.memory_space<vmem>>, vector<1x1x16xf32>,
        %swap3A_1162 = vector.shape_cast %swap3A_1161 : vector<1x1x16xf32> to vector<16xf32>
        %swap3A_1163 = vector.shape_cast %add3A_1156 : vector<16xf32> to vector<1x1x16xf32>
        tpu.vector_store %arg8[%swap3A_1158, %swap3A_1159, %swap3A_1160], %swap3A_1163 {strides = array<i32>} : memref<4x32x768xf32, #tpu.memory_space<vmem>>, vector<1x1x16xf32>,
        %get3A_1164 = arith.constant 0 : i32
        %get3A_1165 = arith.index_cast %get3A_1164 : i32 to index
        %get3A_1166 = arith.index_cast %scan3A_1052 : i32 to index
        %get3A_1167 = arith.constant 128 : index
        %get3A_1168 = tpu.vector_load %arg8[%get3A_1165, %get3A_1166, %get3A_1167] {strides = array<i32>} : memref<4x32x768xf32, #tpu.memory_space<vmem>>, vector<1x1x16xf32>,
        %get3A_1169 = vector.shape_cast %get3A_1168 : vector<1x1x16xf32> to vector<16xf32>
        %add3A_1170 = arith.addf %get3A_1169, %get3A_165 : vector<16xf32>
        %swap3A_1171 = arith.constant 0 : i32
        %swap3A_1172 = arith.index_cast %swap3A_1171 : i32 to index
        %swap3A_1173 = arith.index_cast %scan3A_1052 : i32 to index
        %swap3A_1174 = arith.constant 128 : index
        %swap3A_1175 = tpu.vector_load %arg8[%swap3A_1172, %swap3A_1173, %swap3A_1174] {strides = array<i32>} : memref<4x32x768xf32, #tpu.memory_space<vmem>>, vector<1x1x16xf32>,
        %swap3A_1176 = vector.shape_cast %swap3A_1175 : vector<1x1x16xf32> to vector<16xf32>
        %swap3A_1177 = vector.shape_cast %add3A_1170 : vector<16xf32> to vector<1x1x16xf32>
        tpu.vector_store %arg8[%swap3A_1172, %swap3A_1173, %swap3A_1174], %swap3A_1177 {strides = array<i32>} : memref<4x32x768xf32, #tpu.memory_space<vmem>>, vector<1x1x16xf32>,
        %get3A_1178 = arith.constant 0 : i32
        %get3A_1179 = arith.index_cast %get3A_1178 : i32 to index
        %get3A_1180 = arith.index_cast %scan3A_1052 : i32 to index
        %get3A_1181 = arith.constant 144 : index
        %get3A_1182 = tpu.vector_load %arg8[%get3A_1179, %get3A_1180, %get3A_1181] {strides = array<i32>} : memref<4x32x768xf32, #tpu.memory_space<vmem>>, vector<1x1x16xf32>,
        %get3A_1183 = vector.shape_cast %get3A_1182 : vector<1x1x16xf32> to vector<16xf32>
        %add3A_1184 = arith.addf %get3A_1183, %get3A_169 : vector<16xf32>
        %swap3A_1185 = arith.constant 0 : i32
        %swap3A_1186 = arith.index_cast %swap3A_1185 : i32 to index
        %swap3A_1187 = arith.index_cast %scan3A_1052 : i32 to index
        %swap3A_1188 = arith.constant 144 : index
        %swap3A_1189 = tpu.vector_load %arg8[%swap3A_1186, %swap3A_1187, %swap3A_1188] {strides = array<i32>} : memref<4x32x768xf32, #tpu.memory_space<vmem>>, vector<1x1x16xf32>,
        %swap3A_1190 = vector.shape_cast %swap3A_1189 : vector<1x1x16xf32> to vector<16xf32>
        %swap3A_1191 = vector.shape_cast %add3A_1184 : vector<16xf32> to vector<1x1x16xf32>
        tpu.vector_store %arg8[%swap3A_1186, %swap3A_1187, %swap3A_1188], %swap3A_1191 {strides = array<i32>} : memref<4x32x768xf32, #tpu.memory_space<vmem>>, vector<1x1x16xf32>,
        %get3A_1192 = arith.constant 0 : i32
        %get3A_1193 = arith.index_cast %get3A_1192 : i32 to index
        %get3A_1194 = arith.index_cast %scan3A_1052 : i32 to index
        %get3A_1195 = arith.constant 160 : index
        %get3A_1196 = tpu.vector_load %arg8[%get3A_1193, %get3A_1194, %get3A_1195] {strides = array<i32>} : memref<4x32x768xf32, #tpu.memory_space<vmem>>, vector<1x1x16xf32>,
        %get3A_1197 = vector.shape_cast %get3A_1196 : vector<1x1x16xf32> to vector<16xf32>
        %add3A_1198 = arith.addf %get3A_1197, %get3A_173 : vector<16xf32>
        %swap3A_1199 = arith.constant 0 : i32
        %swap3A_1200 = arith.index_cast %swap3A_1199 : i32 to index
        %swap3A_1201 = arith.index_cast %scan3A_1052 : i32 to index
        %swap3A_1202 = arith.constant 160 : index
        %swap3A_1203 = tpu.vector_load %arg8[%swap3A_1200, %swap3A_1201, %swap3A_1202] {strides = array<i32>} : memref<4x32x768xf32, #tpu.memory_space<vmem>>, vector<1x1x16xf32>,
        %swap3A_1204 = vector.shape_cast %swap3A_1203 : vector<1x1x16xf32> to vector<16xf32>
        %swap3A_1205 = vector.shape_cast %add3A_1198 : vector<16xf32> to vector<1x1x16xf32>
        tpu.vector_store %arg8[%swap3A_1200, %swap3A_1201, %swap3A_1202], %swap3A_1205 {strides = array<i32>} : memref<4x32x768xf32, #tpu.memory_space<vmem>>, vector<1x1x16xf32>,
        %get3A_1206 = arith.constant 0 : i32
        %get3A_1207 = arith.index_cast %get3A_1206 : i32 to index
        %get3A_1208 = arith.index_cast %scan3A_1052 : i32 to index
        %get3A_1209 = arith.constant 176 : index
        %get3A_1210 = tpu.vector_load %arg8[%get3A_1207, %get3A_1208, %get3A_1209] {strides = array<i32>} : memref<4x32x768xf32, #tpu.memory_space<vmem>>, vector<1x1x16xf32>,
        %get3A_1211 = vector.shape_cast %get3A_1210 : vector<1x1x16xf32> to vector<16xf32>
        %add3A_1212 = arith.addf %get3A_1211, %get3A_177 : vector<16xf32>
        %swap3A_1213 = arith.constant 0 : i32
        %swap3A_1214 = arith.index_cast %swap3A_1213 : i32 to index
        %swap3A_1215 = arith.index_cast %scan3A_1052 : i32 to index
        %swap3A_1216 = arith.constant 176 : index
        %swap3A_1217 = tpu.vector_load %arg8[%swap3A_1214, %swap3A_1215, %swap3A_1216] {strides = array<i32>} : memref<4x32x768xf32, #tpu.memory_space<vmem>>, vector<1x1x16xf32>,
        %swap3A_1218 = vector.shape_cast %swap3A_1217 : vector<1x1x16xf32> to vector<16xf32>
        %swap3A_1219 = vector.shape_cast %add3A_1212 : vector<16xf32> to vector<1x1x16xf32>
        tpu.vector_store %arg8[%swap3A_1214, %swap3A_1215, %swap3A_1216], %swap3A_1219 {strides = array<i32>} : memref<4x32x768xf32, #tpu.memory_space<vmem>>, vector<1x1x16xf32>,
        %get3A_1220 = arith.constant 0 : i32
        %get3A_1221 = arith.index_cast %get3A_1220 : i32 to index
        %get3A_1222 = arith.index_cast %scan3A_1052 : i32 to index
        %get3A_1223 = arith.constant 192 : index
        %get3A_1224 = tpu.vector_load %arg8[%get3A_1221, %get3A_1222, %get3A_1223] {strides = array<i32>} : memref<4x32x768xf32, #tpu.memory_space<vmem>>, vector<1x1x16xf32>,
        %get3A_1225 = vector.shape_cast %get3A_1224 : vector<1x1x16xf32> to vector<16xf32>
        %add3A_1226 = arith.addf %get3A_1225, %get3A_181 : vector<16xf32>
        %swap3A_1227 = arith.constant 0 : i32
        %swap3A_1228 = arith.index_cast %swap3A_1227 : i32 to index
        %swap3A_1229 = arith.index_cast %scan3A_1052 : i32 to index
        %swap3A_1230 = arith.constant 192 : index
        %swap3A_1231 = tpu.vector_load %arg8[%swap3A_1228, %swap3A_1229, %swap3A_1230] {strides = array<i32>} : memref<4x32x768xf32, #tpu.memory_space<vmem>>, vector<1x1x16xf32>,
        %swap3A_1232 = vector.shape_cast %swap3A_1231 : vector<1x1x16xf32> to vector<16xf32>
        %swap3A_1233 = vector.shape_cast %add3A_1226 : vector<16xf32> to vector<1x1x16xf32>
        tpu.vector_store %arg8[%swap3A_1228, %swap3A_1229, %swap3A_1230], %swap3A_1233 {strides = array<i32>} : memref<4x32x768xf32, #tpu.memory_space<vmem>>, vector<1x1x16xf32>,
        %get3A_1234 = arith.constant 0 : i32
        %get3A_1235 = arith.index_cast %get3A_1234 : i32 to index
        %get3A_1236 = arith.index_cast %scan3A_1052 : i32 to index
        %get3A_1237 = arith.constant 208 : index
        %get3A_1238 = tpu.vector_load %arg8[%get3A_1235, %get3A_1236, %get3A_1237] {strides = array<i32>} : memref<4x32x768xf32, #tpu.memory_space<vmem>>, vector<1x1x16xf32>,
        %get3A_1239 = vector.shape_cast %get3A_1238 : vector<1x1x16xf32> to vector<16xf32>
        %add3A_1240 = arith.addf %get3A_1239, %get3A_185 : vector<16xf32>
        %swap3A_1241 = arith.constant 0 : i32
        %swap3A_1242 = arith.index_cast %swap3A_1241 : i32 to index
        %swap3A_1243 = arith.index_cast %scan3A_1052 : i32 to index
        %swap3A_1244 = arith.constant 208 : index
        %swap3A_1245 = tpu.vector_load %arg8[%swap3A_1242, %swap3A_1243, %swap3A_1244] {strides = array<i32>} : memref<4x32x768xf32, #tpu.memory_space<vmem>>, vector<1x1x16xf32>,
        %swap3A_1246 = vector.shape_cast %swap3A_1245 : vector<1x1x16xf32> to vector<16xf32>
        %swap3A_1247 = vector.shape_cast %add3A_1240 : vector<16xf32> to vector<1x1x16xf32>
        tpu.vector_store %arg8[%swap3A_1242, %swap3A_1243, %swap3A_1244], %swap3A_1247 {strides = array<i32>} : memref<4x32x768xf32, #tpu.memory_space<vmem>>, vector<1x1x16xf32>,
        %get3A_1248 = arith.constant 0 : i32
        %get3A_1249 = arith.index_cast %get3A_1248 : i32 to index
        %get3A_1250 = arith.index_cast %scan3A_1052 : i32 to index
        %get3A_1251 = arith.constant 224 : index
        %get3A_1252 = tpu.vector_load %arg8[%get3A_1249, %get3A_1250, %get3A_1251] {strides = array<i32>} : memref<4x32x768xf32, #tpu.memory_space<vmem>>, vector<1x1x16xf32>,
        %get3A_1253 = vector.shape_cast %get3A_1252 : vector<1x1x16xf32> to vector<16xf32>
        %add3A_1254 = arith.addf %get3A_1253, %get3A_189 : vector<16xf32>
        %swap3A_1255 = arith.constant 0 : i32
        %swap3A_1256 = arith.index_cast %swap3A_1255 : i32 to index
        %swap3A_1257 = arith.index_cast %scan3A_1052 : i32 to index
        %swap3A_1258 = arith.constant 224 : index
        %swap3A_1259 = tpu.vector_load %arg8[%swap3A_1256, %swap3A_1257, %swap3A_1258] {strides = array<i32>} : memref<4x32x768xf32, #tpu.memory_space<vmem>>, vector<1x1x16xf32>,
        %swap3A_1260 = vector.shape_cast %swap3A_1259 : vector<1x1x16xf32> to vector<16xf32>
        %swap3A_1261 = vector.shape_cast %add3A_1254 : vector<16xf32> to vector<1x1x16xf32>
        tpu.vector_store %arg8[%swap3A_1256, %swap3A_1257, %swap3A_1258], %swap3A_1261 {strides = array<i32>} : memref<4x32x768xf32, #tpu.memory_space<vmem>>, vector<1x1x16xf32>,
        %get3A_1262 = arith.constant 0 : i32
        %get3A_1263 = arith.index_cast %get3A_1262 : i32 to index
        %get3A_1264 = arith.index_cast %scan3A_1052 : i32 to index
        %get3A_1265 = arith.constant 240 : index
        %get3A_1266 = tpu.vector_load %arg8[%get3A_1263, %get3A_1264, %get3A_1265] {strides = array<i32>} : memref<4x32x768xf32, #tpu.memory_space<vmem>>, vector<1x1x16xf32>,
        %get3A_1267 = vector.shape_cast %get3A_1266 : vector<1x1x16xf32> to vector<16xf32>
        %add3A_1268 = arith.addf %get3A_1267, %get3A_193 : vector<16xf32>
        %swap3A_1269 = arith.constant 0 : i32
        %swap3A_1270 = arith.index_cast %swap3A_1269 : i32 to index
        %swap3A_1271 = arith.index_cast %scan3A_1052 : i32 to index
        %swap3A_1272 = arith.constant 240 : index
        %swap3A_1273 = tpu.vector_load %arg8[%swap3A_1270, %swap3A_1271, %swap3A_1272] {strides = array<i32>} : memref<4x32x768xf32, #tpu.memory_space<vmem>>, vector<1x1x16xf32>,
        %swap3A_1274 = vector.shape_cast %swap3A_1273 : vector<1x1x16xf32> to vector<16xf32>
        %swap3A_1275 = vector.shape_cast %add3A_1268 : vector<16xf32> to vector<1x1x16xf32>
        tpu.vector_store %arg8[%swap3A_1270, %swap3A_1271, %swap3A_1272], %swap3A_1275 {strides = array<i32>} : memref<4x32x768xf32, #tpu.memory_space<vmem>>, vector<1x1x16xf32>,
        %get3A_1276 = arith.constant 0 : i32
        %get3A_1277 = arith.index_cast %get3A_1276 : i32 to index
        %get3A_1278 = arith.index_cast %scan3A_1052 : i32 to index
        %get3A_1279 = arith.constant 256 : index
        %get3A_1280 = tpu.vector_load %arg8[%get3A_1277, %get3A_1278, %get3A_1279] {strides = array<i32>} : memref<4x32x768xf32, #tpu.memory_space<vmem>>, vector<1x1x16xf32>,
        %get3A_1281 = vector.shape_cast %get3A_1280 : vector<1x1x16xf32> to vector<16xf32>
        %add3A_1282 = arith.addf %get3A_1281, %get3A_197 : vector<16xf32>
        %swap3A_1283 = arith.constant 0 : i32
        %swap3A_1284 = arith.index_cast %swap3A_1283 : i32 to index
        %swap3A_1285 = arith.index_cast %scan3A_1052 : i32 to index
        %swap3A_1286 = arith.constant 256 : index
        %swap3A_1287 = tpu.vector_load %arg8[%swap3A_1284, %swap3A_1285, %swap3A_1286] {strides = array<i32>} : memref<4x32x768xf32, #tpu.memory_space<vmem>>, vector<1x1x16xf32>,
        %swap3A_1288 = vector.shape_cast %swap3A_1287 : vector<1x1x16xf32> to vector<16xf32>
        %swap3A_1289 = vector.shape_cast %add3A_1282 : vector<16xf32> to vector<1x1x16xf32>
        tpu.vector_store %arg8[%swap3A_1284, %swap3A_1285, %swap3A_1286], %swap3A_1289 {strides = array<i32>} : memref<4x32x768xf32, #tpu.memory_space<vmem>>, vector<1x1x16xf32>,
        %get3A_1290 = arith.constant 0 : i32
        %get3A_1291 = arith.index_cast %get3A_1290 : i32 to index
        %get3A_1292 = arith.index_cast %scan3A_1052 : i32 to index
        %get3A_1293 = arith.constant 272 : index
        %get3A_1294 = tpu.vector_load %arg8[%get3A_1291, %get3A_1292, %get3A_1293] {strides = array<i32>} : memref<4x32x768xf32, #tpu.memory_space<vmem>>, vector<1x1x16xf32>,
        %get3A_1295 = vector.shape_cast %get3A_1294 : vector<1x1x16xf32> to vector<16xf32>
        %add3A_1296 = arith.addf %get3A_1295, %get3A_201 : vector<16xf32>
        %swap3A_1297 = arith.constant 0 : i32
        %swap3A_1298 = arith.index_cast %swap3A_1297 : i32 to index
        %swap3A_1299 = arith.index_cast %scan3A_1052 : i32 to index
        %swap3A_1300 = arith.constant 272 : index
        %swap3A_1301 = tpu.vector_load %arg8[%swap3A_1298, %swap3A_1299, %swap3A_1300] {strides = array<i32>} : memref<4x32x768xf32, #tpu.memory_space<vmem>>, vector<1x1x16xf32>,
        %swap3A_1302 = vector.shape_cast %swap3A_1301 : vector<1x1x16xf32> to vector<16xf32>
        %swap3A_1303 = vector.shape_cast %add3A_1296 : vector<16xf32> to vector<1x1x16xf32>
        tpu.vector_store %arg8[%swap3A_1298, %swap3A_1299, %swap3A_1300], %swap3A_1303 {strides = array<i32>} : memref<4x32x768xf32, #tpu.memory_space<vmem>>, vector<1x1x16xf32>,
        %get3A_1304 = arith.constant 0 : i32
        %get3A_1305 = arith.index_cast %get3A_1304 : i32 to index
        %get3A_1306 = arith.index_cast %scan3A_1052 : i32 to index
        %get3A_1307 = arith.constant 288 : index
        %get3A_1308 = tpu.vector_load %arg8[%get3A_1305, %get3A_1306, %get3A_1307] {strides = array<i32>} : memref<4x32x768xf32, #tpu.memory_space<vmem>>, vector<1x1x16xf32>,
        %get3A_1309 = vector.shape_cast %get3A_1308 : vector<1x1x16xf32> to vector<16xf32>
        %add3A_1310 = arith.addf %get3A_1309, %get3A_205 : vector<16xf32>
        %swap3A_1311 = arith.constant 0 : i32
        %swap3A_1312 = arith.index_cast %swap3A_1311 : i32 to index
        %swap3A_1313 = arith.index_cast %scan3A_1052 : i32 to index
        %swap3A_1314 = arith.constant 288 : index
        %swap3A_1315 = tpu.vector_load %arg8[%swap3A_1312, %swap3A_1313, %swap3A_1314] {strides = array<i32>} : memref<4x32x768xf32, #tpu.memory_space<vmem>>, vector<1x1x16xf32>,
        %swap3A_1316 = vector.shape_cast %swap3A_1315 : vector<1x1x16xf32> to vector<16xf32>
        %swap3A_1317 = vector.shape_cast %add3A_1310 : vector<16xf32> to vector<1x1x16xf32>
        tpu.vector_store %arg8[%swap3A_1312, %swap3A_1313, %swap3A_1314], %swap3A_1317 {strides = array<i32>} : memref<4x32x768xf32, #tpu.memory_space<vmem>>, vector<1x1x16xf32>,
        %get3A_1318 = arith.constant 0 : i32
        %get3A_1319 = arith.index_cast %get3A_1318 : i32 to index
        %get3A_1320 = arith.index_cast %scan3A_1052 : i32 to index
        %get3A_1321 = arith.constant 304 : index
        %get3A_1322 = tpu.vector_load %arg8[%get3A_1319, %get3A_1320, %get3A_1321] {strides = array<i32>} : memref<4x32x768xf32, #tpu.memory_space<vmem>>, vector<1x1x16xf32>,
        %get3A_1323 = vector.shape_cast %get3A_1322 : vector<1x1x16xf32> to vector<16xf32>
        %add3A_1324 = arith.addf %get3A_1323, %get3A_209 : vector<16xf32>
        %swap3A_1325 = arith.constant 0 : i32
        %swap3A_1326 = arith.index_cast %swap3A_1325 : i32 to index
        %swap3A_1327 = arith.index_cast %scan3A_1052 : i32 to index
        %swap3A_1328 = arith.constant 304 : index
        %swap3A_1329 = tpu.vector_load %arg8[%swap3A_1326, %swap3A_1327, %swap3A_1328] {strides = array<i32>} : memref<4x32x768xf32, #tpu.memory_space<vmem>>, vector<1x1x16xf32>,
        %swap3A_1330 = vector.shape_cast %swap3A_1329 : vector<1x1x16xf32> to vector<16xf32>
        %swap3A_1331 = vector.shape_cast %add3A_1324 : vector<16xf32> to vector<1x1x16xf32>
        tpu.vector_store %arg8[%swap3A_1326, %swap3A_1327, %swap3A_1328], %swap3A_1331 {strides = array<i32>} : memref<4x32x768xf32, #tpu.memory_space<vmem>>, vector<1x1x16xf32>,
        %get3A_1332 = arith.constant 0 : i32
        %get3A_1333 = arith.index_cast %get3A_1332 : i32 to index
        %get3A_1334 = arith.index_cast %scan3A_1052 : i32 to index
        %get3A_1335 = arith.constant 320 : index
        %get3A_1336 = tpu.vector_load %arg8[%get3A_1333, %get3A_1334, %get3A_1335] {strides = array<i32>} : memref<4x32x768xf32, #tpu.memory_space<vmem>>, vector<1x1x16xf32>,
        %get3A_1337 = vector.shape_cast %get3A_1336 : vector<1x1x16xf32> to vector<16xf32>
        %add3A_1338 = arith.addf %get3A_1337, %get3A_213 : vector<16xf32>
        %swap3A_1339 = arith.constant 0 : i32
        %swap3A_1340 = arith.index_cast %swap3A_1339 : i32 to index
        %swap3A_1341 = arith.index_cast %scan3A_1052 : i32 to index
        %swap3A_1342 = arith.constant 320 : index
        %swap3A_1343 = tpu.vector_load %arg8[%swap3A_1340, %swap3A_1341, %swap3A_1342] {strides = array<i32>} : memref<4x32x768xf32, #tpu.memory_space<vmem>>, vector<1x1x16xf32>,
        %swap3A_1344 = vector.shape_cast %swap3A_1343 : vector<1x1x16xf32> to vector<16xf32>
        %swap3A_1345 = vector.shape_cast %add3A_1338 : vector<16xf32> to vector<1x1x16xf32>
        tpu.vector_store %arg8[%swap3A_1340, %swap3A_1341, %swap3A_1342], %swap3A_1345 {strides = array<i32>} : memref<4x32x768xf32, #tpu.memory_space<vmem>>, vector<1x1x16xf32>,
        %get3A_1346 = arith.constant 0 : i32
        %get3A_1347 = arith.index_cast %get3A_1346 : i32 to index
        %get3A_1348 = arith.index_cast %scan3A_1052 : i32 to index
        %get3A_1349 = arith.constant 336 : index
        %get3A_1350 = tpu.vector_load %arg8[%get3A_1347, %get3A_1348, %get3A_1349] {strides = array<i32>} : memref<4x32x768xf32, #tpu.memory_space<vmem>>, vector<1x1x16xf32>,
        %get3A_1351 = vector.shape_cast %get3A_1350 : vector<1x1x16xf32> to vector<16xf32>
        %add3A_1352 = arith.addf %get3A_1351, %get3A_217 : vector<16xf32>
        %swap3A_1353 = arith.constant 0 : i32
        %swap3A_1354 = arith.index_cast %swap3A_1353 : i32 to index
        %swap3A_1355 = arith.index_cast %scan3A_1052 : i32 to index
        %swap3A_1356 = arith.constant 336 : index
        %swap3A_1357 = tpu.vector_load %arg8[%swap3A_1354, %swap3A_1355, %swap3A_1356] {strides = array<i32>} : memref<4x32x768xf32, #tpu.memory_space<vmem>>, vector<1x1x16xf32>,
        %swap3A_1358 = vector.shape_cast %swap3A_1357 : vector<1x1x16xf32> to vector<16xf32>
        %swap3A_1359 = vector.shape_cast %add3A_1352 : vector<16xf32> to vector<1x1x16xf32>
        tpu.vector_store %arg8[%swap3A_1354, %swap3A_1355, %swap3A_1356], %swap3A_1359 {strides = array<i32>} : memref<4x32x768xf32, #tpu.memory_space<vmem>>, vector<1x1x16xf32>,
        %get3A_1360 = arith.constant 0 : i32
        %get3A_1361 = arith.index_cast %get3A_1360 : i32 to index
        %get3A_1362 = arith.index_cast %scan3A_1052 : i32 to index
        %get3A_1363 = arith.constant 352 : index
        %get3A_1364 = tpu.vector_load %arg8[%get3A_1361, %get3A_1362, %get3A_1363] {strides = array<i32>} : memref<4x32x768xf32, #tpu.memory_space<vmem>>, vector<1x1x16xf32>,
        %get3A_1365 = vector.shape_cast %get3A_1364 : vector<1x1x16xf32> to vector<16xf32>
        %add3A_1366 = arith.addf %get3A_1365, %get3A_221 : vector<16xf32>
        %swap3A_1367 = arith.constant 0 : i32
        %swap3A_1368 = arith.index_cast %swap3A_1367 : i32 to index
        %swap3A_1369 = arith.index_cast %scan3A_1052 : i32 to index
        %swap3A_1370 = arith.constant 352 : index
        %swap3A_1371 = tpu.vector_load %arg8[%swap3A_1368, %swap3A_1369, %swap3A_1370] {strides = array<i32>} : memref<4x32x768xf32, #tpu.memory_space<vmem>>, vector<1x1x16xf32>,
        %swap3A_1372 = vector.shape_cast %swap3A_1371 : vector<1x1x16xf32> to vector<16xf32>
        %swap3A_1373 = vector.shape_cast %add3A_1366 : vector<16xf32> to vector<1x1x16xf32>
        tpu.vector_store %arg8[%swap3A_1368, %swap3A_1369, %swap3A_1370], %swap3A_1373 {strides = array<i32>} : memref<4x32x768xf32, #tpu.memory_space<vmem>>, vector<1x1x16xf32>,
        %get3A_1374 = arith.constant 0 : i32
        %get3A_1375 = arith.index_cast %get3A_1374 : i32 to index
        %get3A_1376 = arith.index_cast %scan3A_1052 : i32 to index
        %get3A_1377 = arith.constant 368 : index
        %get3A_1378 = tpu.vector_load %arg8[%get3A_1375, %get3A_1376, %get3A_1377] {strides = array<i32>} : memref<4x32x768xf32, #tpu.memory_space<vmem>>, vector<1x1x16xf32>,
        %get3A_1379 = vector.shape_cast %get3A_1378 : vector<1x1x16xf32> to vector<16xf32>
        %add3A_1380 = arith.addf %get3A_1379, %get3A_225 : vector<16xf32>
        %swap3A_1381 = arith.constant 0 : i32
        %swap3A_1382 = arith.index_cast %swap3A_1381 : i32 to index
        %swap3A_1383 = arith.index_cast %scan3A_1052 : i32 to index
        %swap3A_1384 = arith.constant 368 : index
        %swap3A_1385 = tpu.vector_load %arg8[%swap3A_1382, %swap3A_1383, %swap3A_1384] {strides = array<i32>} : memref<4x32x768xf32, #tpu.memory_space<vmem>>, vector<1x1x16xf32>,
        %swap3A_1386 = vector.shape_cast %swap3A_1385 : vector<1x1x16xf32> to vector<16xf32>
        %swap3A_1387 = vector.shape_cast %add3A_1380 : vector<16xf32> to vector<1x1x16xf32>
        tpu.vector_store %arg8[%swap3A_1382, %swap3A_1383, %swap3A_1384], %swap3A_1387 {strides = array<i32>} : memref<4x32x768xf32, #tpu.memory_space<vmem>>, vector<1x1x16xf32>,
        %get3A_1388 = arith.constant 0 : i32
        %get3A_1389 = arith.index_cast %get3A_1388 : i32 to index
        %get3A_1390 = arith.index_cast %scan3A_1052 : i32 to index
        %get3A_1391 = arith.constant 384 : index
        %get3A_1392 = tpu.vector_load %arg8[%get3A_1389, %get3A_1390, %get3A_1391] {strides = array<i32>} : memref<4x32x768xf32, #tpu.memory_space<vmem>>, vector<1x1x16xf32>,
        %get3A_1393 = vector.shape_cast %get3A_1392 : vector<1x1x16xf32> to vector<16xf32>
        %add3A_1394 = arith.addf %get3A_1393, %get3A_229 : vector<16xf32>
        %swap3A_1395 = arith.constant 0 : i32
        %swap3A_1396 = arith.index_cast %swap3A_1395 : i32 to index
        %swap3A_1397 = arith.index_cast %scan3A_1052 : i32 to index
        %swap3A_1398 = arith.constant 384 : index
        %swap3A_1399 = tpu.vector_load %arg8[%swap3A_1396, %swap3A_1397, %swap3A_1398] {strides = array<i32>} : memref<4x32x768xf32, #tpu.memory_space<vmem>>, vector<1x1x16xf32>,
        %swap3A_1400 = vector.shape_cast %swap3A_1399 : vector<1x1x16xf32> to vector<16xf32>
        %swap3A_1401 = vector.shape_cast %add3A_1394 : vector<16xf32> to vector<1x1x16xf32>
        tpu.vector_store %arg8[%swap3A_1396, %swap3A_1397, %swap3A_1398], %swap3A_1401 {strides = array<i32>} : memref<4x32x768xf32, #tpu.memory_space<vmem>>, vector<1x1x16xf32>,
        %get3A_1402 = arith.constant 0 : i32
        %get3A_1403 = arith.index_cast %get3A_1402 : i32 to index
        %get3A_1404 = arith.index_cast %scan3A_1052 : i32 to index
        %get3A_1405 = arith.constant 400 : index
        %get3A_1406 = tpu.vector_load %arg8[%get3A_1403, %get3A_1404, %get3A_1405] {strides = array<i32>} : memref<4x32x768xf32, #tpu.memory_space<vmem>>, vector<1x1x16xf32>,
        %get3A_1407 = vector.shape_cast %get3A_1406 : vector<1x1x16xf32> to vector<16xf32>
        %add3A_1408 = arith.addf %get3A_1407, %get3A_233 : vector<16xf32>
        %swap3A_1409 = arith.constant 0 : i32
        %swap3A_1410 = arith.index_cast %swap3A_1409 : i32 to index
        %swap3A_1411 = arith.index_cast %scan3A_1052 : i32 to index
        %swap3A_1412 = arith.constant 400 : index
        %swap3A_1413 = tpu.vector_load %arg8[%swap3A_1410, %swap3A_1411, %swap3A_1412] {strides = array<i32>} : memref<4x32x768xf32, #tpu.memory_space<vmem>>, vector<1x1x16xf32>,
        %swap3A_1414 = vector.shape_cast %swap3A_1413 : vector<1x1x16xf32> to vector<16xf32>
        %swap3A_1415 = vector.shape_cast %add3A_1408 : vector<16xf32> to vector<1x1x16xf32>
        tpu.vector_store %arg8[%swap3A_1410, %swap3A_1411, %swap3A_1412], %swap3A_1415 {strides = array<i32>} : memref<4x32x768xf32, #tpu.memory_space<vmem>>, vector<1x1x16xf32>,
        %get3A_1416 = arith.constant 0 : i32
        %get3A_1417 = arith.index_cast %get3A_1416 : i32 to index
        %get3A_1418 = arith.index_cast %scan3A_1052 : i32 to index
        %get3A_1419 = arith.constant 416 : index
        %get3A_1420 = tpu.vector_load %arg8[%get3A_1417, %get3A_1418, %get3A_1419] {strides = array<i32>} : memref<4x32x768xf32, #tpu.memory_space<vmem>>, vector<1x1x16xf32>,
        %get3A_1421 = vector.shape_cast %get3A_1420 : vector<1x1x16xf32> to vector<16xf32>
        %add3A_1422 = arith.addf %get3A_1421, %get3A_237 : vector<16xf32>
        %swap3A_1423 = arith.constant 0 : i32
        %swap3A_1424 = arith.index_cast %swap3A_1423 : i32 to index
        %swap3A_1425 = arith.index_cast %scan3A_1052 : i32 to index
        %swap3A_1426 = arith.constant 416 : index
        %swap3A_1427 = tpu.vector_load %arg8[%swap3A_1424, %swap3A_1425, %swap3A_1426] {strides = array<i32>} : memref<4x32x768xf32, #tpu.memory_space<vmem>>, vector<1x1x16xf32>,
        %swap3A_1428 = vector.shape_cast %swap3A_1427 : vector<1x1x16xf32> to vector<16xf32>
        %swap3A_1429 = vector.shape_cast %add3A_1422 : vector<16xf32> to vector<1x1x16xf32>
        tpu.vector_store %arg8[%swap3A_1424, %swap3A_1425, %swap3A_1426], %swap3A_1429 {strides = array<i32>} : memref<4x32x768xf32, #tpu.memory_space<vmem>>, vector<1x1x16xf32>,
        %get3A_1430 = arith.constant 0 : i32
        %get3A_1431 = arith.index_cast %get3A_1430 : i32 to index
        %get3A_1432 = arith.index_cast %scan3A_1052 : i32 to index
        %get3A_1433 = arith.constant 432 : index
        %get3A_1434 = tpu.vector_load %arg8[%get3A_1431, %get3A_1432, %get3A_1433] {strides = array<i32>} : memref<4x32x768xf32, #tpu.memory_space<vmem>>, vector<1x1x16xf32>,
        %get3A_1435 = vector.shape_cast %get3A_1434 : vector<1x1x16xf32> to vector<16xf32>
        %add3A_1436 = arith.addf %get3A_1435, %get3A_241 : vector<16xf32>
        %swap3A_1437 = arith.constant 0 : i32
        %swap3A_1438 = arith.index_cast %swap3A_1437 : i32 to index
        %swap3A_1439 = arith.index_cast %scan3A_1052 : i32 to index
        %swap3A_1440 = arith.constant 432 : index
        %swap3A_1441 = tpu.vector_load %arg8[%swap3A_1438, %swap3A_1439, %swap3A_1440] {strides = array<i32>} : memref<4x32x768xf32, #tpu.memory_space<vmem>>, vector<1x1x16xf32>,
        %swap3A_1442 = vector.shape_cast %swap3A_1441 : vector<1x1x16xf32> to vector<16xf32>
        %swap3A_1443 = vector.shape_cast %add3A_1436 : vector<16xf32> to vector<1x1x16xf32>
        tpu.vector_store %arg8[%swap3A_1438, %swap3A_1439, %swap3A_1440], %swap3A_1443 {strides = array<i32>} : memref<4x32x768xf32, #tpu.memory_space<vmem>>, vector<1x1x16xf32>,
        %get3A_1444 = arith.constant 0 : i32
        %get3A_1445 = arith.index_cast %get3A_1444 : i32 to index
        %get3A_1446 = arith.index_cast %scan3A_1052 : i32 to index
        %get3A_1447 = arith.constant 448 : index
        %get3A_1448 = tpu.vector_load %arg8[%get3A_1445, %get3A_1446, %get3A_1447] {strides = array<i32>} : memref<4x32x768xf32, #tpu.memory_space<vmem>>, vector<1x1x16xf32>,
        %get3A_1449 = vector.shape_cast %get3A_1448 : vector<1x1x16xf32> to vector<16xf32>
        %add3A_1450 = arith.addf %get3A_1449, %get3A_245 : vector<16xf32>
        %swap3A_1451 = arith.constant 0 : i32
        %swap3A_1452 = arith.index_cast %swap3A_1451 : i32 to index
        %swap3A_1453 = arith.index_cast %scan3A_1052 : i32 to index
        %swap3A_1454 = arith.constant 448 : index
        %swap3A_1455 = tpu.vector_load %arg8[%swap3A_1452, %swap3A_1453, %swap3A_1454] {strides = array<i32>} : memref<4x32x768xf32, #tpu.memory_space<vmem>>, vector<1x1x16xf32>,
        %swap3A_1456 = vector.shape_cast %swap3A_1455 : vector<1x1x16xf32> to vector<16xf32>
        %swap3A_1457 = vector.shape_cast %add3A_1450 : vector<16xf32> to vector<1x1x16xf32>
        tpu.vector_store %arg8[%swap3A_1452, %swap3A_1453, %swap3A_1454], %swap3A_1457 {strides = array<i32>} : memref<4x32x768xf32, #tpu.memory_space<vmem>>, vector<1x1x16xf32>,
        %get3A_1458 = arith.constant 0 : i32
        %get3A_1459 = arith.index_cast %get3A_1458 : i32 to index
        %get3A_1460 = arith.index_cast %scan3A_1052 : i32 to index
        %get3A_1461 = arith.constant 464 : index
        %get3A_1462 = tpu.vector_load %arg8[%get3A_1459, %get3A_1460, %get3A_1461] {strides = array<i32>} : memref<4x32x768xf32, #tpu.memory_space<vmem>>, vector<1x1x16xf32>,
        %get3A_1463 = vector.shape_cast %get3A_1462 : vector<1x1x16xf32> to vector<16xf32>
        %add3A_1464 = arith.addf %get3A_1463, %get3A_249 : vector<16xf32>
        %swap3A_1465 = arith.constant 0 : i32
        %swap3A_1466 = arith.index_cast %swap3A_1465 : i32 to index
        %swap3A_1467 = arith.index_cast %scan3A_1052 : i32 to index
        %swap3A_1468 = arith.constant 464 : index
        %swap3A_1469 = tpu.vector_load %arg8[%swap3A_1466, %swap3A_1467, %swap3A_1468] {strides = array<i32>} : memref<4x32x768xf32, #tpu.memory_space<vmem>>, vector<1x1x16xf32>,
        %swap3A_1470 = vector.shape_cast %swap3A_1469 : vector<1x1x16xf32> to vector<16xf32>
        %swap3A_1471 = vector.shape_cast %add3A_1464 : vector<16xf32> to vector<1x1x16xf32>
        tpu.vector_store %arg8[%swap3A_1466, %swap3A_1467, %swap3A_1468], %swap3A_1471 {strides = array<i32>} : memref<4x32x768xf32, #tpu.memory_space<vmem>>, vector<1x1x16xf32>,
        %get3A_1472 = arith.constant 0 : i32
        %get3A_1473 = arith.index_cast %get3A_1472 : i32 to index
        %get3A_1474 = arith.index_cast %scan3A_1052 : i32 to index
        %get3A_1475 = arith.constant 480 : index
        %get3A_1476 = tpu.vector_load %arg8[%get3A_1473, %get3A_1474, %get3A_1475] {strides = array<i32>} : memref<4x32x768xf32, #tpu.memory_space<vmem>>, vector<1x1x16xf32>,
        %get3A_1477 = vector.shape_cast %get3A_1476 : vector<1x1x16xf32> to vector<16xf32>
        %add3A_1478 = arith.addf %get3A_1477, %get3A_253 : vector<16xf32>
        %swap3A_1479 = arith.constant 0 : i32
        %swap3A_1480 = arith.index_cast %swap3A_1479 : i32 to index
        %swap3A_1481 = arith.index_cast %scan3A_1052 : i32 to index
        %swap3A_1482 = arith.constant 480 : index
        %swap3A_1483 = tpu.vector_load %arg8[%swap3A_1480, %swap3A_1481, %swap3A_1482] {strides = array<i32>} : memref<4x32x768xf32, #tpu.memory_space<vmem>>, vector<1x1x16xf32>,
        %swap3A_1484 = vector.shape_cast %swap3A_1483 : vector<1x1x16xf32> to vector<16xf32>
        %swap3A_1485 = vector.shape_cast %add3A_1478 : vector<16xf32> to vector<1x1x16xf32>
        tpu.vector_store %arg8[%swap3A_1480, %swap3A_1481, %swap3A_1482], %swap3A_1485 {strides = array<i32>} : memref<4x32x768xf32, #tpu.memory_space<vmem>>, vector<1x1x16xf32>,
        %get3A_1486 = arith.constant 0 : i32
        %get3A_1487 = arith.index_cast %get3A_1486 : i32 to index
        %get3A_1488 = arith.index_cast %scan3A_1052 : i32 to index
        %get3A_1489 = arith.constant 496 : index
        %get3A_1490 = tpu.vector_load %arg8[%get3A_1487, %get3A_1488, %get3A_1489] {strides = array<i32>} : memref<4x32x768xf32, #tpu.memory_space<vmem>>, vector<1x1x16xf32>,
        %get3A_1491 = vector.shape_cast %get3A_1490 : vector<1x1x16xf32> to vector<16xf32>
        %add3A_1492 = arith.addf %get3A_1491, %get3A_257 : vector<16xf32>
        %swap3A_1493 = arith.constant 0 : i32
        %swap3A_1494 = arith.index_cast %swap3A_1493 : i32 to index
        %swap3A_1495 = arith.index_cast %scan3A_1052 : i32 to index
        %swap3A_1496 = arith.constant 496 : index
        %swap3A_1497 = tpu.vector_load %arg8[%swap3A_1494, %swap3A_1495, %swap3A_1496] {strides = array<i32>} : memref<4x32x768xf32, #tpu.memory_space<vmem>>, vector<1x1x16xf32>,
        %swap3A_1498 = vector.shape_cast %swap3A_1497 : vector<1x1x16xf32> to vector<16xf32>
        %swap3A_1499 = vector.shape_cast %add3A_1492 : vector<16xf32> to vector<1x1x16xf32>
        tpu.vector_store %arg8[%swap3A_1494, %swap3A_1495, %swap3A_1496], %swap3A_1499 {strides = array<i32>} : memref<4x32x768xf32, #tpu.memory_space<vmem>>, vector<1x1x16xf32>,
        %get3A_1500 = arith.constant 0 : i32
        %get3A_1501 = arith.index_cast %get3A_1500 : i32 to index
        %get3A_1502 = arith.index_cast %scan3A_1052 : i32 to index
        %get3A_1503 = arith.constant 512 : index
        %get3A_1504 = tpu.vector_load %arg8[%get3A_1501, %get3A_1502, %get3A_1503] {strides = array<i32>} : memref<4x32x768xf32, #tpu.memory_space<vmem>>, vector<1x1x16xf32>,
        %get3A_1505 = vector.shape_cast %get3A_1504 : vector<1x1x16xf32> to vector<16xf32>
        %add3A_1506 = arith.addf %get3A_1505, %get3A_261 : vector<16xf32>
        %swap3A_1507 = arith.constant 0 : i32
        %swap3A_1508 = arith.index_cast %swap3A_1507 : i32 to index
        %swap3A_1509 = arith.index_cast %scan3A_1052 : i32 to index
        %swap3A_1510 = arith.constant 512 : index
        %swap3A_1511 = tpu.vector_load %arg8[%swap3A_1508, %swap3A_1509, %swap3A_1510] {strides = array<i32>} : memref<4x32x768xf32, #tpu.memory_space<vmem>>, vector<1x1x16xf32>,
        %swap3A_1512 = vector.shape_cast %swap3A_1511 : vector<1x1x16xf32> to vector<16xf32>
        %swap3A_1513 = vector.shape_cast %add3A_1506 : vector<16xf32> to vector<1x1x16xf32>
        tpu.vector_store %arg8[%swap3A_1508, %swap3A_1509, %swap3A_1510], %swap3A_1513 {strides = array<i32>} : memref<4x32x768xf32, #tpu.memory_space<vmem>>, vector<1x1x16xf32>,
        %get3A_1514 = arith.constant 0 : i32
        %get3A_1515 = arith.index_cast %get3A_1514 : i32 to index
        %get3A_1516 = arith.index_cast %scan3A_1052 : i32 to index
        %get3A_1517 = arith.constant 528 : index
        %get3A_1518 = tpu.vector_load %arg8[%get3A_1515, %get3A_1516, %get3A_1517] {strides = array<i32>} : memref<4x32x768xf32, #tpu.memory_space<vmem>>, vector<1x1x16xf32>,
        %get3A_1519 = vector.shape_cast %get3A_1518 : vector<1x1x16xf32> to vector<16xf32>
        %add3A_1520 = arith.addf %get3A_1519, %get3A_265 : vector<16xf32>
        %swap3A_1521 = arith.constant 0 : i32
        %swap3A_1522 = arith.index_cast %swap3A_1521 : i32 to index
        %swap3A_1523 = arith.index_cast %scan3A_1052 : i32 to index
        %swap3A_1524 = arith.constant 528 : index
        %swap3A_1525 = tpu.vector_load %arg8[%swap3A_1522, %swap3A_1523, %swap3A_1524] {strides = array<i32>} : memref<4x32x768xf32, #tpu.memory_space<vmem>>, vector<1x1x16xf32>,
        %swap3A_1526 = vector.shape_cast %swap3A_1525 : vector<1x1x16xf32> to vector<16xf32>
        %swap3A_1527 = vector.shape_cast %add3A_1520 : vector<16xf32> to vector<1x1x16xf32>
        tpu.vector_store %arg8[%swap3A_1522, %swap3A_1523, %swap3A_1524], %swap3A_1527 {strides = array<i32>} : memref<4x32x768xf32, #tpu.memory_space<vmem>>, vector<1x1x16xf32>,
        %get3A_1528 = arith.constant 0 : i32
        %get3A_1529 = arith.index_cast %get3A_1528 : i32 to index
        %get3A_1530 = arith.index_cast %scan3A_1052 : i32 to index
        %get3A_1531 = arith.constant 544 : index
        %get3A_1532 = tpu.vector_load %arg8[%get3A_1529, %get3A_1530, %get3A_1531] {strides = array<i32>} : memref<4x32x768xf32, #tpu.memory_space<vmem>>, vector<1x1x16xf32>,
        %get3A_1533 = vector.shape_cast %get3A_1532 : vector<1x1x16xf32> to vector<16xf32>
        %add3A_1534 = arith.addf %get3A_1533, %get3A_269 : vector<16xf32>
        %swap3A_1535 = arith.constant 0 : i32
        %swap3A_1536 = arith.index_cast %swap3A_1535 : i32 to index
        %swap3A_1537 = arith.index_cast %scan3A_1052 : i32 to index
        %swap3A_1538 = arith.constant 544 : index
        %swap3A_1539 = tpu.vector_load %arg8[%swap3A_1536, %swap3A_1537, %swap3A_1538] {strides = array<i32>} : memref<4x32x768xf32, #tpu.memory_space<vmem>>, vector<1x1x16xf32>,
        %swap3A_1540 = vector.shape_cast %swap3A_1539 : vector<1x1x16xf32> to vector<16xf32>
        %swap3A_1541 = vector.shape_cast %add3A_1534 : vector<16xf32> to vector<1x1x16xf32>
        tpu.vector_store %arg8[%swap3A_1536, %swap3A_1537, %swap3A_1538], %swap3A_1541 {strides = array<i32>} : memref<4x32x768xf32, #tpu.memory_space<vmem>>, vector<1x1x16xf32>,
        %get3A_1542 = arith.constant 0 : i32
        %get3A_1543 = arith.index_cast %get3A_1542 : i32 to index
        %get3A_1544 = arith.index_cast %scan3A_1052 : i32 to index
        %get3A_1545 = arith.constant 560 : index
        %get3A_1546 = tpu.vector_load %arg8[%get3A_1543, %get3A_1544, %get3A_1545] {strides = array<i32>} : memref<4x32x768xf32, #tpu.memory_space<vmem>>, vector<1x1x16xf32>,
        %get3A_1547 = vector.shape_cast %get3A_1546 : vector<1x1x16xf32> to vector<16xf32>
        %add3A_1548 = arith.addf %get3A_1547, %get3A_273 : vector<16xf32>
        %swap3A_1549 = arith.constant 0 : i32
        %swap3A_1550 = arith.index_cast %swap3A_1549 : i32 to index
        %swap3A_1551 = arith.index_cast %scan3A_1052 : i32 to index
        %swap3A_1552 = arith.constant 560 : index
        %swap3A_1553 = tpu.vector_load %arg8[%swap3A_1550, %swap3A_1551, %swap3A_1552] {strides = array<i32>} : memref<4x32x768xf32, #tpu.memory_space<vmem>>, vector<1x1x16xf32>,
        %swap3A_1554 = vector.shape_cast %swap3A_1553 : vector<1x1x16xf32> to vector<16xf32>
        %swap3A_1555 = vector.shape_cast %add3A_1548 : vector<16xf32> to vector<1x1x16xf32>
        tpu.vector_store %arg8[%swap3A_1550, %swap3A_1551, %swap3A_1552], %swap3A_1555 {strides = array<i32>} : memref<4x32x768xf32, #tpu.memory_space<vmem>>, vector<1x1x16xf32>,
        %get3A_1556 = arith.constant 0 : i32
        %get3A_1557 = arith.index_cast %get3A_1556 : i32 to index
        %get3A_1558 = arith.index_cast %scan3A_1052 : i32 to index
        %get3A_1559 = arith.constant 576 : index
        %get3A_1560 = tpu.vector_load %arg8[%get3A_1557, %get3A_1558, %get3A_1559] {strides = array<i32>} : memref<4x32x768xf32, #tpu.memory_space<vmem>>, vector<1x1x16xf32>,
        %get3A_1561 = vector.shape_cast %get3A_1560 : vector<1x1x16xf32> to vector<16xf32>
        %add3A_1562 = arith.addf %get3A_1561, %get3A_277 : vector<16xf32>
        %swap3A_1563 = arith.constant 0 : i32
        %swap3A_1564 = arith.index_cast %swap3A_1563 : i32 to index
        %swap3A_1565 = arith.index_cast %scan3A_1052 : i32 to index
        %swap3A_1566 = arith.constant 576 : index
        %swap3A_1567 = tpu.vector_load %arg8[%swap3A_1564, %swap3A_1565, %swap3A_1566] {strides = array<i32>} : memref<4x32x768xf32, #tpu.memory_space<vmem>>, vector<1x1x16xf32>,
        %swap3A_1568 = vector.shape_cast %swap3A_1567 : vector<1x1x16xf32> to vector<16xf32>
        %swap3A_1569 = vector.shape_cast %add3A_1562 : vector<16xf32> to vector<1x1x16xf32>
        tpu.vector_store %arg8[%swap3A_1564, %swap3A_1565, %swap3A_1566], %swap3A_1569 {strides = array<i32>} : memref<4x32x768xf32, #tpu.memory_space<vmem>>, vector<1x1x16xf32>,
        %get3A_1570 = arith.constant 0 : i32
        %get3A_1571 = arith.index_cast %get3A_1570 : i32 to index
        %get3A_1572 = arith.index_cast %scan3A_1052 : i32 to index
        %get3A_1573 = arith.constant 592 : index
        %get3A_1574 = tpu.vector_load %arg8[%get3A_1571, %get3A_1572, %get3A_1573] {strides = array<i32>} : memref<4x32x768xf32, #tpu.memory_space<vmem>>, vector<1x1x16xf32>,
        %get3A_1575 = vector.shape_cast %get3A_1574 : vector<1x1x16xf32> to vector<16xf32>
        %add3A_1576 = arith.addf %get3A_1575, %get3A_281 : vector<16xf32>
        %swap3A_1577 = arith.constant 0 : i32
        %swap3A_1578 = arith.index_cast %swap3A_1577 : i32 to index
        %swap3A_1579 = arith.index_cast %scan3A_1052 : i32 to index
        %swap3A_1580 = arith.constant 592 : index
        %swap3A_1581 = tpu.vector_load %arg8[%swap3A_1578, %swap3A_1579, %swap3A_1580] {strides = array<i32>} : memref<4x32x768xf32, #tpu.memory_space<vmem>>, vector<1x1x16xf32>,
        %swap3A_1582 = vector.shape_cast %swap3A_1581 : vector<1x1x16xf32> to vector<16xf32>
        %swap3A_1583 = vector.shape_cast %add3A_1576 : vector<16xf32> to vector<1x1x16xf32>
        tpu.vector_store %arg8[%swap3A_1578, %swap3A_1579, %swap3A_1580], %swap3A_1583 {strides = array<i32>} : memref<4x32x768xf32, #tpu.memory_space<vmem>>, vector<1x1x16xf32>,
        %get3A_1584 = arith.constant 0 : i32
        %get3A_1585 = arith.index_cast %get3A_1584 : i32 to index
        %get3A_1586 = arith.index_cast %scan3A_1052 : i32 to index
        %get3A_1587 = arith.constant 608 : index
        %get3A_1588 = tpu.vector_load %arg8[%get3A_1585, %get3A_1586, %get3A_1587] {strides = array<i32>} : memref<4x32x768xf32, #tpu.memory_space<vmem>>, vector<1x1x16xf32>,
        %get3A_1589 = vector.shape_cast %get3A_1588 : vector<1x1x16xf32> to vector<16xf32>
        %add3A_1590 = arith.addf %get3A_1589, %get3A_285 : vector<16xf32>
        %swap3A_1591 = arith.constant 0 : i32
        %swap3A_1592 = arith.index_cast %swap3A_1591 : i32 to index
        %swap3A_1593 = arith.index_cast %scan3A_1052 : i32 to index
        %swap3A_1594 = arith.constant 608 : index
        %swap3A_1595 = tpu.vector_load %arg8[%swap3A_1592, %swap3A_1593, %swap3A_1594] {strides = array<i32>} : memref<4x32x768xf32, #tpu.memory_space<vmem>>, vector<1x1x16xf32>,
        %swap3A_1596 = vector.shape_cast %swap3A_1595 : vector<1x1x16xf32> to vector<16xf32>
        %swap3A_1597 = vector.shape_cast %add3A_1590 : vector<16xf32> to vector<1x1x16xf32>
        tpu.vector_store %arg8[%swap3A_1592, %swap3A_1593, %swap3A_1594], %swap3A_1597 {strides = array<i32>} : memref<4x32x768xf32, #tpu.memory_space<vmem>>, vector<1x1x16xf32>,
        %get3A_1598 = arith.constant 0 : i32
        %get3A_1599 = arith.index_cast %get3A_1598 : i32 to index
        %get3A_1600 = arith.index_cast %scan3A_1052 : i32 to index
        %get3A_1601 = arith.constant 624 : index
        %get3A_1602 = tpu.vector_load %arg8[%get3A_1599, %get3A_1600, %get3A_1601] {strides = array<i32>} : memref<4x32x768xf32, #tpu.memory_space<vmem>>, vector<1x1x16xf32>,
        %get3A_1603 = vector.shape_cast %get3A_1602 : vector<1x1x16xf32> to vector<16xf32>
        %add3A_1604 = arith.addf %get3A_1603, %get3A_289 : vector<16xf32>
        %swap3A_1605 = arith.constant 0 : i32
        %swap3A_1606 = arith.index_cast %swap3A_1605 : i32 to index
        %swap3A_1607 = arith.index_cast %scan3A_1052 : i32 to index
        %swap3A_1608 = arith.constant 624 : index
        %swap3A_1609 = tpu.vector_load %arg8[%swap3A_1606, %swap3A_1607, %swap3A_1608] {strides = array<i32>} : memref<4x32x768xf32, #tpu.memory_space<vmem>>, vector<1x1x16xf32>,
        %swap3A_1610 = vector.shape_cast %swap3A_1609 : vector<1x1x16xf32> to vector<16xf32>
        %swap3A_1611 = vector.shape_cast %add3A_1604 : vector<16xf32> to vector<1x1x16xf32>
        tpu.vector_store %arg8[%swap3A_1606, %swap3A_1607, %swap3A_1608], %swap3A_1611 {strides = array<i32>} : memref<4x32x768xf32, #tpu.memory_space<vmem>>, vector<1x1x16xf32>,
        %get3A_1612 = arith.constant 0 : i32
        %get3A_1613 = arith.index_cast %get3A_1612 : i32 to index
        %get3A_1614 = arith.index_cast %scan3A_1052 : i32 to index
        %get3A_1615 = arith.constant 640 : index
        %get3A_1616 = tpu.vector_load %arg8[%get3A_1613, %get3A_1614, %get3A_1615] {strides = array<i32>} : memref<4x32x768xf32, #tpu.memory_space<vmem>>, vector<1x1x16xf32>,
        %get3A_1617 = vector.shape_cast %get3A_1616 : vector<1x1x16xf32> to vector<16xf32>
        %add3A_1618 = arith.addf %get3A_1617, %get3A_293 : vector<16xf32>
        %swap3A_1619 = arith.constant 0 : i32
        %swap3A_1620 = arith.index_cast %swap3A_1619 : i32 to index
        %swap3A_1621 = arith.index_cast %scan3A_1052 : i32 to index
        %swap3A_1622 = arith.constant 640 : index
        %swap3A_1623 = tpu.vector_load %arg8[%swap3A_1620, %swap3A_1621, %swap3A_1622] {strides = array<i32>} : memref<4x32x768xf32, #tpu.memory_space<vmem>>, vector<1x1x16xf32>,
        %swap3A_1624 = vector.shape_cast %swap3A_1623 : vector<1x1x16xf32> to vector<16xf32>
        %swap3A_1625 = vector.shape_cast %add3A_1618 : vector<16xf32> to vector<1x1x16xf32>
        tpu.vector_store %arg8[%swap3A_1620, %swap3A_1621, %swap3A_1622], %swap3A_1625 {strides = array<i32>} : memref<4x32x768xf32, #tpu.memory_space<vmem>>, vector<1x1x16xf32>,
        %get3A_1626 = arith.constant 0 : i32
        %get3A_1627 = arith.index_cast %get3A_1626 : i32 to index
        %get3A_1628 = arith.index_cast %scan3A_1052 : i32 to index
        %get3A_1629 = arith.constant 656 : index
        %get3A_1630 = tpu.vector_load %arg8[%get3A_1627, %get3A_1628, %get3A_1629] {strides = array<i32>} : memref<4x32x768xf32, #tpu.memory_space<vmem>>, vector<1x1x16xf32>,
        %get3A_1631 = vector.shape_cast %get3A_1630 : vector<1x1x16xf32> to vector<16xf32>
        %add3A_1632 = arith.addf %get3A_1631, %get3A_297 : vector<16xf32>
        %swap3A_1633 = arith.constant 0 : i32
        %swap3A_1634 = arith.index_cast %swap3A_1633 : i32 to index
        %swap3A_1635 = arith.index_cast %scan3A_1052 : i32 to index
        %swap3A_1636 = arith.constant 656 : index
        %swap3A_1637 = tpu.vector_load %arg8[%swap3A_1634, %swap3A_1635, %swap3A_1636] {strides = array<i32>} : memref<4x32x768xf32, #tpu.memory_space<vmem>>, vector<1x1x16xf32>,
        %swap3A_1638 = vector.shape_cast %swap3A_1637 : vector<1x1x16xf32> to vector<16xf32>
        %swap3A_1639 = vector.shape_cast %add3A_1632 : vector<16xf32> to vector<1x1x16xf32>
        tpu.vector_store %arg8[%swap3A_1634, %swap3A_1635, %swap3A_1636], %swap3A_1639 {strides = array<i32>} : memref<4x32x768xf32, #tpu.memory_space<vmem>>, vector<1x1x16xf32>,
        %get3A_1640 = arith.constant 0 : i32
        %get3A_1641 = arith.index_cast %get3A_1640 : i32 to index
        %get3A_1642 = arith.index_cast %scan3A_1052 : i32 to index
        %get3A_1643 = arith.constant 672 : index
        %get3A_1644 = tpu.vector_load %arg8[%get3A_1641, %get3A_1642, %get3A_1643] {strides = array<i32>} : memref<4x32x768xf32, #tpu.memory_space<vmem>>, vector<1x1x16xf32>,
        %get3A_1645 = vector.shape_cast %get3A_1644 : vector<1x1x16xf32> to vector<16xf32>
        %add3A_1646 = arith.addf %get3A_1645, %get3A_301 : vector<16xf32>
        %swap3A_1647 = arith.constant 0 : i32
        %swap3A_1648 = arith.index_cast %swap3A_1647 : i32 to index
        %swap3A_1649 = arith.index_cast %scan3A_1052 : i32 to index
        %swap3A_1650 = arith.constant 672 : index
        %swap3A_1651 = tpu.vector_load %arg8[%swap3A_1648, %swap3A_1649, %swap3A_1650] {strides = array<i32>} : memref<4x32x768xf32, #tpu.memory_space<vmem>>, vector<1x1x16xf32>,
        %swap3A_1652 = vector.shape_cast %swap3A_1651 : vector<1x1x16xf32> to vector<16xf32>
        %swap3A_1653 = vector.shape_cast %add3A_1646 : vector<16xf32> to vector<1x1x16xf32>
        tpu.vector_store %arg8[%swap3A_1648, %swap3A_1649, %swap3A_1650], %swap3A_1653 {strides = array<i32>} : memref<4x32x768xf32, #tpu.memory_space<vmem>>, vector<1x1x16xf32>,
        %get3A_1654 = arith.constant 0 : i32
        %get3A_1655 = arith.index_cast %get3A_1654 : i32 to index
        %get3A_1656 = arith.index_cast %scan3A_1052 : i32 to index
        %get3A_1657 = arith.constant 688 : index
        %get3A_1658 = tpu.vector_load %arg8[%get3A_1655, %get3A_1656, %get3A_1657] {strides = array<i32>} : memref<4x32x768xf32, #tpu.memory_space<vmem>>, vector<1x1x16xf32>,
        %get3A_1659 = vector.shape_cast %get3A_1658 : vector<1x1x16xf32> to vector<16xf32>
        %add3A_1660 = arith.addf %get3A_1659, %get3A_305 : vector<16xf32>
        %swap3A_1661 = arith.constant 0 : i32
        %swap3A_1662 = arith.index_cast %swap3A_1661 : i32 to index
        %swap3A_1663 = arith.index_cast %scan3A_1052 : i32 to index
        %swap3A_1664 = arith.constant 688 : index
        %swap3A_1665 = tpu.vector_load %arg8[%swap3A_1662, %swap3A_1663, %swap3A_1664] {strides = array<i32>} : memref<4x32x768xf32, #tpu.memory_space<vmem>>, vector<1x1x16xf32>,
        %swap3A_1666 = vector.shape_cast %swap3A_1665 : vector<1x1x16xf32> to vector<16xf32>
        %swap3A_1667 = vector.shape_cast %add3A_1660 : vector<16xf32> to vector<1x1x16xf32>
        tpu.vector_store %arg8[%swap3A_1662, %swap3A_1663, %swap3A_1664], %swap3A_1667 {strides = array<i32>} : memref<4x32x768xf32, #tpu.memory_space<vmem>>, vector<1x1x16xf32>,
        %get3A_1668 = arith.constant 0 : i32
        %get3A_1669 = arith.index_cast %get3A_1668 : i32 to index
        %get3A_1670 = arith.index_cast %scan3A_1052 : i32 to index
        %get3A_1671 = arith.constant 704 : index
        %get3A_1672 = tpu.vector_load %arg8[%get3A_1669, %get3A_1670, %get3A_1671] {strides = array<i32>} : memref<4x32x768xf32, #tpu.memory_space<vmem>>, vector<1x1x16xf32>,
        %get3A_1673 = vector.shape_cast %get3A_1672 : vector<1x1x16xf32> to vector<16xf32>
        %add3A_1674 = arith.addf %get3A_1673, %get3A_309 : vector<16xf32>
        %swap3A_1675 = arith.constant 0 : i32
        %swap3A_1676 = arith.index_cast %swap3A_1675 : i32 to index
        %swap3A_1677 = arith.index_cast %scan3A_1052 : i32 to index
        %swap3A_1678 = arith.constant 704 : index
        %swap3A_1679 = tpu.vector_load %arg8[%swap3A_1676, %swap3A_1677, %swap3A_1678] {strides = array<i32>} : memref<4x32x768xf32, #tpu.memory_space<vmem>>, vector<1x1x16xf32>,
        %swap3A_1680 = vector.shape_cast %swap3A_1679 : vector<1x1x16xf32> to vector<16xf32>
        %swap3A_1681 = vector.shape_cast %add3A_1674 : vector<16xf32> to vector<1x1x16xf32>
        tpu.vector_store %arg8[%swap3A_1676, %swap3A_1677, %swap3A_1678], %swap3A_1681 {strides = array<i32>} : memref<4x32x768xf32, #tpu.memory_space<vmem>>, vector<1x1x16xf32>,
        %get3A_1682 = arith.constant 0 : i32
        %get3A_1683 = arith.index_cast %get3A_1682 : i32 to index
        %get3A_1684 = arith.index_cast %scan3A_1052 : i32 to index
        %get3A_1685 = arith.constant 720 : index
        %get3A_1686 = tpu.vector_load %arg8[%get3A_1683, %get3A_1684, %get3A_1685] {strides = array<i32>} : memref<4x32x768xf32, #tpu.memory_space<vmem>>, vector<1x1x16xf32>,
        %get3A_1687 = vector.shape_cast %get3A_1686 : vector<1x1x16xf32> to vector<16xf32>
        %add3A_1688 = arith.addf %get3A_1687, %get3A_313 : vector<16xf32>
        %swap3A_1689 = arith.constant 0 : i32
        %swap3A_1690 = arith.index_cast %swap3A_1689 : i32 to index
        %swap3A_1691 = arith.index_cast %scan3A_1052 : i32 to index
        %swap3A_1692 = arith.constant 720 : index
        %swap3A_1693 = tpu.vector_load %arg8[%swap3A_1690, %swap3A_1691, %swap3A_1692] {strides = array<i32>} : memref<4x32x768xf32, #tpu.memory_space<vmem>>, vector<1x1x16xf32>,
        %swap3A_1694 = vector.shape_cast %swap3A_1693 : vector<1x1x16xf32> to vector<16xf32>
        %swap3A_1695 = vector.shape_cast %add3A_1688 : vector<16xf32> to vector<1x1x16xf32>
        tpu.vector_store %arg8[%swap3A_1690, %swap3A_1691, %swap3A_1692], %swap3A_1695 {strides = array<i32>} : memref<4x32x768xf32, #tpu.memory_space<vmem>>, vector<1x1x16xf32>,
        %get3A_1696 = arith.constant 0 : i32
        %get3A_1697 = arith.index_cast %get3A_1696 : i32 to index
        %get3A_1698 = arith.index_cast %scan3A_1052 : i32 to index
        %get3A_1699 = arith.constant 736 : index
        %get3A_1700 = tpu.vector_load %arg8[%get3A_1697, %get3A_1698, %get3A_1699] {strides = array<i32>} : memref<4x32x768xf32, #tpu.memory_space<vmem>>, vector<1x1x16xf32>,
        %get3A_1701 = vector.shape_cast %get3A_1700 : vector<1x1x16xf32> to vector<16xf32>
        %add3A_1702 = arith.addf %get3A_1701, %get3A_317 : vector<16xf32>
        %swap3A_1703 = arith.constant 0 : i32
        %swap3A_1704 = arith.index_cast %swap3A_1703 : i32 to index
        %swap3A_1705 = arith.index_cast %scan3A_1052 : i32 to index
        %swap3A_1706 = arith.constant 736 : index
        %swap3A_1707 = tpu.vector_load %arg8[%swap3A_1704, %swap3A_1705, %swap3A_1706] {strides = array<i32>} : memref<4x32x768xf32, #tpu.memory_space<vmem>>, vector<1x1x16xf32>,
        %swap3A_1708 = vector.shape_cast %swap3A_1707 : vector<1x1x16xf32> to vector<16xf32>
        %swap3A_1709 = vector.shape_cast %add3A_1702 : vector<16xf32> to vector<1x1x16xf32>
        tpu.vector_store %arg8[%swap3A_1704, %swap3A_1705, %swap3A_1706], %swap3A_1709 {strides = array<i32>} : memref<4x32x768xf32, #tpu.memory_space<vmem>>, vector<1x1x16xf32>,
        %get3A_1710 = arith.constant 0 : i32
        %get3A_1711 = arith.index_cast %get3A_1710 : i32 to index
        %get3A_1712 = arith.index_cast %scan3A_1052 : i32 to index
        %get3A_1713 = arith.constant 752 : index
        %get3A_1714 = tpu.vector_load %arg8[%get3A_1711, %get3A_1712, %get3A_1713] {strides = array<i32>} : memref<4x32x768xf32, #tpu.memory_space<vmem>>, vector<1x1x16xf32>,
        %get3A_1715 = vector.shape_cast %get3A_1714 : vector<1x1x16xf32> to vector<16xf32>
        %add3A_1716 = arith.addf %get3A_1715, %get3A_321 : vector<16xf32>
        %swap3A_1717 = arith.constant 0 : i32
        %swap3A_1718 = arith.index_cast %swap3A_1717 : i32 to index
        %swap3A_1719 = arith.index_cast %scan3A_1052 : i32 to index
        %swap3A_1720 = arith.constant 752 : index
        %swap3A_1721 = tpu.vector_load %arg8[%swap3A_1718, %swap3A_1719, %swap3A_1720] {strides = array<i32>} : memref<4x32x768xf32, #tpu.memory_space<vmem>>, vector<1x1x16xf32>,
        %swap3A_1722 = vector.shape_cast %swap3A_1721 : vector<1x1x16xf32> to vector<16xf32>
        %swap3A_1723 = vector.shape_cast %add3A_1716 : vector<16xf32> to vector<1x1x16xf32>
        tpu.vector_store %arg8[%swap3A_1718, %swap3A_1719, %swap3A_1720], %swap3A_1723 {strides = array<i32>} : memref<4x32x768xf32, #tpu.memory_space<vmem>>, vector<1x1x16xf32>,
      }
      %scan3A_327 = arith.constant 32 : i32
      %add3A_328 = arith.addi %mul3A_2, %scan3A_106 : i32
      %dma_start3A_329 = arith.constant 0 : i32
      %dma_start3A_330 = arith.constant 0 : i32
      %dma_start3A_331 = arith.constant 0 : i32
      %dma_start3A_332 = tpu.memref_slice %arg8[%dma_start3A_329, %dma_start3A_330, %dma_start3A_331] : memref<4x32x768xf32, #tpu.memory_space<vmem>> -> memref<1x32x768xf32, #tpu.memory_space<vmem>>
      %dma_start3A_333 = tpu.memref_squeeze %dma_start3A_332 : memref<1x32x768xf32, #tpu.memory_space<vmem>> -> memref<32x768xf32, #tpu.memory_space<vmem>>
      %dma_start3A_334 = arith.constant 0 : i32
      %dma_start3A_335 = arith.constant 0 : i32
      %dma_start3A_336 = tpu.memref_slice %arg5[%dma_start3A_334, %add3A_328, %dma_start3A_335] : memref<128x512x768xf32, #tpu.memory_space<hbm>> -> memref<32x1x768xf32, #tpu.memory_space<hbm>>
      %dma_start3A_337 = tpu.memref_squeeze %dma_start3A_336 : memref<32x1x768xf32, #tpu.memory_space<hbm>> -> memref<32x768xf32, #tpu.memory_space<hbm>>
      %dma_start3A_338 = arith.constant 0 : i32
      %dma_start3A_339 = arith.constant 0 : i32
      %dma_start3A_340 = tpu.memref_slice %arg5[%dma_start3A_338, %add3A_328, %dma_start3A_339] : memref<128x512x768xf32, #tpu.memory_space<hbm>> -> memref<32x1x768xf32, #tpu.memory_space<hbm>>
      %dma_start3A_341 = tpu.memref_squeeze %dma_start3A_340 : memref<32x1x768xf32, #tpu.memory_space<hbm>> -> memref<32x768xf32, #tpu.memory_space<hbm>>
      %dma_start3A_342 = arith.constant 0 : i32
      %dma_start3A_343 = arith.constant 0 : i32
      %dma_start3A_344 = tpu.memref_slice %arg8[%dma_start3A_329, %dma_start3A_342, %dma_start3A_343] : memref<4x32x768xf32, #tpu.memory_space<vmem>> -> memref<1x32x768xf32, #tpu.memory_space<vmem>>
      %dma_start3A_345 = tpu.memref_squeeze %dma_start3A_344 : memref<1x32x768xf32, #tpu.memory_space<vmem>> -> memref<32x768xf32, #tpu.memory_space<vmem>>
      tpu.enqueue_dma source(%dma_start3A_345 : memref<32x768xf32, #tpu.memory_space<vmem>>) target(%dma_start3A_341 : memref<32x768xf32, #tpu.memory_space<hbm>>) target_semaphore(%arg13 : memref<!tpu.dma_semaphore, #tpu.memory_space<semaphore_mem>>)
      %dma_wait3A_346 = arith.constant 1 : i32
      %dma_wait3A_347 = arith.constant 0 : i32
      %dma_wait3A_348 = arith.constant 0 : i32
      %dma_wait3A_349 = tpu.memref_slice %arg8[%dma_wait3A_346, %dma_wait3A_347, %dma_wait3A_348] : memref<4x32x768xf32, #tpu.memory_space<vmem>> -> memref<1x32x768xf32, #tpu.memory_space<vmem>>
      %dma_wait3A_350 = tpu.memref_squeeze %dma_wait3A_349 : memref<1x32x768xf32, #tpu.memory_space<vmem>> -> memref<32x768xf32, #tpu.memory_space<vmem>>
      %dma_wait3A_351 = arith.constant 32 : i32
      %dma_wait3A_352 = tpu.memref_slice %arg6[%scan3A_106, %dma_wait3A_351] : memref<16x128xi32, #tpu.memory_space<vmem>> -> memref<1x32xi32, #tpu.memory_space<vmem>>
      %dma_wait3A_353 = tpu.memref_squeeze %dma_wait3A_352 : memref<1x32xi32, #tpu.memory_space<vmem>> -> memref<32xi32, #tpu.memory_space<vmem>>
      %dma_wait3A_354 = arith.constant 0 : i32
      %dma_wait3A_355 = arith.constant 0 : i32
      %dma_wait3A_356 = tpu.memref_slice %arg3[%dma_wait3A_354, %dma_wait3A_355] : memref<30522x768xf32, #tpu.memory_space<hbm>> -> memref<30522x768xf32, #tpu.memory_space<hbm>>
      tpu.wait_indirect_dma semaphore(%arg10 : memref<!tpu.dma_semaphore, #tpu.memory_space<semaphore_mem>>) src(%dma_wait3A_356 : memref<30522x768xf32, #tpu.memory_space<hbm>>) dst(%dma_wait3A_350 : memref<32x768xf32, #tpu.memory_space<vmem>>)
      %ge3A_357 = arith.constant 1 : i32
      %ge3A_358 = arith.cmpi sge, %scan3A_106, %ge3A_357 : i32
      %convert_element_type3A_359 = arith.extui %ge3A_358 : i1 to i32
      %cond3A_360 = arith.constant 0 : i32
      %cond3A_361 = arith.cmpi ne, %convert_element_type3A_359, %cond3A_360 : i32
      scf.if %cond3A_361 {
        %sub3A = arith.constant 1 : i32
        %sub3A_1052 = arith.subi %scan3A_106, %sub3A : i32
        %add3A_1053 = arith.addi %mul3A_2, %sub3A_1052 : i32
        %dma_wait3A_1054 = arith.constant 3 : i32
        %dma_wait3A_1055 = arith.constant 0 : i32
        %dma_wait3A_1056 = arith.constant 0 : i32
        %dma_wait3A_1057 = tpu.memref_slice %arg8[%dma_wait3A_1054, %dma_wait3A_1055, %dma_wait3A_1056] : memref<4x32x768xf32, #tpu.memory_space<vmem>> -> memref<1x32x768xf32, #tpu.memory_space<vmem>>
        %dma_wait3A_1058 = tpu.memref_squeeze %dma_wait3A_1057 : memref<1x32x768xf32, #tpu.memory_space<vmem>> -> memref<32x768xf32, #tpu.memory_space<vmem>>
        %dma_wait3A_1059 = arith.constant 96 : i32
        %dma_wait3A_1060 = arith.constant 0 : i32
        %dma_wait3A_1061 = tpu.memref_slice %arg5[%dma_wait3A_1059, %add3A_1053, %dma_wait3A_1060] : memref<128x512x768xf32, #tpu.memory_space<hbm>> -> memref<32x1x768xf32, #tpu.memory_space<hbm>>
        %dma_wait3A_1062 = tpu.memref_squeeze %dma_wait3A_1061 : memref<32x1x768xf32, #tpu.memory_space<hbm>> -> memref<32x768xf32, #tpu.memory_space<hbm>>
        %dma_wait3A_1063 = arith.constant 96 : i32
        %dma_wait3A_1064 = arith.constant 0 : i32
        %dma_wait3A_1065 = tpu.memref_slice %arg5[%dma_wait3A_1063, %add3A_1053, %dma_wait3A_1064] : memref<128x512x768xf32, #tpu.memory_space<hbm>> -> memref<32x1x768xf32, #tpu.memory_space<hbm>>
        %dma_wait3A_1066 = tpu.memref_squeeze %dma_wait3A_1065 : memref<32x1x768xf32, #tpu.memory_space<hbm>> -> memref<32x768xf32, #tpu.memory_space<hbm>>
        %dma_wait3A_1067 = arith.constant 0 : i32
        %dma_wait3A_1068 = arith.constant 0 : i32
        %dma_wait3A_1069 = tpu.memref_slice %arg8[%dma_wait3A_1054, %dma_wait3A_1067, %dma_wait3A_1068] : memref<4x32x768xf32, #tpu.memory_space<vmem>> -> memref<1x32x768xf32, #tpu.memory_space<vmem>>
        %dma_wait3A_1070 = tpu.memref_squeeze %dma_wait3A_1069 : memref<1x32x768xf32, #tpu.memory_space<vmem>> -> memref<32x768xf32, #tpu.memory_space<vmem>>
        tpu.wait_dma2 semaphore(%arg16 : memref<!tpu.dma_semaphore, #tpu.memory_space<semaphore_mem>>) src(%dma_wait3A_1070 : memref<32x768xf32, #tpu.memory_space<vmem>>) dst(%dma_wait3A_1066 : memref<32x768xf32, #tpu.memory_space<hbm>>)
      } else {
      }
      %dma_start3A_362 = arith.constant 3 : i32
      %dma_start3A_363 = arith.constant 0 : i32
      %dma_start3A_364 = arith.constant 0 : i32
      %dma_start3A_365 = tpu.memref_slice %arg8[%dma_start3A_362, %dma_start3A_363, %dma_start3A_364] : memref<4x32x768xf32, #tpu.memory_space<vmem>> -> memref<1x32x768xf32, #tpu.memory_space<vmem>>
      %dma_start3A_366 = tpu.memref_squeeze %dma_start3A_365 : memref<1x32x768xf32, #tpu.memory_space<vmem>> -> memref<32x768xf32, #tpu.memory_space<vmem>>
      %dma_start3A_367 = arith.constant 96 : i32
      %dma_start3A_368 = tpu.memref_slice %arg6[%scan3A_106, %dma_start3A_367] : memref<16x128xi32, #tpu.memory_space<vmem>> -> memref<1x32xi32, #tpu.memory_space<vmem>>
      %dma_start3A_369 = tpu.memref_squeeze %dma_start3A_368 : memref<1x32xi32, #tpu.memory_space<vmem>> -> memref<32xi32, #tpu.memory_space<vmem>>
      %dma_start3A_370 = arith.constant 0 : i32
      %dma_start3A_371 = arith.constant 0 : i32
      %dma_start3A_372 = tpu.memref_slice %arg3[%dma_start3A_370, %dma_start3A_371] : memref<30522x768xf32, #tpu.memory_space<hbm>> -> memref<30522x768xf32, #tpu.memory_space<hbm>>
      tpu.enqueue_indirect_dma source(%dma_start3A_372 : memref<30522x768xf32, #tpu.memory_space<hbm>>) target(%dma_start3A_366 : memref<32x768xf32, #tpu.memory_space<vmem>>) offsets(%dma_start3A_369 : memref<32xi32, #tpu.memory_space<vmem>>) semaphore(%arg12 : memref<!tpu.dma_semaphore, #tpu.memory_space<semaphore_mem>>)
      %get3A_373 = arith.index_cast %scan3A_106 : i32 to index
      %get3A_374 = arith.constant 0 : index
      %get3A_375 = tpu.vector_load %arg7[%get3A_373, %get3A_374] {strides = array<i32>} : memref<16x768xf32, #tpu.memory_space<vmem>>, vector<1x16xf32>,
      %get3A_376 = vector.shape_cast %get3A_375 : vector<1x16xf32> to vector<16xf32>
      %get3A_377 = arith.index_cast %scan3A_106 : i32 to index
      %get3A_378 = arith.constant 16 : index
      %get3A_379 = tpu.vector_load %arg7[%get3A_377, %get3A_378] {strides = array<i32>} : memref<16x768xf32, #tpu.memory_space<vmem>>, vector<1x16xf32>,
      %get3A_380 = vector.shape_cast %get3A_379 : vector<1x16xf32> to vector<16xf32>
      %get3A_381 = arith.index_cast %scan3A_106 : i32 to index
      %get3A_382 = arith.constant 32 : index
      %get3A_383 = tpu.vector_load %arg7[%get3A_381, %get3A_382] {strides = array<i32>} : memref<16x768xf32, #tpu.memory_space<vmem>>, vector<1x16xf32>,
      %get3A_384 = vector.shape_cast %get3A_383 : vector<1x16xf32> to vector<16xf32>
      %get3A_385 = arith.index_cast %scan3A_106 : i32 to index
      %get3A_386 = arith.constant 48 : index
      %get3A_387 = tpu.vector_load %arg7[%get3A_385, %get3A_386] {strides = array<i32>} : memref<16x768xf32, #tpu.memory_space<vmem>>, vector<1x16xf32>,
      %get3A_388 = vector.shape_cast %get3A_387 : vector<1x16xf32> to vector<16xf32>
      %get3A_389 = arith.index_cast %scan3A_106 : i32 to index
      %get3A_390 = arith.constant 64 : index
      %get3A_391 = tpu.vector_load %arg7[%get3A_389, %get3A_390] {strides = array<i32>} : memref<16x768xf32, #tpu.memory_space<vmem>>, vector<1x16xf32>,
      %get3A_392 = vector.shape_cast %get3A_391 : vector<1x16xf32> to vector<16xf32>
      %get3A_393 = arith.index_cast %scan3A_106 : i32 to index
      %get3A_394 = arith.constant 80 : index
      %get3A_395 = tpu.vector_load %arg7[%get3A_393, %get3A_394] {strides = array<i32>} : memref<16x768xf32, #tpu.memory_space<vmem>>, vector<1x16xf32>,
      %get3A_396 = vector.shape_cast %get3A_395 : vector<1x16xf32> to vector<16xf32>
      %get3A_397 = arith.index_cast %scan3A_106 : i32 to index
      %get3A_398 = arith.constant 96 : index
      %get3A_399 = tpu.vector_load %arg7[%get3A_397, %get3A_398] {strides = array<i32>} : memref<16x768xf32, #tpu.memory_space<vmem>>, vector<1x16xf32>,
      %get3A_400 = vector.shape_cast %get3A_399 : vector<1x16xf32> to vector<16xf32>
      %get3A_401 = arith.index_cast %scan3A_106 : i32 to index
      %get3A_402 = arith.constant 112 : index
      %get3A_403 = tpu.vector_load %arg7[%get3A_401, %get3A_402] {strides = array<i32>} : memref<16x768xf32, #tpu.memory_space<vmem>>, vector<1x16xf32>,
      %get3A_404 = vector.shape_cast %get3A_403 : vector<1x16xf32> to vector<16xf32>
      %get3A_405 = arith.index_cast %scan3A_106 : i32 to index
      %get3A_406 = arith.constant 128 : index
      %get3A_407 = tpu.vector_load %arg7[%get3A_405, %get3A_406] {strides = array<i32>} : memref<16x768xf32, #tpu.memory_space<vmem>>, vector<1x16xf32>,
      %get3A_408 = vector.shape_cast %get3A_407 : vector<1x16xf32> to vector<16xf32>
      %get3A_409 = arith.index_cast %scan3A_106 : i32 to index
      %get3A_410 = arith.constant 144 : index
      %get3A_411 = tpu.vector_load %arg7[%get3A_409, %get3A_410] {strides = array<i32>} : memref<16x768xf32, #tpu.memory_space<vmem>>, vector<1x16xf32>,
      %get3A_412 = vector.shape_cast %get3A_411 : vector<1x16xf32> to vector<16xf32>
      %get3A_413 = arith.index_cast %scan3A_106 : i32 to index
      %get3A_414 = arith.constant 160 : index
      %get3A_415 = tpu.vector_load %arg7[%get3A_413, %get3A_414] {strides = array<i32>} : memref<16x768xf32, #tpu.memory_space<vmem>>, vector<1x16xf32>,
      %get3A_416 = vector.shape_cast %get3A_415 : vector<1x16xf32> to vector<16xf32>
      %get3A_417 = arith.index_cast %scan3A_106 : i32 to index
      %get3A_418 = arith.constant 176 : index
      %get3A_419 = tpu.vector_load %arg7[%get3A_417, %get3A_418] {strides = array<i32>} : memref<16x768xf32, #tpu.memory_space<vmem>>, vector<1x16xf32>,
      %get3A_420 = vector.shape_cast %get3A_419 : vector<1x16xf32> to vector<16xf32>
      %get3A_421 = arith.index_cast %scan3A_106 : i32 to index
      %get3A_422 = arith.constant 192 : index
      %get3A_423 = tpu.vector_load %arg7[%get3A_421, %get3A_422] {strides = array<i32>} : memref<16x768xf32, #tpu.memory_space<vmem>>, vector<1x16xf32>,
      %get3A_424 = vector.shape_cast %get3A_423 : vector<1x16xf32> to vector<16xf32>
      %get3A_425 = arith.index_cast %scan3A_106 : i32 to index
      %get3A_426 = arith.constant 208 : index
      %get3A_427 = tpu.vector_load %arg7[%get3A_425, %get3A_426] {strides = array<i32>} : memref<16x768xf32, #tpu.memory_space<vmem>>, vector<1x16xf32>,
      %get3A_428 = vector.shape_cast %get3A_427 : vector<1x16xf32> to vector<16xf32>
      %get3A_429 = arith.index_cast %scan3A_106 : i32 to index
      %get3A_430 = arith.constant 224 : index
      %get3A_431 = tpu.vector_load %arg7[%get3A_429, %get3A_430] {strides = array<i32>} : memref<16x768xf32, #tpu.memory_space<vmem>>, vector<1x16xf32>,
      %get3A_432 = vector.shape_cast %get3A_431 : vector<1x16xf32> to vector<16xf32>
      %get3A_433 = arith.index_cast %scan3A_106 : i32 to index
      %get3A_434 = arith.constant 240 : index
      %get3A_435 = tpu.vector_load %arg7[%get3A_433, %get3A_434] {strides = array<i32>} : memref<16x768xf32, #tpu.memory_space<vmem>>, vector<1x16xf32>,
      %get3A_436 = vector.shape_cast %get3A_435 : vector<1x16xf32> to vector<16xf32>
      %get3A_437 = arith.index_cast %scan3A_106 : i32 to index
      %get3A_438 = arith.constant 256 : index
      %get3A_439 = tpu.vector_load %arg7[%get3A_437, %get3A_438] {strides = array<i32>} : memref<16x768xf32, #tpu.memory_space<vmem>>, vector<1x16xf32>,
      %get3A_440 = vector.shape_cast %get3A_439 : vector<1x16xf32> to vector<16xf32>
      %get3A_441 = arith.index_cast %scan3A_106 : i32 to index
      %get3A_442 = arith.constant 272 : index
      %get3A_443 = tpu.vector_load %arg7[%get3A_441, %get3A_442] {strides = array<i32>} : memref<16x768xf32, #tpu.memory_space<vmem>>, vector<1x16xf32>,
      %get3A_444 = vector.shape_cast %get3A_443 : vector<1x16xf32> to vector<16xf32>
      %get3A_445 = arith.index_cast %scan3A_106 : i32 to index
      %get3A_446 = arith.constant 288 : index
      %get3A_447 = tpu.vector_load %arg7[%get3A_445, %get3A_446] {strides = array<i32>} : memref<16x768xf32, #tpu.memory_space<vmem>>, vector<1x16xf32>,
      %get3A_448 = vector.shape_cast %get3A_447 : vector<1x16xf32> to vector<16xf32>
      %get3A_449 = arith.index_cast %scan3A_106 : i32 to index
      %get3A_450 = arith.constant 304 : index
      %get3A_451 = tpu.vector_load %arg7[%get3A_449, %get3A_450] {strides = array<i32>} : memref<16x768xf32, #tpu.memory_space<vmem>>, vector<1x16xf32>,
      %get3A_452 = vector.shape_cast %get3A_451 : vector<1x16xf32> to vector<16xf32>
      %get3A_453 = arith.index_cast %scan3A_106 : i32 to index
      %get3A_454 = arith.constant 320 : index
      %get3A_455 = tpu.vector_load %arg7[%get3A_453, %get3A_454] {strides = array<i32>} : memref<16x768xf32, #tpu.memory_space<vmem>>, vector<1x16xf32>,
      %get3A_456 = vector.shape_cast %get3A_455 : vector<1x16xf32> to vector<16xf32>
      %get3A_457 = arith.index_cast %scan3A_106 : i32 to index
      %get3A_458 = arith.constant 336 : index
      %get3A_459 = tpu.vector_load %arg7[%get3A_457, %get3A_458] {strides = array<i32>} : memref<16x768xf32, #tpu.memory_space<vmem>>, vector<1x16xf32>,
      %get3A_460 = vector.shape_cast %get3A_459 : vector<1x16xf32> to vector<16xf32>
      %get3A_461 = arith.index_cast %scan3A_106 : i32 to index
      %get3A_462 = arith.constant 352 : index
      %get3A_463 = tpu.vector_load %arg7[%get3A_461, %get3A_462] {strides = array<i32>} : memref<16x768xf32, #tpu.memory_space<vmem>>, vector<1x16xf32>,
      %get3A_464 = vector.shape_cast %get3A_463 : vector<1x16xf32> to vector<16xf32>
      %get3A_465 = arith.index_cast %scan3A_106 : i32 to index
      %get3A_466 = arith.constant 368 : index
      %get3A_467 = tpu.vector_load %arg7[%get3A_465, %get3A_466] {strides = array<i32>} : memref<16x768xf32, #tpu.memory_space<vmem>>, vector<1x16xf32>,
      %get3A_468 = vector.shape_cast %get3A_467 : vector<1x16xf32> to vector<16xf32>
      %get3A_469 = arith.index_cast %scan3A_106 : i32 to index
      %get3A_470 = arith.constant 384 : index
      %get3A_471 = tpu.vector_load %arg7[%get3A_469, %get3A_470] {strides = array<i32>} : memref<16x768xf32, #tpu.memory_space<vmem>>, vector<1x16xf32>,
      %get3A_472 = vector.shape_cast %get3A_471 : vector<1x16xf32> to vector<16xf32>
      %get3A_473 = arith.index_cast %scan3A_106 : i32 to index
      %get3A_474 = arith.constant 400 : index
      %get3A_475 = tpu.vector_load %arg7[%get3A_473, %get3A_474] {strides = array<i32>} : memref<16x768xf32, #tpu.memory_space<vmem>>, vector<1x16xf32>,
      %get3A_476 = vector.shape_cast %get3A_475 : vector<1x16xf32> to vector<16xf32>
      %get3A_477 = arith.index_cast %scan3A_106 : i32 to index
      %get3A_478 = arith.constant 416 : index
      %get3A_479 = tpu.vector_load %arg7[%get3A_477, %get3A_478] {strides = array<i32>} : memref<16x768xf32, #tpu.memory_space<vmem>>, vector<1x16xf32>,
      %get3A_480 = vector.shape_cast %get3A_479 : vector<1x16xf32> to vector<16xf32>
      %get3A_481 = arith.index_cast %scan3A_106 : i32 to index
      %get3A_482 = arith.constant 432 : index
      %get3A_483 = tpu.vector_load %arg7[%get3A_481, %get3A_482] {strides = array<i32>} : memref<16x768xf32, #tpu.memory_space<vmem>>, vector<1x16xf32>,
      %get3A_484 = vector.shape_cast %get3A_483 : vector<1x16xf32> to vector<16xf32>
      %get3A_485 = arith.index_cast %scan3A_106 : i32 to index
      %get3A_486 = arith.constant 448 : index
      %get3A_487 = tpu.vector_load %arg7[%get3A_485, %get3A_486] {strides = array<i32>} : memref<16x768xf32, #tpu.memory_space<vmem>>, vector<1x16xf32>,
      %get3A_488 = vector.shape_cast %get3A_487 : vector<1x16xf32> to vector<16xf32>
      %get3A_489 = arith.index_cast %scan3A_106 : i32 to index
      %get3A_490 = arith.constant 464 : index
      %get3A_491 = tpu.vector_load %arg7[%get3A_489, %get3A_490] {strides = array<i32>} : memref<16x768xf32, #tpu.memory_space<vmem>>, vector<1x16xf32>,
      %get3A_492 = vector.shape_cast %get3A_491 : vector<1x16xf32> to vector<16xf32>
      %get3A_493 = arith.index_cast %scan3A_106 : i32 to index
      %get3A_494 = arith.constant 480 : index
      %get3A_495 = tpu.vector_load %arg7[%get3A_493, %get3A_494] {strides = array<i32>} : memref<16x768xf32, #tpu.memory_space<vmem>>, vector<1x16xf32>,
      %get3A_496 = vector.shape_cast %get3A_495 : vector<1x16xf32> to vector<16xf32>
      %get3A_497 = arith.index_cast %scan3A_106 : i32 to index
      %get3A_498 = arith.constant 496 : index
      %get3A_499 = tpu.vector_load %arg7[%get3A_497, %get3A_498] {strides = array<i32>} : memref<16x768xf32, #tpu.memory_space<vmem>>, vector<1x16xf32>,
      %get3A_500 = vector.shape_cast %get3A_499 : vector<1x16xf32> to vector<16xf32>
      %get3A_501 = arith.index_cast %scan3A_106 : i32 to index
      %get3A_502 = arith.constant 512 : index
      %get3A_503 = tpu.vector_load %arg7[%get3A_501, %get3A_502] {strides = array<i32>} : memref<16x768xf32, #tpu.memory_space<vmem>>, vector<1x16xf32>,
      %get3A_504 = vector.shape_cast %get3A_503 : vector<1x16xf32> to vector<16xf32>
      %get3A_505 = arith.index_cast %scan3A_106 : i32 to index
      %get3A_506 = arith.constant 528 : index
      %get3A_507 = tpu.vector_load %arg7[%get3A_505, %get3A_506] {strides = array<i32>} : memref<16x768xf32, #tpu.memory_space<vmem>>, vector<1x16xf32>,
      %get3A_508 = vector.shape_cast %get3A_507 : vector<1x16xf32> to vector<16xf32>
      %get3A_509 = arith.index_cast %scan3A_106 : i32 to index
      %get3A_510 = arith.constant 544 : index
      %get3A_511 = tpu.vector_load %arg7[%get3A_509, %get3A_510] {strides = array<i32>} : memref<16x768xf32, #tpu.memory_space<vmem>>, vector<1x16xf32>,
      %get3A_512 = vector.shape_cast %get3A_511 : vector<1x16xf32> to vector<16xf32>
      %get3A_513 = arith.index_cast %scan3A_106 : i32 to index
      %get3A_514 = arith.constant 560 : index
      %get3A_515 = tpu.vector_load %arg7[%get3A_513, %get3A_514] {strides = array<i32>} : memref<16x768xf32, #tpu.memory_space<vmem>>, vector<1x16xf32>,
      %get3A_516 = vector.shape_cast %get3A_515 : vector<1x16xf32> to vector<16xf32>
      %get3A_517 = arith.index_cast %scan3A_106 : i32 to index
      %get3A_518 = arith.constant 576 : index
      %get3A_519 = tpu.vector_load %arg7[%get3A_517, %get3A_518] {strides = array<i32>} : memref<16x768xf32, #tpu.memory_space<vmem>>, vector<1x16xf32>,
      %get3A_520 = vector.shape_cast %get3A_519 : vector<1x16xf32> to vector<16xf32>
      %get3A_521 = arith.index_cast %scan3A_106 : i32 to index
      %get3A_522 = arith.constant 592 : index
      %get3A_523 = tpu.vector_load %arg7[%get3A_521, %get3A_522] {strides = array<i32>} : memref<16x768xf32, #tpu.memory_space<vmem>>, vector<1x16xf32>,
      %get3A_524 = vector.shape_cast %get3A_523 : vector<1x16xf32> to vector<16xf32>
      %get3A_525 = arith.index_cast %scan3A_106 : i32 to index
      %get3A_526 = arith.constant 608 : index
      %get3A_527 = tpu.vector_load %arg7[%get3A_525, %get3A_526] {strides = array<i32>} : memref<16x768xf32, #tpu.memory_space<vmem>>, vector<1x16xf32>,
      %get3A_528 = vector.shape_cast %get3A_527 : vector<1x16xf32> to vector<16xf32>
      %get3A_529 = arith.index_cast %scan3A_106 : i32 to index
      %get3A_530 = arith.constant 624 : index
      %get3A_531 = tpu.vector_load %arg7[%get3A_529, %get3A_530] {strides = array<i32>} : memref<16x768xf32, #tpu.memory_space<vmem>>, vector<1x16xf32>,
      %get3A_532 = vector.shape_cast %get3A_531 : vector<1x16xf32> to vector<16xf32>
      %get3A_533 = arith.index_cast %scan3A_106 : i32 to index
      %get3A_534 = arith.constant 640 : index
      %get3A_535 = tpu.vector_load %arg7[%get3A_533, %get3A_534] {strides = array<i32>} : memref<16x768xf32, #tpu.memory_space<vmem>>, vector<1x16xf32>,
      %get3A_536 = vector.shape_cast %get3A_535 : vector<1x16xf32> to vector<16xf32>
      %get3A_537 = arith.index_cast %scan3A_106 : i32 to index
      %get3A_538 = arith.constant 656 : index
      %get3A_539 = tpu.vector_load %arg7[%get3A_537, %get3A_538] {strides = array<i32>} : memref<16x768xf32, #tpu.memory_space<vmem>>, vector<1x16xf32>,
      %get3A_540 = vector.shape_cast %get3A_539 : vector<1x16xf32> to vector<16xf32>
      %get3A_541 = arith.index_cast %scan3A_106 : i32 to index
      %get3A_542 = arith.constant 672 : index
      %get3A_543 = tpu.vector_load %arg7[%get3A_541, %get3A_542] {strides = array<i32>} : memref<16x768xf32, #tpu.memory_space<vmem>>, vector<1x16xf32>,
      %get3A_544 = vector.shape_cast %get3A_543 : vector<1x16xf32> to vector<16xf32>
      %get3A_545 = arith.index_cast %scan3A_106 : i32 to index
      %get3A_546 = arith.constant 688 : index
      %get3A_547 = tpu.vector_load %arg7[%get3A_545, %get3A_546] {strides = array<i32>} : memref<16x768xf32, #tpu.memory_space<vmem>>, vector<1x16xf32>,
      %get3A_548 = vector.shape_cast %get3A_547 : vector<1x16xf32> to vector<16xf32>
      %get3A_549 = arith.index_cast %scan3A_106 : i32 to index
      %get3A_550 = arith.constant 704 : index
      %get3A_551 = tpu.vector_load %arg7[%get3A_549, %get3A_550] {strides = array<i32>} : memref<16x768xf32, #tpu.memory_space<vmem>>, vector<1x16xf32>,
      %get3A_552 = vector.shape_cast %get3A_551 : vector<1x16xf32> to vector<16xf32>
      %get3A_553 = arith.index_cast %scan3A_106 : i32 to index
      %get3A_554 = arith.constant 720 : index
      %get3A_555 = tpu.vector_load %arg7[%get3A_553, %get3A_554] {strides = array<i32>} : memref<16x768xf32, #tpu.memory_space<vmem>>, vector<1x16xf32>,
      %get3A_556 = vector.shape_cast %get3A_555 : vector<1x16xf32> to vector<16xf32>
      %get3A_557 = arith.index_cast %scan3A_106 : i32 to index
      %get3A_558 = arith.constant 736 : index
      %get3A_559 = tpu.vector_load %arg7[%get3A_557, %get3A_558] {strides = array<i32>} : memref<16x768xf32, #tpu.memory_space<vmem>>, vector<1x16xf32>,
      %get3A_560 = vector.shape_cast %get3A_559 : vector<1x16xf32> to vector<16xf32>
      %get3A_561 = arith.index_cast %scan3A_106 : i32 to index
      %get3A_562 = arith.constant 752 : index
      %get3A_563 = tpu.vector_load %arg7[%get3A_561, %get3A_562] {strides = array<i32>} : memref<16x768xf32, #tpu.memory_space<vmem>>, vector<1x16xf32>,
      %get3A_564 = vector.shape_cast %get3A_563 : vector<1x16xf32> to vector<16xf32>
      %scan3A_565 = arith.constant 0 : i32
      %scan3A_566 = arith.constant 0 : i32
      %scan3A_567 = arith.constant 32 : i32
      %scan3A_568 = arith.addi %scan3A_566, %scan3A_567 : i32
      %scan3A_569 = arith.constant 1 : i32
      scf.for %scan3A_1052 = %scan3A_566 to %scan3A_568 step %scan3A_569  : i32 {
        %get3A_1053 = arith.constant 1 : i32
        %get3A_1054 = arith.index_cast %get3A_1053 : i32 to index
        %get3A_1055 = arith.index_cast %scan3A_1052 : i32 to index
        %get3A_1056 = arith.constant 0 : index
        %get3A_1057 = tpu.vector_load %arg8[%get3A_1054, %get3A_1055, %get3A_1056] {strides = array<i32>} : memref<4x32x768xf32, #tpu.memory_space<vmem>>, vector<1x1x16xf32>,
        %get3A_1058 = vector.shape_cast %get3A_1057 : vector<1x1x16xf32> to vector<16xf32>
        %add3A_1059 = arith.addf %get3A_1058, %get3A_376 : vector<16xf32>
        %swap3A = arith.constant 1 : i32
        %swap3A_1060 = arith.index_cast %swap3A : i32 to index
        %swap3A_1061 = arith.index_cast %scan3A_1052 : i32 to index
        %swap3A_1062 = arith.constant 0 : index
        %swap3A_1063 = tpu.vector_load %arg8[%swap3A_1060, %swap3A_1061, %swap3A_1062] {strides = array<i32>} : memref<4x32x768xf32, #tpu.memory_space<vmem>>, vector<1x1x16xf32>,
        %swap3A_1064 = vector.shape_cast %swap3A_1063 : vector<1x1x16xf32> to vector<16xf32>
        %swap3A_1065 = vector.shape_cast %add3A_1059 : vector<16xf32> to vector<1x1x16xf32>
        tpu.vector_store %arg8[%swap3A_1060, %swap3A_1061, %swap3A_1062], %swap3A_1065 {strides = array<i32>} : memref<4x32x768xf32, #tpu.memory_space<vmem>>, vector<1x1x16xf32>,
        %get3A_1066 = arith.constant 1 : i32
        %get3A_1067 = arith.index_cast %get3A_1066 : i32 to index
        %get3A_1068 = arith.index_cast %scan3A_1052 : i32 to index
        %get3A_1069 = arith.constant 16 : index
        %get3A_1070 = tpu.vector_load %arg8[%get3A_1067, %get3A_1068, %get3A_1069] {strides = array<i32>} : memref<4x32x768xf32, #tpu.memory_space<vmem>>, vector<1x1x16xf32>,
        %get3A_1071 = vector.shape_cast %get3A_1070 : vector<1x1x16xf32> to vector<16xf32>
        %add3A_1072 = arith.addf %get3A_1071, %get3A_380 : vector<16xf32>
        %swap3A_1073 = arith.constant 1 : i32
        %swap3A_1074 = arith.index_cast %swap3A_1073 : i32 to index
        %swap3A_1075 = arith.index_cast %scan3A_1052 : i32 to index
        %swap3A_1076 = arith.constant 16 : index
        %swap3A_1077 = tpu.vector_load %arg8[%swap3A_1074, %swap3A_1075, %swap3A_1076] {strides = array<i32>} : memref<4x32x768xf32, #tpu.memory_space<vmem>>, vector<1x1x16xf32>,
        %swap3A_1078 = vector.shape_cast %swap3A_1077 : vector<1x1x16xf32> to vector<16xf32>
        %swap3A_1079 = vector.shape_cast %add3A_1072 : vector<16xf32> to vector<1x1x16xf32>
        tpu.vector_store %arg8[%swap3A_1074, %swap3A_1075, %swap3A_1076], %swap3A_1079 {strides = array<i32>} : memref<4x32x768xf32, #tpu.memory_space<vmem>>, vector<1x1x16xf32>,
        %get3A_1080 = arith.constant 1 : i32
        %get3A_1081 = arith.index_cast %get3A_1080 : i32 to index
        %get3A_1082 = arith.index_cast %scan3A_1052 : i32 to index
        %get3A_1083 = arith.constant 32 : index
        %get3A_1084 = tpu.vector_load %arg8[%get3A_1081, %get3A_1082, %get3A_1083] {strides = array<i32>} : memref<4x32x768xf32, #tpu.memory_space<vmem>>, vector<1x1x16xf32>,
        %get3A_1085 = vector.shape_cast %get3A_1084 : vector<1x1x16xf32> to vector<16xf32>
        %add3A_1086 = arith.addf %get3A_1085, %get3A_384 : vector<16xf32>
        %swap3A_1087 = arith.constant 1 : i32
        %swap3A_1088 = arith.index_cast %swap3A_1087 : i32 to index
        %swap3A_1089 = arith.index_cast %scan3A_1052 : i32 to index
        %swap3A_1090 = arith.constant 32 : index
        %swap3A_1091 = tpu.vector_load %arg8[%swap3A_1088, %swap3A_1089, %swap3A_1090] {strides = array<i32>} : memref<4x32x768xf32, #tpu.memory_space<vmem>>, vector<1x1x16xf32>,
        %swap3A_1092 = vector.shape_cast %swap3A_1091 : vector<1x1x16xf32> to vector<16xf32>
        %swap3A_1093 = vector.shape_cast %add3A_1086 : vector<16xf32> to vector<1x1x16xf32>
        tpu.vector_store %arg8[%swap3A_1088, %swap3A_1089, %swap3A_1090], %swap3A_1093 {strides = array<i32>} : memref<4x32x768xf32, #tpu.memory_space<vmem>>, vector<1x1x16xf32>,
        %get3A_1094 = arith.constant 1 : i32
        %get3A_1095 = arith.index_cast %get3A_1094 : i32 to index
        %get3A_1096 = arith.index_cast %scan3A_1052 : i32 to index
        %get3A_1097 = arith.constant 48 : index
        %get3A_1098 = tpu.vector_load %arg8[%get3A_1095, %get3A_1096, %get3A_1097] {strides = array<i32>} : memref<4x32x768xf32, #tpu.memory_space<vmem>>, vector<1x1x16xf32>,
        %get3A_1099 = vector.shape_cast %get3A_1098 : vector<1x1x16xf32> to vector<16xf32>
        %add3A_1100 = arith.addf %get3A_1099, %get3A_388 : vector<16xf32>
        %swap3A_1101 = arith.constant 1 : i32
        %swap3A_1102 = arith.index_cast %swap3A_1101 : i32 to index
        %swap3A_1103 = arith.index_cast %scan3A_1052 : i32 to index
        %swap3A_1104 = arith.constant 48 : index
        %swap3A_1105 = tpu.vector_load %arg8[%swap3A_1102, %swap3A_1103, %swap3A_1104] {strides = array<i32>} : memref<4x32x768xf32, #tpu.memory_space<vmem>>, vector<1x1x16xf32>,
        %swap3A_1106 = vector.shape_cast %swap3A_1105 : vector<1x1x16xf32> to vector<16xf32>
        %swap3A_1107 = vector.shape_cast %add3A_1100 : vector<16xf32> to vector<1x1x16xf32>
        tpu.vector_store %arg8[%swap3A_1102, %swap3A_1103, %swap3A_1104], %swap3A_1107 {strides = array<i32>} : memref<4x32x768xf32, #tpu.memory_space<vmem>>, vector<1x1x16xf32>,
        %get3A_1108 = arith.constant 1 : i32
        %get3A_1109 = arith.index_cast %get3A_1108 : i32 to index
        %get3A_1110 = arith.index_cast %scan3A_1052 : i32 to index
        %get3A_1111 = arith.constant 64 : index
        %get3A_1112 = tpu.vector_load %arg8[%get3A_1109, %get3A_1110, %get3A_1111] {strides = array<i32>} : memref<4x32x768xf32, #tpu.memory_space<vmem>>, vector<1x1x16xf32>,
        %get3A_1113 = vector.shape_cast %get3A_1112 : vector<1x1x16xf32> to vector<16xf32>
        %add3A_1114 = arith.addf %get3A_1113, %get3A_392 : vector<16xf32>
        %swap3A_1115 = arith.constant 1 : i32
        %swap3A_1116 = arith.index_cast %swap3A_1115 : i32 to index
        %swap3A_1117 = arith.index_cast %scan3A_1052 : i32 to index
        %swap3A_1118 = arith.constant 64 : index
        %swap3A_1119 = tpu.vector_load %arg8[%swap3A_1116, %swap3A_1117, %swap3A_1118] {strides = array<i32>} : memref<4x32x768xf32, #tpu.memory_space<vmem>>, vector<1x1x16xf32>,
        %swap3A_1120 = vector.shape_cast %swap3A_1119 : vector<1x1x16xf32> to vector<16xf32>
        %swap3A_1121 = vector.shape_cast %add3A_1114 : vector<16xf32> to vector<1x1x16xf32>
        tpu.vector_store %arg8[%swap3A_1116, %swap3A_1117, %swap3A_1118], %swap3A_1121 {strides = array<i32>} : memref<4x32x768xf32, #tpu.memory_space<vmem>>, vector<1x1x16xf32>,
        %get3A_1122 = arith.constant 1 : i32
        %get3A_1123 = arith.index_cast %get3A_1122 : i32 to index
        %get3A_1124 = arith.index_cast %scan3A_1052 : i32 to index
        %get3A_1125 = arith.constant 80 : index
        %get3A_1126 = tpu.vector_load %arg8[%get3A_1123, %get3A_1124, %get3A_1125] {strides = array<i32>} : memref<4x32x768xf32, #tpu.memory_space<vmem>>, vector<1x1x16xf32>,
        %get3A_1127 = vector.shape_cast %get3A_1126 : vector<1x1x16xf32> to vector<16xf32>
        %add3A_1128 = arith.addf %get3A_1127, %get3A_396 : vector<16xf32>
        %swap3A_1129 = arith.constant 1 : i32
        %swap3A_1130 = arith.index_cast %swap3A_1129 : i32 to index
        %swap3A_1131 = arith.index_cast %scan3A_1052 : i32 to index
        %swap3A_1132 = arith.constant 80 : index
        %swap3A_1133 = tpu.vector_load %arg8[%swap3A_1130, %swap3A_1131, %swap3A_1132] {strides = array<i32>} : memref<4x32x768xf32, #tpu.memory_space<vmem>>, vector<1x1x16xf32>,
        %swap3A_1134 = vector.shape_cast %swap3A_1133 : vector<1x1x16xf32> to vector<16xf32>
        %swap3A_1135 = vector.shape_cast %add3A_1128 : vector<16xf32> to vector<1x1x16xf32>
        tpu.vector_store %arg8[%swap3A_1130, %swap3A_1131, %swap3A_1132], %swap3A_1135 {strides = array<i32>} : memref<4x32x768xf32, #tpu.memory_space<vmem>>, vector<1x1x16xf32>,
        %get3A_1136 = arith.constant 1 : i32
        %get3A_1137 = arith.index_cast %get3A_1136 : i32 to index
        %get3A_1138 = arith.index_cast %scan3A_1052 : i32 to index
        %get3A_1139 = arith.constant 96 : index
        %get3A_1140 = tpu.vector_load %arg8[%get3A_1137, %get3A_1138, %get3A_1139] {strides = array<i32>} : memref<4x32x768xf32, #tpu.memory_space<vmem>>, vector<1x1x16xf32>,
        %get3A_1141 = vector.shape_cast %get3A_1140 : vector<1x1x16xf32> to vector<16xf32>
        %add3A_1142 = arith.addf %get3A_1141, %get3A_400 : vector<16xf32>
        %swap3A_1143 = arith.constant 1 : i32
        %swap3A_1144 = arith.index_cast %swap3A_1143 : i32 to index
        %swap3A_1145 = arith.index_cast %scan3A_1052 : i32 to index
        %swap3A_1146 = arith.constant 96 : index
        %swap3A_1147 = tpu.vector_load %arg8[%swap3A_1144, %swap3A_1145, %swap3A_1146] {strides = array<i32>} : memref<4x32x768xf32, #tpu.memory_space<vmem>>, vector<1x1x16xf32>,
        %swap3A_1148 = vector.shape_cast %swap3A_1147 : vector<1x1x16xf32> to vector<16xf32>
        %swap3A_1149 = vector.shape_cast %add3A_1142 : vector<16xf32> to vector<1x1x16xf32>
        tpu.vector_store %arg8[%swap3A_1144, %swap3A_1145, %swap3A_1146], %swap3A_1149 {strides = array<i32>} : memref<4x32x768xf32, #tpu.memory_space<vmem>>, vector<1x1x16xf32>,
        %get3A_1150 = arith.constant 1 : i32
        %get3A_1151 = arith.index_cast %get3A_1150 : i32 to index
        %get3A_1152 = arith.index_cast %scan3A_1052 : i32 to index
        %get3A_1153 = arith.constant 112 : index
        %get3A_1154 = tpu.vector_load %arg8[%get3A_1151, %get3A_1152, %get3A_1153] {strides = array<i32>} : memref<4x32x768xf32, #tpu.memory_space<vmem>>, vector<1x1x16xf32>,
        %get3A_1155 = vector.shape_cast %get3A_1154 : vector<1x1x16xf32> to vector<16xf32>
        %add3A_1156 = arith.addf %get3A_1155, %get3A_404 : vector<16xf32>
        %swap3A_1157 = arith.constant 1 : i32
        %swap3A_1158 = arith.index_cast %swap3A_1157 : i32 to index
        %swap3A_1159 = arith.index_cast %scan3A_1052 : i32 to index
        %swap3A_1160 = arith.constant 112 : index
        %swap3A_1161 = tpu.vector_load %arg8[%swap3A_1158, %swap3A_1159, %swap3A_1160] {strides = array<i32>} : memref<4x32x768xf32, #tpu.memory_space<vmem>>, vector<1x1x16xf32>,
        %swap3A_1162 = vector.shape_cast %swap3A_1161 : vector<1x1x16xf32> to vector<16xf32>
        %swap3A_1163 = vector.shape_cast %add3A_1156 : vector<16xf32> to vector<1x1x16xf32>
        tpu.vector_store %arg8[%swap3A_1158, %swap3A_1159, %swap3A_1160], %swap3A_1163 {strides = array<i32>} : memref<4x32x768xf32, #tpu.memory_space<vmem>>, vector<1x1x16xf32>,
        %get3A_1164 = arith.constant 1 : i32
        %get3A_1165 = arith.index_cast %get3A_1164 : i32 to index
        %get3A_1166 = arith.index_cast %scan3A_1052 : i32 to index
        %get3A_1167 = arith.constant 128 : index
        %get3A_1168 = tpu.vector_load %arg8[%get3A_1165, %get3A_1166, %get3A_1167] {strides = array<i32>} : memref<4x32x768xf32, #tpu.memory_space<vmem>>, vector<1x1x16xf32>,
        %get3A_1169 = vector.shape_cast %get3A_1168 : vector<1x1x16xf32> to vector<16xf32>
        %add3A_1170 = arith.addf %get3A_1169, %get3A_408 : vector<16xf32>
        %swap3A_1171 = arith.constant 1 : i32
        %swap3A_1172 = arith.index_cast %swap3A_1171 : i32 to index
        %swap3A_1173 = arith.index_cast %scan3A_1052 : i32 to index
        %swap3A_1174 = arith.constant 128 : index
        %swap3A_1175 = tpu.vector_load %arg8[%swap3A_1172, %swap3A_1173, %swap3A_1174] {strides = array<i32>} : memref<4x32x768xf32, #tpu.memory_space<vmem>>, vector<1x1x16xf32>,
        %swap3A_1176 = vector.shape_cast %swap3A_1175 : vector<1x1x16xf32> to vector<16xf32>
        %swap3A_1177 = vector.shape_cast %add3A_1170 : vector<16xf32> to vector<1x1x16xf32>
        tpu.vector_store %arg8[%swap3A_1172, %swap3A_1173, %swap3A_1174], %swap3A_1177 {strides = array<i32>} : memref<4x32x768xf32, #tpu.memory_space<vmem>>, vector<1x1x16xf32>,
        %get3A_1178 = arith.constant 1 : i32
        %get3A_1179 = arith.index_cast %get3A_1178 : i32 to index
        %get3A_1180 = arith.index_cast %scan3A_1052 : i32 to index
        %get3A_1181 = arith.constant 144 : index
        %get3A_1182 = tpu.vector_load %arg8[%get3A_1179, %get3A_1180, %get3A_1181] {strides = array<i32>} : memref<4x32x768xf32, #tpu.memory_space<vmem>>, vector<1x1x16xf32>,
        %get3A_1183 = vector.shape_cast %get3A_1182 : vector<1x1x16xf32> to vector<16xf32>
        %add3A_1184 = arith.addf %get3A_1183, %get3A_412 : vector<16xf32>
        %swap3A_1185 = arith.constant 1 : i32
        %swap3A_1186 = arith.index_cast %swap3A_1185 : i32 to index
        %swap3A_1187 = arith.index_cast %scan3A_1052 : i32 to index
        %swap3A_1188 = arith.constant 144 : index
        %swap3A_1189 = tpu.vector_load %arg8[%swap3A_1186, %swap3A_1187, %swap3A_1188] {strides = array<i32>} : memref<4x32x768xf32, #tpu.memory_space<vmem>>, vector<1x1x16xf32>,
        %swap3A_1190 = vector.shape_cast %swap3A_1189 : vector<1x1x16xf32> to vector<16xf32>
        %swap3A_1191 = vector.shape_cast %add3A_1184 : vector<16xf32> to vector<1x1x16xf32>
        tpu.vector_store %arg8[%swap3A_1186, %swap3A_1187, %swap3A_1188], %swap3A_1191 {strides = array<i32>} : memref<4x32x768xf32, #tpu.memory_space<vmem>>, vector<1x1x16xf32>,
        %get3A_1192 = arith.constant 1 : i32
        %get3A_1193 = arith.index_cast %get3A_1192 : i32 to index
        %get3A_1194 = arith.index_cast %scan3A_1052 : i32 to index
        %get3A_1195 = arith.constant 160 : index
        %get3A_1196 = tpu.vector_load %arg8[%get3A_1193, %get3A_1194, %get3A_1195] {strides = array<i32>} : memref<4x32x768xf32, #tpu.memory_space<vmem>>, vector<1x1x16xf32>,
        %get3A_1197 = vector.shape_cast %get3A_1196 : vector<1x1x16xf32> to vector<16xf32>
        %add3A_1198 = arith.addf %get3A_1197, %get3A_416 : vector<16xf32>
        %swap3A_1199 = arith.constant 1 : i32
        %swap3A_1200 = arith.index_cast %swap3A_1199 : i32 to index
        %swap3A_1201 = arith.index_cast %scan3A_1052 : i32 to index
        %swap3A_1202 = arith.constant 160 : index
        %swap3A_1203 = tpu.vector_load %arg8[%swap3A_1200, %swap3A_1201, %swap3A_1202] {strides = array<i32>} : memref<4x32x768xf32, #tpu.memory_space<vmem>>, vector<1x1x16xf32>,
        %swap3A_1204 = vector.shape_cast %swap3A_1203 : vector<1x1x16xf32> to vector<16xf32>
        %swap3A_1205 = vector.shape_cast %add3A_1198 : vector<16xf32> to vector<1x1x16xf32>
        tpu.vector_store %arg8[%swap3A_1200, %swap3A_1201, %swap3A_1202], %swap3A_1205 {strides = array<i32>} : memref<4x32x768xf32, #tpu.memory_space<vmem>>, vector<1x1x16xf32>,
        %get3A_1206 = arith.constant 1 : i32
        %get3A_1207 = arith.index_cast %get3A_1206 : i32 to index
        %get3A_1208 = arith.index_cast %scan3A_1052 : i32 to index
        %get3A_1209 = arith.constant 176 : index
        %get3A_1210 = tpu.vector_load %arg8[%get3A_1207, %get3A_1208, %get3A_1209] {strides = array<i32>} : memref<4x32x768xf32, #tpu.memory_space<vmem>>, vector<1x1x16xf32>,
        %get3A_1211 = vector.shape_cast %get3A_1210 : vector<1x1x16xf32> to vector<16xf32>
        %add3A_1212 = arith.addf %get3A_1211, %get3A_420 : vector<16xf32>
        %swap3A_1213 = arith.constant 1 : i32
        %swap3A_1214 = arith.index_cast %swap3A_1213 : i32 to index
        %swap3A_1215 = arith.index_cast %scan3A_1052 : i32 to index
        %swap3A_1216 = arith.constant 176 : index
        %swap3A_1217 = tpu.vector_load %arg8[%swap3A_1214, %swap3A_1215, %swap3A_1216] {strides = array<i32>} : memref<4x32x768xf32, #tpu.memory_space<vmem>>, vector<1x1x16xf32>,
        %swap3A_1218 = vector.shape_cast %swap3A_1217 : vector<1x1x16xf32> to vector<16xf32>
        %swap3A_1219 = vector.shape_cast %add3A_1212 : vector<16xf32> to vector<1x1x16xf32>
        tpu.vector_store %arg8[%swap3A_1214, %swap3A_1215, %swap3A_1216], %swap3A_1219 {strides = array<i32>} : memref<4x32x768xf32, #tpu.memory_space<vmem>>, vector<1x1x16xf32>,
        %get3A_1220 = arith.constant 1 : i32
        %get3A_1221 = arith.index_cast %get3A_1220 : i32 to index
        %get3A_1222 = arith.index_cast %scan3A_1052 : i32 to index
        %get3A_1223 = arith.constant 192 : index
        %get3A_1224 = tpu.vector_load %arg8[%get3A_1221, %get3A_1222, %get3A_1223] {strides = array<i32>} : memref<4x32x768xf32, #tpu.memory_space<vmem>>, vector<1x1x16xf32>,
        %get3A_1225 = vector.shape_cast %get3A_1224 : vector<1x1x16xf32> to vector<16xf32>
        %add3A_1226 = arith.addf %get3A_1225, %get3A_424 : vector<16xf32>
        %swap3A_1227 = arith.constant 1 : i32
        %swap3A_1228 = arith.index_cast %swap3A_1227 : i32 to index
        %swap3A_1229 = arith.index_cast %scan3A_1052 : i32 to index
        %swap3A_1230 = arith.constant 192 : index
        %swap3A_1231 = tpu.vector_load %arg8[%swap3A_1228, %swap3A_1229, %swap3A_1230] {strides = array<i32>} : memref<4x32x768xf32, #tpu.memory_space<vmem>>, vector<1x1x16xf32>,
        %swap3A_1232 = vector.shape_cast %swap3A_1231 : vector<1x1x16xf32> to vector<16xf32>
        %swap3A_1233 = vector.shape_cast %add3A_1226 : vector<16xf32> to vector<1x1x16xf32>
        tpu.vector_store %arg8[%swap3A_1228, %swap3A_1229, %swap3A_1230], %swap3A_1233 {strides = array<i32>} : memref<4x32x768xf32, #tpu.memory_space<vmem>>, vector<1x1x16xf32>,
        %get3A_1234 = arith.constant 1 : i32
        %get3A_1235 = arith.index_cast %get3A_1234 : i32 to index
        %get3A_1236 = arith.index_cast %scan3A_1052 : i32 to index
        %get3A_1237 = arith.constant 208 : index
        %get3A_1238 = tpu.vector_load %arg8[%get3A_1235, %get3A_1236, %get3A_1237] {strides = array<i32>} : memref<4x32x768xf32, #tpu.memory_space<vmem>>, vector<1x1x16xf32>,
        %get3A_1239 = vector.shape_cast %get3A_1238 : vector<1x1x16xf32> to vector<16xf32>
        %add3A_1240 = arith.addf %get3A_1239, %get3A_428 : vector<16xf32>
        %swap3A_1241 = arith.constant 1 : i32
        %swap3A_1242 = arith.index_cast %swap3A_1241 : i32 to index
        %swap3A_1243 = arith.index_cast %scan3A_1052 : i32 to index
        %swap3A_1244 = arith.constant 208 : index
        %swap3A_1245 = tpu.vector_load %arg8[%swap3A_1242, %swap3A_1243, %swap3A_1244] {strides = array<i32>} : memref<4x32x768xf32, #tpu.memory_space<vmem>>, vector<1x1x16xf32>,
        %swap3A_1246 = vector.shape_cast %swap3A_1245 : vector<1x1x16xf32> to vector<16xf32>
        %swap3A_1247 = vector.shape_cast %add3A_1240 : vector<16xf32> to vector<1x1x16xf32>
        tpu.vector_store %arg8[%swap3A_1242, %swap3A_1243, %swap3A_1244], %swap3A_1247 {strides = array<i32>} : memref<4x32x768xf32, #tpu.memory_space<vmem>>, vector<1x1x16xf32>,
        %get3A_1248 = arith.constant 1 : i32
        %get3A_1249 = arith.index_cast %get3A_1248 : i32 to index
        %get3A_1250 = arith.index_cast %scan3A_1052 : i32 to index
        %get3A_1251 = arith.constant 224 : index
        %get3A_1252 = tpu.vector_load %arg8[%get3A_1249, %get3A_1250, %get3A_1251] {strides = array<i32>} : memref<4x32x768xf32, #tpu.memory_space<vmem>>, vector<1x1x16xf32>,
        %get3A_1253 = vector.shape_cast %get3A_1252 : vector<1x1x16xf32> to vector<16xf32>
        %add3A_1254 = arith.addf %get3A_1253, %get3A_432 : vector<16xf32>
        %swap3A_1255 = arith.constant 1 : i32
        %swap3A_1256 = arith.index_cast %swap3A_1255 : i32 to index
        %swap3A_1257 = arith.index_cast %scan3A_1052 : i32 to index
        %swap3A_1258 = arith.constant 224 : index
        %swap3A_1259 = tpu.vector_load %arg8[%swap3A_1256, %swap3A_1257, %swap3A_1258] {strides = array<i32>} : memref<4x32x768xf32, #tpu.memory_space<vmem>>, vector<1x1x16xf32>,
        %swap3A_1260 = vector.shape_cast %swap3A_1259 : vector<1x1x16xf32> to vector<16xf32>
        %swap3A_1261 = vector.shape_cast %add3A_1254 : vector<16xf32> to vector<1x1x16xf32>
        tpu.vector_store %arg8[%swap3A_1256, %swap3A_1257, %swap3A_1258], %swap3A_1261 {strides = array<i32>} : memref<4x32x768xf32, #tpu.memory_space<vmem>>, vector<1x1x16xf32>,
        %get3A_1262 = arith.constant 1 : i32
        %get3A_1263 = arith.index_cast %get3A_1262 : i32 to index
        %get3A_1264 = arith.index_cast %scan3A_1052 : i32 to index
        %get3A_1265 = arith.constant 240 : index
        %get3A_1266 = tpu.vector_load %arg8[%get3A_1263, %get3A_1264, %get3A_1265] {strides = array<i32>} : memref<4x32x768xf32, #tpu.memory_space<vmem>>, vector<1x1x16xf32>,
        %get3A_1267 = vector.shape_cast %get3A_1266 : vector<1x1x16xf32> to vector<16xf32>
        %add3A_1268 = arith.addf %get3A_1267, %get3A_436 : vector<16xf32>
        %swap3A_1269 = arith.constant 1 : i32
        %swap3A_1270 = arith.index_cast %swap3A_1269 : i32 to index
        %swap3A_1271 = arith.index_cast %scan3A_1052 : i32 to index
        %swap3A_1272 = arith.constant 240 : index
        %swap3A_1273 = tpu.vector_load %arg8[%swap3A_1270, %swap3A_1271, %swap3A_1272] {strides = array<i32>} : memref<4x32x768xf32, #tpu.memory_space<vmem>>, vector<1x1x16xf32>,
        %swap3A_1274 = vector.shape_cast %swap3A_1273 : vector<1x1x16xf32> to vector<16xf32>
        %swap3A_1275 = vector.shape_cast %add3A_1268 : vector<16xf32> to vector<1x1x16xf32>
        tpu.vector_store %arg8[%swap3A_1270, %swap3A_1271, %swap3A_1272], %swap3A_1275 {strides = array<i32>} : memref<4x32x768xf32, #tpu.memory_space<vmem>>, vector<1x1x16xf32>,
        %get3A_1276 = arith.constant 1 : i32
        %get3A_1277 = arith.index_cast %get3A_1276 : i32 to index
        %get3A_1278 = arith.index_cast %scan3A_1052 : i32 to index
        %get3A_1279 = arith.constant 256 : index
        %get3A_1280 = tpu.vector_load %arg8[%get3A_1277, %get3A_1278, %get3A_1279] {strides = array<i32>} : memref<4x32x768xf32, #tpu.memory_space<vmem>>, vector<1x1x16xf32>,
        %get3A_1281 = vector.shape_cast %get3A_1280 : vector<1x1x16xf32> to vector<16xf32>
        %add3A_1282 = arith.addf %get3A_1281, %get3A_440 : vector<16xf32>
        %swap3A_1283 = arith.constant 1 : i32
        %swap3A_1284 = arith.index_cast %swap3A_1283 : i32 to index
        %swap3A_1285 = arith.index_cast %scan3A_1052 : i32 to index
        %swap3A_1286 = arith.constant 256 : index
        %swap3A_1287 = tpu.vector_load %arg8[%swap3A_1284, %swap3A_1285, %swap3A_1286] {strides = array<i32>} : memref<4x32x768xf32, #tpu.memory_space<vmem>>, vector<1x1x16xf32>,
        %swap3A_1288 = vector.shape_cast %swap3A_1287 : vector<1x1x16xf32> to vector<16xf32>
        %swap3A_1289 = vector.shape_cast %add3A_1282 : vector<16xf32> to vector<1x1x16xf32>
        tpu.vector_store %arg8[%swap3A_1284, %swap3A_1285, %swap3A_1286], %swap3A_1289 {strides = array<i32>} : memref<4x32x768xf32, #tpu.memory_space<vmem>>, vector<1x1x16xf32>,
        %get3A_1290 = arith.constant 1 : i32
        %get3A_1291 = arith.index_cast %get3A_1290 : i32 to index
        %get3A_1292 = arith.index_cast %scan3A_1052 : i32 to index
        %get3A_1293 = arith.constant 272 : index
        %get3A_1294 = tpu.vector_load %arg8[%get3A_1291, %get3A_1292, %get3A_1293] {strides = array<i32>} : memref<4x32x768xf32, #tpu.memory_space<vmem>>, vector<1x1x16xf32>,
        %get3A_1295 = vector.shape_cast %get3A_1294 : vector<1x1x16xf32> to vector<16xf32>
        %add3A_1296 = arith.addf %get3A_1295, %get3A_444 : vector<16xf32>
        %swap3A_1297 = arith.constant 1 : i32
        %swap3A_1298 = arith.index_cast %swap3A_1297 : i32 to index
        %swap3A_1299 = arith.index_cast %scan3A_1052 : i32 to index
        %swap3A_1300 = arith.constant 272 : index
        %swap3A_1301 = tpu.vector_load %arg8[%swap3A_1298, %swap3A_1299, %swap3A_1300] {strides = array<i32>} : memref<4x32x768xf32, #tpu.memory_space<vmem>>, vector<1x1x16xf32>,
        %swap3A_1302 = vector.shape_cast %swap3A_1301 : vector<1x1x16xf32> to vector<16xf32>
        %swap3A_1303 = vector.shape_cast %add3A_1296 : vector<16xf32> to vector<1x1x16xf32>
        tpu.vector_store %arg8[%swap3A_1298, %swap3A_1299, %swap3A_1300], %swap3A_1303 {strides = array<i32>} : memref<4x32x768xf32, #tpu.memory_space<vmem>>, vector<1x1x16xf32>,
        %get3A_1304 = arith.constant 1 : i32
        %get3A_1305 = arith.index_cast %get3A_1304 : i32 to index
        %get3A_1306 = arith.index_cast %scan3A_1052 : i32 to index
        %get3A_1307 = arith.constant 288 : index
        %get3A_1308 = tpu.vector_load %arg8[%get3A_1305, %get3A_1306, %get3A_1307] {strides = array<i32>} : memref<4x32x768xf32, #tpu.memory_space<vmem>>, vector<1x1x16xf32>,
        %get3A_1309 = vector.shape_cast %get3A_1308 : vector<1x1x16xf32> to vector<16xf32>
        %add3A_1310 = arith.addf %get3A_1309, %get3A_448 : vector<16xf32>
        %swap3A_1311 = arith.constant 1 : i32
        %swap3A_1312 = arith.index_cast %swap3A_1311 : i32 to index
        %swap3A_1313 = arith.index_cast %scan3A_1052 : i32 to index
        %swap3A_1314 = arith.constant 288 : index
        %swap3A_1315 = tpu.vector_load %arg8[%swap3A_1312, %swap3A_1313, %swap3A_1314] {strides = array<i32>} : memref<4x32x768xf32, #tpu.memory_space<vmem>>, vector<1x1x16xf32>,
        %swap3A_1316 = vector.shape_cast %swap3A_1315 : vector<1x1x16xf32> to vector<16xf32>
        %swap3A_1317 = vector.shape_cast %add3A_1310 : vector<16xf32> to vector<1x1x16xf32>
        tpu.vector_store %arg8[%swap3A_1312, %swap3A_1313, %swap3A_1314], %swap3A_1317 {strides = array<i32>} : memref<4x32x768xf32, #tpu.memory_space<vmem>>, vector<1x1x16xf32>,
        %get3A_1318 = arith.constant 1 : i32
        %get3A_1319 = arith.index_cast %get3A_1318 : i32 to index
        %get3A_1320 = arith.index_cast %scan3A_1052 : i32 to index
        %get3A_1321 = arith.constant 304 : index
        %get3A_1322 = tpu.vector_load %arg8[%get3A_1319, %get3A_1320, %get3A_1321] {strides = array<i32>} : memref<4x32x768xf32, #tpu.memory_space<vmem>>, vector<1x1x16xf32>,
        %get3A_1323 = vector.shape_cast %get3A_1322 : vector<1x1x16xf32> to vector<16xf32>
        %add3A_1324 = arith.addf %get3A_1323, %get3A_452 : vector<16xf32>
        %swap3A_1325 = arith.constant 1 : i32
        %swap3A_1326 = arith.index_cast %swap3A_1325 : i32 to index
        %swap3A_1327 = arith.index_cast %scan3A_1052 : i32 to index
        %swap3A_1328 = arith.constant 304 : index
        %swap3A_1329 = tpu.vector_load %arg8[%swap3A_1326, %swap3A_1327, %swap3A_1328] {strides = array<i32>} : memref<4x32x768xf32, #tpu.memory_space<vmem>>, vector<1x1x16xf32>,
        %swap3A_1330 = vector.shape_cast %swap3A_1329 : vector<1x1x16xf32> to vector<16xf32>
        %swap3A_1331 = vector.shape_cast %add3A_1324 : vector<16xf32> to vector<1x1x16xf32>
        tpu.vector_store %arg8[%swap3A_1326, %swap3A_1327, %swap3A_1328], %swap3A_1331 {strides = array<i32>} : memref<4x32x768xf32, #tpu.memory_space<vmem>>, vector<1x1x16xf32>,
        %get3A_1332 = arith.constant 1 : i32
        %get3A_1333 = arith.index_cast %get3A_1332 : i32 to index
        %get3A_1334 = arith.index_cast %scan3A_1052 : i32 to index
        %get3A_1335 = arith.constant 320 : index
        %get3A_1336 = tpu.vector_load %arg8[%get3A_1333, %get3A_1334, %get3A_1335] {strides = array<i32>} : memref<4x32x768xf32, #tpu.memory_space<vmem>>, vector<1x1x16xf32>,
        %get3A_1337 = vector.shape_cast %get3A_1336 : vector<1x1x16xf32> to vector<16xf32>
        %add3A_1338 = arith.addf %get3A_1337, %get3A_456 : vector<16xf32>
        %swap3A_1339 = arith.constant 1 : i32
        %swap3A_1340 = arith.index_cast %swap3A_1339 : i32 to index
        %swap3A_1341 = arith.index_cast %scan3A_1052 : i32 to index
        %swap3A_1342 = arith.constant 320 : index
        %swap3A_1343 = tpu.vector_load %arg8[%swap3A_1340, %swap3A_1341, %swap3A_1342] {strides = array<i32>} : memref<4x32x768xf32, #tpu.memory_space<vmem>>, vector<1x1x16xf32>,
        %swap3A_1344 = vector.shape_cast %swap3A_1343 : vector<1x1x16xf32> to vector<16xf32>
        %swap3A_1345 = vector.shape_cast %add3A_1338 : vector<16xf32> to vector<1x1x16xf32>
        tpu.vector_store %arg8[%swap3A_1340, %swap3A_1341, %swap3A_1342], %swap3A_1345 {strides = array<i32>} : memref<4x32x768xf32, #tpu.memory_space<vmem>>, vector<1x1x16xf32>,
        %get3A_1346 = arith.constant 1 : i32
        %get3A_1347 = arith.index_cast %get3A_1346 : i32 to index
        %get3A_1348 = arith.index_cast %scan3A_1052 : i32 to index
        %get3A_1349 = arith.constant 336 : index
        %get3A_1350 = tpu.vector_load %arg8[%get3A_1347, %get3A_1348, %get3A_1349] {strides = array<i32>} : memref<4x32x768xf32, #tpu.memory_space<vmem>>, vector<1x1x16xf32>,
        %get3A_1351 = vector.shape_cast %get3A_1350 : vector<1x1x16xf32> to vector<16xf32>
        %add3A_1352 = arith.addf %get3A_1351, %get3A_460 : vector<16xf32>
        %swap3A_1353 = arith.constant 1 : i32
        %swap3A_1354 = arith.index_cast %swap3A_1353 : i32 to index
        %swap3A_1355 = arith.index_cast %scan3A_1052 : i32 to index
        %swap3A_1356 = arith.constant 336 : index
        %swap3A_1357 = tpu.vector_load %arg8[%swap3A_1354, %swap3A_1355, %swap3A_1356] {strides = array<i32>} : memref<4x32x768xf32, #tpu.memory_space<vmem>>, vector<1x1x16xf32>,
        %swap3A_1358 = vector.shape_cast %swap3A_1357 : vector<1x1x16xf32> to vector<16xf32>
        %swap3A_1359 = vector.shape_cast %add3A_1352 : vector<16xf32> to vector<1x1x16xf32>
        tpu.vector_store %arg8[%swap3A_1354, %swap3A_1355, %swap3A_1356], %swap3A_1359 {strides = array<i32>} : memref<4x32x768xf32, #tpu.memory_space<vmem>>, vector<1x1x16xf32>,
        %get3A_1360 = arith.constant 1 : i32
        %get3A_1361 = arith.index_cast %get3A_1360 : i32 to index
        %get3A_1362 = arith.index_cast %scan3A_1052 : i32 to index
        %get3A_1363 = arith.constant 352 : index
        %get3A_1364 = tpu.vector_load %arg8[%get3A_1361, %get3A_1362, %get3A_1363] {strides = array<i32>} : memref<4x32x768xf32, #tpu.memory_space<vmem>>, vector<1x1x16xf32>,
        %get3A_1365 = vector.shape_cast %get3A_1364 : vector<1x1x16xf32> to vector<16xf32>
        %add3A_1366 = arith.addf %get3A_1365, %get3A_464 : vector<16xf32>
        %swap3A_1367 = arith.constant 1 : i32
        %swap3A_1368 = arith.index_cast %swap3A_1367 : i32 to index
        %swap3A_1369 = arith.index_cast %scan3A_1052 : i32 to index
        %swap3A_1370 = arith.constant 352 : index
        %swap3A_1371 = tpu.vector_load %arg8[%swap3A_1368, %swap3A_1369, %swap3A_1370] {strides = array<i32>} : memref<4x32x768xf32, #tpu.memory_space<vmem>>, vector<1x1x16xf32>,
        %swap3A_1372 = vector.shape_cast %swap3A_1371 : vector<1x1x16xf32> to vector<16xf32>
        %swap3A_1373 = vector.shape_cast %add3A_1366 : vector<16xf32> to vector<1x1x16xf32>
        tpu.vector_store %arg8[%swap3A_1368, %swap3A_1369, %swap3A_1370], %swap3A_1373 {strides = array<i32>} : memref<4x32x768xf32, #tpu.memory_space<vmem>>, vector<1x1x16xf32>,
        %get3A_1374 = arith.constant 1 : i32
        %get3A_1375 = arith.index_cast %get3A_1374 : i32 to index
        %get3A_1376 = arith.index_cast %scan3A_1052 : i32 to index
        %get3A_1377 = arith.constant 368 : index
        %get3A_1378 = tpu.vector_load %arg8[%get3A_1375, %get3A_1376, %get3A_1377] {strides = array<i32>} : memref<4x32x768xf32, #tpu.memory_space<vmem>>, vector<1x1x16xf32>,
        %get3A_1379 = vector.shape_cast %get3A_1378 : vector<1x1x16xf32> to vector<16xf32>
        %add3A_1380 = arith.addf %get3A_1379, %get3A_468 : vector<16xf32>
        %swap3A_1381 = arith.constant 1 : i32
        %swap3A_1382 = arith.index_cast %swap3A_1381 : i32 to index
        %swap3A_1383 = arith.index_cast %scan3A_1052 : i32 to index
        %swap3A_1384 = arith.constant 368 : index
        %swap3A_1385 = tpu.vector_load %arg8[%swap3A_1382, %swap3A_1383, %swap3A_1384] {strides = array<i32>} : memref<4x32x768xf32, #tpu.memory_space<vmem>>, vector<1x1x16xf32>,
        %swap3A_1386 = vector.shape_cast %swap3A_1385 : vector<1x1x16xf32> to vector<16xf32>
        %swap3A_1387 = vector.shape_cast %add3A_1380 : vector<16xf32> to vector<1x1x16xf32>
        tpu.vector_store %arg8[%swap3A_1382, %swap3A_1383, %swap3A_1384], %swap3A_1387 {strides = array<i32>} : memref<4x32x768xf32, #tpu.memory_space<vmem>>, vector<1x1x16xf32>,
        %get3A_1388 = arith.constant 1 : i32
        %get3A_1389 = arith.index_cast %get3A_1388 : i32 to index
        %get3A_1390 = arith.index_cast %scan3A_1052 : i32 to index
        %get3A_1391 = arith.constant 384 : index
        %get3A_1392 = tpu.vector_load %arg8[%get3A_1389, %get3A_1390, %get3A_1391] {strides = array<i32>} : memref<4x32x768xf32, #tpu.memory_space<vmem>>, vector<1x1x16xf32>,
        %get3A_1393 = vector.shape_cast %get3A_1392 : vector<1x1x16xf32> to vector<16xf32>
        %add3A_1394 = arith.addf %get3A_1393, %get3A_472 : vector<16xf32>
        %swap3A_1395 = arith.constant 1 : i32
        %swap3A_1396 = arith.index_cast %swap3A_1395 : i32 to index
        %swap3A_1397 = arith.index_cast %scan3A_1052 : i32 to index
        %swap3A_1398 = arith.constant 384 : index
        %swap3A_1399 = tpu.vector_load %arg8[%swap3A_1396, %swap3A_1397, %swap3A_1398] {strides = array<i32>} : memref<4x32x768xf32, #tpu.memory_space<vmem>>, vector<1x1x16xf32>,
        %swap3A_1400 = vector.shape_cast %swap3A_1399 : vector<1x1x16xf32> to vector<16xf32>
        %swap3A_1401 = vector.shape_cast %add3A_1394 : vector<16xf32> to vector<1x1x16xf32>
        tpu.vector_store %arg8[%swap3A_1396, %swap3A_1397, %swap3A_1398], %swap3A_1401 {strides = array<i32>} : memref<4x32x768xf32, #tpu.memory_space<vmem>>, vector<1x1x16xf32>,
        %get3A_1402 = arith.constant 1 : i32
        %get3A_1403 = arith.index_cast %get3A_1402 : i32 to index
        %get3A_1404 = arith.index_cast %scan3A_1052 : i32 to index
        %get3A_1405 = arith.constant 400 : index
        %get3A_1406 = tpu.vector_load %arg8[%get3A_1403, %get3A_1404, %get3A_1405] {strides = array<i32>} : memref<4x32x768xf32, #tpu.memory_space<vmem>>, vector<1x1x16xf32>,
        %get3A_1407 = vector.shape_cast %get3A_1406 : vector<1x1x16xf32> to vector<16xf32>
        %add3A_1408 = arith.addf %get3A_1407, %get3A_476 : vector<16xf32>
        %swap3A_1409 = arith.constant 1 : i32
        %swap3A_1410 = arith.index_cast %swap3A_1409 : i32 to index
        %swap3A_1411 = arith.index_cast %scan3A_1052 : i32 to index
        %swap3A_1412 = arith.constant 400 : index
        %swap3A_1413 = tpu.vector_load %arg8[%swap3A_1410, %swap3A_1411, %swap3A_1412] {strides = array<i32>} : memref<4x32x768xf32, #tpu.memory_space<vmem>>, vector<1x1x16xf32>,
        %swap3A_1414 = vector.shape_cast %swap3A_1413 : vector<1x1x16xf32> to vector<16xf32>
        %swap3A_1415 = vector.shape_cast %add3A_1408 : vector<16xf32> to vector<1x1x16xf32>
        tpu.vector_store %arg8[%swap3A_1410, %swap3A_1411, %swap3A_1412], %swap3A_1415 {strides = array<i32>} : memref<4x32x768xf32, #tpu.memory_space<vmem>>, vector<1x1x16xf32>,
        %get3A_1416 = arith.constant 1 : i32
        %get3A_1417 = arith.index_cast %get3A_1416 : i32 to index
        %get3A_1418 = arith.index_cast %scan3A_1052 : i32 to index
        %get3A_1419 = arith.constant 416 : index
        %get3A_1420 = tpu.vector_load %arg8[%get3A_1417, %get3A_1418, %get3A_1419] {strides = array<i32>} : memref<4x32x768xf32, #tpu.memory_space<vmem>>, vector<1x1x16xf32>,
        %get3A_1421 = vector.shape_cast %get3A_1420 : vector<1x1x16xf32> to vector<16xf32>
        %add3A_1422 = arith.addf %get3A_1421, %get3A_480 : vector<16xf32>
        %swap3A_1423 = arith.constant 1 : i32
        %swap3A_1424 = arith.index_cast %swap3A_1423 : i32 to index
        %swap3A_1425 = arith.index_cast %scan3A_1052 : i32 to index
        %swap3A_1426 = arith.constant 416 : index
        %swap3A_1427 = tpu.vector_load %arg8[%swap3A_1424, %swap3A_1425, %swap3A_1426] {strides = array<i32>} : memref<4x32x768xf32, #tpu.memory_space<vmem>>, vector<1x1x16xf32>,
        %swap3A_1428 = vector.shape_cast %swap3A_1427 : vector<1x1x16xf32> to vector<16xf32>
        %swap3A_1429 = vector.shape_cast %add3A_1422 : vector<16xf32> to vector<1x1x16xf32>
        tpu.vector_store %arg8[%swap3A_1424, %swap3A_1425, %swap3A_1426], %swap3A_1429 {strides = array<i32>} : memref<4x32x768xf32, #tpu.memory_space<vmem>>, vector<1x1x16xf32>,
        %get3A_1430 = arith.constant 1 : i32
        %get3A_1431 = arith.index_cast %get3A_1430 : i32 to index
        %get3A_1432 = arith.index_cast %scan3A_1052 : i32 to index
        %get3A_1433 = arith.constant 432 : index
        %get3A_1434 = tpu.vector_load %arg8[%get3A_1431, %get3A_1432, %get3A_1433] {strides = array<i32>} : memref<4x32x768xf32, #tpu.memory_space<vmem>>, vector<1x1x16xf32>,
        %get3A_1435 = vector.shape_cast %get3A_1434 : vector<1x1x16xf32> to vector<16xf32>
        %add3A_1436 = arith.addf %get3A_1435, %get3A_484 : vector<16xf32>
        %swap3A_1437 = arith.constant 1 : i32
        %swap3A_1438 = arith.index_cast %swap3A_1437 : i32 to index
        %swap3A_1439 = arith.index_cast %scan3A_1052 : i32 to index
        %swap3A_1440 = arith.constant 432 : index
        %swap3A_1441 = tpu.vector_load %arg8[%swap3A_1438, %swap3A_1439, %swap3A_1440] {strides = array<i32>} : memref<4x32x768xf32, #tpu.memory_space<vmem>>, vector<1x1x16xf32>,
        %swap3A_1442 = vector.shape_cast %swap3A_1441 : vector<1x1x16xf32> to vector<16xf32>
        %swap3A_1443 = vector.shape_cast %add3A_1436 : vector<16xf32> to vector<1x1x16xf32>
        tpu.vector_store %arg8[%swap3A_1438, %swap3A_1439, %swap3A_1440], %swap3A_1443 {strides = array<i32>} : memref<4x32x768xf32, #tpu.memory_space<vmem>>, vector<1x1x16xf32>,
        %get3A_1444 = arith.constant 1 : i32
        %get3A_1445 = arith.index_cast %get3A_1444 : i32 to index
        %get3A_1446 = arith.index_cast %scan3A_1052 : i32 to index
        %get3A_1447 = arith.constant 448 : index
        %get3A_1448 = tpu.vector_load %arg8[%get3A_1445, %get3A_1446, %get3A_1447] {strides = array<i32>} : memref<4x32x768xf32, #tpu.memory_space<vmem>>, vector<1x1x16xf32>,
        %get3A_1449 = vector.shape_cast %get3A_1448 : vector<1x1x16xf32> to vector<16xf32>
        %add3A_1450 = arith.addf %get3A_1449, %get3A_488 : vector<16xf32>
        %swap3A_1451 = arith.constant 1 : i32
        %swap3A_1452 = arith.index_cast %swap3A_1451 : i32 to index
        %swap3A_1453 = arith.index_cast %scan3A_1052 : i32 to index
        %swap3A_1454 = arith.constant 448 : index
        %swap3A_1455 = tpu.vector_load %arg8[%swap3A_1452, %swap3A_1453, %swap3A_1454] {strides = array<i32>} : memref<4x32x768xf32, #tpu.memory_space<vmem>>, vector<1x1x16xf32>,
        %swap3A_1456 = vector.shape_cast %swap3A_1455 : vector<1x1x16xf32> to vector<16xf32>
        %swap3A_1457 = vector.shape_cast %add3A_1450 : vector<16xf32> to vector<1x1x16xf32>
        tpu.vector_store %arg8[%swap3A_1452, %swap3A_1453, %swap3A_1454], %swap3A_1457 {strides = array<i32>} : memref<4x32x768xf32, #tpu.memory_space<vmem>>, vector<1x1x16xf32>,
        %get3A_1458 = arith.constant 1 : i32
        %get3A_1459 = arith.index_cast %get3A_1458 : i32 to index
        %get3A_1460 = arith.index_cast %scan3A_1052 : i32 to index
        %get3A_1461 = arith.constant 464 : index
        %get3A_1462 = tpu.vector_load %arg8[%get3A_1459, %get3A_1460, %get3A_1461] {strides = array<i32>} : memref<4x32x768xf32, #tpu.memory_space<vmem>>, vector<1x1x16xf32>,
        %get3A_1463 = vector.shape_cast %get3A_1462 : vector<1x1x16xf32> to vector<16xf32>
        %add3A_1464 = arith.addf %get3A_1463, %get3A_492 : vector<16xf32>
        %swap3A_1465 = arith.constant 1 : i32
        %swap3A_1466 = arith.index_cast %swap3A_1465 : i32 to index
        %swap3A_1467 = arith.index_cast %scan3A_1052 : i32 to index
        %swap3A_1468 = arith.constant 464 : index
        %swap3A_1469 = tpu.vector_load %arg8[%swap3A_1466, %swap3A_1467, %swap3A_1468] {strides = array<i32>} : memref<4x32x768xf32, #tpu.memory_space<vmem>>, vector<1x1x16xf32>,
        %swap3A_1470 = vector.shape_cast %swap3A_1469 : vector<1x1x16xf32> to vector<16xf32>
        %swap3A_1471 = vector.shape_cast %add3A_1464 : vector<16xf32> to vector<1x1x16xf32>
        tpu.vector_store %arg8[%swap3A_1466, %swap3A_1467, %swap3A_1468], %swap3A_1471 {strides = array<i32>} : memref<4x32x768xf32, #tpu.memory_space<vmem>>, vector<1x1x16xf32>,
        %get3A_1472 = arith.constant 1 : i32
        %get3A_1473 = arith.index_cast %get3A_1472 : i32 to index
        %get3A_1474 = arith.index_cast %scan3A_1052 : i32 to index
        %get3A_1475 = arith.constant 480 : index
        %get3A_1476 = tpu.vector_load %arg8[%get3A_1473, %get3A_1474, %get3A_1475] {strides = array<i32>} : memref<4x32x768xf32, #tpu.memory_space<vmem>>, vector<1x1x16xf32>,
        %get3A_1477 = vector.shape_cast %get3A_1476 : vector<1x1x16xf32> to vector<16xf32>
        %add3A_1478 = arith.addf %get3A_1477, %get3A_496 : vector<16xf32>
        %swap3A_1479 = arith.constant 1 : i32
        %swap3A_1480 = arith.index_cast %swap3A_1479 : i32 to index
        %swap3A_1481 = arith.index_cast %scan3A_1052 : i32 to index
        %swap3A_1482 = arith.constant 480 : index
        %swap3A_1483 = tpu.vector_load %arg8[%swap3A_1480, %swap3A_1481, %swap3A_1482] {strides = array<i32>} : memref<4x32x768xf32, #tpu.memory_space<vmem>>, vector<1x1x16xf32>,
        %swap3A_1484 = vector.shape_cast %swap3A_1483 : vector<1x1x16xf32> to vector<16xf32>
        %swap3A_1485 = vector.shape_cast %add3A_1478 : vector<16xf32> to vector<1x1x16xf32>
        tpu.vector_store %arg8[%swap3A_1480, %swap3A_1481, %swap3A_1482], %swap3A_1485 {strides = array<i32>} : memref<4x32x768xf32, #tpu.memory_space<vmem>>, vector<1x1x16xf32>,
        %get3A_1486 = arith.constant 1 : i32
        %get3A_1487 = arith.index_cast %get3A_1486 : i32 to index
        %get3A_1488 = arith.index_cast %scan3A_1052 : i32 to index
        %get3A_1489 = arith.constant 496 : index
        %get3A_1490 = tpu.vector_load %arg8[%get3A_1487, %get3A_1488, %get3A_1489] {strides = array<i32>} : memref<4x32x768xf32, #tpu.memory_space<vmem>>, vector<1x1x16xf32>,
        %get3A_1491 = vector.shape_cast %get3A_1490 : vector<1x1x16xf32> to vector<16xf32>
        %add3A_1492 = arith.addf %get3A_1491, %get3A_500 : vector<16xf32>
        %swap3A_1493 = arith.constant 1 : i32
        %swap3A_1494 = arith.index_cast %swap3A_1493 : i32 to index
        %swap3A_1495 = arith.index_cast %scan3A_1052 : i32 to index
        %swap3A_1496 = arith.constant 496 : index
        %swap3A_1497 = tpu.vector_load %arg8[%swap3A_1494, %swap3A_1495, %swap3A_1496] {strides = array<i32>} : memref<4x32x768xf32, #tpu.memory_space<vmem>>, vector<1x1x16xf32>,
        %swap3A_1498 = vector.shape_cast %swap3A_1497 : vector<1x1x16xf32> to vector<16xf32>
        %swap3A_1499 = vector.shape_cast %add3A_1492 : vector<16xf32> to vector<1x1x16xf32>
        tpu.vector_store %arg8[%swap3A_1494, %swap3A_1495, %swap3A_1496], %swap3A_1499 {strides = array<i32>} : memref<4x32x768xf32, #tpu.memory_space<vmem>>, vector<1x1x16xf32>,
        %get3A_1500 = arith.constant 1 : i32
        %get3A_1501 = arith.index_cast %get3A_1500 : i32 to index
        %get3A_1502 = arith.index_cast %scan3A_1052 : i32 to index
        %get3A_1503 = arith.constant 512 : index
        %get3A_1504 = tpu.vector_load %arg8[%get3A_1501, %get3A_1502, %get3A_1503] {strides = array<i32>} : memref<4x32x768xf32, #tpu.memory_space<vmem>>, vector<1x1x16xf32>,
        %get3A_1505 = vector.shape_cast %get3A_1504 : vector<1x1x16xf32> to vector<16xf32>
        %add3A_1506 = arith.addf %get3A_1505, %get3A_504 : vector<16xf32>
        %swap3A_1507 = arith.constant 1 : i32
        %swap3A_1508 = arith.index_cast %swap3A_1507 : i32 to index
        %swap3A_1509 = arith.index_cast %scan3A_1052 : i32 to index
        %swap3A_1510 = arith.constant 512 : index
        %swap3A_1511 = tpu.vector_load %arg8[%swap3A_1508, %swap3A_1509, %swap3A_1510] {strides = array<i32>} : memref<4x32x768xf32, #tpu.memory_space<vmem>>, vector<1x1x16xf32>,
        %swap3A_1512 = vector.shape_cast %swap3A_1511 : vector<1x1x16xf32> to vector<16xf32>
        %swap3A_1513 = vector.shape_cast %add3A_1506 : vector<16xf32> to vector<1x1x16xf32>
        tpu.vector_store %arg8[%swap3A_1508, %swap3A_1509, %swap3A_1510], %swap3A_1513 {strides = array<i32>} : memref<4x32x768xf32, #tpu.memory_space<vmem>>, vector<1x1x16xf32>,
        %get3A_1514 = arith.constant 1 : i32
        %get3A_1515 = arith.index_cast %get3A_1514 : i32 to index
        %get3A_1516 = arith.index_cast %scan3A_1052 : i32 to index
        %get3A_1517 = arith.constant 528 : index
        %get3A_1518 = tpu.vector_load %arg8[%get3A_1515, %get3A_1516, %get3A_1517] {strides = array<i32>} : memref<4x32x768xf32, #tpu.memory_space<vmem>>, vector<1x1x16xf32>,
        %get3A_1519 = vector.shape_cast %get3A_1518 : vector<1x1x16xf32> to vector<16xf32>
        %add3A_1520 = arith.addf %get3A_1519, %get3A_508 : vector<16xf32>
        %swap3A_1521 = arith.constant 1 : i32
        %swap3A_1522 = arith.index_cast %swap3A_1521 : i32 to index
        %swap3A_1523 = arith.index_cast %scan3A_1052 : i32 to index
        %swap3A_1524 = arith.constant 528 : index
        %swap3A_1525 = tpu.vector_load %arg8[%swap3A_1522, %swap3A_1523, %swap3A_1524] {strides = array<i32>} : memref<4x32x768xf32, #tpu.memory_space<vmem>>, vector<1x1x16xf32>,
        %swap3A_1526 = vector.shape_cast %swap3A_1525 : vector<1x1x16xf32> to vector<16xf32>
        %swap3A_1527 = vector.shape_cast %add3A_1520 : vector<16xf32> to vector<1x1x16xf32>
        tpu.vector_store %arg8[%swap3A_1522, %swap3A_1523, %swap3A_1524], %swap3A_1527 {strides = array<i32>} : memref<4x32x768xf32, #tpu.memory_space<vmem>>, vector<1x1x16xf32>,
        %get3A_1528 = arith.constant 1 : i32
        %get3A_1529 = arith.index_cast %get3A_1528 : i32 to index
        %get3A_1530 = arith.index_cast %scan3A_1052 : i32 to index
        %get3A_1531 = arith.constant 544 : index
        %get3A_1532 = tpu.vector_load %arg8[%get3A_1529, %get3A_1530, %get3A_1531] {strides = array<i32>} : memref<4x32x768xf32, #tpu.memory_space<vmem>>, vector<1x1x16xf32>,
        %get3A_1533 = vector.shape_cast %get3A_1532 : vector<1x1x16xf32> to vector<16xf32>
        %add3A_1534 = arith.addf %get3A_1533, %get3A_512 : vector<16xf32>
        %swap3A_1535 = arith.constant 1 : i32
        %swap3A_1536 = arith.index_cast %swap3A_1535 : i32 to index
        %swap3A_1537 = arith.index_cast %scan3A_1052 : i32 to index
        %swap3A_1538 = arith.constant 544 : index
        %swap3A_1539 = tpu.vector_load %arg8[%swap3A_1536, %swap3A_1537, %swap3A_1538] {strides = array<i32>} : memref<4x32x768xf32, #tpu.memory_space<vmem>>, vector<1x1x16xf32>,
        %swap3A_1540 = vector.shape_cast %swap3A_1539 : vector<1x1x16xf32> to vector<16xf32>
        %swap3A_1541 = vector.shape_cast %add3A_1534 : vector<16xf32> to vector<1x1x16xf32>
        tpu.vector_store %arg8[%swap3A_1536, %swap3A_1537, %swap3A_1538], %swap3A_1541 {strides = array<i32>} : memref<4x32x768xf32, #tpu.memory_space<vmem>>, vector<1x1x16xf32>,
        %get3A_1542 = arith.constant 1 : i32
        %get3A_1543 = arith.index_cast %get3A_1542 : i32 to index
        %get3A_1544 = arith.index_cast %scan3A_1052 : i32 to index
        %get3A_1545 = arith.constant 560 : index
        %get3A_1546 = tpu.vector_load %arg8[%get3A_1543, %get3A_1544, %get3A_1545] {strides = array<i32>} : memref<4x32x768xf32, #tpu.memory_space<vmem>>, vector<1x1x16xf32>,
        %get3A_1547 = vector.shape_cast %get3A_1546 : vector<1x1x16xf32> to vector<16xf32>
        %add3A_1548 = arith.addf %get3A_1547, %get3A_516 : vector<16xf32>
        %swap3A_1549 = arith.constant 1 : i32
        %swap3A_1550 = arith.index_cast %swap3A_1549 : i32 to index
        %swap3A_1551 = arith.index_cast %scan3A_1052 : i32 to index
        %swap3A_1552 = arith.constant 560 : index
        %swap3A_1553 = tpu.vector_load %arg8[%swap3A_1550, %swap3A_1551, %swap3A_1552] {strides = array<i32>} : memref<4x32x768xf32, #tpu.memory_space<vmem>>, vector<1x1x16xf32>,
        %swap3A_1554 = vector.shape_cast %swap3A_1553 : vector<1x1x16xf32> to vector<16xf32>
        %swap3A_1555 = vector.shape_cast %add3A_1548 : vector<16xf32> to vector<1x1x16xf32>
        tpu.vector_store %arg8[%swap3A_1550, %swap3A_1551, %swap3A_1552], %swap3A_1555 {strides = array<i32>} : memref<4x32x768xf32, #tpu.memory_space<vmem>>, vector<1x1x16xf32>,
        %get3A_1556 = arith.constant 1 : i32
        %get3A_1557 = arith.index_cast %get3A_1556 : i32 to index
        %get3A_1558 = arith.index_cast %scan3A_1052 : i32 to index
        %get3A_1559 = arith.constant 576 : index
        %get3A_1560 = tpu.vector_load %arg8[%get3A_1557, %get3A_1558, %get3A_1559] {strides = array<i32>} : memref<4x32x768xf32, #tpu.memory_space<vmem>>, vector<1x1x16xf32>,
        %get3A_1561 = vector.shape_cast %get3A_1560 : vector<1x1x16xf32> to vector<16xf32>
        %add3A_1562 = arith.addf %get3A_1561, %get3A_520 : vector<16xf32>
        %swap3A_1563 = arith.constant 1 : i32
        %swap3A_1564 = arith.index_cast %swap3A_1563 : i32 to index
        %swap3A_1565 = arith.index_cast %scan3A_1052 : i32 to index
        %swap3A_1566 = arith.constant 576 : index
        %swap3A_1567 = tpu.vector_load %arg8[%swap3A_1564, %swap3A_1565, %swap3A_1566] {strides = array<i32>} : memref<4x32x768xf32, #tpu.memory_space<vmem>>, vector<1x1x16xf32>,
        %swap3A_1568 = vector.shape_cast %swap3A_1567 : vector<1x1x16xf32> to vector<16xf32>
        %swap3A_1569 = vector.shape_cast %add3A_1562 : vector<16xf32> to vector<1x1x16xf32>
        tpu.vector_store %arg8[%swap3A_1564, %swap3A_1565, %swap3A_1566], %swap3A_1569 {strides = array<i32>} : memref<4x32x768xf32, #tpu.memory_space<vmem>>, vector<1x1x16xf32>,
        %get3A_1570 = arith.constant 1 : i32
        %get3A_1571 = arith.index_cast %get3A_1570 : i32 to index
        %get3A_1572 = arith.index_cast %scan3A_1052 : i32 to index
        %get3A_1573 = arith.constant 592 : index
        %get3A_1574 = tpu.vector_load %arg8[%get3A_1571, %get3A_1572, %get3A_1573] {strides = array<i32>} : memref<4x32x768xf32, #tpu.memory_space<vmem>>, vector<1x1x16xf32>,
        %get3A_1575 = vector.shape_cast %get3A_1574 : vector<1x1x16xf32> to vector<16xf32>
        %add3A_1576 = arith.addf %get3A_1575, %get3A_524 : vector<16xf32>
        %swap3A_1577 = arith.constant 1 : i32
        %swap3A_1578 = arith.index_cast %swap3A_1577 : i32 to index
        %swap3A_1579 = arith.index_cast %scan3A_1052 : i32 to index
        %swap3A_1580 = arith.constant 592 : index
        %swap3A_1581 = tpu.vector_load %arg8[%swap3A_1578, %swap3A_1579, %swap3A_1580] {strides = array<i32>} : memref<4x32x768xf32, #tpu.memory_space<vmem>>, vector<1x1x16xf32>,
        %swap3A_1582 = vector.shape_cast %swap3A_1581 : vector<1x1x16xf32> to vector<16xf32>
        %swap3A_1583 = vector.shape_cast %add3A_1576 : vector<16xf32> to vector<1x1x16xf32>
        tpu.vector_store %arg8[%swap3A_1578, %swap3A_1579, %swap3A_1580], %swap3A_1583 {strides = array<i32>} : memref<4x32x768xf32, #tpu.memory_space<vmem>>, vector<1x1x16xf32>,
        %get3A_1584 = arith.constant 1 : i32
        %get3A_1585 = arith.index_cast %get3A_1584 : i32 to index
        %get3A_1586 = arith.index_cast %scan3A_1052 : i32 to index
        %get3A_1587 = arith.constant 608 : index
        %get3A_1588 = tpu.vector_load %arg8[%get3A_1585, %get3A_1586, %get3A_1587] {strides = array<i32>} : memref<4x32x768xf32, #tpu.memory_space<vmem>>, vector<1x1x16xf32>,
        %get3A_1589 = vector.shape_cast %get3A_1588 : vector<1x1x16xf32> to vector<16xf32>
        %add3A_1590 = arith.addf %get3A_1589, %get3A_528 : vector<16xf32>
        %swap3A_1591 = arith.constant 1 : i32
        %swap3A_1592 = arith.index_cast %swap3A_1591 : i32 to index
        %swap3A_1593 = arith.index_cast %scan3A_1052 : i32 to index
        %swap3A_1594 = arith.constant 608 : index
        %swap3A_1595 = tpu.vector_load %arg8[%swap3A_1592, %swap3A_1593, %swap3A_1594] {strides = array<i32>} : memref<4x32x768xf32, #tpu.memory_space<vmem>>, vector<1x1x16xf32>,
        %swap3A_1596 = vector.shape_cast %swap3A_1595 : vector<1x1x16xf32> to vector<16xf32>
        %swap3A_1597 = vector.shape_cast %add3A_1590 : vector<16xf32> to vector<1x1x16xf32>
        tpu.vector_store %arg8[%swap3A_1592, %swap3A_1593, %swap3A_1594], %swap3A_1597 {strides = array<i32>} : memref<4x32x768xf32, #tpu.memory_space<vmem>>, vector<1x1x16xf32>,
        %get3A_1598 = arith.constant 1 : i32
        %get3A_1599 = arith.index_cast %get3A_1598 : i32 to index
        %get3A_1600 = arith.index_cast %scan3A_1052 : i32 to index
        %get3A_1601 = arith.constant 624 : index
        %get3A_1602 = tpu.vector_load %arg8[%get3A_1599, %get3A_1600, %get3A_1601] {strides = array<i32>} : memref<4x32x768xf32, #tpu.memory_space<vmem>>, vector<1x1x16xf32>,
        %get3A_1603 = vector.shape_cast %get3A_1602 : vector<1x1x16xf32> to vector<16xf32>
        %add3A_1604 = arith.addf %get3A_1603, %get3A_532 : vector<16xf32>
        %swap3A_1605 = arith.constant 1 : i32
        %swap3A_1606 = arith.index_cast %swap3A_1605 : i32 to index
        %swap3A_1607 = arith.index_cast %scan3A_1052 : i32 to index
        %swap3A_1608 = arith.constant 624 : index
        %swap3A_1609 = tpu.vector_load %arg8[%swap3A_1606, %swap3A_1607, %swap3A_1608] {strides = array<i32>} : memref<4x32x768xf32, #tpu.memory_space<vmem>>, vector<1x1x16xf32>,
        %swap3A_1610 = vector.shape_cast %swap3A_1609 : vector<1x1x16xf32> to vector<16xf32>
        %swap3A_1611 = vector.shape_cast %add3A_1604 : vector<16xf32> to vector<1x1x16xf32>
        tpu.vector_store %arg8[%swap3A_1606, %swap3A_1607, %swap3A_1608], %swap3A_1611 {strides = array<i32>} : memref<4x32x768xf32, #tpu.memory_space<vmem>>, vector<1x1x16xf32>,
        %get3A_1612 = arith.constant 1 : i32
        %get3A_1613 = arith.index_cast %get3A_1612 : i32 to index
        %get3A_1614 = arith.index_cast %scan3A_1052 : i32 to index
        %get3A_1615 = arith.constant 640 : index
        %get3A_1616 = tpu.vector_load %arg8[%get3A_1613, %get3A_1614, %get3A_1615] {strides = array<i32>} : memref<4x32x768xf32, #tpu.memory_space<vmem>>, vector<1x1x16xf32>,
        %get3A_1617 = vector.shape_cast %get3A_1616 : vector<1x1x16xf32> to vector<16xf32>
        %add3A_1618 = arith.addf %get3A_1617, %get3A_536 : vector<16xf32>
        %swap3A_1619 = arith.constant 1 : i32
        %swap3A_1620 = arith.index_cast %swap3A_1619 : i32 to index
        %swap3A_1621 = arith.index_cast %scan3A_1052 : i32 to index
        %swap3A_1622 = arith.constant 640 : index
        %swap3A_1623 = tpu.vector_load %arg8[%swap3A_1620, %swap3A_1621, %swap3A_1622] {strides = array<i32>} : memref<4x32x768xf32, #tpu.memory_space<vmem>>, vector<1x1x16xf32>,
        %swap3A_1624 = vector.shape_cast %swap3A_1623 : vector<1x1x16xf32> to vector<16xf32>
        %swap3A_1625 = vector.shape_cast %add3A_1618 : vector<16xf32> to vector<1x1x16xf32>
        tpu.vector_store %arg8[%swap3A_1620, %swap3A_1621, %swap3A_1622], %swap3A_1625 {strides = array<i32>} : memref<4x32x768xf32, #tpu.memory_space<vmem>>, vector<1x1x16xf32>,
        %get3A_1626 = arith.constant 1 : i32
        %get3A_1627 = arith.index_cast %get3A_1626 : i32 to index
        %get3A_1628 = arith.index_cast %scan3A_1052 : i32 to index
        %get3A_1629 = arith.constant 656 : index
        %get3A_1630 = tpu.vector_load %arg8[%get3A_1627, %get3A_1628, %get3A_1629] {strides = array<i32>} : memref<4x32x768xf32, #tpu.memory_space<vmem>>, vector<1x1x16xf32>,
        %get3A_1631 = vector.shape_cast %get3A_1630 : vector<1x1x16xf32> to vector<16xf32>
        %add3A_1632 = arith.addf %get3A_1631, %get3A_540 : vector<16xf32>
        %swap3A_1633 = arith.constant 1 : i32
        %swap3A_1634 = arith.index_cast %swap3A_1633 : i32 to index
        %swap3A_1635 = arith.index_cast %scan3A_1052 : i32 to index
        %swap3A_1636 = arith.constant 656 : index
        %swap3A_1637 = tpu.vector_load %arg8[%swap3A_1634, %swap3A_1635, %swap3A_1636] {strides = array<i32>} : memref<4x32x768xf32, #tpu.memory_space<vmem>>, vector<1x1x16xf32>,
        %swap3A_1638 = vector.shape_cast %swap3A_1637 : vector<1x1x16xf32> to vector<16xf32>
        %swap3A_1639 = vector.shape_cast %add3A_1632 : vector<16xf32> to vector<1x1x16xf32>
        tpu.vector_store %arg8[%swap3A_1634, %swap3A_1635, %swap3A_1636], %swap3A_1639 {strides = array<i32>} : memref<4x32x768xf32, #tpu.memory_space<vmem>>, vector<1x1x16xf32>,
        %get3A_1640 = arith.constant 1 : i32
        %get3A_1641 = arith.index_cast %get3A_1640 : i32 to index
        %get3A_1642 = arith.index_cast %scan3A_1052 : i32 to index
        %get3A_1643 = arith.constant 672 : index
        %get3A_1644 = tpu.vector_load %arg8[%get3A_1641, %get3A_1642, %get3A_1643] {strides = array<i32>} : memref<4x32x768xf32, #tpu.memory_space<vmem>>, vector<1x1x16xf32>,
        %get3A_1645 = vector.shape_cast %get3A_1644 : vector<1x1x16xf32> to vector<16xf32>
        %add3A_1646 = arith.addf %get3A_1645, %get3A_544 : vector<16xf32>
        %swap3A_1647 = arith.constant 1 : i32
        %swap3A_1648 = arith.index_cast %swap3A_1647 : i32 to index
        %swap3A_1649 = arith.index_cast %scan3A_1052 : i32 to index
        %swap3A_1650 = arith.constant 672 : index
        %swap3A_1651 = tpu.vector_load %arg8[%swap3A_1648, %swap3A_1649, %swap3A_1650] {strides = array<i32>} : memref<4x32x768xf32, #tpu.memory_space<vmem>>, vector<1x1x16xf32>,
        %swap3A_1652 = vector.shape_cast %swap3A_1651 : vector<1x1x16xf32> to vector<16xf32>
        %swap3A_1653 = vector.shape_cast %add3A_1646 : vector<16xf32> to vector<1x1x16xf32>
        tpu.vector_store %arg8[%swap3A_1648, %swap3A_1649, %swap3A_1650], %swap3A_1653 {strides = array<i32>} : memref<4x32x768xf32, #tpu.memory_space<vmem>>, vector<1x1x16xf32>,
        %get3A_1654 = arith.constant 1 : i32
        %get3A_1655 = arith.index_cast %get3A_1654 : i32 to index
        %get3A_1656 = arith.index_cast %scan3A_1052 : i32 to index
        %get3A_1657 = arith.constant 688 : index
        %get3A_1658 = tpu.vector_load %arg8[%get3A_1655, %get3A_1656, %get3A_1657] {strides = array<i32>} : memref<4x32x768xf32, #tpu.memory_space<vmem>>, vector<1x1x16xf32>,
        %get3A_1659 = vector.shape_cast %get3A_1658 : vector<1x1x16xf32> to vector<16xf32>
        %add3A_1660 = arith.addf %get3A_1659, %get3A_548 : vector<16xf32>
        %swap3A_1661 = arith.constant 1 : i32
        %swap3A_1662 = arith.index_cast %swap3A_1661 : i32 to index
        %swap3A_1663 = arith.index_cast %scan3A_1052 : i32 to index
        %swap3A_1664 = arith.constant 688 : index
        %swap3A_1665 = tpu.vector_load %arg8[%swap3A_1662, %swap3A_1663, %swap3A_1664] {strides = array<i32>} : memref<4x32x768xf32, #tpu.memory_space<vmem>>, vector<1x1x16xf32>,
        %swap3A_1666 = vector.shape_cast %swap3A_1665 : vector<1x1x16xf32> to vector<16xf32>
        %swap3A_1667 = vector.shape_cast %add3A_1660 : vector<16xf32> to vector<1x1x16xf32>
        tpu.vector_store %arg8[%swap3A_1662, %swap3A_1663, %swap3A_1664], %swap3A_1667 {strides = array<i32>} : memref<4x32x768xf32, #tpu.memory_space<vmem>>, vector<1x1x16xf32>,
        %get3A_1668 = arith.constant 1 : i32
        %get3A_1669 = arith.index_cast %get3A_1668 : i32 to index
        %get3A_1670 = arith.index_cast %scan3A_1052 : i32 to index
        %get3A_1671 = arith.constant 704 : index
        %get3A_1672 = tpu.vector_load %arg8[%get3A_1669, %get3A_1670, %get3A_1671] {strides = array<i32>} : memref<4x32x768xf32, #tpu.memory_space<vmem>>, vector<1x1x16xf32>,
        %get3A_1673 = vector.shape_cast %get3A_1672 : vector<1x1x16xf32> to vector<16xf32>
        %add3A_1674 = arith.addf %get3A_1673, %get3A_552 : vector<16xf32>
        %swap3A_1675 = arith.constant 1 : i32
        %swap3A_1676 = arith.index_cast %swap3A_1675 : i32 to index
        %swap3A_1677 = arith.index_cast %scan3A_1052 : i32 to index
        %swap3A_1678 = arith.constant 704 : index
        %swap3A_1679 = tpu.vector_load %arg8[%swap3A_1676, %swap3A_1677, %swap3A_1678] {strides = array<i32>} : memref<4x32x768xf32, #tpu.memory_space<vmem>>, vector<1x1x16xf32>,
        %swap3A_1680 = vector.shape_cast %swap3A_1679 : vector<1x1x16xf32> to vector<16xf32>
        %swap3A_1681 = vector.shape_cast %add3A_1674 : vector<16xf32> to vector<1x1x16xf32>
        tpu.vector_store %arg8[%swap3A_1676, %swap3A_1677, %swap3A_1678], %swap3A_1681 {strides = array<i32>} : memref<4x32x768xf32, #tpu.memory_space<vmem>>, vector<1x1x16xf32>,
        %get3A_1682 = arith.constant 1 : i32
        %get3A_1683 = arith.index_cast %get3A_1682 : i32 to index
        %get3A_1684 = arith.index_cast %scan3A_1052 : i32 to index
        %get3A_1685 = arith.constant 720 : index
        %get3A_1686 = tpu.vector_load %arg8[%get3A_1683, %get3A_1684, %get3A_1685] {strides = array<i32>} : memref<4x32x768xf32, #tpu.memory_space<vmem>>, vector<1x1x16xf32>,
        %get3A_1687 = vector.shape_cast %get3A_1686 : vector<1x1x16xf32> to vector<16xf32>
        %add3A_1688 = arith.addf %get3A_1687, %get3A_556 : vector<16xf32>
        %swap3A_1689 = arith.constant 1 : i32
        %swap3A_1690 = arith.index_cast %swap3A_1689 : i32 to index
        %swap3A_1691 = arith.index_cast %scan3A_1052 : i32 to index
        %swap3A_1692 = arith.constant 720 : index
        %swap3A_1693 = tpu.vector_load %arg8[%swap3A_1690, %swap3A_1691, %swap3A_1692] {strides = array<i32>} : memref<4x32x768xf32, #tpu.memory_space<vmem>>, vector<1x1x16xf32>,
        %swap3A_1694 = vector.shape_cast %swap3A_1693 : vector<1x1x16xf32> to vector<16xf32>
        %swap3A_1695 = vector.shape_cast %add3A_1688 : vector<16xf32> to vector<1x1x16xf32>
        tpu.vector_store %arg8[%swap3A_1690, %swap3A_1691, %swap3A_1692], %swap3A_1695 {strides = array<i32>} : memref<4x32x768xf32, #tpu.memory_space<vmem>>, vector<1x1x16xf32>,
        %get3A_1696 = arith.constant 1 : i32
        %get3A_1697 = arith.index_cast %get3A_1696 : i32 to index
        %get3A_1698 = arith.index_cast %scan3A_1052 : i32 to index
        %get3A_1699 = arith.constant 736 : index
        %get3A_1700 = tpu.vector_load %arg8[%get3A_1697, %get3A_1698, %get3A_1699] {strides = array<i32>} : memref<4x32x768xf32, #tpu.memory_space<vmem>>, vector<1x1x16xf32>,
        %get3A_1701 = vector.shape_cast %get3A_1700 : vector<1x1x16xf32> to vector<16xf32>
        %add3A_1702 = arith.addf %get3A_1701, %get3A_560 : vector<16xf32>
        %swap3A_1703 = arith.constant 1 : i32
        %swap3A_1704 = arith.index_cast %swap3A_1703 : i32 to index
        %swap3A_1705 = arith.index_cast %scan3A_1052 : i32 to index
        %swap3A_1706 = arith.constant 736 : index
        %swap3A_1707 = tpu.vector_load %arg8[%swap3A_1704, %swap3A_1705, %swap3A_1706] {strides = array<i32>} : memref<4x32x768xf32, #tpu.memory_space<vmem>>, vector<1x1x16xf32>,
        %swap3A_1708 = vector.shape_cast %swap3A_1707 : vector<1x1x16xf32> to vector<16xf32>
        %swap3A_1709 = vector.shape_cast %add3A_1702 : vector<16xf32> to vector<1x1x16xf32>
        tpu.vector_store %arg8[%swap3A_1704, %swap3A_1705, %swap3A_1706], %swap3A_1709 {strides = array<i32>} : memref<4x32x768xf32, #tpu.memory_space<vmem>>, vector<1x1x16xf32>,
        %get3A_1710 = arith.constant 1 : i32
        %get3A_1711 = arith.index_cast %get3A_1710 : i32 to index
        %get3A_1712 = arith.index_cast %scan3A_1052 : i32 to index
        %get3A_1713 = arith.constant 752 : index
        %get3A_1714 = tpu.vector_load %arg8[%get3A_1711, %get3A_1712, %get3A_1713] {strides = array<i32>} : memref<4x32x768xf32, #tpu.memory_space<vmem>>, vector<1x1x16xf32>,
        %get3A_1715 = vector.shape_cast %get3A_1714 : vector<1x1x16xf32> to vector<16xf32>
        %add3A_1716 = arith.addf %get3A_1715, %get3A_564 : vector<16xf32>
        %swap3A_1717 = arith.constant 1 : i32
        %swap3A_1718 = arith.index_cast %swap3A_1717 : i32 to index
        %swap3A_1719 = arith.index_cast %scan3A_1052 : i32 to index
        %swap3A_1720 = arith.constant 752 : index
        %swap3A_1721 = tpu.vector_load %arg8[%swap3A_1718, %swap3A_1719, %swap3A_1720] {strides = array<i32>} : memref<4x32x768xf32, #tpu.memory_space<vmem>>, vector<1x1x16xf32>,
        %swap3A_1722 = vector.shape_cast %swap3A_1721 : vector<1x1x16xf32> to vector<16xf32>
        %swap3A_1723 = vector.shape_cast %add3A_1716 : vector<16xf32> to vector<1x1x16xf32>
        tpu.vector_store %arg8[%swap3A_1718, %swap3A_1719, %swap3A_1720], %swap3A_1723 {strides = array<i32>} : memref<4x32x768xf32, #tpu.memory_space<vmem>>, vector<1x1x16xf32>,
      }
      %scan3A_570 = arith.constant 32 : i32
      %add3A_571 = arith.addi %mul3A_2, %scan3A_106 : i32
      %dma_start3A_572 = arith.constant 1 : i32
      %dma_start3A_573 = arith.constant 0 : i32
      %dma_start3A_574 = arith.constant 0 : i32
      %dma_start3A_575 = tpu.memref_slice %arg8[%dma_start3A_572, %dma_start3A_573, %dma_start3A_574] : memref<4x32x768xf32, #tpu.memory_space<vmem>> -> memref<1x32x768xf32, #tpu.memory_space<vmem>>
      %dma_start3A_576 = tpu.memref_squeeze %dma_start3A_575 : memref<1x32x768xf32, #tpu.memory_space<vmem>> -> memref<32x768xf32, #tpu.memory_space<vmem>>
      %dma_start3A_577 = arith.constant 32 : i32
      %dma_start3A_578 = arith.constant 0 : i32
      %dma_start3A_579 = tpu.memref_slice %arg5[%dma_start3A_577, %add3A_571, %dma_start3A_578] : memref<128x512x768xf32, #tpu.memory_space<hbm>> -> memref<32x1x768xf32, #tpu.memory_space<hbm>>
      %dma_start3A_580 = tpu.memref_squeeze %dma_start3A_579 : memref<32x1x768xf32, #tpu.memory_space<hbm>> -> memref<32x768xf32, #tpu.memory_space<hbm>>
      %dma_start3A_581 = arith.constant 32 : i32
      %dma_start3A_582 = arith.constant 0 : i32
      %dma_start3A_583 = tpu.memref_slice %arg5[%dma_start3A_581, %add3A_571, %dma_start3A_582] : memref<128x512x768xf32, #tpu.memory_space<hbm>> -> memref<32x1x768xf32, #tpu.memory_space<hbm>>
      %dma_start3A_584 = tpu.memref_squeeze %dma_start3A_583 : memref<32x1x768xf32, #tpu.memory_space<hbm>> -> memref<32x768xf32, #tpu.memory_space<hbm>>
      %dma_start3A_585 = arith.constant 0 : i32
      %dma_start3A_586 = arith.constant 0 : i32
      %dma_start3A_587 = tpu.memref_slice %arg8[%dma_start3A_572, %dma_start3A_585, %dma_start3A_586] : memref<4x32x768xf32, #tpu.memory_space<vmem>> -> memref<1x32x768xf32, #tpu.memory_space<vmem>>
      %dma_start3A_588 = tpu.memref_squeeze %dma_start3A_587 : memref<1x32x768xf32, #tpu.memory_space<vmem>> -> memref<32x768xf32, #tpu.memory_space<vmem>>
      tpu.enqueue_dma source(%dma_start3A_588 : memref<32x768xf32, #tpu.memory_space<vmem>>) target(%dma_start3A_584 : memref<32x768xf32, #tpu.memory_space<hbm>>) target_semaphore(%arg14 : memref<!tpu.dma_semaphore, #tpu.memory_space<semaphore_mem>>)
      %dma_wait3A_589 = arith.constant 2 : i32
      %dma_wait3A_590 = arith.constant 0 : i32
      %dma_wait3A_591 = arith.constant 0 : i32
      %dma_wait3A_592 = tpu.memref_slice %arg8[%dma_wait3A_589, %dma_wait3A_590, %dma_wait3A_591] : memref<4x32x768xf32, #tpu.memory_space<vmem>> -> memref<1x32x768xf32, #tpu.memory_space<vmem>>
      %dma_wait3A_593 = tpu.memref_squeeze %dma_wait3A_592 : memref<1x32x768xf32, #tpu.memory_space<vmem>> -> memref<32x768xf32, #tpu.memory_space<vmem>>
      %dma_wait3A_594 = arith.constant 64 : i32
      %dma_wait3A_595 = tpu.memref_slice %arg6[%scan3A_106, %dma_wait3A_594] : memref<16x128xi32, #tpu.memory_space<vmem>> -> memref<1x32xi32, #tpu.memory_space<vmem>>
      %dma_wait3A_596 = tpu.memref_squeeze %dma_wait3A_595 : memref<1x32xi32, #tpu.memory_space<vmem>> -> memref<32xi32, #tpu.memory_space<vmem>>
      %dma_wait3A_597 = arith.constant 0 : i32
      %dma_wait3A_598 = arith.constant 0 : i32
      %dma_wait3A_599 = tpu.memref_slice %arg3[%dma_wait3A_597, %dma_wait3A_598] : memref<30522x768xf32, #tpu.memory_space<hbm>> -> memref<30522x768xf32, #tpu.memory_space<hbm>>
      tpu.wait_indirect_dma semaphore(%arg11 : memref<!tpu.dma_semaphore, #tpu.memory_space<semaphore_mem>>) src(%dma_wait3A_599 : memref<30522x768xf32, #tpu.memory_space<hbm>>) dst(%dma_wait3A_593 : memref<32x768xf32, #tpu.memory_space<vmem>>)
      %lt3A = arith.constant 15 : i32
      %lt3A_600 = arith.cmpi slt, %scan3A_106, %lt3A : i32
      %convert_element_type3A_601 = arith.extui %lt3A_600 : i1 to i32
      %cond3A_602 = arith.constant 0 : i32
      %cond3A_603 = arith.cmpi ne, %convert_element_type3A_601, %cond3A_602 : i32
      scf.if %cond3A_603 {
        %add3A_1052 = arith.addi %mul3A_2, %scan3A_106 : i32
        %dma_wait3A_1053 = arith.constant 0 : i32
        %dma_wait3A_1054 = arith.constant 0 : i32
        %dma_wait3A_1055 = arith.constant 0 : i32
        %dma_wait3A_1056 = tpu.memref_slice %arg8[%dma_wait3A_1053, %dma_wait3A_1054, %dma_wait3A_1055] : memref<4x32x768xf32, #tpu.memory_space<vmem>> -> memref<1x32x768xf32, #tpu.memory_space<vmem>>
        %dma_wait3A_1057 = tpu.memref_squeeze %dma_wait3A_1056 : memref<1x32x768xf32, #tpu.memory_space<vmem>> -> memref<32x768xf32, #tpu.memory_space<vmem>>
        %dma_wait3A_1058 = arith.constant 0 : i32
        %dma_wait3A_1059 = arith.constant 0 : i32
        %dma_wait3A_1060 = tpu.memref_slice %arg5[%dma_wait3A_1058, %add3A_1052, %dma_wait3A_1059] : memref<128x512x768xf32, #tpu.memory_space<hbm>> -> memref<32x1x768xf32, #tpu.memory_space<hbm>>
        %dma_wait3A_1061 = tpu.memref_squeeze %dma_wait3A_1060 : memref<32x1x768xf32, #tpu.memory_space<hbm>> -> memref<32x768xf32, #tpu.memory_space<hbm>>
        %dma_wait3A_1062 = arith.constant 0 : i32
        %dma_wait3A_1063 = arith.constant 0 : i32
        %dma_wait3A_1064 = tpu.memref_slice %arg5[%dma_wait3A_1062, %add3A_1052, %dma_wait3A_1063] : memref<128x512x768xf32, #tpu.memory_space<hbm>> -> memref<32x1x768xf32, #tpu.memory_space<hbm>>
        %dma_wait3A_1065 = tpu.memref_squeeze %dma_wait3A_1064 : memref<32x1x768xf32, #tpu.memory_space<hbm>> -> memref<32x768xf32, #tpu.memory_space<hbm>>
        %dma_wait3A_1066 = arith.constant 0 : i32
        %dma_wait3A_1067 = arith.constant 0 : i32
        %dma_wait3A_1068 = tpu.memref_slice %arg8[%dma_wait3A_1053, %dma_wait3A_1066, %dma_wait3A_1067] : memref<4x32x768xf32, #tpu.memory_space<vmem>> -> memref<1x32x768xf32, #tpu.memory_space<vmem>>
        %dma_wait3A_1069 = tpu.memref_squeeze %dma_wait3A_1068 : memref<1x32x768xf32, #tpu.memory_space<vmem>> -> memref<32x768xf32, #tpu.memory_space<vmem>>
        tpu.wait_dma2 semaphore(%arg13 : memref<!tpu.dma_semaphore, #tpu.memory_space<semaphore_mem>>) src(%dma_wait3A_1069 : memref<32x768xf32, #tpu.memory_space<vmem>>) dst(%dma_wait3A_1065 : memref<32x768xf32, #tpu.memory_space<hbm>>)
        %add3A_1070 = arith.constant 1 : i32
        %add3A_1071 = arith.addi %scan3A_106, %add3A_1070 : i32
        %dma_start3A_1072 = arith.constant 0 : i32
        %dma_start3A_1073 = arith.constant 0 : i32
        %dma_start3A_1074 = arith.constant 0 : i32
        %dma_start3A_1075 = tpu.memref_slice %arg8[%dma_start3A_1072, %dma_start3A_1073, %dma_start3A_1074] : memref<4x32x768xf32, #tpu.memory_space<vmem>> -> memref<1x32x768xf32, #tpu.memory_space<vmem>>
        %dma_start3A_1076 = tpu.memref_squeeze %dma_start3A_1075 : memref<1x32x768xf32, #tpu.memory_space<vmem>> -> memref<32x768xf32, #tpu.memory_space<vmem>>
        %dma_start3A_1077 = arith.constant 0 : i32
        %dma_start3A_1078 = tpu.memref_slice %arg6[%add3A_1071, %dma_start3A_1077] : memref<16x128xi32, #tpu.memory_space<vmem>> -> memref<1x32xi32, #tpu.memory_space<vmem>>
        %dma_start3A_1079 = tpu.memref_squeeze %dma_start3A_1078 : memref<1x32xi32, #tpu.memory_space<vmem>> -> memref<32xi32, #tpu.memory_space<vmem>>
        %dma_start3A_1080 = arith.constant 0 : i32
        %dma_start3A_1081 = arith.constant 0 : i32
        %dma_start3A_1082 = tpu.memref_slice %arg3[%dma_start3A_1080, %dma_start3A_1081] : memref<30522x768xf32, #tpu.memory_space<hbm>> -> memref<30522x768xf32, #tpu.memory_space<hbm>>
        tpu.enqueue_indirect_dma source(%dma_start3A_1082 : memref<30522x768xf32, #tpu.memory_space<hbm>>) target(%dma_start3A_1076 : memref<32x768xf32, #tpu.memory_space<vmem>>) offsets(%dma_start3A_1079 : memref<32xi32, #tpu.memory_space<vmem>>) semaphore(%arg9 : memref<!tpu.dma_semaphore, #tpu.memory_space<semaphore_mem>>)
      } else {
      }
      %get3A_604 = arith.index_cast %scan3A_106 : i32 to index
      %get3A_605 = arith.constant 0 : index
      %get3A_606 = tpu.vector_load %arg7[%get3A_604, %get3A_605] {strides = array<i32>} : memref<16x768xf32, #tpu.memory_space<vmem>>, vector<1x16xf32>,
      %get3A_607 = vector.shape_cast %get3A_606 : vector<1x16xf32> to vector<16xf32>
      %get3A_608 = arith.index_cast %scan3A_106 : i32 to index
      %get3A_609 = arith.constant 16 : index
      %get3A_610 = tpu.vector_load %arg7[%get3A_608, %get3A_609] {strides = array<i32>} : memref<16x768xf32, #tpu.memory_space<vmem>>, vector<1x16xf32>,
      %get3A_611 = vector.shape_cast %get3A_610 : vector<1x16xf32> to vector<16xf32>
      %get3A_612 = arith.index_cast %scan3A_106 : i32 to index
      %get3A_613 = arith.constant 32 : index
      %get3A_614 = tpu.vector_load %arg7[%get3A_612, %get3A_613] {strides = array<i32>} : memref<16x768xf32, #tpu.memory_space<vmem>>, vector<1x16xf32>,
      %get3A_615 = vector.shape_cast %get3A_614 : vector<1x16xf32> to vector<16xf32>
      %get3A_616 = arith.index_cast %scan3A_106 : i32 to index
      %get3A_617 = arith.constant 48 : index
      %get3A_618 = tpu.vector_load %arg7[%get3A_616, %get3A_617] {strides = array<i32>} : memref<16x768xf32, #tpu.memory_space<vmem>>, vector<1x16xf32>,
      %get3A_619 = vector.shape_cast %get3A_618 : vector<1x16xf32> to vector<16xf32>
      %get3A_620 = arith.index_cast %scan3A_106 : i32 to index
      %get3A_621 = arith.constant 64 : index
      %get3A_622 = tpu.vector_load %arg7[%get3A_620, %get3A_621] {strides = array<i32>} : memref<16x768xf32, #tpu.memory_space<vmem>>, vector<1x16xf32>,
      %get3A_623 = vector.shape_cast %get3A_622 : vector<1x16xf32> to vector<16xf32>
      %get3A_624 = arith.index_cast %scan3A_106 : i32 to index
      %get3A_625 = arith.constant 80 : index
      %get3A_626 = tpu.vector_load %arg7[%get3A_624, %get3A_625] {strides = array<i32>} : memref<16x768xf32, #tpu.memory_space<vmem>>, vector<1x16xf32>,
      %get3A_627 = vector.shape_cast %get3A_626 : vector<1x16xf32> to vector<16xf32>
      %get3A_628 = arith.index_cast %scan3A_106 : i32 to index
      %get3A_629 = arith.constant 96 : index
      %get3A_630 = tpu.vector_load %arg7[%get3A_628, %get3A_629] {strides = array<i32>} : memref<16x768xf32, #tpu.memory_space<vmem>>, vector<1x16xf32>,
      %get3A_631 = vector.shape_cast %get3A_630 : vector<1x16xf32> to vector<16xf32>
      %get3A_632 = arith.index_cast %scan3A_106 : i32 to index
      %get3A_633 = arith.constant 112 : index
      %get3A_634 = tpu.vector_load %arg7[%get3A_632, %get3A_633] {strides = array<i32>} : memref<16x768xf32, #tpu.memory_space<vmem>>, vector<1x16xf32>,
      %get3A_635 = vector.shape_cast %get3A_634 : vector<1x16xf32> to vector<16xf32>
      %get3A_636 = arith.index_cast %scan3A_106 : i32 to index
      %get3A_637 = arith.constant 128 : index
      %get3A_638 = tpu.vector_load %arg7[%get3A_636, %get3A_637] {strides = array<i32>} : memref<16x768xf32, #tpu.memory_space<vmem>>, vector<1x16xf32>,
      %get3A_639 = vector.shape_cast %get3A_638 : vector<1x16xf32> to vector<16xf32>
      %get3A_640 = arith.index_cast %scan3A_106 : i32 to index
      %get3A_641 = arith.constant 144 : index
      %get3A_642 = tpu.vector_load %arg7[%get3A_640, %get3A_641] {strides = array<i32>} : memref<16x768xf32, #tpu.memory_space<vmem>>, vector<1x16xf32>,
      %get3A_643 = vector.shape_cast %get3A_642 : vector<1x16xf32> to vector<16xf32>
      %get3A_644 = arith.index_cast %scan3A_106 : i32 to index
      %get3A_645 = arith.constant 160 : index
      %get3A_646 = tpu.vector_load %arg7[%get3A_644, %get3A_645] {strides = array<i32>} : memref<16x768xf32, #tpu.memory_space<vmem>>, vector<1x16xf32>,
      %get3A_647 = vector.shape_cast %get3A_646 : vector<1x16xf32> to vector<16xf32>
      %get3A_648 = arith.index_cast %scan3A_106 : i32 to index
      %get3A_649 = arith.constant 176 : index
      %get3A_650 = tpu.vector_load %arg7[%get3A_648, %get3A_649] {strides = array<i32>} : memref<16x768xf32, #tpu.memory_space<vmem>>, vector<1x16xf32>,
      %get3A_651 = vector.shape_cast %get3A_650 : vector<1x16xf32> to vector<16xf32>
      %get3A_652 = arith.index_cast %scan3A_106 : i32 to index
      %get3A_653 = arith.constant 192 : index
      %get3A_654 = tpu.vector_load %arg7[%get3A_652, %get3A_653] {strides = array<i32>} : memref<16x768xf32, #tpu.memory_space<vmem>>, vector<1x16xf32>,
      %get3A_655 = vector.shape_cast %get3A_654 : vector<1x16xf32> to vector<16xf32>
      %get3A_656 = arith.index_cast %scan3A_106 : i32 to index
      %get3A_657 = arith.constant 208 : index
      %get3A_658 = tpu.vector_load %arg7[%get3A_656, %get3A_657] {strides = array<i32>} : memref<16x768xf32, #tpu.memory_space<vmem>>, vector<1x16xf32>,
      %get3A_659 = vector.shape_cast %get3A_658 : vector<1x16xf32> to vector<16xf32>
      %get3A_660 = arith.index_cast %scan3A_106 : i32 to index
      %get3A_661 = arith.constant 224 : index
      %get3A_662 = tpu.vector_load %arg7[%get3A_660, %get3A_661] {strides = array<i32>} : memref<16x768xf32, #tpu.memory_space<vmem>>, vector<1x16xf32>,
      %get3A_663 = vector.shape_cast %get3A_662 : vector<1x16xf32> to vector<16xf32>
      %get3A_664 = arith.index_cast %scan3A_106 : i32 to index
      %get3A_665 = arith.constant 240 : index
      %get3A_666 = tpu.vector_load %arg7[%get3A_664, %get3A_665] {strides = array<i32>} : memref<16x768xf32, #tpu.memory_space<vmem>>, vector<1x16xf32>,
      %get3A_667 = vector.shape_cast %get3A_666 : vector<1x16xf32> to vector<16xf32>
      %get3A_668 = arith.index_cast %scan3A_106 : i32 to index
      %get3A_669 = arith.constant 256 : index
      %get3A_670 = tpu.vector_load %arg7[%get3A_668, %get3A_669] {strides = array<i32>} : memref<16x768xf32, #tpu.memory_space<vmem>>, vector<1x16xf32>,
      %get3A_671 = vector.shape_cast %get3A_670 : vector<1x16xf32> to vector<16xf32>
      %get3A_672 = arith.index_cast %scan3A_106 : i32 to index
      %get3A_673 = arith.constant 272 : index
      %get3A_674 = tpu.vector_load %arg7[%get3A_672, %get3A_673] {strides = array<i32>} : memref<16x768xf32, #tpu.memory_space<vmem>>, vector<1x16xf32>,
      %get3A_675 = vector.shape_cast %get3A_674 : vector<1x16xf32> to vector<16xf32>
      %get3A_676 = arith.index_cast %scan3A_106 : i32 to index
      %get3A_677 = arith.constant 288 : index
      %get3A_678 = tpu.vector_load %arg7[%get3A_676, %get3A_677] {strides = array<i32>} : memref<16x768xf32, #tpu.memory_space<vmem>>, vector<1x16xf32>,
      %get3A_679 = vector.shape_cast %get3A_678 : vector<1x16xf32> to vector<16xf32>
      %get3A_680 = arith.index_cast %scan3A_106 : i32 to index
      %get3A_681 = arith.constant 304 : index
      %get3A_682 = tpu.vector_load %arg7[%get3A_680, %get3A_681] {strides = array<i32>} : memref<16x768xf32, #tpu.memory_space<vmem>>, vector<1x16xf32>,
      %get3A_683 = vector.shape_cast %get3A_682 : vector<1x16xf32> to vector<16xf32>
      %get3A_684 = arith.index_cast %scan3A_106 : i32 to index
      %get3A_685 = arith.constant 320 : index
      %get3A_686 = tpu.vector_load %arg7[%get3A_684, %get3A_685] {strides = array<i32>} : memref<16x768xf32, #tpu.memory_space<vmem>>, vector<1x16xf32>,
      %get3A_687 = vector.shape_cast %get3A_686 : vector<1x16xf32> to vector<16xf32>
      %get3A_688 = arith.index_cast %scan3A_106 : i32 to index
      %get3A_689 = arith.constant 336 : index
      %get3A_690 = tpu.vector_load %arg7[%get3A_688, %get3A_689] {strides = array<i32>} : memref<16x768xf32, #tpu.memory_space<vmem>>, vector<1x16xf32>,
      %get3A_691 = vector.shape_cast %get3A_690 : vector<1x16xf32> to vector<16xf32>
      %get3A_692 = arith.index_cast %scan3A_106 : i32 to index
      %get3A_693 = arith.constant 352 : index
      %get3A_694 = tpu.vector_load %arg7[%get3A_692, %get3A_693] {strides = array<i32>} : memref<16x768xf32, #tpu.memory_space<vmem>>, vector<1x16xf32>,
      %get3A_695 = vector.shape_cast %get3A_694 : vector<1x16xf32> to vector<16xf32>
      %get3A_696 = arith.index_cast %scan3A_106 : i32 to index
      %get3A_697 = arith.constant 368 : index
      %get3A_698 = tpu.vector_load %arg7[%get3A_696, %get3A_697] {strides = array<i32>} : memref<16x768xf32, #tpu.memory_space<vmem>>, vector<1x16xf32>,
      %get3A_699 = vector.shape_cast %get3A_698 : vector<1x16xf32> to vector<16xf32>
      %get3A_700 = arith.index_cast %scan3A_106 : i32 to index
      %get3A_701 = arith.constant 384 : index
      %get3A_702 = tpu.vector_load %arg7[%get3A_700, %get3A_701] {strides = array<i32>} : memref<16x768xf32, #tpu.memory_space<vmem>>, vector<1x16xf32>,
      %get3A_703 = vector.shape_cast %get3A_702 : vector<1x16xf32> to vector<16xf32>
      %get3A_704 = arith.index_cast %scan3A_106 : i32 to index
      %get3A_705 = arith.constant 400 : index
      %get3A_706 = tpu.vector_load %arg7[%get3A_704, %get3A_705] {strides = array<i32>} : memref<16x768xf32, #tpu.memory_space<vmem>>, vector<1x16xf32>,
      %get3A_707 = vector.shape_cast %get3A_706 : vector<1x16xf32> to vector<16xf32>
      %get3A_708 = arith.index_cast %scan3A_106 : i32 to index
      %get3A_709 = arith.constant 416 : index
      %get3A_710 = tpu.vector_load %arg7[%get3A_708, %get3A_709] {strides = array<i32>} : memref<16x768xf32, #tpu.memory_space<vmem>>, vector<1x16xf32>,
      %get3A_711 = vector.shape_cast %get3A_710 : vector<1x16xf32> to vector<16xf32>
      %get3A_712 = arith.index_cast %scan3A_106 : i32 to index
      %get3A_713 = arith.constant 432 : index
      %get3A_714 = tpu.vector_load %arg7[%get3A_712, %get3A_713] {strides = array<i32>} : memref<16x768xf32, #tpu.memory_space<vmem>>, vector<1x16xf32>,
      %get3A_715 = vector.shape_cast %get3A_714 : vector<1x16xf32> to vector<16xf32>
      %get3A_716 = arith.index_cast %scan3A_106 : i32 to index
      %get3A_717 = arith.constant 448 : index
      %get3A_718 = tpu.vector_load %arg7[%get3A_716, %get3A_717] {strides = array<i32>} : memref<16x768xf32, #tpu.memory_space<vmem>>, vector<1x16xf32>,
      %get3A_719 = vector.shape_cast %get3A_718 : vector<1x16xf32> to vector<16xf32>
      %get3A_720 = arith.index_cast %scan3A_106 : i32 to index
      %get3A_721 = arith.constant 464 : index
      %get3A_722 = tpu.vector_load %arg7[%get3A_720, %get3A_721] {strides = array<i32>} : memref<16x768xf32, #tpu.memory_space<vmem>>, vector<1x16xf32>,
      %get3A_723 = vector.shape_cast %get3A_722 : vector<1x16xf32> to vector<16xf32>
      %get3A_724 = arith.index_cast %scan3A_106 : i32 to index
      %get3A_725 = arith.constant 480 : index
      %get3A_726 = tpu.vector_load %arg7[%get3A_724, %get3A_725] {strides = array<i32>} : memref<16x768xf32, #tpu.memory_space<vmem>>, vector<1x16xf32>,
      %get3A_727 = vector.shape_cast %get3A_726 : vector<1x16xf32> to vector<16xf32>
      %get3A_728 = arith.index_cast %scan3A_106 : i32 to index
      %get3A_729 = arith.constant 496 : index
      %get3A_730 = tpu.vector_load %arg7[%get3A_728, %get3A_729] {strides = array<i32>} : memref<16x768xf32, #tpu.memory_space<vmem>>, vector<1x16xf32>,
      %get3A_731 = vector.shape_cast %get3A_730 : vector<1x16xf32> to vector<16xf32>
      %get3A_732 = arith.index_cast %scan3A_106 : i32 to index
      %get3A_733 = arith.constant 512 : index
      %get3A_734 = tpu.vector_load %arg7[%get3A_732, %get3A_733] {strides = array<i32>} : memref<16x768xf32, #tpu.memory_space<vmem>>, vector<1x16xf32>,
      %get3A_735 = vector.shape_cast %get3A_734 : vector<1x16xf32> to vector<16xf32>
      %get3A_736 = arith.index_cast %scan3A_106 : i32 to index
      %get3A_737 = arith.constant 528 : index
      %get3A_738 = tpu.vector_load %arg7[%get3A_736, %get3A_737] {strides = array<i32>} : memref<16x768xf32, #tpu.memory_space<vmem>>, vector<1x16xf32>,
      %get3A_739 = vector.shape_cast %get3A_738 : vector<1x16xf32> to vector<16xf32>
      %get3A_740 = arith.index_cast %scan3A_106 : i32 to index
      %get3A_741 = arith.constant 544 : index
      %get3A_742 = tpu.vector_load %arg7[%get3A_740, %get3A_741] {strides = array<i32>} : memref<16x768xf32, #tpu.memory_space<vmem>>, vector<1x16xf32>,
      %get3A_743 = vector.shape_cast %get3A_742 : vector<1x16xf32> to vector<16xf32>
      %get3A_744 = arith.index_cast %scan3A_106 : i32 to index
      %get3A_745 = arith.constant 560 : index
      %get3A_746 = tpu.vector_load %arg7[%get3A_744, %get3A_745] {strides = array<i32>} : memref<16x768xf32, #tpu.memory_space<vmem>>, vector<1x16xf32>,
      %get3A_747 = vector.shape_cast %get3A_746 : vector<1x16xf32> to vector<16xf32>
      %get3A_748 = arith.index_cast %scan3A_106 : i32 to index
      %get3A_749 = arith.constant 576 : index
      %get3A_750 = tpu.vector_load %arg7[%get3A_748, %get3A_749] {strides = array<i32>} : memref<16x768xf32, #tpu.memory_space<vmem>>, vector<1x16xf32>,
      %get3A_751 = vector.shape_cast %get3A_750 : vector<1x16xf32> to vector<16xf32>
      %get3A_752 = arith.index_cast %scan3A_106 : i32 to index
      %get3A_753 = arith.constant 592 : index
      %get3A_754 = tpu.vector_load %arg7[%get3A_752, %get3A_753] {strides = array<i32>} : memref<16x768xf32, #tpu.memory_space<vmem>>, vector<1x16xf32>,
      %get3A_755 = vector.shape_cast %get3A_754 : vector<1x16xf32> to vector<16xf32>
      %get3A_756 = arith.index_cast %scan3A_106 : i32 to index
      %get3A_757 = arith.constant 608 : index
      %get3A_758 = tpu.vector_load %arg7[%get3A_756, %get3A_757] {strides = array<i32>} : memref<16x768xf32, #tpu.memory_space<vmem>>, vector<1x16xf32>,
      %get3A_759 = vector.shape_cast %get3A_758 : vector<1x16xf32> to vector<16xf32>
      %get3A_760 = arith.index_cast %scan3A_106 : i32 to index
      %get3A_761 = arith.constant 624 : index
      %get3A_762 = tpu.vector_load %arg7[%get3A_760, %get3A_761] {strides = array<i32>} : memref<16x768xf32, #tpu.memory_space<vmem>>, vector<1x16xf32>,
      %get3A_763 = vector.shape_cast %get3A_762 : vector<1x16xf32> to vector<16xf32>
      %get3A_764 = arith.index_cast %scan3A_106 : i32 to index
      %get3A_765 = arith.constant 640 : index
      %get3A_766 = tpu.vector_load %arg7[%get3A_764, %get3A_765] {strides = array<i32>} : memref<16x768xf32, #tpu.memory_space<vmem>>, vector<1x16xf32>,
      %get3A_767 = vector.shape_cast %get3A_766 : vector<1x16xf32> to vector<16xf32>
      %get3A_768 = arith.index_cast %scan3A_106 : i32 to index
      %get3A_769 = arith.constant 656 : index
      %get3A_770 = tpu.vector_load %arg7[%get3A_768, %get3A_769] {strides = array<i32>} : memref<16x768xf32, #tpu.memory_space<vmem>>, vector<1x16xf32>,
      %get3A_771 = vector.shape_cast %get3A_770 : vector<1x16xf32> to vector<16xf32>
      %get3A_772 = arith.index_cast %scan3A_106 : i32 to index
      %get3A_773 = arith.constant 672 : index
      %get3A_774 = tpu.vector_load %arg7[%get3A_772, %get3A_773] {strides = array<i32>} : memref<16x768xf32, #tpu.memory_space<vmem>>, vector<1x16xf32>,
      %get3A_775 = vector.shape_cast %get3A_774 : vector<1x16xf32> to vector<16xf32>
      %get3A_776 = arith.index_cast %scan3A_106 : i32 to index
      %get3A_777 = arith.constant 688 : index
      %get3A_778 = tpu.vector_load %arg7[%get3A_776, %get3A_777] {strides = array<i32>} : memref<16x768xf32, #tpu.memory_space<vmem>>, vector<1x16xf32>,
      %get3A_779 = vector.shape_cast %get3A_778 : vector<1x16xf32> to vector<16xf32>
      %get3A_780 = arith.index_cast %scan3A_106 : i32 to index
      %get3A_781 = arith.constant 704 : index
      %get3A_782 = tpu.vector_load %arg7[%get3A_780, %get3A_781] {strides = array<i32>} : memref<16x768xf32, #tpu.memory_space<vmem>>, vector<1x16xf32>,
      %get3A_783 = vector.shape_cast %get3A_782 : vector<1x16xf32> to vector<16xf32>
      %get3A_784 = arith.index_cast %scan3A_106 : i32 to index
      %get3A_785 = arith.constant 720 : index
      %get3A_786 = tpu.vector_load %arg7[%get3A_784, %get3A_785] {strides = array<i32>} : memref<16x768xf32, #tpu.memory_space<vmem>>, vector<1x16xf32>,
      %get3A_787 = vector.shape_cast %get3A_786 : vector<1x16xf32> to vector<16xf32>
      %get3A_788 = arith.index_cast %scan3A_106 : i32 to index
      %get3A_789 = arith.constant 736 : index
      %get3A_790 = tpu.vector_load %arg7[%get3A_788, %get3A_789] {strides = array<i32>} : memref<16x768xf32, #tpu.memory_space<vmem>>, vector<1x16xf32>,
      %get3A_791 = vector.shape_cast %get3A_790 : vector<1x16xf32> to vector<16xf32>
      %get3A_792 = arith.index_cast %scan3A_106 : i32 to index
      %get3A_793 = arith.constant 752 : index
      %get3A_794 = tpu.vector_load %arg7[%get3A_792, %get3A_793] {strides = array<i32>} : memref<16x768xf32, #tpu.memory_space<vmem>>, vector<1x16xf32>,
      %get3A_795 = vector.shape_cast %get3A_794 : vector<1x16xf32> to vector<16xf32>
      %scan3A_796 = arith.constant 0 : i32
      %scan3A_797 = arith.constant 0 : i32
      %scan3A_798 = arith.constant 32 : i32
      %scan3A_799 = arith.addi %scan3A_797, %scan3A_798 : i32
      %scan3A_800 = arith.constant 1 : i32
      scf.for %scan3A_1052 = %scan3A_797 to %scan3A_799 step %scan3A_800  : i32 {
        %get3A_1053 = arith.constant 2 : i32
        %get3A_1054 = arith.index_cast %get3A_1053 : i32 to index
        %get3A_1055 = arith.index_cast %scan3A_1052 : i32 to index
        %get3A_1056 = arith.constant 0 : index
        %get3A_1057 = tpu.vector_load %arg8[%get3A_1054, %get3A_1055, %get3A_1056] {strides = array<i32>} : memref<4x32x768xf32, #tpu.memory_space<vmem>>, vector<1x1x16xf32>,
        %get3A_1058 = vector.shape_cast %get3A_1057 : vector<1x1x16xf32> to vector<16xf32>
        %add3A_1059 = arith.addf %get3A_1058, %get3A_607 : vector<16xf32>
        %swap3A = arith.constant 2 : i32
        %swap3A_1060 = arith.index_cast %swap3A : i32 to index
        %swap3A_1061 = arith.index_cast %scan3A_1052 : i32 to index
        %swap3A_1062 = arith.constant 0 : index
        %swap3A_1063 = tpu.vector_load %arg8[%swap3A_1060, %swap3A_1061, %swap3A_1062] {strides = array<i32>} : memref<4x32x768xf32, #tpu.memory_space<vmem>>, vector<1x1x16xf32>,
        %swap3A_1064 = vector.shape_cast %swap3A_1063 : vector<1x1x16xf32> to vector<16xf32>
        %swap3A_1065 = vector.shape_cast %add3A_1059 : vector<16xf32> to vector<1x1x16xf32>
        tpu.vector_store %arg8[%swap3A_1060, %swap3A_1061, %swap3A_1062], %swap3A_1065 {strides = array<i32>} : memref<4x32x768xf32, #tpu.memory_space<vmem>>, vector<1x1x16xf32>,
        %get3A_1066 = arith.constant 2 : i32
        %get3A_1067 = arith.index_cast %get3A_1066 : i32 to index
        %get3A_1068 = arith.index_cast %scan3A_1052 : i32 to index
        %get3A_1069 = arith.constant 16 : index
        %get3A_1070 = tpu.vector_load %arg8[%get3A_1067, %get3A_1068, %get3A_1069] {strides = array<i32>} : memref<4x32x768xf32, #tpu.memory_space<vmem>>, vector<1x1x16xf32>,
        %get3A_1071 = vector.shape_cast %get3A_1070 : vector<1x1x16xf32> to vector<16xf32>
        %add3A_1072 = arith.addf %get3A_1071, %get3A_611 : vector<16xf32>
        %swap3A_1073 = arith.constant 2 : i32
        %swap3A_1074 = arith.index_cast %swap3A_1073 : i32 to index
        %swap3A_1075 = arith.index_cast %scan3A_1052 : i32 to index
        %swap3A_1076 = arith.constant 16 : index
        %swap3A_1077 = tpu.vector_load %arg8[%swap3A_1074, %swap3A_1075, %swap3A_1076] {strides = array<i32>} : memref<4x32x768xf32, #tpu.memory_space<vmem>>, vector<1x1x16xf32>,
        %swap3A_1078 = vector.shape_cast %swap3A_1077 : vector<1x1x16xf32> to vector<16xf32>
        %swap3A_1079 = vector.shape_cast %add3A_1072 : vector<16xf32> to vector<1x1x16xf32>
        tpu.vector_store %arg8[%swap3A_1074, %swap3A_1075, %swap3A_1076], %swap3A_1079 {strides = array<i32>} : memref<4x32x768xf32, #tpu.memory_space<vmem>>, vector<1x1x16xf32>,
        %get3A_1080 = arith.constant 2 : i32
        %get3A_1081 = arith.index_cast %get3A_1080 : i32 to index
        %get3A_1082 = arith.index_cast %scan3A_1052 : i32 to index
        %get3A_1083 = arith.constant 32 : index
        %get3A_1084 = tpu.vector_load %arg8[%get3A_1081, %get3A_1082, %get3A_1083] {strides = array<i32>} : memref<4x32x768xf32, #tpu.memory_space<vmem>>, vector<1x1x16xf32>,
        %get3A_1085 = vector.shape_cast %get3A_1084 : vector<1x1x16xf32> to vector<16xf32>
        %add3A_1086 = arith.addf %get3A_1085, %get3A_615 : vector<16xf32>
        %swap3A_1087 = arith.constant 2 : i32
        %swap3A_1088 = arith.index_cast %swap3A_1087 : i32 to index
        %swap3A_1089 = arith.index_cast %scan3A_1052 : i32 to index
        %swap3A_1090 = arith.constant 32 : index
        %swap3A_1091 = tpu.vector_load %arg8[%swap3A_1088, %swap3A_1089, %swap3A_1090] {strides = array<i32>} : memref<4x32x768xf32, #tpu.memory_space<vmem>>, vector<1x1x16xf32>,
        %swap3A_1092 = vector.shape_cast %swap3A_1091 : vector<1x1x16xf32> to vector<16xf32>
        %swap3A_1093 = vector.shape_cast %add3A_1086 : vector<16xf32> to vector<1x1x16xf32>
        tpu.vector_store %arg8[%swap3A_1088, %swap3A_1089, %swap3A_1090], %swap3A_1093 {strides = array<i32>} : memref<4x32x768xf32, #tpu.memory_space<vmem>>, vector<1x1x16xf32>,
        %get3A_1094 = arith.constant 2 : i32
        %get3A_1095 = arith.index_cast %get3A_1094 : i32 to index
        %get3A_1096 = arith.index_cast %scan3A_1052 : i32 to index
        %get3A_1097 = arith.constant 48 : index
        %get3A_1098 = tpu.vector_load %arg8[%get3A_1095, %get3A_1096, %get3A_1097] {strides = array<i32>} : memref<4x32x768xf32, #tpu.memory_space<vmem>>, vector<1x1x16xf32>,
        %get3A_1099 = vector.shape_cast %get3A_1098 : vector<1x1x16xf32> to vector<16xf32>
        %add3A_1100 = arith.addf %get3A_1099, %get3A_619 : vector<16xf32>
        %swap3A_1101 = arith.constant 2 : i32
        %swap3A_1102 = arith.index_cast %swap3A_1101 : i32 to index
        %swap3A_1103 = arith.index_cast %scan3A_1052 : i32 to index
        %swap3A_1104 = arith.constant 48 : index
        %swap3A_1105 = tpu.vector_load %arg8[%swap3A_1102, %swap3A_1103, %swap3A_1104] {strides = array<i32>} : memref<4x32x768xf32, #tpu.memory_space<vmem>>, vector<1x1x16xf32>,
        %swap3A_1106 = vector.shape_cast %swap3A_1105 : vector<1x1x16xf32> to vector<16xf32>
        %swap3A_1107 = vector.shape_cast %add3A_1100 : vector<16xf32> to vector<1x1x16xf32>
        tpu.vector_store %arg8[%swap3A_1102, %swap3A_1103, %swap3A_1104], %swap3A_1107 {strides = array<i32>} : memref<4x32x768xf32, #tpu.memory_space<vmem>>, vector<1x1x16xf32>,
        %get3A_1108 = arith.constant 2 : i32
        %get3A_1109 = arith.index_cast %get3A_1108 : i32 to index
        %get3A_1110 = arith.index_cast %scan3A_1052 : i32 to index
        %get3A_1111 = arith.constant 64 : index
        %get3A_1112 = tpu.vector_load %arg8[%get3A_1109, %get3A_1110, %get3A_1111] {strides = array<i32>} : memref<4x32x768xf32, #tpu.memory_space<vmem>>, vector<1x1x16xf32>,
        %get3A_1113 = vector.shape_cast %get3A_1112 : vector<1x1x16xf32> to vector<16xf32>
        %add3A_1114 = arith.addf %get3A_1113, %get3A_623 : vector<16xf32>
        %swap3A_1115 = arith.constant 2 : i32
        %swap3A_1116 = arith.index_cast %swap3A_1115 : i32 to index
        %swap3A_1117 = arith.index_cast %scan3A_1052 : i32 to index
        %swap3A_1118 = arith.constant 64 : index
        %swap3A_1119 = tpu.vector_load %arg8[%swap3A_1116, %swap3A_1117, %swap3A_1118] {strides = array<i32>} : memref<4x32x768xf32, #tpu.memory_space<vmem>>, vector<1x1x16xf32>,
        %swap3A_1120 = vector.shape_cast %swap3A_1119 : vector<1x1x16xf32> to vector<16xf32>
        %swap3A_1121 = vector.shape_cast %add3A_1114 : vector<16xf32> to vector<1x1x16xf32>
        tpu.vector_store %arg8[%swap3A_1116, %swap3A_1117, %swap3A_1118], %swap3A_1121 {strides = array<i32>} : memref<4x32x768xf32, #tpu.memory_space<vmem>>, vector<1x1x16xf32>,
        %get3A_1122 = arith.constant 2 : i32
        %get3A_1123 = arith.index_cast %get3A_1122 : i32 to index
        %get3A_1124 = arith.index_cast %scan3A_1052 : i32 to index
        %get3A_1125 = arith.constant 80 : index
        %get3A_1126 = tpu.vector_load %arg8[%get3A_1123, %get3A_1124, %get3A_1125] {strides = array<i32>} : memref<4x32x768xf32, #tpu.memory_space<vmem>>, vector<1x1x16xf32>,
        %get3A_1127 = vector.shape_cast %get3A_1126 : vector<1x1x16xf32> to vector<16xf32>
        %add3A_1128 = arith.addf %get3A_1127, %get3A_627 : vector<16xf32>
        %swap3A_1129 = arith.constant 2 : i32
        %swap3A_1130 = arith.index_cast %swap3A_1129 : i32 to index
        %swap3A_1131 = arith.index_cast %scan3A_1052 : i32 to index
        %swap3A_1132 = arith.constant 80 : index
        %swap3A_1133 = tpu.vector_load %arg8[%swap3A_1130, %swap3A_1131, %swap3A_1132] {strides = array<i32>} : memref<4x32x768xf32, #tpu.memory_space<vmem>>, vector<1x1x16xf32>,
        %swap3A_1134 = vector.shape_cast %swap3A_1133 : vector<1x1x16xf32> to vector<16xf32>
        %swap3A_1135 = vector.shape_cast %add3A_1128 : vector<16xf32> to vector<1x1x16xf32>
        tpu.vector_store %arg8[%swap3A_1130, %swap3A_1131, %swap3A_1132], %swap3A_1135 {strides = array<i32>} : memref<4x32x768xf32, #tpu.memory_space<vmem>>, vector<1x1x16xf32>,
        %get3A_1136 = arith.constant 2 : i32
        %get3A_1137 = arith.index_cast %get3A_1136 : i32 to index
        %get3A_1138 = arith.index_cast %scan3A_1052 : i32 to index
        %get3A_1139 = arith.constant 96 : index
        %get3A_1140 = tpu.vector_load %arg8[%get3A_1137, %get3A_1138, %get3A_1139] {strides = array<i32>} : memref<4x32x768xf32, #tpu.memory_space<vmem>>, vector<1x1x16xf32>,
        %get3A_1141 = vector.shape_cast %get3A_1140 : vector<1x1x16xf32> to vector<16xf32>
        %add3A_1142 = arith.addf %get3A_1141, %get3A_631 : vector<16xf32>
        %swap3A_1143 = arith.constant 2 : i32
        %swap3A_1144 = arith.index_cast %swap3A_1143 : i32 to index
        %swap3A_1145 = arith.index_cast %scan3A_1052 : i32 to index
        %swap3A_1146 = arith.constant 96 : index
        %swap3A_1147 = tpu.vector_load %arg8[%swap3A_1144, %swap3A_1145, %swap3A_1146] {strides = array<i32>} : memref<4x32x768xf32, #tpu.memory_space<vmem>>, vector<1x1x16xf32>,
        %swap3A_1148 = vector.shape_cast %swap3A_1147 : vector<1x1x16xf32> to vector<16xf32>
        %swap3A_1149 = vector.shape_cast %add3A_1142 : vector<16xf32> to vector<1x1x16xf32>
        tpu.vector_store %arg8[%swap3A_1144, %swap3A_1145, %swap3A_1146], %swap3A_1149 {strides = array<i32>} : memref<4x32x768xf32, #tpu.memory_space<vmem>>, vector<1x1x16xf32>,
        %get3A_1150 = arith.constant 2 : i32
        %get3A_1151 = arith.index_cast %get3A_1150 : i32 to index
        %get3A_1152 = arith.index_cast %scan3A_1052 : i32 to index
        %get3A_1153 = arith.constant 112 : index
        %get3A_1154 = tpu.vector_load %arg8[%get3A_1151, %get3A_1152, %get3A_1153] {strides = array<i32>} : memref<4x32x768xf32, #tpu.memory_space<vmem>>, vector<1x1x16xf32>,
        %get3A_1155 = vector.shape_cast %get3A_1154 : vector<1x1x16xf32> to vector<16xf32>
        %add3A_1156 = arith.addf %get3A_1155, %get3A_635 : vector<16xf32>
        %swap3A_1157 = arith.constant 2 : i32
        %swap3A_1158 = arith.index_cast %swap3A_1157 : i32 to index
        %swap3A_1159 = arith.index_cast %scan3A_1052 : i32 to index
        %swap3A_1160 = arith.constant 112 : index
        %swap3A_1161 = tpu.vector_load %arg8[%swap3A_1158, %swap3A_1159, %swap3A_1160] {strides = array<i32>} : memref<4x32x768xf32, #tpu.memory_space<vmem>>, vector<1x1x16xf32>,
        %swap3A_1162 = vector.shape_cast %swap3A_1161 : vector<1x1x16xf32> to vector<16xf32>
        %swap3A_1163 = vector.shape_cast %add3A_1156 : vector<16xf32> to vector<1x1x16xf32>
        tpu.vector_store %arg8[%swap3A_1158, %swap3A_1159, %swap3A_1160], %swap3A_1163 {strides = array<i32>} : memref<4x32x768xf32, #tpu.memory_space<vmem>>, vector<1x1x16xf32>,
        %get3A_1164 = arith.constant 2 : i32
        %get3A_1165 = arith.index_cast %get3A_1164 : i32 to index
        %get3A_1166 = arith.index_cast %scan3A_1052 : i32 to index
        %get3A_1167 = arith.constant 128 : index
        %get3A_1168 = tpu.vector_load %arg8[%get3A_1165, %get3A_1166, %get3A_1167] {strides = array<i32>} : memref<4x32x768xf32, #tpu.memory_space<vmem>>, vector<1x1x16xf32>,
        %get3A_1169 = vector.shape_cast %get3A_1168 : vector<1x1x16xf32> to vector<16xf32>
        %add3A_1170 = arith.addf %get3A_1169, %get3A_639 : vector<16xf32>
        %swap3A_1171 = arith.constant 2 : i32
        %swap3A_1172 = arith.index_cast %swap3A_1171 : i32 to index
        %swap3A_1173 = arith.index_cast %scan3A_1052 : i32 to index
        %swap3A_1174 = arith.constant 128 : index
        %swap3A_1175 = tpu.vector_load %arg8[%swap3A_1172, %swap3A_1173, %swap3A_1174] {strides = array<i32>} : memref<4x32x768xf32, #tpu.memory_space<vmem>>, vector<1x1x16xf32>,
        %swap3A_1176 = vector.shape_cast %swap3A_1175 : vector<1x1x16xf32> to vector<16xf32>
        %swap3A_1177 = vector.shape_cast %add3A_1170 : vector<16xf32> to vector<1x1x16xf32>
        tpu.vector_store %arg8[%swap3A_1172, %swap3A_1173, %swap3A_1174], %swap3A_1177 {strides = array<i32>} : memref<4x32x768xf32, #tpu.memory_space<vmem>>, vector<1x1x16xf32>,
        %get3A_1178 = arith.constant 2 : i32
        %get3A_1179 = arith.index_cast %get3A_1178 : i32 to index
        %get3A_1180 = arith.index_cast %scan3A_1052 : i32 to index
        %get3A_1181 = arith.constant 144 : index
        %get3A_1182 = tpu.vector_load %arg8[%get3A_1179, %get3A_1180, %get3A_1181] {strides = array<i32>} : memref<4x32x768xf32, #tpu.memory_space<vmem>>, vector<1x1x16xf32>,
        %get3A_1183 = vector.shape_cast %get3A_1182 : vector<1x1x16xf32> to vector<16xf32>
        %add3A_1184 = arith.addf %get3A_1183, %get3A_643 : vector<16xf32>
        %swap3A_1185 = arith.constant 2 : i32
        %swap3A_1186 = arith.index_cast %swap3A_1185 : i32 to index
        %swap3A_1187 = arith.index_cast %scan3A_1052 : i32 to index
        %swap3A_1188 = arith.constant 144 : index
        %swap3A_1189 = tpu.vector_load %arg8[%swap3A_1186, %swap3A_1187, %swap3A_1188] {strides = array<i32>} : memref<4x32x768xf32, #tpu.memory_space<vmem>>, vector<1x1x16xf32>,
        %swap3A_1190 = vector.shape_cast %swap3A_1189 : vector<1x1x16xf32> to vector<16xf32>
        %swap3A_1191 = vector.shape_cast %add3A_1184 : vector<16xf32> to vector<1x1x16xf32>
        tpu.vector_store %arg8[%swap3A_1186, %swap3A_1187, %swap3A_1188], %swap3A_1191 {strides = array<i32>} : memref<4x32x768xf32, #tpu.memory_space<vmem>>, vector<1x1x16xf32>,
        %get3A_1192 = arith.constant 2 : i32
        %get3A_1193 = arith.index_cast %get3A_1192 : i32 to index
        %get3A_1194 = arith.index_cast %scan3A_1052 : i32 to index
        %get3A_1195 = arith.constant 160 : index
        %get3A_1196 = tpu.vector_load %arg8[%get3A_1193, %get3A_1194, %get3A_1195] {strides = array<i32>} : memref<4x32x768xf32, #tpu.memory_space<vmem>>, vector<1x1x16xf32>,
        %get3A_1197 = vector.shape_cast %get3A_1196 : vector<1x1x16xf32> to vector<16xf32>
        %add3A_1198 = arith.addf %get3A_1197, %get3A_647 : vector<16xf32>
        %swap3A_1199 = arith.constant 2 : i32
        %swap3A_1200 = arith.index_cast %swap3A_1199 : i32 to index
        %swap3A_1201 = arith.index_cast %scan3A_1052 : i32 to index
        %swap3A_1202 = arith.constant 160 : index
        %swap3A_1203 = tpu.vector_load %arg8[%swap3A_1200, %swap3A_1201, %swap3A_1202] {strides = array<i32>} : memref<4x32x768xf32, #tpu.memory_space<vmem>>, vector<1x1x16xf32>,
        %swap3A_1204 = vector.shape_cast %swap3A_1203 : vector<1x1x16xf32> to vector<16xf32>
        %swap3A_1205 = vector.shape_cast %add3A_1198 : vector<16xf32> to vector<1x1x16xf32>
        tpu.vector_store %arg8[%swap3A_1200, %swap3A_1201, %swap3A_1202], %swap3A_1205 {strides = array<i32>} : memref<4x32x768xf32, #tpu.memory_space<vmem>>, vector<1x1x16xf32>,
        %get3A_1206 = arith.constant 2 : i32
        %get3A_1207 = arith.index_cast %get3A_1206 : i32 to index
        %get3A_1208 = arith.index_cast %scan3A_1052 : i32 to index
        %get3A_1209 = arith.constant 176 : index
        %get3A_1210 = tpu.vector_load %arg8[%get3A_1207, %get3A_1208, %get3A_1209] {strides = array<i32>} : memref<4x32x768xf32, #tpu.memory_space<vmem>>, vector<1x1x16xf32>,
        %get3A_1211 = vector.shape_cast %get3A_1210 : vector<1x1x16xf32> to vector<16xf32>
        %add3A_1212 = arith.addf %get3A_1211, %get3A_651 : vector<16xf32>
        %swap3A_1213 = arith.constant 2 : i32
        %swap3A_1214 = arith.index_cast %swap3A_1213 : i32 to index
        %swap3A_1215 = arith.index_cast %scan3A_1052 : i32 to index
        %swap3A_1216 = arith.constant 176 : index
        %swap3A_1217 = tpu.vector_load %arg8[%swap3A_1214, %swap3A_1215, %swap3A_1216] {strides = array<i32>} : memref<4x32x768xf32, #tpu.memory_space<vmem>>, vector<1x1x16xf32>,
        %swap3A_1218 = vector.shape_cast %swap3A_1217 : vector<1x1x16xf32> to vector<16xf32>
        %swap3A_1219 = vector.shape_cast %add3A_1212 : vector<16xf32> to vector<1x1x16xf32>
        tpu.vector_store %arg8[%swap3A_1214, %swap3A_1215, %swap3A_1216], %swap3A_1219 {strides = array<i32>} : memref<4x32x768xf32, #tpu.memory_space<vmem>>, vector<1x1x16xf32>,
        %get3A_1220 = arith.constant 2 : i32
        %get3A_1221 = arith.index_cast %get3A_1220 : i32 to index
        %get3A_1222 = arith.index_cast %scan3A_1052 : i32 to index
        %get3A_1223 = arith.constant 192 : index
        %get3A_1224 = tpu.vector_load %arg8[%get3A_1221, %get3A_1222, %get3A_1223] {strides = array<i32>} : memref<4x32x768xf32, #tpu.memory_space<vmem>>, vector<1x1x16xf32>,
        %get3A_1225 = vector.shape_cast %get3A_1224 : vector<1x1x16xf32> to vector<16xf32>
        %add3A_1226 = arith.addf %get3A_1225, %get3A_655 : vector<16xf32>
        %swap3A_1227 = arith.constant 2 : i32
        %swap3A_1228 = arith.index_cast %swap3A_1227 : i32 to index
        %swap3A_1229 = arith.index_cast %scan3A_1052 : i32 to index
        %swap3A_1230 = arith.constant 192 : index
        %swap3A_1231 = tpu.vector_load %arg8[%swap3A_1228, %swap3A_1229, %swap3A_1230] {strides = array<i32>} : memref<4x32x768xf32, #tpu.memory_space<vmem>>, vector<1x1x16xf32>,
        %swap3A_1232 = vector.shape_cast %swap3A_1231 : vector<1x1x16xf32> to vector<16xf32>
        %swap3A_1233 = vector.shape_cast %add3A_1226 : vector<16xf32> to vector<1x1x16xf32>
        tpu.vector_store %arg8[%swap3A_1228, %swap3A_1229, %swap3A_1230], %swap3A_1233 {strides = array<i32>} : memref<4x32x768xf32, #tpu.memory_space<vmem>>, vector<1x1x16xf32>,
        %get3A_1234 = arith.constant 2 : i32
        %get3A_1235 = arith.index_cast %get3A_1234 : i32 to index
        %get3A_1236 = arith.index_cast %scan3A_1052 : i32 to index
        %get3A_1237 = arith.constant 208 : index
        %get3A_1238 = tpu.vector_load %arg8[%get3A_1235, %get3A_1236, %get3A_1237] {strides = array<i32>} : memref<4x32x768xf32, #tpu.memory_space<vmem>>, vector<1x1x16xf32>,
        %get3A_1239 = vector.shape_cast %get3A_1238 : vector<1x1x16xf32> to vector<16xf32>
        %add3A_1240 = arith.addf %get3A_1239, %get3A_659 : vector<16xf32>
        %swap3A_1241 = arith.constant 2 : i32
        %swap3A_1242 = arith.index_cast %swap3A_1241 : i32 to index
        %swap3A_1243 = arith.index_cast %scan3A_1052 : i32 to index
        %swap3A_1244 = arith.constant 208 : index
        %swap3A_1245 = tpu.vector_load %arg8[%swap3A_1242, %swap3A_1243, %swap3A_1244] {strides = array<i32>} : memref<4x32x768xf32, #tpu.memory_space<vmem>>, vector<1x1x16xf32>,
        %swap3A_1246 = vector.shape_cast %swap3A_1245 : vector<1x1x16xf32> to vector<16xf32>
        %swap3A_1247 = vector.shape_cast %add3A_1240 : vector<16xf32> to vector<1x1x16xf32>
        tpu.vector_store %arg8[%swap3A_1242, %swap3A_1243, %swap3A_1244], %swap3A_1247 {strides = array<i32>} : memref<4x32x768xf32, #tpu.memory_space<vmem>>, vector<1x1x16xf32>,
        %get3A_1248 = arith.constant 2 : i32
        %get3A_1249 = arith.index_cast %get3A_1248 : i32 to index
        %get3A_1250 = arith.index_cast %scan3A_1052 : i32 to index
        %get3A_1251 = arith.constant 224 : index
        %get3A_1252 = tpu.vector_load %arg8[%get3A_1249, %get3A_1250, %get3A_1251] {strides = array<i32>} : memref<4x32x768xf32, #tpu.memory_space<vmem>>, vector<1x1x16xf32>,
        %get3A_1253 = vector.shape_cast %get3A_1252 : vector<1x1x16xf32> to vector<16xf32>
        %add3A_1254 = arith.addf %get3A_1253, %get3A_663 : vector<16xf32>
        %swap3A_1255 = arith.constant 2 : i32
        %swap3A_1256 = arith.index_cast %swap3A_1255 : i32 to index
        %swap3A_1257 = arith.index_cast %scan3A_1052 : i32 to index
        %swap3A_1258 = arith.constant 224 : index
        %swap3A_1259 = tpu.vector_load %arg8[%swap3A_1256, %swap3A_1257, %swap3A_1258] {strides = array<i32>} : memref<4x32x768xf32, #tpu.memory_space<vmem>>, vector<1x1x16xf32>,
        %swap3A_1260 = vector.shape_cast %swap3A_1259 : vector<1x1x16xf32> to vector<16xf32>
        %swap3A_1261 = vector.shape_cast %add3A_1254 : vector<16xf32> to vector<1x1x16xf32>
        tpu.vector_store %arg8[%swap3A_1256, %swap3A_1257, %swap3A_1258], %swap3A_1261 {strides = array<i32>} : memref<4x32x768xf32, #tpu.memory_space<vmem>>, vector<1x1x16xf32>,
        %get3A_1262 = arith.constant 2 : i32
        %get3A_1263 = arith.index_cast %get3A_1262 : i32 to index
        %get3A_1264 = arith.index_cast %scan3A_1052 : i32 to index
        %get3A_1265 = arith.constant 240 : index
        %get3A_1266 = tpu.vector_load %arg8[%get3A_1263, %get3A_1264, %get3A_1265] {strides = array<i32>} : memref<4x32x768xf32, #tpu.memory_space<vmem>>, vector<1x1x16xf32>,
        %get3A_1267 = vector.shape_cast %get3A_1266 : vector<1x1x16xf32> to vector<16xf32>
        %add3A_1268 = arith.addf %get3A_1267, %get3A_667 : vector<16xf32>
        %swap3A_1269 = arith.constant 2 : i32
        %swap3A_1270 = arith.index_cast %swap3A_1269 : i32 to index
        %swap3A_1271 = arith.index_cast %scan3A_1052 : i32 to index
        %swap3A_1272 = arith.constant 240 : index
        %swap3A_1273 = tpu.vector_load %arg8[%swap3A_1270, %swap3A_1271, %swap3A_1272] {strides = array<i32>} : memref<4x32x768xf32, #tpu.memory_space<vmem>>, vector<1x1x16xf32>,
        %swap3A_1274 = vector.shape_cast %swap3A_1273 : vector<1x1x16xf32> to vector<16xf32>
        %swap3A_1275 = vector.shape_cast %add3A_1268 : vector<16xf32> to vector<1x1x16xf32>
        tpu.vector_store %arg8[%swap3A_1270, %swap3A_1271, %swap3A_1272], %swap3A_1275 {strides = array<i32>} : memref<4x32x768xf32, #tpu.memory_space<vmem>>, vector<1x1x16xf32>,
        %get3A_1276 = arith.constant 2 : i32
        %get3A_1277 = arith.index_cast %get3A_1276 : i32 to index
        %get3A_1278 = arith.index_cast %scan3A_1052 : i32 to index
        %get3A_1279 = arith.constant 256 : index
        %get3A_1280 = tpu.vector_load %arg8[%get3A_1277, %get3A_1278, %get3A_1279] {strides = array<i32>} : memref<4x32x768xf32, #tpu.memory_space<vmem>>, vector<1x1x16xf32>,
        %get3A_1281 = vector.shape_cast %get3A_1280 : vector<1x1x16xf32> to vector<16xf32>
        %add3A_1282 = arith.addf %get3A_1281, %get3A_671 : vector<16xf32>
        %swap3A_1283 = arith.constant 2 : i32
        %swap3A_1284 = arith.index_cast %swap3A_1283 : i32 to index
        %swap3A_1285 = arith.index_cast %scan3A_1052 : i32 to index
        %swap3A_1286 = arith.constant 256 : index
        %swap3A_1287 = tpu.vector_load %arg8[%swap3A_1284, %swap3A_1285, %swap3A_1286] {strides = array<i32>} : memref<4x32x768xf32, #tpu.memory_space<vmem>>, vector<1x1x16xf32>,
        %swap3A_1288 = vector.shape_cast %swap3A_1287 : vector<1x1x16xf32> to vector<16xf32>
        %swap3A_1289 = vector.shape_cast %add3A_1282 : vector<16xf32> to vector<1x1x16xf32>
        tpu.vector_store %arg8[%swap3A_1284, %swap3A_1285, %swap3A_1286], %swap3A_1289 {strides = array<i32>} : memref<4x32x768xf32, #tpu.memory_space<vmem>>, vector<1x1x16xf32>,
        %get3A_1290 = arith.constant 2 : i32
        %get3A_1291 = arith.index_cast %get3A_1290 : i32 to index
        %get3A_1292 = arith.index_cast %scan3A_1052 : i32 to index
        %get3A_1293 = arith.constant 272 : index
        %get3A_1294 = tpu.vector_load %arg8[%get3A_1291, %get3A_1292, %get3A_1293] {strides = array<i32>} : memref<4x32x768xf32, #tpu.memory_space<vmem>>, vector<1x1x16xf32>,
        %get3A_1295 = vector.shape_cast %get3A_1294 : vector<1x1x16xf32> to vector<16xf32>
        %add3A_1296 = arith.addf %get3A_1295, %get3A_675 : vector<16xf32>
        %swap3A_1297 = arith.constant 2 : i32
        %swap3A_1298 = arith.index_cast %swap3A_1297 : i32 to index
        %swap3A_1299 = arith.index_cast %scan3A_1052 : i32 to index
        %swap3A_1300 = arith.constant 272 : index
        %swap3A_1301 = tpu.vector_load %arg8[%swap3A_1298, %swap3A_1299, %swap3A_1300] {strides = array<i32>} : memref<4x32x768xf32, #tpu.memory_space<vmem>>, vector<1x1x16xf32>,
        %swap3A_1302 = vector.shape_cast %swap3A_1301 : vector<1x1x16xf32> to vector<16xf32>
        %swap3A_1303 = vector.shape_cast %add3A_1296 : vector<16xf32> to vector<1x1x16xf32>
        tpu.vector_store %arg8[%swap3A_1298, %swap3A_1299, %swap3A_1300], %swap3A_1303 {strides = array<i32>} : memref<4x32x768xf32, #tpu.memory_space<vmem>>, vector<1x1x16xf32>,
        %get3A_1304 = arith.constant 2 : i32
        %get3A_1305 = arith.index_cast %get3A_1304 : i32 to index
        %get3A_1306 = arith.index_cast %scan3A_1052 : i32 to index
        %get3A_1307 = arith.constant 288 : index
        %get3A_1308 = tpu.vector_load %arg8[%get3A_1305, %get3A_1306, %get3A_1307] {strides = array<i32>} : memref<4x32x768xf32, #tpu.memory_space<vmem>>, vector<1x1x16xf32>,
        %get3A_1309 = vector.shape_cast %get3A_1308 : vector<1x1x16xf32> to vector<16xf32>
        %add3A_1310 = arith.addf %get3A_1309, %get3A_679 : vector<16xf32>
        %swap3A_1311 = arith.constant 2 : i32
        %swap3A_1312 = arith.index_cast %swap3A_1311 : i32 to index
        %swap3A_1313 = arith.index_cast %scan3A_1052 : i32 to index
        %swap3A_1314 = arith.constant 288 : index
        %swap3A_1315 = tpu.vector_load %arg8[%swap3A_1312, %swap3A_1313, %swap3A_1314] {strides = array<i32>} : memref<4x32x768xf32, #tpu.memory_space<vmem>>, vector<1x1x16xf32>,
        %swap3A_1316 = vector.shape_cast %swap3A_1315 : vector<1x1x16xf32> to vector<16xf32>
        %swap3A_1317 = vector.shape_cast %add3A_1310 : vector<16xf32> to vector<1x1x16xf32>
        tpu.vector_store %arg8[%swap3A_1312, %swap3A_1313, %swap3A_1314], %swap3A_1317 {strides = array<i32>} : memref<4x32x768xf32, #tpu.memory_space<vmem>>, vector<1x1x16xf32>,
        %get3A_1318 = arith.constant 2 : i32
        %get3A_1319 = arith.index_cast %get3A_1318 : i32 to index
        %get3A_1320 = arith.index_cast %scan3A_1052 : i32 to index
        %get3A_1321 = arith.constant 304 : index
        %get3A_1322 = tpu.vector_load %arg8[%get3A_1319, %get3A_1320, %get3A_1321] {strides = array<i32>} : memref<4x32x768xf32, #tpu.memory_space<vmem>>, vector<1x1x16xf32>,
        %get3A_1323 = vector.shape_cast %get3A_1322 : vector<1x1x16xf32> to vector<16xf32>
        %add3A_1324 = arith.addf %get3A_1323, %get3A_683 : vector<16xf32>
        %swap3A_1325 = arith.constant 2 : i32
        %swap3A_1326 = arith.index_cast %swap3A_1325 : i32 to index
        %swap3A_1327 = arith.index_cast %scan3A_1052 : i32 to index
        %swap3A_1328 = arith.constant 304 : index
        %swap3A_1329 = tpu.vector_load %arg8[%swap3A_1326, %swap3A_1327, %swap3A_1328] {strides = array<i32>} : memref<4x32x768xf32, #tpu.memory_space<vmem>>, vector<1x1x16xf32>,
        %swap3A_1330 = vector.shape_cast %swap3A_1329 : vector<1x1x16xf32> to vector<16xf32>
        %swap3A_1331 = vector.shape_cast %add3A_1324 : vector<16xf32> to vector<1x1x16xf32>
        tpu.vector_store %arg8[%swap3A_1326, %swap3A_1327, %swap3A_1328], %swap3A_1331 {strides = array<i32>} : memref<4x32x768xf32, #tpu.memory_space<vmem>>, vector<1x1x16xf32>,
        %get3A_1332 = arith.constant 2 : i32
        %get3A_1333 = arith.index_cast %get3A_1332 : i32 to index
        %get3A_1334 = arith.index_cast %scan3A_1052 : i32 to index
        %get3A_1335 = arith.constant 320 : index
        %get3A_1336 = tpu.vector_load %arg8[%get3A_1333, %get3A_1334, %get3A_1335] {strides = array<i32>} : memref<4x32x768xf32, #tpu.memory_space<vmem>>, vector<1x1x16xf32>,
        %get3A_1337 = vector.shape_cast %get3A_1336 : vector<1x1x16xf32> to vector<16xf32>
        %add3A_1338 = arith.addf %get3A_1337, %get3A_687 : vector<16xf32>
        %swap3A_1339 = arith.constant 2 : i32
        %swap3A_1340 = arith.index_cast %swap3A_1339 : i32 to index
        %swap3A_1341 = arith.index_cast %scan3A_1052 : i32 to index
        %swap3A_1342 = arith.constant 320 : index
        %swap3A_1343 = tpu.vector_load %arg8[%swap3A_1340, %swap3A_1341, %swap3A_1342] {strides = array<i32>} : memref<4x32x768xf32, #tpu.memory_space<vmem>>, vector<1x1x16xf32>,
        %swap3A_1344 = vector.shape_cast %swap3A_1343 : vector<1x1x16xf32> to vector<16xf32>
        %swap3A_1345 = vector.shape_cast %add3A_1338 : vector<16xf32> to vector<1x1x16xf32>
        tpu.vector_store %arg8[%swap3A_1340, %swap3A_1341, %swap3A_1342], %swap3A_1345 {strides = array<i32>} : memref<4x32x768xf32, #tpu.memory_space<vmem>>, vector<1x1x16xf32>,
        %get3A_1346 = arith.constant 2 : i32
        %get3A_1347 = arith.index_cast %get3A_1346 : i32 to index
        %get3A_1348 = arith.index_cast %scan3A_1052 : i32 to index
        %get3A_1349 = arith.constant 336 : index
        %get3A_1350 = tpu.vector_load %arg8[%get3A_1347, %get3A_1348, %get3A_1349] {strides = array<i32>} : memref<4x32x768xf32, #tpu.memory_space<vmem>>, vector<1x1x16xf32>,
        %get3A_1351 = vector.shape_cast %get3A_1350 : vector<1x1x16xf32> to vector<16xf32>
        %add3A_1352 = arith.addf %get3A_1351, %get3A_691 : vector<16xf32>
        %swap3A_1353 = arith.constant 2 : i32
        %swap3A_1354 = arith.index_cast %swap3A_1353 : i32 to index
        %swap3A_1355 = arith.index_cast %scan3A_1052 : i32 to index
        %swap3A_1356 = arith.constant 336 : index
        %swap3A_1357 = tpu.vector_load %arg8[%swap3A_1354, %swap3A_1355, %swap3A_1356] {strides = array<i32>} : memref<4x32x768xf32, #tpu.memory_space<vmem>>, vector<1x1x16xf32>,
        %swap3A_1358 = vector.shape_cast %swap3A_1357 : vector<1x1x16xf32> to vector<16xf32>
        %swap3A_1359 = vector.shape_cast %add3A_1352 : vector<16xf32> to vector<1x1x16xf32>
        tpu.vector_store %arg8[%swap3A_1354, %swap3A_1355, %swap3A_1356], %swap3A_1359 {strides = array<i32>} : memref<4x32x768xf32, #tpu.memory_space<vmem>>, vector<1x1x16xf32>,
        %get3A_1360 = arith.constant 2 : i32
        %get3A_1361 = arith.index_cast %get3A_1360 : i32 to index
        %get3A_1362 = arith.index_cast %scan3A_1052 : i32 to index
        %get3A_1363 = arith.constant 352 : index
        %get3A_1364 = tpu.vector_load %arg8[%get3A_1361, %get3A_1362, %get3A_1363] {strides = array<i32>} : memref<4x32x768xf32, #tpu.memory_space<vmem>>, vector<1x1x16xf32>,
        %get3A_1365 = vector.shape_cast %get3A_1364 : vector<1x1x16xf32> to vector<16xf32>
        %add3A_1366 = arith.addf %get3A_1365, %get3A_695 : vector<16xf32>
        %swap3A_1367 = arith.constant 2 : i32
        %swap3A_1368 = arith.index_cast %swap3A_1367 : i32 to index
        %swap3A_1369 = arith.index_cast %scan3A_1052 : i32 to index
        %swap3A_1370 = arith.constant 352 : index
        %swap3A_1371 = tpu.vector_load %arg8[%swap3A_1368, %swap3A_1369, %swap3A_1370] {strides = array<i32>} : memref<4x32x768xf32, #tpu.memory_space<vmem>>, vector<1x1x16xf32>,
        %swap3A_1372 = vector.shape_cast %swap3A_1371 : vector<1x1x16xf32> to vector<16xf32>
        %swap3A_1373 = vector.shape_cast %add3A_1366 : vector<16xf32> to vector<1x1x16xf32>
        tpu.vector_store %arg8[%swap3A_1368, %swap3A_1369, %swap3A_1370], %swap3A_1373 {strides = array<i32>} : memref<4x32x768xf32, #tpu.memory_space<vmem>>, vector<1x1x16xf32>,
        %get3A_1374 = arith.constant 2 : i32
        %get3A_1375 = arith.index_cast %get3A_1374 : i32 to index
        %get3A_1376 = arith.index_cast %scan3A_1052 : i32 to index
        %get3A_1377 = arith.constant 368 : index
        %get3A_1378 = tpu.vector_load %arg8[%get3A_1375, %get3A_1376, %get3A_1377] {strides = array<i32>} : memref<4x32x768xf32, #tpu.memory_space<vmem>>, vector<1x1x16xf32>,
        %get3A_1379 = vector.shape_cast %get3A_1378 : vector<1x1x16xf32> to vector<16xf32>
        %add3A_1380 = arith.addf %get3A_1379, %get3A_699 : vector<16xf32>
        %swap3A_1381 = arith.constant 2 : i32
        %swap3A_1382 = arith.index_cast %swap3A_1381 : i32 to index
        %swap3A_1383 = arith.index_cast %scan3A_1052 : i32 to index
        %swap3A_1384 = arith.constant 368 : index
        %swap3A_1385 = tpu.vector_load %arg8[%swap3A_1382, %swap3A_1383, %swap3A_1384] {strides = array<i32>} : memref<4x32x768xf32, #tpu.memory_space<vmem>>, vector<1x1x16xf32>,
        %swap3A_1386 = vector.shape_cast %swap3A_1385 : vector<1x1x16xf32> to vector<16xf32>
        %swap3A_1387 = vector.shape_cast %add3A_1380 : vector<16xf32> to vector<1x1x16xf32>
        tpu.vector_store %arg8[%swap3A_1382, %swap3A_1383, %swap3A_1384], %swap3A_1387 {strides = array<i32>} : memref<4x32x768xf32, #tpu.memory_space<vmem>>, vector<1x1x16xf32>,
        %get3A_1388 = arith.constant 2 : i32
        %get3A_1389 = arith.index_cast %get3A_1388 : i32 to index
        %get3A_1390 = arith.index_cast %scan3A_1052 : i32 to index
        %get3A_1391 = arith.constant 384 : index
        %get3A_1392 = tpu.vector_load %arg8[%get3A_1389, %get3A_1390, %get3A_1391] {strides = array<i32>} : memref<4x32x768xf32, #tpu.memory_space<vmem>>, vector<1x1x16xf32>,
        %get3A_1393 = vector.shape_cast %get3A_1392 : vector<1x1x16xf32> to vector<16xf32>
        %add3A_1394 = arith.addf %get3A_1393, %get3A_703 : vector<16xf32>
        %swap3A_1395 = arith.constant 2 : i32
        %swap3A_1396 = arith.index_cast %swap3A_1395 : i32 to index
        %swap3A_1397 = arith.index_cast %scan3A_1052 : i32 to index
        %swap3A_1398 = arith.constant 384 : index
        %swap3A_1399 = tpu.vector_load %arg8[%swap3A_1396, %swap3A_1397, %swap3A_1398] {strides = array<i32>} : memref<4x32x768xf32, #tpu.memory_space<vmem>>, vector<1x1x16xf32>,
        %swap3A_1400 = vector.shape_cast %swap3A_1399 : vector<1x1x16xf32> to vector<16xf32>
        %swap3A_1401 = vector.shape_cast %add3A_1394 : vector<16xf32> to vector<1x1x16xf32>
        tpu.vector_store %arg8[%swap3A_1396, %swap3A_1397, %swap3A_1398], %swap3A_1401 {strides = array<i32>} : memref<4x32x768xf32, #tpu.memory_space<vmem>>, vector<1x1x16xf32>,
        %get3A_1402 = arith.constant 2 : i32
        %get3A_1403 = arith.index_cast %get3A_1402 : i32 to index
        %get3A_1404 = arith.index_cast %scan3A_1052 : i32 to index
        %get3A_1405 = arith.constant 400 : index
        %get3A_1406 = tpu.vector_load %arg8[%get3A_1403, %get3A_1404, %get3A_1405] {strides = array<i32>} : memref<4x32x768xf32, #tpu.memory_space<vmem>>, vector<1x1x16xf32>,
        %get3A_1407 = vector.shape_cast %get3A_1406 : vector<1x1x16xf32> to vector<16xf32>
        %add3A_1408 = arith.addf %get3A_1407, %get3A_707 : vector<16xf32>
        %swap3A_1409 = arith.constant 2 : i32
        %swap3A_1410 = arith.index_cast %swap3A_1409 : i32 to index
        %swap3A_1411 = arith.index_cast %scan3A_1052 : i32 to index
        %swap3A_1412 = arith.constant 400 : index
        %swap3A_1413 = tpu.vector_load %arg8[%swap3A_1410, %swap3A_1411, %swap3A_1412] {strides = array<i32>} : memref<4x32x768xf32, #tpu.memory_space<vmem>>, vector<1x1x16xf32>,
        %swap3A_1414 = vector.shape_cast %swap3A_1413 : vector<1x1x16xf32> to vector<16xf32>
        %swap3A_1415 = vector.shape_cast %add3A_1408 : vector<16xf32> to vector<1x1x16xf32>
        tpu.vector_store %arg8[%swap3A_1410, %swap3A_1411, %swap3A_1412], %swap3A_1415 {strides = array<i32>} : memref<4x32x768xf32, #tpu.memory_space<vmem>>, vector<1x1x16xf32>,
        %get3A_1416 = arith.constant 2 : i32
        %get3A_1417 = arith.index_cast %get3A_1416 : i32 to index
        %get3A_1418 = arith.index_cast %scan3A_1052 : i32 to index
        %get3A_1419 = arith.constant 416 : index
        %get3A_1420 = tpu.vector_load %arg8[%get3A_1417, %get3A_1418, %get3A_1419] {strides = array<i32>} : memref<4x32x768xf32, #tpu.memory_space<vmem>>, vector<1x1x16xf32>,
        %get3A_1421 = vector.shape_cast %get3A_1420 : vector<1x1x16xf32> to vector<16xf32>
        %add3A_1422 = arith.addf %get3A_1421, %get3A_711 : vector<16xf32>
        %swap3A_1423 = arith.constant 2 : i32
        %swap3A_1424 = arith.index_cast %swap3A_1423 : i32 to index
        %swap3A_1425 = arith.index_cast %scan3A_1052 : i32 to index
        %swap3A_1426 = arith.constant 416 : index
        %swap3A_1427 = tpu.vector_load %arg8[%swap3A_1424, %swap3A_1425, %swap3A_1426] {strides = array<i32>} : memref<4x32x768xf32, #tpu.memory_space<vmem>>, vector<1x1x16xf32>,
        %swap3A_1428 = vector.shape_cast %swap3A_1427 : vector<1x1x16xf32> to vector<16xf32>
        %swap3A_1429 = vector.shape_cast %add3A_1422 : vector<16xf32> to vector<1x1x16xf32>
        tpu.vector_store %arg8[%swap3A_1424, %swap3A_1425, %swap3A_1426], %swap3A_1429 {strides = array<i32>} : memref<4x32x768xf32, #tpu.memory_space<vmem>>, vector<1x1x16xf32>,
        %get3A_1430 = arith.constant 2 : i32
        %get3A_1431 = arith.index_cast %get3A_1430 : i32 to index
        %get3A_1432 = arith.index_cast %scan3A_1052 : i32 to index
        %get3A_1433 = arith.constant 432 : index
        %get3A_1434 = tpu.vector_load %arg8[%get3A_1431, %get3A_1432, %get3A_1433] {strides = array<i32>} : memref<4x32x768xf32, #tpu.memory_space<vmem>>, vector<1x1x16xf32>,
        %get3A_1435 = vector.shape_cast %get3A_1434 : vector<1x1x16xf32> to vector<16xf32>
        %add3A_1436 = arith.addf %get3A_1435, %get3A_715 : vector<16xf32>
        %swap3A_1437 = arith.constant 2 : i32
        %swap3A_1438 = arith.index_cast %swap3A_1437 : i32 to index
        %swap3A_1439 = arith.index_cast %scan3A_1052 : i32 to index
        %swap3A_1440 = arith.constant 432 : index
        %swap3A_1441 = tpu.vector_load %arg8[%swap3A_1438, %swap3A_1439, %swap3A_1440] {strides = array<i32>} : memref<4x32x768xf32, #tpu.memory_space<vmem>>, vector<1x1x16xf32>,
        %swap3A_1442 = vector.shape_cast %swap3A_1441 : vector<1x1x16xf32> to vector<16xf32>
        %swap3A_1443 = vector.shape_cast %add3A_1436 : vector<16xf32> to vector<1x1x16xf32>
        tpu.vector_store %arg8[%swap3A_1438, %swap3A_1439, %swap3A_1440], %swap3A_1443 {strides = array<i32>} : memref<4x32x768xf32, #tpu.memory_space<vmem>>, vector<1x1x16xf32>,
        %get3A_1444 = arith.constant 2 : i32
        %get3A_1445 = arith.index_cast %get3A_1444 : i32 to index
        %get3A_1446 = arith.index_cast %scan3A_1052 : i32 to index
        %get3A_1447 = arith.constant 448 : index
        %get3A_1448 = tpu.vector_load %arg8[%get3A_1445, %get3A_1446, %get3A_1447] {strides = array<i32>} : memref<4x32x768xf32, #tpu.memory_space<vmem>>, vector<1x1x16xf32>,
        %get3A_1449 = vector.shape_cast %get3A_1448 : vector<1x1x16xf32> to vector<16xf32>
        %add3A_1450 = arith.addf %get3A_1449, %get3A_719 : vector<16xf32>
        %swap3A_1451 = arith.constant 2 : i32
        %swap3A_1452 = arith.index_cast %swap3A_1451 : i32 to index
        %swap3A_1453 = arith.index_cast %scan3A_1052 : i32 to index
        %swap3A_1454 = arith.constant 448 : index
        %swap3A_1455 = tpu.vector_load %arg8[%swap3A_1452, %swap3A_1453, %swap3A_1454] {strides = array<i32>} : memref<4x32x768xf32, #tpu.memory_space<vmem>>, vector<1x1x16xf32>,
        %swap3A_1456 = vector.shape_cast %swap3A_1455 : vector<1x1x16xf32> to vector<16xf32>
        %swap3A_1457 = vector.shape_cast %add3A_1450 : vector<16xf32> to vector<1x1x16xf32>
        tpu.vector_store %arg8[%swap3A_1452, %swap3A_1453, %swap3A_1454], %swap3A_1457 {strides = array<i32>} : memref<4x32x768xf32, #tpu.memory_space<vmem>>, vector<1x1x16xf32>,
        %get3A_1458 = arith.constant 2 : i32
        %get3A_1459 = arith.index_cast %get3A_1458 : i32 to index
        %get3A_1460 = arith.index_cast %scan3A_1052 : i32 to index
        %get3A_1461 = arith.constant 464 : index
        %get3A_1462 = tpu.vector_load %arg8[%get3A_1459, %get3A_1460, %get3A_1461] {strides = array<i32>} : memref<4x32x768xf32, #tpu.memory_space<vmem>>, vector<1x1x16xf32>,
        %get3A_1463 = vector.shape_cast %get3A_1462 : vector<1x1x16xf32> to vector<16xf32>
        %add3A_1464 = arith.addf %get3A_1463, %get3A_723 : vector<16xf32>
        %swap3A_1465 = arith.constant 2 : i32
        %swap3A_1466 = arith.index_cast %swap3A_1465 : i32 to index
        %swap3A_1467 = arith.index_cast %scan3A_1052 : i32 to index
        %swap3A_1468 = arith.constant 464 : index
        %swap3A_1469 = tpu.vector_load %arg8[%swap3A_1466, %swap3A_1467, %swap3A_1468] {strides = array<i32>} : memref<4x32x768xf32, #tpu.memory_space<vmem>>, vector<1x1x16xf32>,
        %swap3A_1470 = vector.shape_cast %swap3A_1469 : vector<1x1x16xf32> to vector<16xf32>
        %swap3A_1471 = vector.shape_cast %add3A_1464 : vector<16xf32> to vector<1x1x16xf32>
        tpu.vector_store %arg8[%swap3A_1466, %swap3A_1467, %swap3A_1468], %swap3A_1471 {strides = array<i32>} : memref<4x32x768xf32, #tpu.memory_space<vmem>>, vector<1x1x16xf32>,
        %get3A_1472 = arith.constant 2 : i32
        %get3A_1473 = arith.index_cast %get3A_1472 : i32 to index
        %get3A_1474 = arith.index_cast %scan3A_1052 : i32 to index
        %get3A_1475 = arith.constant 480 : index
        %get3A_1476 = tpu.vector_load %arg8[%get3A_1473, %get3A_1474, %get3A_1475] {strides = array<i32>} : memref<4x32x768xf32, #tpu.memory_space<vmem>>, vector<1x1x16xf32>,
        %get3A_1477 = vector.shape_cast %get3A_1476 : vector<1x1x16xf32> to vector<16xf32>
        %add3A_1478 = arith.addf %get3A_1477, %get3A_727 : vector<16xf32>
        %swap3A_1479 = arith.constant 2 : i32
        %swap3A_1480 = arith.index_cast %swap3A_1479 : i32 to index
        %swap3A_1481 = arith.index_cast %scan3A_1052 : i32 to index
        %swap3A_1482 = arith.constant 480 : index
        %swap3A_1483 = tpu.vector_load %arg8[%swap3A_1480, %swap3A_1481, %swap3A_1482] {strides = array<i32>} : memref<4x32x768xf32, #tpu.memory_space<vmem>>, vector<1x1x16xf32>,
        %swap3A_1484 = vector.shape_cast %swap3A_1483 : vector<1x1x16xf32> to vector<16xf32>
        %swap3A_1485 = vector.shape_cast %add3A_1478 : vector<16xf32> to vector<1x1x16xf32>
        tpu.vector_store %arg8[%swap3A_1480, %swap3A_1481, %swap3A_1482], %swap3A_1485 {strides = array<i32>} : memref<4x32x768xf32, #tpu.memory_space<vmem>>, vector<1x1x16xf32>,
        %get3A_1486 = arith.constant 2 : i32
        %get3A_1487 = arith.index_cast %get3A_1486 : i32 to index
        %get3A_1488 = arith.index_cast %scan3A_1052 : i32 to index
        %get3A_1489 = arith.constant 496 : index
        %get3A_1490 = tpu.vector_load %arg8[%get3A_1487, %get3A_1488, %get3A_1489] {strides = array<i32>} : memref<4x32x768xf32, #tpu.memory_space<vmem>>, vector<1x1x16xf32>,
        %get3A_1491 = vector.shape_cast %get3A_1490 : vector<1x1x16xf32> to vector<16xf32>
        %add3A_1492 = arith.addf %get3A_1491, %get3A_731 : vector<16xf32>
        %swap3A_1493 = arith.constant 2 : i32
        %swap3A_1494 = arith.index_cast %swap3A_1493 : i32 to index
        %swap3A_1495 = arith.index_cast %scan3A_1052 : i32 to index
        %swap3A_1496 = arith.constant 496 : index
        %swap3A_1497 = tpu.vector_load %arg8[%swap3A_1494, %swap3A_1495, %swap3A_1496] {strides = array<i32>} : memref<4x32x768xf32, #tpu.memory_space<vmem>>, vector<1x1x16xf32>,
        %swap3A_1498 = vector.shape_cast %swap3A_1497 : vector<1x1x16xf32> to vector<16xf32>
        %swap3A_1499 = vector.shape_cast %add3A_1492 : vector<16xf32> to vector<1x1x16xf32>
        tpu.vector_store %arg8[%swap3A_1494, %swap3A_1495, %swap3A_1496], %swap3A_1499 {strides = array<i32>} : memref<4x32x768xf32, #tpu.memory_space<vmem>>, vector<1x1x16xf32>,
        %get3A_1500 = arith.constant 2 : i32
        %get3A_1501 = arith.index_cast %get3A_1500 : i32 to index
        %get3A_1502 = arith.index_cast %scan3A_1052 : i32 to index
        %get3A_1503 = arith.constant 512 : index
        %get3A_1504 = tpu.vector_load %arg8[%get3A_1501, %get3A_1502, %get3A_1503] {strides = array<i32>} : memref<4x32x768xf32, #tpu.memory_space<vmem>>, vector<1x1x16xf32>,
        %get3A_1505 = vector.shape_cast %get3A_1504 : vector<1x1x16xf32> to vector<16xf32>
        %add3A_1506 = arith.addf %get3A_1505, %get3A_735 : vector<16xf32>
        %swap3A_1507 = arith.constant 2 : i32
        %swap3A_1508 = arith.index_cast %swap3A_1507 : i32 to index
        %swap3A_1509 = arith.index_cast %scan3A_1052 : i32 to index
        %swap3A_1510 = arith.constant 512 : index
        %swap3A_1511 = tpu.vector_load %arg8[%swap3A_1508, %swap3A_1509, %swap3A_1510] {strides = array<i32>} : memref<4x32x768xf32, #tpu.memory_space<vmem>>, vector<1x1x16xf32>,
        %swap3A_1512 = vector.shape_cast %swap3A_1511 : vector<1x1x16xf32> to vector<16xf32>
        %swap3A_1513 = vector.shape_cast %add3A_1506 : vector<16xf32> to vector<1x1x16xf32>
        tpu.vector_store %arg8[%swap3A_1508, %swap3A_1509, %swap3A_1510], %swap3A_1513 {strides = array<i32>} : memref<4x32x768xf32, #tpu.memory_space<vmem>>, vector<1x1x16xf32>,
        %get3A_1514 = arith.constant 2 : i32
        %get3A_1515 = arith.index_cast %get3A_1514 : i32 to index
        %get3A_1516 = arith.index_cast %scan3A_1052 : i32 to index
        %get3A_1517 = arith.constant 528 : index
        %get3A_1518 = tpu.vector_load %arg8[%get3A_1515, %get3A_1516, %get3A_1517] {strides = array<i32>} : memref<4x32x768xf32, #tpu.memory_space<vmem>>, vector<1x1x16xf32>,
        %get3A_1519 = vector.shape_cast %get3A_1518 : vector<1x1x16xf32> to vector<16xf32>
        %add3A_1520 = arith.addf %get3A_1519, %get3A_739 : vector<16xf32>
        %swap3A_1521 = arith.constant 2 : i32
        %swap3A_1522 = arith.index_cast %swap3A_1521 : i32 to index
        %swap3A_1523 = arith.index_cast %scan3A_1052 : i32 to index
        %swap3A_1524 = arith.constant 528 : index
        %swap3A_1525 = tpu.vector_load %arg8[%swap3A_1522, %swap3A_1523, %swap3A_1524] {strides = array<i32>} : memref<4x32x768xf32, #tpu.memory_space<vmem>>, vector<1x1x16xf32>,
        %swap3A_1526 = vector.shape_cast %swap3A_1525 : vector<1x1x16xf32> to vector<16xf32>
        %swap3A_1527 = vector.shape_cast %add3A_1520 : vector<16xf32> to vector<1x1x16xf32>
        tpu.vector_store %arg8[%swap3A_1522, %swap3A_1523, %swap3A_1524], %swap3A_1527 {strides = array<i32>} : memref<4x32x768xf32, #tpu.memory_space<vmem>>, vector<1x1x16xf32>,
        %get3A_1528 = arith.constant 2 : i32
        %get3A_1529 = arith.index_cast %get3A_1528 : i32 to index
        %get3A_1530 = arith.index_cast %scan3A_1052 : i32 to index
        %get3A_1531 = arith.constant 544 : index
        %get3A_1532 = tpu.vector_load %arg8[%get3A_1529, %get3A_1530, %get3A_1531] {strides = array<i32>} : memref<4x32x768xf32, #tpu.memory_space<vmem>>, vector<1x1x16xf32>,
        %get3A_1533 = vector.shape_cast %get3A_1532 : vector<1x1x16xf32> to vector<16xf32>
        %add3A_1534 = arith.addf %get3A_1533, %get3A_743 : vector<16xf32>
        %swap3A_1535 = arith.constant 2 : i32
        %swap3A_1536 = arith.index_cast %swap3A_1535 : i32 to index
        %swap3A_1537 = arith.index_cast %scan3A_1052 : i32 to index
        %swap3A_1538 = arith.constant 544 : index
        %swap3A_1539 = tpu.vector_load %arg8[%swap3A_1536, %swap3A_1537, %swap3A_1538] {strides = array<i32>} : memref<4x32x768xf32, #tpu.memory_space<vmem>>, vector<1x1x16xf32>,
        %swap3A_1540 = vector.shape_cast %swap3A_1539 : vector<1x1x16xf32> to vector<16xf32>
        %swap3A_1541 = vector.shape_cast %add3A_1534 : vector<16xf32> to vector<1x1x16xf32>
        tpu.vector_store %arg8[%swap3A_1536, %swap3A_1537, %swap3A_1538], %swap3A_1541 {strides = array<i32>} : memref<4x32x768xf32, #tpu.memory_space<vmem>>, vector<1x1x16xf32>,
        %get3A_1542 = arith.constant 2 : i32
        %get3A_1543 = arith.index_cast %get3A_1542 : i32 to index
        %get3A_1544 = arith.index_cast %scan3A_1052 : i32 to index
        %get3A_1545 = arith.constant 560 : index
        %get3A_1546 = tpu.vector_load %arg8[%get3A_1543, %get3A_1544, %get3A_1545] {strides = array<i32>} : memref<4x32x768xf32, #tpu.memory_space<vmem>>, vector<1x1x16xf32>,
        %get3A_1547 = vector.shape_cast %get3A_1546 : vector<1x1x16xf32> to vector<16xf32>
        %add3A_1548 = arith.addf %get3A_1547, %get3A_747 : vector<16xf32>
        %swap3A_1549 = arith.constant 2 : i32
        %swap3A_1550 = arith.index_cast %swap3A_1549 : i32 to index
        %swap3A_1551 = arith.index_cast %scan3A_1052 : i32 to index
        %swap3A_1552 = arith.constant 560 : index
        %swap3A_1553 = tpu.vector_load %arg8[%swap3A_1550, %swap3A_1551, %swap3A_1552] {strides = array<i32>} : memref<4x32x768xf32, #tpu.memory_space<vmem>>, vector<1x1x16xf32>,
        %swap3A_1554 = vector.shape_cast %swap3A_1553 : vector<1x1x16xf32> to vector<16xf32>
        %swap3A_1555 = vector.shape_cast %add3A_1548 : vector<16xf32> to vector<1x1x16xf32>
        tpu.vector_store %arg8[%swap3A_1550, %swap3A_1551, %swap3A_1552], %swap3A_1555 {strides = array<i32>} : memref<4x32x768xf32, #tpu.memory_space<vmem>>, vector<1x1x16xf32>,
        %get3A_1556 = arith.constant 2 : i32
        %get3A_1557 = arith.index_cast %get3A_1556 : i32 to index
        %get3A_1558 = arith.index_cast %scan3A_1052 : i32 to index
        %get3A_1559 = arith.constant 576 : index
        %get3A_1560 = tpu.vector_load %arg8[%get3A_1557, %get3A_1558, %get3A_1559] {strides = array<i32>} : memref<4x32x768xf32, #tpu.memory_space<vmem>>, vector<1x1x16xf32>,
        %get3A_1561 = vector.shape_cast %get3A_1560 : vector<1x1x16xf32> to vector<16xf32>
        %add3A_1562 = arith.addf %get3A_1561, %get3A_751 : vector<16xf32>
        %swap3A_1563 = arith.constant 2 : i32
        %swap3A_1564 = arith.index_cast %swap3A_1563 : i32 to index
        %swap3A_1565 = arith.index_cast %scan3A_1052 : i32 to index
        %swap3A_1566 = arith.constant 576 : index
        %swap3A_1567 = tpu.vector_load %arg8[%swap3A_1564, %swap3A_1565, %swap3A_1566] {strides = array<i32>} : memref<4x32x768xf32, #tpu.memory_space<vmem>>, vector<1x1x16xf32>,
        %swap3A_1568 = vector.shape_cast %swap3A_1567 : vector<1x1x16xf32> to vector<16xf32>
        %swap3A_1569 = vector.shape_cast %add3A_1562 : vector<16xf32> to vector<1x1x16xf32>
        tpu.vector_store %arg8[%swap3A_1564, %swap3A_1565, %swap3A_1566], %swap3A_1569 {strides = array<i32>} : memref<4x32x768xf32, #tpu.memory_space<vmem>>, vector<1x1x16xf32>,
        %get3A_1570 = arith.constant 2 : i32
        %get3A_1571 = arith.index_cast %get3A_1570 : i32 to index
        %get3A_1572 = arith.index_cast %scan3A_1052 : i32 to index
        %get3A_1573 = arith.constant 592 : index
        %get3A_1574 = tpu.vector_load %arg8[%get3A_1571, %get3A_1572, %get3A_1573] {strides = array<i32>} : memref<4x32x768xf32, #tpu.memory_space<vmem>>, vector<1x1x16xf32>,
        %get3A_1575 = vector.shape_cast %get3A_1574 : vector<1x1x16xf32> to vector<16xf32>
        %add3A_1576 = arith.addf %get3A_1575, %get3A_755 : vector<16xf32>
        %swap3A_1577 = arith.constant 2 : i32
        %swap3A_1578 = arith.index_cast %swap3A_1577 : i32 to index
        %swap3A_1579 = arith.index_cast %scan3A_1052 : i32 to index
        %swap3A_1580 = arith.constant 592 : index
        %swap3A_1581 = tpu.vector_load %arg8[%swap3A_1578, %swap3A_1579, %swap3A_1580] {strides = array<i32>} : memref<4x32x768xf32, #tpu.memory_space<vmem>>, vector<1x1x16xf32>,
        %swap3A_1582 = vector.shape_cast %swap3A_1581 : vector<1x1x16xf32> to vector<16xf32>
        %swap3A_1583 = vector.shape_cast %add3A_1576 : vector<16xf32> to vector<1x1x16xf32>
        tpu.vector_store %arg8[%swap3A_1578, %swap3A_1579, %swap3A_1580], %swap3A_1583 {strides = array<i32>} : memref<4x32x768xf32, #tpu.memory_space<vmem>>, vector<1x1x16xf32>,
        %get3A_1584 = arith.constant 2 : i32
        %get3A_1585 = arith.index_cast %get3A_1584 : i32 to index
        %get3A_1586 = arith.index_cast %scan3A_1052 : i32 to index
        %get3A_1587 = arith.constant 608 : index
        %get3A_1588 = tpu.vector_load %arg8[%get3A_1585, %get3A_1586, %get3A_1587] {strides = array<i32>} : memref<4x32x768xf32, #tpu.memory_space<vmem>>, vector<1x1x16xf32>,
        %get3A_1589 = vector.shape_cast %get3A_1588 : vector<1x1x16xf32> to vector<16xf32>
        %add3A_1590 = arith.addf %get3A_1589, %get3A_759 : vector<16xf32>
        %swap3A_1591 = arith.constant 2 : i32
        %swap3A_1592 = arith.index_cast %swap3A_1591 : i32 to index
        %swap3A_1593 = arith.index_cast %scan3A_1052 : i32 to index
        %swap3A_1594 = arith.constant 608 : index
        %swap3A_1595 = tpu.vector_load %arg8[%swap3A_1592, %swap3A_1593, %swap3A_1594] {strides = array<i32>} : memref<4x32x768xf32, #tpu.memory_space<vmem>>, vector<1x1x16xf32>,
        %swap3A_1596 = vector.shape_cast %swap3A_1595 : vector<1x1x16xf32> to vector<16xf32>
        %swap3A_1597 = vector.shape_cast %add3A_1590 : vector<16xf32> to vector<1x1x16xf32>
        tpu.vector_store %arg8[%swap3A_1592, %swap3A_1593, %swap3A_1594], %swap3A_1597 {strides = array<i32>} : memref<4x32x768xf32, #tpu.memory_space<vmem>>, vector<1x1x16xf32>,
        %get3A_1598 = arith.constant 2 : i32
        %get3A_1599 = arith.index_cast %get3A_1598 : i32 to index
        %get3A_1600 = arith.index_cast %scan3A_1052 : i32 to index
        %get3A_1601 = arith.constant 624 : index
        %get3A_1602 = tpu.vector_load %arg8[%get3A_1599, %get3A_1600, %get3A_1601] {strides = array<i32>} : memref<4x32x768xf32, #tpu.memory_space<vmem>>, vector<1x1x16xf32>,
        %get3A_1603 = vector.shape_cast %get3A_1602 : vector<1x1x16xf32> to vector<16xf32>
        %add3A_1604 = arith.addf %get3A_1603, %get3A_763 : vector<16xf32>
        %swap3A_1605 = arith.constant 2 : i32
        %swap3A_1606 = arith.index_cast %swap3A_1605 : i32 to index
        %swap3A_1607 = arith.index_cast %scan3A_1052 : i32 to index
        %swap3A_1608 = arith.constant 624 : index
        %swap3A_1609 = tpu.vector_load %arg8[%swap3A_1606, %swap3A_1607, %swap3A_1608] {strides = array<i32>} : memref<4x32x768xf32, #tpu.memory_space<vmem>>, vector<1x1x16xf32>,
        %swap3A_1610 = vector.shape_cast %swap3A_1609 : vector<1x1x16xf32> to vector<16xf32>
        %swap3A_1611 = vector.shape_cast %add3A_1604 : vector<16xf32> to vector<1x1x16xf32>
        tpu.vector_store %arg8[%swap3A_1606, %swap3A_1607, %swap3A_1608], %swap3A_1611 {strides = array<i32>} : memref<4x32x768xf32, #tpu.memory_space<vmem>>, vector<1x1x16xf32>,
        %get3A_1612 = arith.constant 2 : i32
        %get3A_1613 = arith.index_cast %get3A_1612 : i32 to index
        %get3A_1614 = arith.index_cast %scan3A_1052 : i32 to index
        %get3A_1615 = arith.constant 640 : index
        %get3A_1616 = tpu.vector_load %arg8[%get3A_1613, %get3A_1614, %get3A_1615] {strides = array<i32>} : memref<4x32x768xf32, #tpu.memory_space<vmem>>, vector<1x1x16xf32>,
        %get3A_1617 = vector.shape_cast %get3A_1616 : vector<1x1x16xf32> to vector<16xf32>
        %add3A_1618 = arith.addf %get3A_1617, %get3A_767 : vector<16xf32>
        %swap3A_1619 = arith.constant 2 : i32
        %swap3A_1620 = arith.index_cast %swap3A_1619 : i32 to index
        %swap3A_1621 = arith.index_cast %scan3A_1052 : i32 to index
        %swap3A_1622 = arith.constant 640 : index
        %swap3A_1623 = tpu.vector_load %arg8[%swap3A_1620, %swap3A_1621, %swap3A_1622] {strides = array<i32>} : memref<4x32x768xf32, #tpu.memory_space<vmem>>, vector<1x1x16xf32>,
        %swap3A_1624 = vector.shape_cast %swap3A_1623 : vector<1x1x16xf32> to vector<16xf32>
        %swap3A_1625 = vector.shape_cast %add3A_1618 : vector<16xf32> to vector<1x1x16xf32>
        tpu.vector_store %arg8[%swap3A_1620, %swap3A_1621, %swap3A_1622], %swap3A_1625 {strides = array<i32>} : memref<4x32x768xf32, #tpu.memory_space<vmem>>, vector<1x1x16xf32>,
        %get3A_1626 = arith.constant 2 : i32
        %get3A_1627 = arith.index_cast %get3A_1626 : i32 to index
        %get3A_1628 = arith.index_cast %scan3A_1052 : i32 to index
        %get3A_1629 = arith.constant 656 : index
        %get3A_1630 = tpu.vector_load %arg8[%get3A_1627, %get3A_1628, %get3A_1629] {strides = array<i32>} : memref<4x32x768xf32, #tpu.memory_space<vmem>>, vector<1x1x16xf32>,
        %get3A_1631 = vector.shape_cast %get3A_1630 : vector<1x1x16xf32> to vector<16xf32>
        %add3A_1632 = arith.addf %get3A_1631, %get3A_771 : vector<16xf32>
        %swap3A_1633 = arith.constant 2 : i32
        %swap3A_1634 = arith.index_cast %swap3A_1633 : i32 to index
        %swap3A_1635 = arith.index_cast %scan3A_1052 : i32 to index
        %swap3A_1636 = arith.constant 656 : index
        %swap3A_1637 = tpu.vector_load %arg8[%swap3A_1634, %swap3A_1635, %swap3A_1636] {strides = array<i32>} : memref<4x32x768xf32, #tpu.memory_space<vmem>>, vector<1x1x16xf32>,
        %swap3A_1638 = vector.shape_cast %swap3A_1637 : vector<1x1x16xf32> to vector<16xf32>
        %swap3A_1639 = vector.shape_cast %add3A_1632 : vector<16xf32> to vector<1x1x16xf32>
        tpu.vector_store %arg8[%swap3A_1634, %swap3A_1635, %swap3A_1636], %swap3A_1639 {strides = array<i32>} : memref<4x32x768xf32, #tpu.memory_space<vmem>>, vector<1x1x16xf32>,
        %get3A_1640 = arith.constant 2 : i32
        %get3A_1641 = arith.index_cast %get3A_1640 : i32 to index
        %get3A_1642 = arith.index_cast %scan3A_1052 : i32 to index
        %get3A_1643 = arith.constant 672 : index
        %get3A_1644 = tpu.vector_load %arg8[%get3A_1641, %get3A_1642, %get3A_1643] {strides = array<i32>} : memref<4x32x768xf32, #tpu.memory_space<vmem>>, vector<1x1x16xf32>,
        %get3A_1645 = vector.shape_cast %get3A_1644 : vector<1x1x16xf32> to vector<16xf32>
        %add3A_1646 = arith.addf %get3A_1645, %get3A_775 : vector<16xf32>
        %swap3A_1647 = arith.constant 2 : i32
        %swap3A_1648 = arith.index_cast %swap3A_1647 : i32 to index
        %swap3A_1649 = arith.index_cast %scan3A_1052 : i32 to index
        %swap3A_1650 = arith.constant 672 : index
        %swap3A_1651 = tpu.vector_load %arg8[%swap3A_1648, %swap3A_1649, %swap3A_1650] {strides = array<i32>} : memref<4x32x768xf32, #tpu.memory_space<vmem>>, vector<1x1x16xf32>,
        %swap3A_1652 = vector.shape_cast %swap3A_1651 : vector<1x1x16xf32> to vector<16xf32>
        %swap3A_1653 = vector.shape_cast %add3A_1646 : vector<16xf32> to vector<1x1x16xf32>
        tpu.vector_store %arg8[%swap3A_1648, %swap3A_1649, %swap3A_1650], %swap3A_1653 {strides = array<i32>} : memref<4x32x768xf32, #tpu.memory_space<vmem>>, vector<1x1x16xf32>,
        %get3A_1654 = arith.constant 2 : i32
        %get3A_1655 = arith.index_cast %get3A_1654 : i32 to index
        %get3A_1656 = arith.index_cast %scan3A_1052 : i32 to index
        %get3A_1657 = arith.constant 688 : index
        %get3A_1658 = tpu.vector_load %arg8[%get3A_1655, %get3A_1656, %get3A_1657] {strides = array<i32>} : memref<4x32x768xf32, #tpu.memory_space<vmem>>, vector<1x1x16xf32>,
        %get3A_1659 = vector.shape_cast %get3A_1658 : vector<1x1x16xf32> to vector<16xf32>
        %add3A_1660 = arith.addf %get3A_1659, %get3A_779 : vector<16xf32>
        %swap3A_1661 = arith.constant 2 : i32
        %swap3A_1662 = arith.index_cast %swap3A_1661 : i32 to index
        %swap3A_1663 = arith.index_cast %scan3A_1052 : i32 to index
        %swap3A_1664 = arith.constant 688 : index
        %swap3A_1665 = tpu.vector_load %arg8[%swap3A_1662, %swap3A_1663, %swap3A_1664] {strides = array<i32>} : memref<4x32x768xf32, #tpu.memory_space<vmem>>, vector<1x1x16xf32>,
        %swap3A_1666 = vector.shape_cast %swap3A_1665 : vector<1x1x16xf32> to vector<16xf32>
        %swap3A_1667 = vector.shape_cast %add3A_1660 : vector<16xf32> to vector<1x1x16xf32>
        tpu.vector_store %arg8[%swap3A_1662, %swap3A_1663, %swap3A_1664], %swap3A_1667 {strides = array<i32>} : memref<4x32x768xf32, #tpu.memory_space<vmem>>, vector<1x1x16xf32>,
        %get3A_1668 = arith.constant 2 : i32
        %get3A_1669 = arith.index_cast %get3A_1668 : i32 to index
        %get3A_1670 = arith.index_cast %scan3A_1052 : i32 to index
        %get3A_1671 = arith.constant 704 : index
        %get3A_1672 = tpu.vector_load %arg8[%get3A_1669, %get3A_1670, %get3A_1671] {strides = array<i32>} : memref<4x32x768xf32, #tpu.memory_space<vmem>>, vector<1x1x16xf32>,
        %get3A_1673 = vector.shape_cast %get3A_1672 : vector<1x1x16xf32> to vector<16xf32>
        %add3A_1674 = arith.addf %get3A_1673, %get3A_783 : vector<16xf32>
        %swap3A_1675 = arith.constant 2 : i32
        %swap3A_1676 = arith.index_cast %swap3A_1675 : i32 to index
        %swap3A_1677 = arith.index_cast %scan3A_1052 : i32 to index
        %swap3A_1678 = arith.constant 704 : index
        %swap3A_1679 = tpu.vector_load %arg8[%swap3A_1676, %swap3A_1677, %swap3A_1678] {strides = array<i32>} : memref<4x32x768xf32, #tpu.memory_space<vmem>>, vector<1x1x16xf32>,
        %swap3A_1680 = vector.shape_cast %swap3A_1679 : vector<1x1x16xf32> to vector<16xf32>
        %swap3A_1681 = vector.shape_cast %add3A_1674 : vector<16xf32> to vector<1x1x16xf32>
        tpu.vector_store %arg8[%swap3A_1676, %swap3A_1677, %swap3A_1678], %swap3A_1681 {strides = array<i32>} : memref<4x32x768xf32, #tpu.memory_space<vmem>>, vector<1x1x16xf32>,
        %get3A_1682 = arith.constant 2 : i32
        %get3A_1683 = arith.index_cast %get3A_1682 : i32 to index
        %get3A_1684 = arith.index_cast %scan3A_1052 : i32 to index
        %get3A_1685 = arith.constant 720 : index
        %get3A_1686 = tpu.vector_load %arg8[%get3A_1683, %get3A_1684, %get3A_1685] {strides = array<i32>} : memref<4x32x768xf32, #tpu.memory_space<vmem>>, vector<1x1x16xf32>,
        %get3A_1687 = vector.shape_cast %get3A_1686 : vector<1x1x16xf32> to vector<16xf32>
        %add3A_1688 = arith.addf %get3A_1687, %get3A_787 : vector<16xf32>
        %swap3A_1689 = arith.constant 2 : i32
        %swap3A_1690 = arith.index_cast %swap3A_1689 : i32 to index
        %swap3A_1691 = arith.index_cast %scan3A_1052 : i32 to index
        %swap3A_1692 = arith.constant 720 : index
        %swap3A_1693 = tpu.vector_load %arg8[%swap3A_1690, %swap3A_1691, %swap3A_1692] {strides = array<i32>} : memref<4x32x768xf32, #tpu.memory_space<vmem>>, vector<1x1x16xf32>,
        %swap3A_1694 = vector.shape_cast %swap3A_1693 : vector<1x1x16xf32> to vector<16xf32>
        %swap3A_1695 = vector.shape_cast %add3A_1688 : vector<16xf32> to vector<1x1x16xf32>
        tpu.vector_store %arg8[%swap3A_1690, %swap3A_1691, %swap3A_1692], %swap3A_1695 {strides = array<i32>} : memref<4x32x768xf32, #tpu.memory_space<vmem>>, vector<1x1x16xf32>,
        %get3A_1696 = arith.constant 2 : i32
        %get3A_1697 = arith.index_cast %get3A_1696 : i32 to index
        %get3A_1698 = arith.index_cast %scan3A_1052 : i32 to index
        %get3A_1699 = arith.constant 736 : index
        %get3A_1700 = tpu.vector_load %arg8[%get3A_1697, %get3A_1698, %get3A_1699] {strides = array<i32>} : memref<4x32x768xf32, #tpu.memory_space<vmem>>, vector<1x1x16xf32>,
        %get3A_1701 = vector.shape_cast %get3A_1700 : vector<1x1x16xf32> to vector<16xf32>
        %add3A_1702 = arith.addf %get3A_1701, %get3A_791 : vector<16xf32>
        %swap3A_1703 = arith.constant 2 : i32
        %swap3A_1704 = arith.index_cast %swap3A_1703 : i32 to index
        %swap3A_1705 = arith.index_cast %scan3A_1052 : i32 to index
        %swap3A_1706 = arith.constant 736 : index
        %swap3A_1707 = tpu.vector_load %arg8[%swap3A_1704, %swap3A_1705, %swap3A_1706] {strides = array<i32>} : memref<4x32x768xf32, #tpu.memory_space<vmem>>, vector<1x1x16xf32>,
        %swap3A_1708 = vector.shape_cast %swap3A_1707 : vector<1x1x16xf32> to vector<16xf32>
        %swap3A_1709 = vector.shape_cast %add3A_1702 : vector<16xf32> to vector<1x1x16xf32>
        tpu.vector_store %arg8[%swap3A_1704, %swap3A_1705, %swap3A_1706], %swap3A_1709 {strides = array<i32>} : memref<4x32x768xf32, #tpu.memory_space<vmem>>, vector<1x1x16xf32>,
        %get3A_1710 = arith.constant 2 : i32
        %get3A_1711 = arith.index_cast %get3A_1710 : i32 to index
        %get3A_1712 = arith.index_cast %scan3A_1052 : i32 to index
        %get3A_1713 = arith.constant 752 : index
        %get3A_1714 = tpu.vector_load %arg8[%get3A_1711, %get3A_1712, %get3A_1713] {strides = array<i32>} : memref<4x32x768xf32, #tpu.memory_space<vmem>>, vector<1x1x16xf32>,
        %get3A_1715 = vector.shape_cast %get3A_1714 : vector<1x1x16xf32> to vector<16xf32>
        %add3A_1716 = arith.addf %get3A_1715, %get3A_795 : vector<16xf32>
        %swap3A_1717 = arith.constant 2 : i32
        %swap3A_1718 = arith.index_cast %swap3A_1717 : i32 to index
        %swap3A_1719 = arith.index_cast %scan3A_1052 : i32 to index
        %swap3A_1720 = arith.constant 752 : index
        %swap3A_1721 = tpu.vector_load %arg8[%swap3A_1718, %swap3A_1719, %swap3A_1720] {strides = array<i32>} : memref<4x32x768xf32, #tpu.memory_space<vmem>>, vector<1x1x16xf32>,
        %swap3A_1722 = vector.shape_cast %swap3A_1721 : vector<1x1x16xf32> to vector<16xf32>
        %swap3A_1723 = vector.shape_cast %add3A_1716 : vector<16xf32> to vector<1x1x16xf32>
        tpu.vector_store %arg8[%swap3A_1718, %swap3A_1719, %swap3A_1720], %swap3A_1723 {strides = array<i32>} : memref<4x32x768xf32, #tpu.memory_space<vmem>>, vector<1x1x16xf32>,
      }
      %scan3A_801 = arith.constant 32 : i32
      %add3A_802 = arith.addi %mul3A_2, %scan3A_106 : i32
      %dma_start3A_803 = arith.constant 2 : i32
      %dma_start3A_804 = arith.constant 0 : i32
      %dma_start3A_805 = arith.constant 0 : i32
      %dma_start3A_806 = tpu.memref_slice %arg8[%dma_start3A_803, %dma_start3A_804, %dma_start3A_805] : memref<4x32x768xf32, #tpu.memory_space<vmem>> -> memref<1x32x768xf32, #tpu.memory_space<vmem>>
      %dma_start3A_807 = tpu.memref_squeeze %dma_start3A_806 : memref<1x32x768xf32, #tpu.memory_space<vmem>> -> memref<32x768xf32, #tpu.memory_space<vmem>>
      %dma_start3A_808 = arith.constant 64 : i32
      %dma_start3A_809 = arith.constant 0 : i32
      %dma_start3A_810 = tpu.memref_slice %arg5[%dma_start3A_808, %add3A_802, %dma_start3A_809] : memref<128x512x768xf32, #tpu.memory_space<hbm>> -> memref<32x1x768xf32, #tpu.memory_space<hbm>>
      %dma_start3A_811 = tpu.memref_squeeze %dma_start3A_810 : memref<32x1x768xf32, #tpu.memory_space<hbm>> -> memref<32x768xf32, #tpu.memory_space<hbm>>
      %dma_start3A_812 = arith.constant 64 : i32
      %dma_start3A_813 = arith.constant 0 : i32
      %dma_start3A_814 = tpu.memref_slice %arg5[%dma_start3A_812, %add3A_802, %dma_start3A_813] : memref<128x512x768xf32, #tpu.memory_space<hbm>> -> memref<32x1x768xf32, #tpu.memory_space<hbm>>
      %dma_start3A_815 = tpu.memref_squeeze %dma_start3A_814 : memref<32x1x768xf32, #tpu.memory_space<hbm>> -> memref<32x768xf32, #tpu.memory_space<hbm>>
      %dma_start3A_816 = arith.constant 0 : i32
      %dma_start3A_817 = arith.constant 0 : i32
      %dma_start3A_818 = tpu.memref_slice %arg8[%dma_start3A_803, %dma_start3A_816, %dma_start3A_817] : memref<4x32x768xf32, #tpu.memory_space<vmem>> -> memref<1x32x768xf32, #tpu.memory_space<vmem>>
      %dma_start3A_819 = tpu.memref_squeeze %dma_start3A_818 : memref<1x32x768xf32, #tpu.memory_space<vmem>> -> memref<32x768xf32, #tpu.memory_space<vmem>>
      tpu.enqueue_dma source(%dma_start3A_819 : memref<32x768xf32, #tpu.memory_space<vmem>>) target(%dma_start3A_815 : memref<32x768xf32, #tpu.memory_space<hbm>>) target_semaphore(%arg15 : memref<!tpu.dma_semaphore, #tpu.memory_space<semaphore_mem>>)
      %dma_wait3A_820 = arith.constant 3 : i32
      %dma_wait3A_821 = arith.constant 0 : i32
      %dma_wait3A_822 = arith.constant 0 : i32
      %dma_wait3A_823 = tpu.memref_slice %arg8[%dma_wait3A_820, %dma_wait3A_821, %dma_wait3A_822] : memref<4x32x768xf32, #tpu.memory_space<vmem>> -> memref<1x32x768xf32, #tpu.memory_space<vmem>>
      %dma_wait3A_824 = tpu.memref_squeeze %dma_wait3A_823 : memref<1x32x768xf32, #tpu.memory_space<vmem>> -> memref<32x768xf32, #tpu.memory_space<vmem>>
      %dma_wait3A_825 = arith.constant 96 : i32
      %dma_wait3A_826 = tpu.memref_slice %arg6[%scan3A_106, %dma_wait3A_825] : memref<16x128xi32, #tpu.memory_space<vmem>> -> memref<1x32xi32, #tpu.memory_space<vmem>>
      %dma_wait3A_827 = tpu.memref_squeeze %dma_wait3A_826 : memref<1x32xi32, #tpu.memory_space<vmem>> -> memref<32xi32, #tpu.memory_space<vmem>>
      %dma_wait3A_828 = arith.constant 0 : i32
      %dma_wait3A_829 = arith.constant 0 : i32
      %dma_wait3A_830 = tpu.memref_slice %arg3[%dma_wait3A_828, %dma_wait3A_829] : memref<30522x768xf32, #tpu.memory_space<hbm>> -> memref<30522x768xf32, #tpu.memory_space<hbm>>
      tpu.wait_indirect_dma semaphore(%arg12 : memref<!tpu.dma_semaphore, #tpu.memory_space<semaphore_mem>>) src(%dma_wait3A_830 : memref<30522x768xf32, #tpu.memory_space<hbm>>) dst(%dma_wait3A_824 : memref<32x768xf32, #tpu.memory_space<vmem>>)
      %lt3A_831 = arith.constant 15 : i32
      %lt3A_832 = arith.cmpi slt, %scan3A_106, %lt3A_831 : i32
      %convert_element_type3A_833 = arith.extui %lt3A_832 : i1 to i32
      %cond3A_834 = arith.constant 0 : i32
      %cond3A_835 = arith.cmpi ne, %convert_element_type3A_833, %cond3A_834 : i32
      scf.if %cond3A_835 {
        %add3A_1052 = arith.addi %mul3A_2, %scan3A_106 : i32
        %dma_wait3A_1053 = arith.constant 1 : i32
        %dma_wait3A_1054 = arith.constant 0 : i32
        %dma_wait3A_1055 = arith.constant 0 : i32
        %dma_wait3A_1056 = tpu.memref_slice %arg8[%dma_wait3A_1053, %dma_wait3A_1054, %dma_wait3A_1055] : memref<4x32x768xf32, #tpu.memory_space<vmem>> -> memref<1x32x768xf32, #tpu.memory_space<vmem>>
        %dma_wait3A_1057 = tpu.memref_squeeze %dma_wait3A_1056 : memref<1x32x768xf32, #tpu.memory_space<vmem>> -> memref<32x768xf32, #tpu.memory_space<vmem>>
        %dma_wait3A_1058 = arith.constant 32 : i32
        %dma_wait3A_1059 = arith.constant 0 : i32
        %dma_wait3A_1060 = tpu.memref_slice %arg5[%dma_wait3A_1058, %add3A_1052, %dma_wait3A_1059] : memref<128x512x768xf32, #tpu.memory_space<hbm>> -> memref<32x1x768xf32, #tpu.memory_space<hbm>>
        %dma_wait3A_1061 = tpu.memref_squeeze %dma_wait3A_1060 : memref<32x1x768xf32, #tpu.memory_space<hbm>> -> memref<32x768xf32, #tpu.memory_space<hbm>>
        %dma_wait3A_1062 = arith.constant 32 : i32
        %dma_wait3A_1063 = arith.constant 0 : i32
        %dma_wait3A_1064 = tpu.memref_slice %arg5[%dma_wait3A_1062, %add3A_1052, %dma_wait3A_1063] : memref<128x512x768xf32, #tpu.memory_space<hbm>> -> memref<32x1x768xf32, #tpu.memory_space<hbm>>
        %dma_wait3A_1065 = tpu.memref_squeeze %dma_wait3A_1064 : memref<32x1x768xf32, #tpu.memory_space<hbm>> -> memref<32x768xf32, #tpu.memory_space<hbm>>
        %dma_wait3A_1066 = arith.constant 0 : i32
        %dma_wait3A_1067 = arith.constant 0 : i32
        %dma_wait3A_1068 = tpu.memref_slice %arg8[%dma_wait3A_1053, %dma_wait3A_1066, %dma_wait3A_1067] : memref<4x32x768xf32, #tpu.memory_space<vmem>> -> memref<1x32x768xf32, #tpu.memory_space<vmem>>
        %dma_wait3A_1069 = tpu.memref_squeeze %dma_wait3A_1068 : memref<1x32x768xf32, #tpu.memory_space<vmem>> -> memref<32x768xf32, #tpu.memory_space<vmem>>
        tpu.wait_dma2 semaphore(%arg14 : memref<!tpu.dma_semaphore, #tpu.memory_space<semaphore_mem>>) src(%dma_wait3A_1069 : memref<32x768xf32, #tpu.memory_space<vmem>>) dst(%dma_wait3A_1065 : memref<32x768xf32, #tpu.memory_space<hbm>>)
        %add3A_1070 = arith.constant 1 : i32
        %add3A_1071 = arith.addi %scan3A_106, %add3A_1070 : i32
        %dma_start3A_1072 = arith.constant 1 : i32
        %dma_start3A_1073 = arith.constant 0 : i32
        %dma_start3A_1074 = arith.constant 0 : i32
        %dma_start3A_1075 = tpu.memref_slice %arg8[%dma_start3A_1072, %dma_start3A_1073, %dma_start3A_1074] : memref<4x32x768xf32, #tpu.memory_space<vmem>> -> memref<1x32x768xf32, #tpu.memory_space<vmem>>
        %dma_start3A_1076 = tpu.memref_squeeze %dma_start3A_1075 : memref<1x32x768xf32, #tpu.memory_space<vmem>> -> memref<32x768xf32, #tpu.memory_space<vmem>>
        %dma_start3A_1077 = arith.constant 32 : i32
        %dma_start3A_1078 = tpu.memref_slice %arg6[%add3A_1071, %dma_start3A_1077] : memref<16x128xi32, #tpu.memory_space<vmem>> -> memref<1x32xi32, #tpu.memory_space<vmem>>
        %dma_start3A_1079 = tpu.memref_squeeze %dma_start3A_1078 : memref<1x32xi32, #tpu.memory_space<vmem>> -> memref<32xi32, #tpu.memory_space<vmem>>
        %dma_start3A_1080 = arith.constant 0 : i32
        %dma_start3A_1081 = arith.constant 0 : i32
        %dma_start3A_1082 = tpu.memref_slice %arg3[%dma_start3A_1080, %dma_start3A_1081] : memref<30522x768xf32, #tpu.memory_space<hbm>> -> memref<30522x768xf32, #tpu.memory_space<hbm>>
        tpu.enqueue_indirect_dma source(%dma_start3A_1082 : memref<30522x768xf32, #tpu.memory_space<hbm>>) target(%dma_start3A_1076 : memref<32x768xf32, #tpu.memory_space<vmem>>) offsets(%dma_start3A_1079 : memref<32xi32, #tpu.memory_space<vmem>>) semaphore(%arg10 : memref<!tpu.dma_semaphore, #tpu.memory_space<semaphore_mem>>)
      } else {
      }
      %get3A_836 = arith.index_cast %scan3A_106 : i32 to index
      %get3A_837 = arith.constant 0 : index
      %get3A_838 = tpu.vector_load %arg7[%get3A_836, %get3A_837] {strides = array<i32>} : memref<16x768xf32, #tpu.memory_space<vmem>>, vector<1x16xf32>,
      %get3A_839 = vector.shape_cast %get3A_838 : vector<1x16xf32> to vector<16xf32>
      %get3A_840 = arith.index_cast %scan3A_106 : i32 to index
      %get3A_841 = arith.constant 16 : index
      %get3A_842 = tpu.vector_load %arg7[%get3A_840, %get3A_841] {strides = array<i32>} : memref<16x768xf32, #tpu.memory_space<vmem>>, vector<1x16xf32>,
      %get3A_843 = vector.shape_cast %get3A_842 : vector<1x16xf32> to vector<16xf32>
      %get3A_844 = arith.index_cast %scan3A_106 : i32 to index
      %get3A_845 = arith.constant 32 : index
      %get3A_846 = tpu.vector_load %arg7[%get3A_844, %get3A_845] {strides = array<i32>} : memref<16x768xf32, #tpu.memory_space<vmem>>, vector<1x16xf32>,
      %get3A_847 = vector.shape_cast %get3A_846 : vector<1x16xf32> to vector<16xf32>
      %get3A_848 = arith.index_cast %scan3A_106 : i32 to index
      %get3A_849 = arith.constant 48 : index
      %get3A_850 = tpu.vector_load %arg7[%get3A_848, %get3A_849] {strides = array<i32>} : memref<16x768xf32, #tpu.memory_space<vmem>>, vector<1x16xf32>,
      %get3A_851 = vector.shape_cast %get3A_850 : vector<1x16xf32> to vector<16xf32>
      %get3A_852 = arith.index_cast %scan3A_106 : i32 to index
      %get3A_853 = arith.constant 64 : index
      %get3A_854 = tpu.vector_load %arg7[%get3A_852, %get3A_853] {strides = array<i32>} : memref<16x768xf32, #tpu.memory_space<vmem>>, vector<1x16xf32>,
      %get3A_855 = vector.shape_cast %get3A_854 : vector<1x16xf32> to vector<16xf32>
      %get3A_856 = arith.index_cast %scan3A_106 : i32 to index
      %get3A_857 = arith.constant 80 : index
      %get3A_858 = tpu.vector_load %arg7[%get3A_856, %get3A_857] {strides = array<i32>} : memref<16x768xf32, #tpu.memory_space<vmem>>, vector<1x16xf32>,
      %get3A_859 = vector.shape_cast %get3A_858 : vector<1x16xf32> to vector<16xf32>
      %get3A_860 = arith.index_cast %scan3A_106 : i32 to index
      %get3A_861 = arith.constant 96 : index
      %get3A_862 = tpu.vector_load %arg7[%get3A_860, %get3A_861] {strides = array<i32>} : memref<16x768xf32, #tpu.memory_space<vmem>>, vector<1x16xf32>,
      %get3A_863 = vector.shape_cast %get3A_862 : vector<1x16xf32> to vector<16xf32>
      %get3A_864 = arith.index_cast %scan3A_106 : i32 to index
      %get3A_865 = arith.constant 112 : index
      %get3A_866 = tpu.vector_load %arg7[%get3A_864, %get3A_865] {strides = array<i32>} : memref<16x768xf32, #tpu.memory_space<vmem>>, vector<1x16xf32>,
      %get3A_867 = vector.shape_cast %get3A_866 : vector<1x16xf32> to vector<16xf32>
      %get3A_868 = arith.index_cast %scan3A_106 : i32 to index
      %get3A_869 = arith.constant 128 : index
      %get3A_870 = tpu.vector_load %arg7[%get3A_868, %get3A_869] {strides = array<i32>} : memref<16x768xf32, #tpu.memory_space<vmem>>, vector<1x16xf32>,
      %get3A_871 = vector.shape_cast %get3A_870 : vector<1x16xf32> to vector<16xf32>
      %get3A_872 = arith.index_cast %scan3A_106 : i32 to index
      %get3A_873 = arith.constant 144 : index
      %get3A_874 = tpu.vector_load %arg7[%get3A_872, %get3A_873] {strides = array<i32>} : memref<16x768xf32, #tpu.memory_space<vmem>>, vector<1x16xf32>,
      %get3A_875 = vector.shape_cast %get3A_874 : vector<1x16xf32> to vector<16xf32>
      %get3A_876 = arith.index_cast %scan3A_106 : i32 to index
      %get3A_877 = arith.constant 160 : index
      %get3A_878 = tpu.vector_load %arg7[%get3A_876, %get3A_877] {strides = array<i32>} : memref<16x768xf32, #tpu.memory_space<vmem>>, vector<1x16xf32>,
      %get3A_879 = vector.shape_cast %get3A_878 : vector<1x16xf32> to vector<16xf32>
      %get3A_880 = arith.index_cast %scan3A_106 : i32 to index
      %get3A_881 = arith.constant 176 : index
      %get3A_882 = tpu.vector_load %arg7[%get3A_880, %get3A_881] {strides = array<i32>} : memref<16x768xf32, #tpu.memory_space<vmem>>, vector<1x16xf32>,
      %get3A_883 = vector.shape_cast %get3A_882 : vector<1x16xf32> to vector<16xf32>
      %get3A_884 = arith.index_cast %scan3A_106 : i32 to index
      %get3A_885 = arith.constant 192 : index
      %get3A_886 = tpu.vector_load %arg7[%get3A_884, %get3A_885] {strides = array<i32>} : memref<16x768xf32, #tpu.memory_space<vmem>>, vector<1x16xf32>,
      %get3A_887 = vector.shape_cast %get3A_886 : vector<1x16xf32> to vector<16xf32>
      %get3A_888 = arith.index_cast %scan3A_106 : i32 to index
      %get3A_889 = arith.constant 208 : index
      %get3A_890 = tpu.vector_load %arg7[%get3A_888, %get3A_889] {strides = array<i32>} : memref<16x768xf32, #tpu.memory_space<vmem>>, vector<1x16xf32>,
      %get3A_891 = vector.shape_cast %get3A_890 : vector<1x16xf32> to vector<16xf32>
      %get3A_892 = arith.index_cast %scan3A_106 : i32 to index
      %get3A_893 = arith.constant 224 : index
      %get3A_894 = tpu.vector_load %arg7[%get3A_892, %get3A_893] {strides = array<i32>} : memref<16x768xf32, #tpu.memory_space<vmem>>, vector<1x16xf32>,
      %get3A_895 = vector.shape_cast %get3A_894 : vector<1x16xf32> to vector<16xf32>
      %get3A_896 = arith.index_cast %scan3A_106 : i32 to index
      %get3A_897 = arith.constant 240 : index
      %get3A_898 = tpu.vector_load %arg7[%get3A_896, %get3A_897] {strides = array<i32>} : memref<16x768xf32, #tpu.memory_space<vmem>>, vector<1x16xf32>,
      %get3A_899 = vector.shape_cast %get3A_898 : vector<1x16xf32> to vector<16xf32>
      %get3A_900 = arith.index_cast %scan3A_106 : i32 to index
      %get3A_901 = arith.constant 256 : index
      %get3A_902 = tpu.vector_load %arg7[%get3A_900, %get3A_901] {strides = array<i32>} : memref<16x768xf32, #tpu.memory_space<vmem>>, vector<1x16xf32>,
      %get3A_903 = vector.shape_cast %get3A_902 : vector<1x16xf32> to vector<16xf32>
      %get3A_904 = arith.index_cast %scan3A_106 : i32 to index
      %get3A_905 = arith.constant 272 : index
      %get3A_906 = tpu.vector_load %arg7[%get3A_904, %get3A_905] {strides = array<i32>} : memref<16x768xf32, #tpu.memory_space<vmem>>, vector<1x16xf32>,
      %get3A_907 = vector.shape_cast %get3A_906 : vector<1x16xf32> to vector<16xf32>
      %get3A_908 = arith.index_cast %scan3A_106 : i32 to index
      %get3A_909 = arith.constant 288 : index
      %get3A_910 = tpu.vector_load %arg7[%get3A_908, %get3A_909] {strides = array<i32>} : memref<16x768xf32, #tpu.memory_space<vmem>>, vector<1x16xf32>,
      %get3A_911 = vector.shape_cast %get3A_910 : vector<1x16xf32> to vector<16xf32>
      %get3A_912 = arith.index_cast %scan3A_106 : i32 to index
      %get3A_913 = arith.constant 304 : index
      %get3A_914 = tpu.vector_load %arg7[%get3A_912, %get3A_913] {strides = array<i32>} : memref<16x768xf32, #tpu.memory_space<vmem>>, vector<1x16xf32>,
      %get3A_915 = vector.shape_cast %get3A_914 : vector<1x16xf32> to vector<16xf32>
      %get3A_916 = arith.index_cast %scan3A_106 : i32 to index
      %get3A_917 = arith.constant 320 : index
      %get3A_918 = tpu.vector_load %arg7[%get3A_916, %get3A_917] {strides = array<i32>} : memref<16x768xf32, #tpu.memory_space<vmem>>, vector<1x16xf32>,
      %get3A_919 = vector.shape_cast %get3A_918 : vector<1x16xf32> to vector<16xf32>
      %get3A_920 = arith.index_cast %scan3A_106 : i32 to index
      %get3A_921 = arith.constant 336 : index
      %get3A_922 = tpu.vector_load %arg7[%get3A_920, %get3A_921] {strides = array<i32>} : memref<16x768xf32, #tpu.memory_space<vmem>>, vector<1x16xf32>,
      %get3A_923 = vector.shape_cast %get3A_922 : vector<1x16xf32> to vector<16xf32>
      %get3A_924 = arith.index_cast %scan3A_106 : i32 to index
      %get3A_925 = arith.constant 352 : index
      %get3A_926 = tpu.vector_load %arg7[%get3A_924, %get3A_925] {strides = array<i32>} : memref<16x768xf32, #tpu.memory_space<vmem>>, vector<1x16xf32>,
      %get3A_927 = vector.shape_cast %get3A_926 : vector<1x16xf32> to vector<16xf32>
      %get3A_928 = arith.index_cast %scan3A_106 : i32 to index
      %get3A_929 = arith.constant 368 : index
      %get3A_930 = tpu.vector_load %arg7[%get3A_928, %get3A_929] {strides = array<i32>} : memref<16x768xf32, #tpu.memory_space<vmem>>, vector<1x16xf32>,
      %get3A_931 = vector.shape_cast %get3A_930 : vector<1x16xf32> to vector<16xf32>
      %get3A_932 = arith.index_cast %scan3A_106 : i32 to index
      %get3A_933 = arith.constant 384 : index
      %get3A_934 = tpu.vector_load %arg7[%get3A_932, %get3A_933] {strides = array<i32>} : memref<16x768xf32, #tpu.memory_space<vmem>>, vector<1x16xf32>,
      %get3A_935 = vector.shape_cast %get3A_934 : vector<1x16xf32> to vector<16xf32>
      %get3A_936 = arith.index_cast %scan3A_106 : i32 to index
      %get3A_937 = arith.constant 400 : index
      %get3A_938 = tpu.vector_load %arg7[%get3A_936, %get3A_937] {strides = array<i32>} : memref<16x768xf32, #tpu.memory_space<vmem>>, vector<1x16xf32>,
      %get3A_939 = vector.shape_cast %get3A_938 : vector<1x16xf32> to vector<16xf32>
      %get3A_940 = arith.index_cast %scan3A_106 : i32 to index
      %get3A_941 = arith.constant 416 : index
      %get3A_942 = tpu.vector_load %arg7[%get3A_940, %get3A_941] {strides = array<i32>} : memref<16x768xf32, #tpu.memory_space<vmem>>, vector<1x16xf32>,
      %get3A_943 = vector.shape_cast %get3A_942 : vector<1x16xf32> to vector<16xf32>
      %get3A_944 = arith.index_cast %scan3A_106 : i32 to index
      %get3A_945 = arith.constant 432 : index
      %get3A_946 = tpu.vector_load %arg7[%get3A_944, %get3A_945] {strides = array<i32>} : memref<16x768xf32, #tpu.memory_space<vmem>>, vector<1x16xf32>,
      %get3A_947 = vector.shape_cast %get3A_946 : vector<1x16xf32> to vector<16xf32>
      %get3A_948 = arith.index_cast %scan3A_106 : i32 to index
      %get3A_949 = arith.constant 448 : index
      %get3A_950 = tpu.vector_load %arg7[%get3A_948, %get3A_949] {strides = array<i32>} : memref<16x768xf32, #tpu.memory_space<vmem>>, vector<1x16xf32>,
      %get3A_951 = vector.shape_cast %get3A_950 : vector<1x16xf32> to vector<16xf32>
      %get3A_952 = arith.index_cast %scan3A_106 : i32 to index
      %get3A_953 = arith.constant 464 : index
      %get3A_954 = tpu.vector_load %arg7[%get3A_952, %get3A_953] {strides = array<i32>} : memref<16x768xf32, #tpu.memory_space<vmem>>, vector<1x16xf32>,
      %get3A_955 = vector.shape_cast %get3A_954 : vector<1x16xf32> to vector<16xf32>
      %get3A_956 = arith.index_cast %scan3A_106 : i32 to index
      %get3A_957 = arith.constant 480 : index
      %get3A_958 = tpu.vector_load %arg7[%get3A_956, %get3A_957] {strides = array<i32>} : memref<16x768xf32, #tpu.memory_space<vmem>>, vector<1x16xf32>,
      %get3A_959 = vector.shape_cast %get3A_958 : vector<1x16xf32> to vector<16xf32>
      %get3A_960 = arith.index_cast %scan3A_106 : i32 to index
      %get3A_961 = arith.constant 496 : index
      %get3A_962 = tpu.vector_load %arg7[%get3A_960, %get3A_961] {strides = array<i32>} : memref<16x768xf32, #tpu.memory_space<vmem>>, vector<1x16xf32>,
      %get3A_963 = vector.shape_cast %get3A_962 : vector<1x16xf32> to vector<16xf32>
      %get3A_964 = arith.index_cast %scan3A_106 : i32 to index
      %get3A_965 = arith.constant 512 : index
      %get3A_966 = tpu.vector_load %arg7[%get3A_964, %get3A_965] {strides = array<i32>} : memref<16x768xf32, #tpu.memory_space<vmem>>, vector<1x16xf32>,
      %get3A_967 = vector.shape_cast %get3A_966 : vector<1x16xf32> to vector<16xf32>
      %get3A_968 = arith.index_cast %scan3A_106 : i32 to index
      %get3A_969 = arith.constant 528 : index
      %get3A_970 = tpu.vector_load %arg7[%get3A_968, %get3A_969] {strides = array<i32>} : memref<16x768xf32, #tpu.memory_space<vmem>>, vector<1x16xf32>,
      %get3A_971 = vector.shape_cast %get3A_970 : vector<1x16xf32> to vector<16xf32>
      %get3A_972 = arith.index_cast %scan3A_106 : i32 to index
      %get3A_973 = arith.constant 544 : index
      %get3A_974 = tpu.vector_load %arg7[%get3A_972, %get3A_973] {strides = array<i32>} : memref<16x768xf32, #tpu.memory_space<vmem>>, vector<1x16xf32>,
      %get3A_975 = vector.shape_cast %get3A_974 : vector<1x16xf32> to vector<16xf32>
      %get3A_976 = arith.index_cast %scan3A_106 : i32 to index
      %get3A_977 = arith.constant 560 : index
      %get3A_978 = tpu.vector_load %arg7[%get3A_976, %get3A_977] {strides = array<i32>} : memref<16x768xf32, #tpu.memory_space<vmem>>, vector<1x16xf32>,
      %get3A_979 = vector.shape_cast %get3A_978 : vector<1x16xf32> to vector<16xf32>
      %get3A_980 = arith.index_cast %scan3A_106 : i32 to index
      %get3A_981 = arith.constant 576 : index
      %get3A_982 = tpu.vector_load %arg7[%get3A_980, %get3A_981] {strides = array<i32>} : memref<16x768xf32, #tpu.memory_space<vmem>>, vector<1x16xf32>,
      %get3A_983 = vector.shape_cast %get3A_982 : vector<1x16xf32> to vector<16xf32>
      %get3A_984 = arith.index_cast %scan3A_106 : i32 to index
      %get3A_985 = arith.constant 592 : index
      %get3A_986 = tpu.vector_load %arg7[%get3A_984, %get3A_985] {strides = array<i32>} : memref<16x768xf32, #tpu.memory_space<vmem>>, vector<1x16xf32>,
      %get3A_987 = vector.shape_cast %get3A_986 : vector<1x16xf32> to vector<16xf32>
      %get3A_988 = arith.index_cast %scan3A_106 : i32 to index
      %get3A_989 = arith.constant 608 : index
      %get3A_990 = tpu.vector_load %arg7[%get3A_988, %get3A_989] {strides = array<i32>} : memref<16x768xf32, #tpu.memory_space<vmem>>, vector<1x16xf32>,
      %get3A_991 = vector.shape_cast %get3A_990 : vector<1x16xf32> to vector<16xf32>
      %get3A_992 = arith.index_cast %scan3A_106 : i32 to index
      %get3A_993 = arith.constant 624 : index
      %get3A_994 = tpu.vector_load %arg7[%get3A_992, %get3A_993] {strides = array<i32>} : memref<16x768xf32, #tpu.memory_space<vmem>>, vector<1x16xf32>,
      %get3A_995 = vector.shape_cast %get3A_994 : vector<1x16xf32> to vector<16xf32>
      %get3A_996 = arith.index_cast %scan3A_106 : i32 to index
      %get3A_997 = arith.constant 640 : index
      %get3A_998 = tpu.vector_load %arg7[%get3A_996, %get3A_997] {strides = array<i32>} : memref<16x768xf32, #tpu.memory_space<vmem>>, vector<1x16xf32>,
      %get3A_999 = vector.shape_cast %get3A_998 : vector<1x16xf32> to vector<16xf32>
      %get3A_1000 = arith.index_cast %scan3A_106 : i32 to index
      %get3A_1001 = arith.constant 656 : index
      %get3A_1002 = tpu.vector_load %arg7[%get3A_1000, %get3A_1001] {strides = array<i32>} : memref<16x768xf32, #tpu.memory_space<vmem>>, vector<1x16xf32>,
      %get3A_1003 = vector.shape_cast %get3A_1002 : vector<1x16xf32> to vector<16xf32>
      %get3A_1004 = arith.index_cast %scan3A_106 : i32 to index
      %get3A_1005 = arith.constant 672 : index
      %get3A_1006 = tpu.vector_load %arg7[%get3A_1004, %get3A_1005] {strides = array<i32>} : memref<16x768xf32, #tpu.memory_space<vmem>>, vector<1x16xf32>,
      %get3A_1007 = vector.shape_cast %get3A_1006 : vector<1x16xf32> to vector<16xf32>
      %get3A_1008 = arith.index_cast %scan3A_106 : i32 to index
      %get3A_1009 = arith.constant 688 : index
      %get3A_1010 = tpu.vector_load %arg7[%get3A_1008, %get3A_1009] {strides = array<i32>} : memref<16x768xf32, #tpu.memory_space<vmem>>, vector<1x16xf32>,
      %get3A_1011 = vector.shape_cast %get3A_1010 : vector<1x16xf32> to vector<16xf32>
      %get3A_1012 = arith.index_cast %scan3A_106 : i32 to index
      %get3A_1013 = arith.constant 704 : index
      %get3A_1014 = tpu.vector_load %arg7[%get3A_1012, %get3A_1013] {strides = array<i32>} : memref<16x768xf32, #tpu.memory_space<vmem>>, vector<1x16xf32>,
      %get3A_1015 = vector.shape_cast %get3A_1014 : vector<1x16xf32> to vector<16xf32>
      %get3A_1016 = arith.index_cast %scan3A_106 : i32 to index
      %get3A_1017 = arith.constant 720 : index
      %get3A_1018 = tpu.vector_load %arg7[%get3A_1016, %get3A_1017] {strides = array<i32>} : memref<16x768xf32, #tpu.memory_space<vmem>>, vector<1x16xf32>,
      %get3A_1019 = vector.shape_cast %get3A_1018 : vector<1x16xf32> to vector<16xf32>
      %get3A_1020 = arith.index_cast %scan3A_106 : i32 to index
      %get3A_1021 = arith.constant 736 : index
      %get3A_1022 = tpu.vector_load %arg7[%get3A_1020, %get3A_1021] {strides = array<i32>} : memref<16x768xf32, #tpu.memory_space<vmem>>, vector<1x16xf32>,
      %get3A_1023 = vector.shape_cast %get3A_1022 : vector<1x16xf32> to vector<16xf32>
      %get3A_1024 = arith.index_cast %scan3A_106 : i32 to index
      %get3A_1025 = arith.constant 752 : index
      %get3A_1026 = tpu.vector_load %arg7[%get3A_1024, %get3A_1025] {strides = array<i32>} : memref<16x768xf32, #tpu.memory_space<vmem>>, vector<1x16xf32>,
      %get3A_1027 = vector.shape_cast %get3A_1026 : vector<1x16xf32> to vector<16xf32>
      %scan3A_1028 = arith.constant 0 : i32
      %scan3A_1029 = arith.constant 0 : i32
      %scan3A_1030 = arith.constant 32 : i32
      %scan3A_1031 = arith.addi %scan3A_1029, %scan3A_1030 : i32
      %scan3A_1032 = arith.constant 1 : i32
      scf.for %scan3A_1052 = %scan3A_1029 to %scan3A_1031 step %scan3A_1032  : i32 {
        %get3A_1053 = arith.constant 3 : i32
        %get3A_1054 = arith.index_cast %get3A_1053 : i32 to index
        %get3A_1055 = arith.index_cast %scan3A_1052 : i32 to index
        %get3A_1056 = arith.constant 0 : index
        %get3A_1057 = tpu.vector_load %arg8[%get3A_1054, %get3A_1055, %get3A_1056] {strides = array<i32>} : memref<4x32x768xf32, #tpu.memory_space<vmem>>, vector<1x1x16xf32>,
        %get3A_1058 = vector.shape_cast %get3A_1057 : vector<1x1x16xf32> to vector<16xf32>
        %add3A_1059 = arith.addf %get3A_1058, %get3A_839 : vector<16xf32>
        %swap3A = arith.constant 3 : i32
        %swap3A_1060 = arith.index_cast %swap3A : i32 to index
        %swap3A_1061 = arith.index_cast %scan3A_1052 : i32 to index
        %swap3A_1062 = arith.constant 0 : index
        %swap3A_1063 = tpu.vector_load %arg8[%swap3A_1060, %swap3A_1061, %swap3A_1062] {strides = array<i32>} : memref<4x32x768xf32, #tpu.memory_space<vmem>>, vector<1x1x16xf32>,
        %swap3A_1064 = vector.shape_cast %swap3A_1063 : vector<1x1x16xf32> to vector<16xf32>
        %swap3A_1065 = vector.shape_cast %add3A_1059 : vector<16xf32> to vector<1x1x16xf32>
        tpu.vector_store %arg8[%swap3A_1060, %swap3A_1061, %swap3A_1062], %swap3A_1065 {strides = array<i32>} : memref<4x32x768xf32, #tpu.memory_space<vmem>>, vector<1x1x16xf32>,
        %get3A_1066 = arith.constant 3 : i32
        %get3A_1067 = arith.index_cast %get3A_1066 : i32 to index
        %get3A_1068 = arith.index_cast %scan3A_1052 : i32 to index
        %get3A_1069 = arith.constant 16 : index
        %get3A_1070 = tpu.vector_load %arg8[%get3A_1067, %get3A_1068, %get3A_1069] {strides = array<i32>} : memref<4x32x768xf32, #tpu.memory_space<vmem>>, vector<1x1x16xf32>,
        %get3A_1071 = vector.shape_cast %get3A_1070 : vector<1x1x16xf32> to vector<16xf32>
        %add3A_1072 = arith.addf %get3A_1071, %get3A_843 : vector<16xf32>
        %swap3A_1073 = arith.constant 3 : i32
        %swap3A_1074 = arith.index_cast %swap3A_1073 : i32 to index
        %swap3A_1075 = arith.index_cast %scan3A_1052 : i32 to index
        %swap3A_1076 = arith.constant 16 : index
        %swap3A_1077 = tpu.vector_load %arg8[%swap3A_1074, %swap3A_1075, %swap3A_1076] {strides = array<i32>} : memref<4x32x768xf32, #tpu.memory_space<vmem>>, vector<1x1x16xf32>,
        %swap3A_1078 = vector.shape_cast %swap3A_1077 : vector<1x1x16xf32> to vector<16xf32>
        %swap3A_1079 = vector.shape_cast %add3A_1072 : vector<16xf32> to vector<1x1x16xf32>
        tpu.vector_store %arg8[%swap3A_1074, %swap3A_1075, %swap3A_1076], %swap3A_1079 {strides = array<i32>} : memref<4x32x768xf32, #tpu.memory_space<vmem>>, vector<1x1x16xf32>,
        %get3A_1080 = arith.constant 3 : i32
        %get3A_1081 = arith.index_cast %get3A_1080 : i32 to index
        %get3A_1082 = arith.index_cast %scan3A_1052 : i32 to index
        %get3A_1083 = arith.constant 32 : index
        %get3A_1084 = tpu.vector_load %arg8[%get3A_1081, %get3A_1082, %get3A_1083] {strides = array<i32>} : memref<4x32x768xf32, #tpu.memory_space<vmem>>, vector<1x1x16xf32>,
        %get3A_1085 = vector.shape_cast %get3A_1084 : vector<1x1x16xf32> to vector<16xf32>
        %add3A_1086 = arith.addf %get3A_1085, %get3A_847 : vector<16xf32>
        %swap3A_1087 = arith.constant 3 : i32
        %swap3A_1088 = arith.index_cast %swap3A_1087 : i32 to index
        %swap3A_1089 = arith.index_cast %scan3A_1052 : i32 to index
        %swap3A_1090 = arith.constant 32 : index
        %swap3A_1091 = tpu.vector_load %arg8[%swap3A_1088, %swap3A_1089, %swap3A_1090] {strides = array<i32>} : memref<4x32x768xf32, #tpu.memory_space<vmem>>, vector<1x1x16xf32>,
        %swap3A_1092 = vector.shape_cast %swap3A_1091 : vector<1x1x16xf32> to vector<16xf32>
        %swap3A_1093 = vector.shape_cast %add3A_1086 : vector<16xf32> to vector<1x1x16xf32>
        tpu.vector_store %arg8[%swap3A_1088, %swap3A_1089, %swap3A_1090], %swap3A_1093 {strides = array<i32>} : memref<4x32x768xf32, #tpu.memory_space<vmem>>, vector<1x1x16xf32>,
        %get3A_1094 = arith.constant 3 : i32
        %get3A_1095 = arith.index_cast %get3A_1094 : i32 to index
        %get3A_1096 = arith.index_cast %scan3A_1052 : i32 to index
        %get3A_1097 = arith.constant 48 : index
        %get3A_1098 = tpu.vector_load %arg8[%get3A_1095, %get3A_1096, %get3A_1097] {strides = array<i32>} : memref<4x32x768xf32, #tpu.memory_space<vmem>>, vector<1x1x16xf32>,
        %get3A_1099 = vector.shape_cast %get3A_1098 : vector<1x1x16xf32> to vector<16xf32>
        %add3A_1100 = arith.addf %get3A_1099, %get3A_851 : vector<16xf32>
        %swap3A_1101 = arith.constant 3 : i32
        %swap3A_1102 = arith.index_cast %swap3A_1101 : i32 to index
        %swap3A_1103 = arith.index_cast %scan3A_1052 : i32 to index
        %swap3A_1104 = arith.constant 48 : index
        %swap3A_1105 = tpu.vector_load %arg8[%swap3A_1102, %swap3A_1103, %swap3A_1104] {strides = array<i32>} : memref<4x32x768xf32, #tpu.memory_space<vmem>>, vector<1x1x16xf32>,
        %swap3A_1106 = vector.shape_cast %swap3A_1105 : vector<1x1x16xf32> to vector<16xf32>
        %swap3A_1107 = vector.shape_cast %add3A_1100 : vector<16xf32> to vector<1x1x16xf32>
        tpu.vector_store %arg8[%swap3A_1102, %swap3A_1103, %swap3A_1104], %swap3A_1107 {strides = array<i32>} : memref<4x32x768xf32, #tpu.memory_space<vmem>>, vector<1x1x16xf32>,
        %get3A_1108 = arith.constant 3 : i32
        %get3A_1109 = arith.index_cast %get3A_1108 : i32 to index
        %get3A_1110 = arith.index_cast %scan3A_1052 : i32 to index
        %get3A_1111 = arith.constant 64 : index
        %get3A_1112 = tpu.vector_load %arg8[%get3A_1109, %get3A_1110, %get3A_1111] {strides = array<i32>} : memref<4x32x768xf32, #tpu.memory_space<vmem>>, vector<1x1x16xf32>,
        %get3A_1113 = vector.shape_cast %get3A_1112 : vector<1x1x16xf32> to vector<16xf32>
        %add3A_1114 = arith.addf %get3A_1113, %get3A_855 : vector<16xf32>
        %swap3A_1115 = arith.constant 3 : i32
        %swap3A_1116 = arith.index_cast %swap3A_1115 : i32 to index
        %swap3A_1117 = arith.index_cast %scan3A_1052 : i32 to index
        %swap3A_1118 = arith.constant 64 : index
        %swap3A_1119 = tpu.vector_load %arg8[%swap3A_1116, %swap3A_1117, %swap3A_1118] {strides = array<i32>} : memref<4x32x768xf32, #tpu.memory_space<vmem>>, vector<1x1x16xf32>,
        %swap3A_1120 = vector.shape_cast %swap3A_1119 : vector<1x1x16xf32> to vector<16xf32>
        %swap3A_1121 = vector.shape_cast %add3A_1114 : vector<16xf32> to vector<1x1x16xf32>
        tpu.vector_store %arg8[%swap3A_1116, %swap3A_1117, %swap3A_1118], %swap3A_1121 {strides = array<i32>} : memref<4x32x768xf32, #tpu.memory_space<vmem>>, vector<1x1x16xf32>,
        %get3A_1122 = arith.constant 3 : i32
        %get3A_1123 = arith.index_cast %get3A_1122 : i32 to index
        %get3A_1124 = arith.index_cast %scan3A_1052 : i32 to index
        %get3A_1125 = arith.constant 80 : index
        %get3A_1126 = tpu.vector_load %arg8[%get3A_1123, %get3A_1124, %get3A_1125] {strides = array<i32>} : memref<4x32x768xf32, #tpu.memory_space<vmem>>, vector<1x1x16xf32>,
        %get3A_1127 = vector.shape_cast %get3A_1126 : vector<1x1x16xf32> to vector<16xf32>
        %add3A_1128 = arith.addf %get3A_1127, %get3A_859 : vector<16xf32>
        %swap3A_1129 = arith.constant 3 : i32
        %swap3A_1130 = arith.index_cast %swap3A_1129 : i32 to index
        %swap3A_1131 = arith.index_cast %scan3A_1052 : i32 to index
        %swap3A_1132 = arith.constant 80 : index
        %swap3A_1133 = tpu.vector_load %arg8[%swap3A_1130, %swap3A_1131, %swap3A_1132] {strides = array<i32>} : memref<4x32x768xf32, #tpu.memory_space<vmem>>, vector<1x1x16xf32>,
        %swap3A_1134 = vector.shape_cast %swap3A_1133 : vector<1x1x16xf32> to vector<16xf32>
        %swap3A_1135 = vector.shape_cast %add3A_1128 : vector<16xf32> to vector<1x1x16xf32>
        tpu.vector_store %arg8[%swap3A_1130, %swap3A_1131, %swap3A_1132], %swap3A_1135 {strides = array<i32>} : memref<4x32x768xf32, #tpu.memory_space<vmem>>, vector<1x1x16xf32>,
        %get3A_1136 = arith.constant 3 : i32
        %get3A_1137 = arith.index_cast %get3A_1136 : i32 to index
        %get3A_1138 = arith.index_cast %scan3A_1052 : i32 to index
        %get3A_1139 = arith.constant 96 : index
        %get3A_1140 = tpu.vector_load %arg8[%get3A_1137, %get3A_1138, %get3A_1139] {strides = array<i32>} : memref<4x32x768xf32, #tpu.memory_space<vmem>>, vector<1x1x16xf32>,
        %get3A_1141 = vector.shape_cast %get3A_1140 : vector<1x1x16xf32> to vector<16xf32>
        %add3A_1142 = arith.addf %get3A_1141, %get3A_863 : vector<16xf32>
        %swap3A_1143 = arith.constant 3 : i32
        %swap3A_1144 = arith.index_cast %swap3A_1143 : i32 to index
        %swap3A_1145 = arith.index_cast %scan3A_1052 : i32 to index
        %swap3A_1146 = arith.constant 96 : index
        %swap3A_1147 = tpu.vector_load %arg8[%swap3A_1144, %swap3A_1145, %swap3A_1146] {strides = array<i32>} : memref<4x32x768xf32, #tpu.memory_space<vmem>>, vector<1x1x16xf32>,
        %swap3A_1148 = vector.shape_cast %swap3A_1147 : vector<1x1x16xf32> to vector<16xf32>
        %swap3A_1149 = vector.shape_cast %add3A_1142 : vector<16xf32> to vector<1x1x16xf32>
        tpu.vector_store %arg8[%swap3A_1144, %swap3A_1145, %swap3A_1146], %swap3A_1149 {strides = array<i32>} : memref<4x32x768xf32, #tpu.memory_space<vmem>>, vector<1x1x16xf32>,
        %get3A_1150 = arith.constant 3 : i32
        %get3A_1151 = arith.index_cast %get3A_1150 : i32 to index
        %get3A_1152 = arith.index_cast %scan3A_1052 : i32 to index
        %get3A_1153 = arith.constant 112 : index
        %get3A_1154 = tpu.vector_load %arg8[%get3A_1151, %get3A_1152, %get3A_1153] {strides = array<i32>} : memref<4x32x768xf32, #tpu.memory_space<vmem>>, vector<1x1x16xf32>,
        %get3A_1155 = vector.shape_cast %get3A_1154 : vector<1x1x16xf32> to vector<16xf32>
        %add3A_1156 = arith.addf %get3A_1155, %get3A_867 : vector<16xf32>
        %swap3A_1157 = arith.constant 3 : i32
        %swap3A_1158 = arith.index_cast %swap3A_1157 : i32 to index
        %swap3A_1159 = arith.index_cast %scan3A_1052 : i32 to index
        %swap3A_1160 = arith.constant 112 : index
        %swap3A_1161 = tpu.vector_load %arg8[%swap3A_1158, %swap3A_1159, %swap3A_1160] {strides = array<i32>} : memref<4x32x768xf32, #tpu.memory_space<vmem>>, vector<1x1x16xf32>,
        %swap3A_1162 = vector.shape_cast %swap3A_1161 : vector<1x1x16xf32> to vector<16xf32>
        %swap3A_1163 = vector.shape_cast %add3A_1156 : vector<16xf32> to vector<1x1x16xf32>
        tpu.vector_store %arg8[%swap3A_1158, %swap3A_1159, %swap3A_1160], %swap3A_1163 {strides = array<i32>} : memref<4x32x768xf32, #tpu.memory_space<vmem>>, vector<1x1x16xf32>,
        %get3A_1164 = arith.constant 3 : i32
        %get3A_1165 = arith.index_cast %get3A_1164 : i32 to index
        %get3A_1166 = arith.index_cast %scan3A_1052 : i32 to index
        %get3A_1167 = arith.constant 128 : index
        %get3A_1168 = tpu.vector_load %arg8[%get3A_1165, %get3A_1166, %get3A_1167] {strides = array<i32>} : memref<4x32x768xf32, #tpu.memory_space<vmem>>, vector<1x1x16xf32>,
        %get3A_1169 = vector.shape_cast %get3A_1168 : vector<1x1x16xf32> to vector<16xf32>
        %add3A_1170 = arith.addf %get3A_1169, %get3A_871 : vector<16xf32>
        %swap3A_1171 = arith.constant 3 : i32
        %swap3A_1172 = arith.index_cast %swap3A_1171 : i32 to index
        %swap3A_1173 = arith.index_cast %scan3A_1052 : i32 to index
        %swap3A_1174 = arith.constant 128 : index
        %swap3A_1175 = tpu.vector_load %arg8[%swap3A_1172, %swap3A_1173, %swap3A_1174] {strides = array<i32>} : memref<4x32x768xf32, #tpu.memory_space<vmem>>, vector<1x1x16xf32>,
        %swap3A_1176 = vector.shape_cast %swap3A_1175 : vector<1x1x16xf32> to vector<16xf32>
        %swap3A_1177 = vector.shape_cast %add3A_1170 : vector<16xf32> to vector<1x1x16xf32>
        tpu.vector_store %arg8[%swap3A_1172, %swap3A_1173, %swap3A_1174], %swap3A_1177 {strides = array<i32>} : memref<4x32x768xf32, #tpu.memory_space<vmem>>, vector<1x1x16xf32>,
        %get3A_1178 = arith.constant 3 : i32
        %get3A_1179 = arith.index_cast %get3A_1178 : i32 to index
        %get3A_1180 = arith.index_cast %scan3A_1052 : i32 to index
        %get3A_1181 = arith.constant 144 : index
        %get3A_1182 = tpu.vector_load %arg8[%get3A_1179, %get3A_1180, %get3A_1181] {strides = array<i32>} : memref<4x32x768xf32, #tpu.memory_space<vmem>>, vector<1x1x16xf32>,
        %get3A_1183 = vector.shape_cast %get3A_1182 : vector<1x1x16xf32> to vector<16xf32>
        %add3A_1184 = arith.addf %get3A_1183, %get3A_875 : vector<16xf32>
        %swap3A_1185 = arith.constant 3 : i32
        %swap3A_1186 = arith.index_cast %swap3A_1185 : i32 to index
        %swap3A_1187 = arith.index_cast %scan3A_1052 : i32 to index
        %swap3A_1188 = arith.constant 144 : index
        %swap3A_1189 = tpu.vector_load %arg8[%swap3A_1186, %swap3A_1187, %swap3A_1188] {strides = array<i32>} : memref<4x32x768xf32, #tpu.memory_space<vmem>>, vector<1x1x16xf32>,
        %swap3A_1190 = vector.shape_cast %swap3A_1189 : vector<1x1x16xf32> to vector<16xf32>
        %swap3A_1191 = vector.shape_cast %add3A_1184 : vector<16xf32> to vector<1x1x16xf32>
        tpu.vector_store %arg8[%swap3A_1186, %swap3A_1187, %swap3A_1188], %swap3A_1191 {strides = array<i32>} : memref<4x32x768xf32, #tpu.memory_space<vmem>>, vector<1x1x16xf32>,
        %get3A_1192 = arith.constant 3 : i32
        %get3A_1193 = arith.index_cast %get3A_1192 : i32 to index
        %get3A_1194 = arith.index_cast %scan3A_1052 : i32 to index
        %get3A_1195 = arith.constant 160 : index
        %get3A_1196 = tpu.vector_load %arg8[%get3A_1193, %get3A_1194, %get3A_1195] {strides = array<i32>} : memref<4x32x768xf32, #tpu.memory_space<vmem>>, vector<1x1x16xf32>,
        %get3A_1197 = vector.shape_cast %get3A_1196 : vector<1x1x16xf32> to vector<16xf32>
        %add3A_1198 = arith.addf %get3A_1197, %get3A_879 : vector<16xf32>
        %swap3A_1199 = arith.constant 3 : i32
        %swap3A_1200 = arith.index_cast %swap3A_1199 : i32 to index
        %swap3A_1201 = arith.index_cast %scan3A_1052 : i32 to index
        %swap3A_1202 = arith.constant 160 : index
        %swap3A_1203 = tpu.vector_load %arg8[%swap3A_1200, %swap3A_1201, %swap3A_1202] {strides = array<i32>} : memref<4x32x768xf32, #tpu.memory_space<vmem>>, vector<1x1x16xf32>,
        %swap3A_1204 = vector.shape_cast %swap3A_1203 : vector<1x1x16xf32> to vector<16xf32>
        %swap3A_1205 = vector.shape_cast %add3A_1198 : vector<16xf32> to vector<1x1x16xf32>
        tpu.vector_store %arg8[%swap3A_1200, %swap3A_1201, %swap3A_1202], %swap3A_1205 {strides = array<i32>} : memref<4x32x768xf32, #tpu.memory_space<vmem>>, vector<1x1x16xf32>,
        %get3A_1206 = arith.constant 3 : i32
        %get3A_1207 = arith.index_cast %get3A_1206 : i32 to index
        %get3A_1208 = arith.index_cast %scan3A_1052 : i32 to index
        %get3A_1209 = arith.constant 176 : index
        %get3A_1210 = tpu.vector_load %arg8[%get3A_1207, %get3A_1208, %get3A_1209] {strides = array<i32>} : memref<4x32x768xf32, #tpu.memory_space<vmem>>, vector<1x1x16xf32>,
        %get3A_1211 = vector.shape_cast %get3A_1210 : vector<1x1x16xf32> to vector<16xf32>
        %add3A_1212 = arith.addf %get3A_1211, %get3A_883 : vector<16xf32>
        %swap3A_1213 = arith.constant 3 : i32
        %swap3A_1214 = arith.index_cast %swap3A_1213 : i32 to index
        %swap3A_1215 = arith.index_cast %scan3A_1052 : i32 to index
        %swap3A_1216 = arith.constant 176 : index
        %swap3A_1217 = tpu.vector_load %arg8[%swap3A_1214, %swap3A_1215, %swap3A_1216] {strides = array<i32>} : memref<4x32x768xf32, #tpu.memory_space<vmem>>, vector<1x1x16xf32>,
        %swap3A_1218 = vector.shape_cast %swap3A_1217 : vector<1x1x16xf32> to vector<16xf32>
        %swap3A_1219 = vector.shape_cast %add3A_1212 : vector<16xf32> to vector<1x1x16xf32>
        tpu.vector_store %arg8[%swap3A_1214, %swap3A_1215, %swap3A_1216], %swap3A_1219 {strides = array<i32>} : memref<4x32x768xf32, #tpu.memory_space<vmem>>, vector<1x1x16xf32>,
        %get3A_1220 = arith.constant 3 : i32
        %get3A_1221 = arith.index_cast %get3A_1220 : i32 to index
        %get3A_1222 = arith.index_cast %scan3A_1052 : i32 to index
        %get3A_1223 = arith.constant 192 : index
        %get3A_1224 = tpu.vector_load %arg8[%get3A_1221, %get3A_1222, %get3A_1223] {strides = array<i32>} : memref<4x32x768xf32, #tpu.memory_space<vmem>>, vector<1x1x16xf32>,
        %get3A_1225 = vector.shape_cast %get3A_1224 : vector<1x1x16xf32> to vector<16xf32>
        %add3A_1226 = arith.addf %get3A_1225, %get3A_887 : vector<16xf32>
        %swap3A_1227 = arith.constant 3 : i32
        %swap3A_1228 = arith.index_cast %swap3A_1227 : i32 to index
        %swap3A_1229 = arith.index_cast %scan3A_1052 : i32 to index
        %swap3A_1230 = arith.constant 192 : index
        %swap3A_1231 = tpu.vector_load %arg8[%swap3A_1228, %swap3A_1229, %swap3A_1230] {strides = array<i32>} : memref<4x32x768xf32, #tpu.memory_space<vmem>>, vector<1x1x16xf32>,
        %swap3A_1232 = vector.shape_cast %swap3A_1231 : vector<1x1x16xf32> to vector<16xf32>
        %swap3A_1233 = vector.shape_cast %add3A_1226 : vector<16xf32> to vector<1x1x16xf32>
        tpu.vector_store %arg8[%swap3A_1228, %swap3A_1229, %swap3A_1230], %swap3A_1233 {strides = array<i32>} : memref<4x32x768xf32, #tpu.memory_space<vmem>>, vector<1x1x16xf32>,
        %get3A_1234 = arith.constant 3 : i32
        %get3A_1235 = arith.index_cast %get3A_1234 : i32 to index
        %get3A_1236 = arith.index_cast %scan3A_1052 : i32 to index
        %get3A_1237 = arith.constant 208 : index
        %get3A_1238 = tpu.vector_load %arg8[%get3A_1235, %get3A_1236, %get3A_1237] {strides = array<i32>} : memref<4x32x768xf32, #tpu.memory_space<vmem>>, vector<1x1x16xf32>,
        %get3A_1239 = vector.shape_cast %get3A_1238 : vector<1x1x16xf32> to vector<16xf32>
        %add3A_1240 = arith.addf %get3A_1239, %get3A_891 : vector<16xf32>
        %swap3A_1241 = arith.constant 3 : i32
        %swap3A_1242 = arith.index_cast %swap3A_1241 : i32 to index
        %swap3A_1243 = arith.index_cast %scan3A_1052 : i32 to index
        %swap3A_1244 = arith.constant 208 : index
        %swap3A_1245 = tpu.vector_load %arg8[%swap3A_1242, %swap3A_1243, %swap3A_1244] {strides = array<i32>} : memref<4x32x768xf32, #tpu.memory_space<vmem>>, vector<1x1x16xf32>,
        %swap3A_1246 = vector.shape_cast %swap3A_1245 : vector<1x1x16xf32> to vector<16xf32>
        %swap3A_1247 = vector.shape_cast %add3A_1240 : vector<16xf32> to vector<1x1x16xf32>
        tpu.vector_store %arg8[%swap3A_1242, %swap3A_1243, %swap3A_1244], %swap3A_1247 {strides = array<i32>} : memref<4x32x768xf32, #tpu.memory_space<vmem>>, vector<1x1x16xf32>,
        %get3A_1248 = arith.constant 3 : i32
        %get3A_1249 = arith.index_cast %get3A_1248 : i32 to index
        %get3A_1250 = arith.index_cast %scan3A_1052 : i32 to index
        %get3A_1251 = arith.constant 224 : index
        %get3A_1252 = tpu.vector_load %arg8[%get3A_1249, %get3A_1250, %get3A_1251] {strides = array<i32>} : memref<4x32x768xf32, #tpu.memory_space<vmem>>, vector<1x1x16xf32>,
        %get3A_1253 = vector.shape_cast %get3A_1252 : vector<1x1x16xf32> to vector<16xf32>
        %add3A_1254 = arith.addf %get3A_1253, %get3A_895 : vector<16xf32>
        %swap3A_1255 = arith.constant 3 : i32
        %swap3A_1256 = arith.index_cast %swap3A_1255 : i32 to index
        %swap3A_1257 = arith.index_cast %scan3A_1052 : i32 to index
        %swap3A_1258 = arith.constant 224 : index
        %swap3A_1259 = tpu.vector_load %arg8[%swap3A_1256, %swap3A_1257, %swap3A_1258] {strides = array<i32>} : memref<4x32x768xf32, #tpu.memory_space<vmem>>, vector<1x1x16xf32>,
        %swap3A_1260 = vector.shape_cast %swap3A_1259 : vector<1x1x16xf32> to vector<16xf32>
        %swap3A_1261 = vector.shape_cast %add3A_1254 : vector<16xf32> to vector<1x1x16xf32>
        tpu.vector_store %arg8[%swap3A_1256, %swap3A_1257, %swap3A_1258], %swap3A_1261 {strides = array<i32>} : memref<4x32x768xf32, #tpu.memory_space<vmem>>, vector<1x1x16xf32>,
        %get3A_1262 = arith.constant 3 : i32
        %get3A_1263 = arith.index_cast %get3A_1262 : i32 to index
        %get3A_1264 = arith.index_cast %scan3A_1052 : i32 to index
        %get3A_1265 = arith.constant 240 : index
        %get3A_1266 = tpu.vector_load %arg8[%get3A_1263, %get3A_1264, %get3A_1265] {strides = array<i32>} : memref<4x32x768xf32, #tpu.memory_space<vmem>>, vector<1x1x16xf32>,
        %get3A_1267 = vector.shape_cast %get3A_1266 : vector<1x1x16xf32> to vector<16xf32>
        %add3A_1268 = arith.addf %get3A_1267, %get3A_899 : vector<16xf32>
        %swap3A_1269 = arith.constant 3 : i32
        %swap3A_1270 = arith.index_cast %swap3A_1269 : i32 to index
        %swap3A_1271 = arith.index_cast %scan3A_1052 : i32 to index
        %swap3A_1272 = arith.constant 240 : index
        %swap3A_1273 = tpu.vector_load %arg8[%swap3A_1270, %swap3A_1271, %swap3A_1272] {strides = array<i32>} : memref<4x32x768xf32, #tpu.memory_space<vmem>>, vector<1x1x16xf32>,
        %swap3A_1274 = vector.shape_cast %swap3A_1273 : vector<1x1x16xf32> to vector<16xf32>
        %swap3A_1275 = vector.shape_cast %add3A_1268 : vector<16xf32> to vector<1x1x16xf32>
        tpu.vector_store %arg8[%swap3A_1270, %swap3A_1271, %swap3A_1272], %swap3A_1275 {strides = array<i32>} : memref<4x32x768xf32, #tpu.memory_space<vmem>>, vector<1x1x16xf32>,
        %get3A_1276 = arith.constant 3 : i32
        %get3A_1277 = arith.index_cast %get3A_1276 : i32 to index
        %get3A_1278 = arith.index_cast %scan3A_1052 : i32 to index
        %get3A_1279 = arith.constant 256 : index
        %get3A_1280 = tpu.vector_load %arg8[%get3A_1277, %get3A_1278, %get3A_1279] {strides = array<i32>} : memref<4x32x768xf32, #tpu.memory_space<vmem>>, vector<1x1x16xf32>,
        %get3A_1281 = vector.shape_cast %get3A_1280 : vector<1x1x16xf32> to vector<16xf32>
        %add3A_1282 = arith.addf %get3A_1281, %get3A_903 : vector<16xf32>
        %swap3A_1283 = arith.constant 3 : i32
        %swap3A_1284 = arith.index_cast %swap3A_1283 : i32 to index
        %swap3A_1285 = arith.index_cast %scan3A_1052 : i32 to index
        %swap3A_1286 = arith.constant 256 : index
        %swap3A_1287 = tpu.vector_load %arg8[%swap3A_1284, %swap3A_1285, %swap3A_1286] {strides = array<i32>} : memref<4x32x768xf32, #tpu.memory_space<vmem>>, vector<1x1x16xf32>,
        %swap3A_1288 = vector.shape_cast %swap3A_1287 : vector<1x1x16xf32> to vector<16xf32>
        %swap3A_1289 = vector.shape_cast %add3A_1282 : vector<16xf32> to vector<1x1x16xf32>
        tpu.vector_store %arg8[%swap3A_1284, %swap3A_1285, %swap3A_1286], %swap3A_1289 {strides = array<i32>} : memref<4x32x768xf32, #tpu.memory_space<vmem>>, vector<1x1x16xf32>,
        %get3A_1290 = arith.constant 3 : i32
        %get3A_1291 = arith.index_cast %get3A_1290 : i32 to index
        %get3A_1292 = arith.index_cast %scan3A_1052 : i32 to index
        %get3A_1293 = arith.constant 272 : index
        %get3A_1294 = tpu.vector_load %arg8[%get3A_1291, %get3A_1292, %get3A_1293] {strides = array<i32>} : memref<4x32x768xf32, #tpu.memory_space<vmem>>, vector<1x1x16xf32>,
        %get3A_1295 = vector.shape_cast %get3A_1294 : vector<1x1x16xf32> to vector<16xf32>
        %add3A_1296 = arith.addf %get3A_1295, %get3A_907 : vector<16xf32>
        %swap3A_1297 = arith.constant 3 : i32
        %swap3A_1298 = arith.index_cast %swap3A_1297 : i32 to index
        %swap3A_1299 = arith.index_cast %scan3A_1052 : i32 to index
        %swap3A_1300 = arith.constant 272 : index
        %swap3A_1301 = tpu.vector_load %arg8[%swap3A_1298, %swap3A_1299, %swap3A_1300] {strides = array<i32>} : memref<4x32x768xf32, #tpu.memory_space<vmem>>, vector<1x1x16xf32>,
        %swap3A_1302 = vector.shape_cast %swap3A_1301 : vector<1x1x16xf32> to vector<16xf32>
        %swap3A_1303 = vector.shape_cast %add3A_1296 : vector<16xf32> to vector<1x1x16xf32>
        tpu.vector_store %arg8[%swap3A_1298, %swap3A_1299, %swap3A_1300], %swap3A_1303 {strides = array<i32>} : memref<4x32x768xf32, #tpu.memory_space<vmem>>, vector<1x1x16xf32>,
        %get3A_1304 = arith.constant 3 : i32
        %get3A_1305 = arith.index_cast %get3A_1304 : i32 to index
        %get3A_1306 = arith.index_cast %scan3A_1052 : i32 to index
        %get3A_1307 = arith.constant 288 : index
        %get3A_1308 = tpu.vector_load %arg8[%get3A_1305, %get3A_1306, %get3A_1307] {strides = array<i32>} : memref<4x32x768xf32, #tpu.memory_space<vmem>>, vector<1x1x16xf32>,
        %get3A_1309 = vector.shape_cast %get3A_1308 : vector<1x1x16xf32> to vector<16xf32>
        %add3A_1310 = arith.addf %get3A_1309, %get3A_911 : vector<16xf32>
        %swap3A_1311 = arith.constant 3 : i32
        %swap3A_1312 = arith.index_cast %swap3A_1311 : i32 to index
        %swap3A_1313 = arith.index_cast %scan3A_1052 : i32 to index
        %swap3A_1314 = arith.constant 288 : index
        %swap3A_1315 = tpu.vector_load %arg8[%swap3A_1312, %swap3A_1313, %swap3A_1314] {strides = array<i32>} : memref<4x32x768xf32, #tpu.memory_space<vmem>>, vector<1x1x16xf32>,
        %swap3A_1316 = vector.shape_cast %swap3A_1315 : vector<1x1x16xf32> to vector<16xf32>
        %swap3A_1317 = vector.shape_cast %add3A_1310 : vector<16xf32> to vector<1x1x16xf32>
        tpu.vector_store %arg8[%swap3A_1312, %swap3A_1313, %swap3A_1314], %swap3A_1317 {strides = array<i32>} : memref<4x32x768xf32, #tpu.memory_space<vmem>>, vector<1x1x16xf32>,
        %get3A_1318 = arith.constant 3 : i32
        %get3A_1319 = arith.index_cast %get3A_1318 : i32 to index
        %get3A_1320 = arith.index_cast %scan3A_1052 : i32 to index
        %get3A_1321 = arith.constant 304 : index
        %get3A_1322 = tpu.vector_load %arg8[%get3A_1319, %get3A_1320, %get3A_1321] {strides = array<i32>} : memref<4x32x768xf32, #tpu.memory_space<vmem>>, vector<1x1x16xf32>,
        %get3A_1323 = vector.shape_cast %get3A_1322 : vector<1x1x16xf32> to vector<16xf32>
        %add3A_1324 = arith.addf %get3A_1323, %get3A_915 : vector<16xf32>
        %swap3A_1325 = arith.constant 3 : i32
        %swap3A_1326 = arith.index_cast %swap3A_1325 : i32 to index
        %swap3A_1327 = arith.index_cast %scan3A_1052 : i32 to index
        %swap3A_1328 = arith.constant 304 : index
        %swap3A_1329 = tpu.vector_load %arg8[%swap3A_1326, %swap3A_1327, %swap3A_1328] {strides = array<i32>} : memref<4x32x768xf32, #tpu.memory_space<vmem>>, vector<1x1x16xf32>,
        %swap3A_1330 = vector.shape_cast %swap3A_1329 : vector<1x1x16xf32> to vector<16xf32>
        %swap3A_1331 = vector.shape_cast %add3A_1324 : vector<16xf32> to vector<1x1x16xf32>
        tpu.vector_store %arg8[%swap3A_1326, %swap3A_1327, %swap3A_1328], %swap3A_1331 {strides = array<i32>} : memref<4x32x768xf32, #tpu.memory_space<vmem>>, vector<1x1x16xf32>,
        %get3A_1332 = arith.constant 3 : i32
        %get3A_1333 = arith.index_cast %get3A_1332 : i32 to index
        %get3A_1334 = arith.index_cast %scan3A_1052 : i32 to index
        %get3A_1335 = arith.constant 320 : index
        %get3A_1336 = tpu.vector_load %arg8[%get3A_1333, %get3A_1334, %get3A_1335] {strides = array<i32>} : memref<4x32x768xf32, #tpu.memory_space<vmem>>, vector<1x1x16xf32>,
        %get3A_1337 = vector.shape_cast %get3A_1336 : vector<1x1x16xf32> to vector<16xf32>
        %add3A_1338 = arith.addf %get3A_1337, %get3A_919 : vector<16xf32>
        %swap3A_1339 = arith.constant 3 : i32
        %swap3A_1340 = arith.index_cast %swap3A_1339 : i32 to index
        %swap3A_1341 = arith.index_cast %scan3A_1052 : i32 to index
        %swap3A_1342 = arith.constant 320 : index
        %swap3A_1343 = tpu.vector_load %arg8[%swap3A_1340, %swap3A_1341, %swap3A_1342] {strides = array<i32>} : memref<4x32x768xf32, #tpu.memory_space<vmem>>, vector<1x1x16xf32>,
        %swap3A_1344 = vector.shape_cast %swap3A_1343 : vector<1x1x16xf32> to vector<16xf32>
        %swap3A_1345 = vector.shape_cast %add3A_1338 : vector<16xf32> to vector<1x1x16xf32>
        tpu.vector_store %arg8[%swap3A_1340, %swap3A_1341, %swap3A_1342], %swap3A_1345 {strides = array<i32>} : memref<4x32x768xf32, #tpu.memory_space<vmem>>, vector<1x1x16xf32>,
        %get3A_1346 = arith.constant 3 : i32
        %get3A_1347 = arith.index_cast %get3A_1346 : i32 to index
        %get3A_1348 = arith.index_cast %scan3A_1052 : i32 to index
        %get3A_1349 = arith.constant 336 : index
        %get3A_1350 = tpu.vector_load %arg8[%get3A_1347, %get3A_1348, %get3A_1349] {strides = array<i32>} : memref<4x32x768xf32, #tpu.memory_space<vmem>>, vector<1x1x16xf32>,
        %get3A_1351 = vector.shape_cast %get3A_1350 : vector<1x1x16xf32> to vector<16xf32>
        %add3A_1352 = arith.addf %get3A_1351, %get3A_923 : vector<16xf32>
        %swap3A_1353 = arith.constant 3 : i32
        %swap3A_1354 = arith.index_cast %swap3A_1353 : i32 to index
        %swap3A_1355 = arith.index_cast %scan3A_1052 : i32 to index
        %swap3A_1356 = arith.constant 336 : index
        %swap3A_1357 = tpu.vector_load %arg8[%swap3A_1354, %swap3A_1355, %swap3A_1356] {strides = array<i32>} : memref<4x32x768xf32, #tpu.memory_space<vmem>>, vector<1x1x16xf32>,
        %swap3A_1358 = vector.shape_cast %swap3A_1357 : vector<1x1x16xf32> to vector<16xf32>
        %swap3A_1359 = vector.shape_cast %add3A_1352 : vector<16xf32> to vector<1x1x16xf32>
        tpu.vector_store %arg8[%swap3A_1354, %swap3A_1355, %swap3A_1356], %swap3A_1359 {strides = array<i32>} : memref<4x32x768xf32, #tpu.memory_space<vmem>>, vector<1x1x16xf32>,
        %get3A_1360 = arith.constant 3 : i32
        %get3A_1361 = arith.index_cast %get3A_1360 : i32 to index
        %get3A_1362 = arith.index_cast %scan3A_1052 : i32 to index
        %get3A_1363 = arith.constant 352 : index
        %get3A_1364 = tpu.vector_load %arg8[%get3A_1361, %get3A_1362, %get3A_1363] {strides = array<i32>} : memref<4x32x768xf32, #tpu.memory_space<vmem>>, vector<1x1x16xf32>,
        %get3A_1365 = vector.shape_cast %get3A_1364 : vector<1x1x16xf32> to vector<16xf32>
        %add3A_1366 = arith.addf %get3A_1365, %get3A_927 : vector<16xf32>
        %swap3A_1367 = arith.constant 3 : i32
        %swap3A_1368 = arith.index_cast %swap3A_1367 : i32 to index
        %swap3A_1369 = arith.index_cast %scan3A_1052 : i32 to index
        %swap3A_1370 = arith.constant 352 : index
        %swap3A_1371 = tpu.vector_load %arg8[%swap3A_1368, %swap3A_1369, %swap3A_1370] {strides = array<i32>} : memref<4x32x768xf32, #tpu.memory_space<vmem>>, vector<1x1x16xf32>,
        %swap3A_1372 = vector.shape_cast %swap3A_1371 : vector<1x1x16xf32> to vector<16xf32>
        %swap3A_1373 = vector.shape_cast %add3A_1366 : vector<16xf32> to vector<1x1x16xf32>
        tpu.vector_store %arg8[%swap3A_1368, %swap3A_1369, %swap3A_1370], %swap3A_1373 {strides = array<i32>} : memref<4x32x768xf32, #tpu.memory_space<vmem>>, vector<1x1x16xf32>,
        %get3A_1374 = arith.constant 3 : i32
        %get3A_1375 = arith.index_cast %get3A_1374 : i32 to index
        %get3A_1376 = arith.index_cast %scan3A_1052 : i32 to index
        %get3A_1377 = arith.constant 368 : index
        %get3A_1378 = tpu.vector_load %arg8[%get3A_1375, %get3A_1376, %get3A_1377] {strides = array<i32>} : memref<4x32x768xf32, #tpu.memory_space<vmem>>, vector<1x1x16xf32>,
        %get3A_1379 = vector.shape_cast %get3A_1378 : vector<1x1x16xf32> to vector<16xf32>
        %add3A_1380 = arith.addf %get3A_1379, %get3A_931 : vector<16xf32>
        %swap3A_1381 = arith.constant 3 : i32
        %swap3A_1382 = arith.index_cast %swap3A_1381 : i32 to index
        %swap3A_1383 = arith.index_cast %scan3A_1052 : i32 to index
        %swap3A_1384 = arith.constant 368 : index
        %swap3A_1385 = tpu.vector_load %arg8[%swap3A_1382, %swap3A_1383, %swap3A_1384] {strides = array<i32>} : memref<4x32x768xf32, #tpu.memory_space<vmem>>, vector<1x1x16xf32>,
        %swap3A_1386 = vector.shape_cast %swap3A_1385 : vector<1x1x16xf32> to vector<16xf32>
        %swap3A_1387 = vector.shape_cast %add3A_1380 : vector<16xf32> to vector<1x1x16xf32>
        tpu.vector_store %arg8[%swap3A_1382, %swap3A_1383, %swap3A_1384], %swap3A_1387 {strides = array<i32>} : memref<4x32x768xf32, #tpu.memory_space<vmem>>, vector<1x1x16xf32>,
        %get3A_1388 = arith.constant 3 : i32
        %get3A_1389 = arith.index_cast %get3A_1388 : i32 to index
        %get3A_1390 = arith.index_cast %scan3A_1052 : i32 to index
        %get3A_1391 = arith.constant 384 : index
        %get3A_1392 = tpu.vector_load %arg8[%get3A_1389, %get3A_1390, %get3A_1391] {strides = array<i32>} : memref<4x32x768xf32, #tpu.memory_space<vmem>>, vector<1x1x16xf32>,
        %get3A_1393 = vector.shape_cast %get3A_1392 : vector<1x1x16xf32> to vector<16xf32>
        %add3A_1394 = arith.addf %get3A_1393, %get3A_935 : vector<16xf32>
        %swap3A_1395 = arith.constant 3 : i32
        %swap3A_1396 = arith.index_cast %swap3A_1395 : i32 to index
        %swap3A_1397 = arith.index_cast %scan3A_1052 : i32 to index
        %swap3A_1398 = arith.constant 384 : index
        %swap3A_1399 = tpu.vector_load %arg8[%swap3A_1396, %swap3A_1397, %swap3A_1398] {strides = array<i32>} : memref<4x32x768xf32, #tpu.memory_space<vmem>>, vector<1x1x16xf32>,
        %swap3A_1400 = vector.shape_cast %swap3A_1399 : vector<1x1x16xf32> to vector<16xf32>
        %swap3A_1401 = vector.shape_cast %add3A_1394 : vector<16xf32> to vector<1x1x16xf32>
        tpu.vector_store %arg8[%swap3A_1396, %swap3A_1397, %swap3A_1398], %swap3A_1401 {strides = array<i32>} : memref<4x32x768xf32, #tpu.memory_space<vmem>>, vector<1x1x16xf32>,
        %get3A_1402 = arith.constant 3 : i32
        %get3A_1403 = arith.index_cast %get3A_1402 : i32 to index
        %get3A_1404 = arith.index_cast %scan3A_1052 : i32 to index
        %get3A_1405 = arith.constant 400 : index
        %get3A_1406 = tpu.vector_load %arg8[%get3A_1403, %get3A_1404, %get3A_1405] {strides = array<i32>} : memref<4x32x768xf32, #tpu.memory_space<vmem>>, vector<1x1x16xf32>,
        %get3A_1407 = vector.shape_cast %get3A_1406 : vector<1x1x16xf32> to vector<16xf32>
        %add3A_1408 = arith.addf %get3A_1407, %get3A_939 : vector<16xf32>
        %swap3A_1409 = arith.constant 3 : i32
        %swap3A_1410 = arith.index_cast %swap3A_1409 : i32 to index
        %swap3A_1411 = arith.index_cast %scan3A_1052 : i32 to index
        %swap3A_1412 = arith.constant 400 : index
        %swap3A_1413 = tpu.vector_load %arg8[%swap3A_1410, %swap3A_1411, %swap3A_1412] {strides = array<i32>} : memref<4x32x768xf32, #tpu.memory_space<vmem>>, vector<1x1x16xf32>,
        %swap3A_1414 = vector.shape_cast %swap3A_1413 : vector<1x1x16xf32> to vector<16xf32>
        %swap3A_1415 = vector.shape_cast %add3A_1408 : vector<16xf32> to vector<1x1x16xf32>
        tpu.vector_store %arg8[%swap3A_1410, %swap3A_1411, %swap3A_1412], %swap3A_1415 {strides = array<i32>} : memref<4x32x768xf32, #tpu.memory_space<vmem>>, vector<1x1x16xf32>,
        %get3A_1416 = arith.constant 3 : i32
        %get3A_1417 = arith.index_cast %get3A_1416 : i32 to index
        %get3A_1418 = arith.index_cast %scan3A_1052 : i32 to index
        %get3A_1419 = arith.constant 416 : index
        %get3A_1420 = tpu.vector_load %arg8[%get3A_1417, %get3A_1418, %get3A_1419] {strides = array<i32>} : memref<4x32x768xf32, #tpu.memory_space<vmem>>, vector<1x1x16xf32>,
        %get3A_1421 = vector.shape_cast %get3A_1420 : vector<1x1x16xf32> to vector<16xf32>
        %add3A_1422 = arith.addf %get3A_1421, %get3A_943 : vector<16xf32>
        %swap3A_1423 = arith.constant 3 : i32
        %swap3A_1424 = arith.index_cast %swap3A_1423 : i32 to index
        %swap3A_1425 = arith.index_cast %scan3A_1052 : i32 to index
        %swap3A_1426 = arith.constant 416 : index
        %swap3A_1427 = tpu.vector_load %arg8[%swap3A_1424, %swap3A_1425, %swap3A_1426] {strides = array<i32>} : memref<4x32x768xf32, #tpu.memory_space<vmem>>, vector<1x1x16xf32>,
        %swap3A_1428 = vector.shape_cast %swap3A_1427 : vector<1x1x16xf32> to vector<16xf32>
        %swap3A_1429 = vector.shape_cast %add3A_1422 : vector<16xf32> to vector<1x1x16xf32>
        tpu.vector_store %arg8[%swap3A_1424, %swap3A_1425, %swap3A_1426], %swap3A_1429 {strides = array<i32>} : memref<4x32x768xf32, #tpu.memory_space<vmem>>, vector<1x1x16xf32>,
        %get3A_1430 = arith.constant 3 : i32
        %get3A_1431 = arith.index_cast %get3A_1430 : i32 to index
        %get3A_1432 = arith.index_cast %scan3A_1052 : i32 to index
        %get3A_1433 = arith.constant 432 : index
        %get3A_1434 = tpu.vector_load %arg8[%get3A_1431, %get3A_1432, %get3A_1433] {strides = array<i32>} : memref<4x32x768xf32, #tpu.memory_space<vmem>>, vector<1x1x16xf32>,
        %get3A_1435 = vector.shape_cast %get3A_1434 : vector<1x1x16xf32> to vector<16xf32>
        %add3A_1436 = arith.addf %get3A_1435, %get3A_947 : vector<16xf32>
        %swap3A_1437 = arith.constant 3 : i32
        %swap3A_1438 = arith.index_cast %swap3A_1437 : i32 to index
        %swap3A_1439 = arith.index_cast %scan3A_1052 : i32 to index
        %swap3A_1440 = arith.constant 432 : index
        %swap3A_1441 = tpu.vector_load %arg8[%swap3A_1438, %swap3A_1439, %swap3A_1440] {strides = array<i32>} : memref<4x32x768xf32, #tpu.memory_space<vmem>>, vector<1x1x16xf32>,
        %swap3A_1442 = vector.shape_cast %swap3A_1441 : vector<1x1x16xf32> to vector<16xf32>
        %swap3A_1443 = vector.shape_cast %add3A_1436 : vector<16xf32> to vector<1x1x16xf32>
        tpu.vector_store %arg8[%swap3A_1438, %swap3A_1439, %swap3A_1440], %swap3A_1443 {strides = array<i32>} : memref<4x32x768xf32, #tpu.memory_space<vmem>>, vector<1x1x16xf32>,
        %get3A_1444 = arith.constant 3 : i32
        %get3A_1445 = arith.index_cast %get3A_1444 : i32 to index
        %get3A_1446 = arith.index_cast %scan3A_1052 : i32 to index
        %get3A_1447 = arith.constant 448 : index
        %get3A_1448 = tpu.vector_load %arg8[%get3A_1445, %get3A_1446, %get3A_1447] {strides = array<i32>} : memref<4x32x768xf32, #tpu.memory_space<vmem>>, vector<1x1x16xf32>,
        %get3A_1449 = vector.shape_cast %get3A_1448 : vector<1x1x16xf32> to vector<16xf32>
        %add3A_1450 = arith.addf %get3A_1449, %get3A_951 : vector<16xf32>
        %swap3A_1451 = arith.constant 3 : i32
        %swap3A_1452 = arith.index_cast %swap3A_1451 : i32 to index
        %swap3A_1453 = arith.index_cast %scan3A_1052 : i32 to index
        %swap3A_1454 = arith.constant 448 : index
        %swap3A_1455 = tpu.vector_load %arg8[%swap3A_1452, %swap3A_1453, %swap3A_1454] {strides = array<i32>} : memref<4x32x768xf32, #tpu.memory_space<vmem>>, vector<1x1x16xf32>,
        %swap3A_1456 = vector.shape_cast %swap3A_1455 : vector<1x1x16xf32> to vector<16xf32>
        %swap3A_1457 = vector.shape_cast %add3A_1450 : vector<16xf32> to vector<1x1x16xf32>
        tpu.vector_store %arg8[%swap3A_1452, %swap3A_1453, %swap3A_1454], %swap3A_1457 {strides = array<i32>} : memref<4x32x768xf32, #tpu.memory_space<vmem>>, vector<1x1x16xf32>,
        %get3A_1458 = arith.constant 3 : i32
        %get3A_1459 = arith.index_cast %get3A_1458 : i32 to index
        %get3A_1460 = arith.index_cast %scan3A_1052 : i32 to index
        %get3A_1461 = arith.constant 464 : index
        %get3A_1462 = tpu.vector_load %arg8[%get3A_1459, %get3A_1460, %get3A_1461] {strides = array<i32>} : memref<4x32x768xf32, #tpu.memory_space<vmem>>, vector<1x1x16xf32>,
        %get3A_1463 = vector.shape_cast %get3A_1462 : vector<1x1x16xf32> to vector<16xf32>
        %add3A_1464 = arith.addf %get3A_1463, %get3A_955 : vector<16xf32>
        %swap3A_1465 = arith.constant 3 : i32
        %swap3A_1466 = arith.index_cast %swap3A_1465 : i32 to index
        %swap3A_1467 = arith.index_cast %scan3A_1052 : i32 to index
        %swap3A_1468 = arith.constant 464 : index
        %swap3A_1469 = tpu.vector_load %arg8[%swap3A_1466, %swap3A_1467, %swap3A_1468] {strides = array<i32>} : memref<4x32x768xf32, #tpu.memory_space<vmem>>, vector<1x1x16xf32>,
        %swap3A_1470 = vector.shape_cast %swap3A_1469 : vector<1x1x16xf32> to vector<16xf32>
        %swap3A_1471 = vector.shape_cast %add3A_1464 : vector<16xf32> to vector<1x1x16xf32>
        tpu.vector_store %arg8[%swap3A_1466, %swap3A_1467, %swap3A_1468], %swap3A_1471 {strides = array<i32>} : memref<4x32x768xf32, #tpu.memory_space<vmem>>, vector<1x1x16xf32>,
        %get3A_1472 = arith.constant 3 : i32
        %get3A_1473 = arith.index_cast %get3A_1472 : i32 to index
        %get3A_1474 = arith.index_cast %scan3A_1052 : i32 to index
        %get3A_1475 = arith.constant 480 : index
        %get3A_1476 = tpu.vector_load %arg8[%get3A_1473, %get3A_1474, %get3A_1475] {strides = array<i32>} : memref<4x32x768xf32, #tpu.memory_space<vmem>>, vector<1x1x16xf32>,
        %get3A_1477 = vector.shape_cast %get3A_1476 : vector<1x1x16xf32> to vector<16xf32>
        %add3A_1478 = arith.addf %get3A_1477, %get3A_959 : vector<16xf32>
        %swap3A_1479 = arith.constant 3 : i32
        %swap3A_1480 = arith.index_cast %swap3A_1479 : i32 to index
        %swap3A_1481 = arith.index_cast %scan3A_1052 : i32 to index
        %swap3A_1482 = arith.constant 480 : index
        %swap3A_1483 = tpu.vector_load %arg8[%swap3A_1480, %swap3A_1481, %swap3A_1482] {strides = array<i32>} : memref<4x32x768xf32, #tpu.memory_space<vmem>>, vector<1x1x16xf32>,
        %swap3A_1484 = vector.shape_cast %swap3A_1483 : vector<1x1x16xf32> to vector<16xf32>
        %swap3A_1485 = vector.shape_cast %add3A_1478 : vector<16xf32> to vector<1x1x16xf32>
        tpu.vector_store %arg8[%swap3A_1480, %swap3A_1481, %swap3A_1482], %swap3A_1485 {strides = array<i32>} : memref<4x32x768xf32, #tpu.memory_space<vmem>>, vector<1x1x16xf32>,
        %get3A_1486 = arith.constant 3 : i32
        %get3A_1487 = arith.index_cast %get3A_1486 : i32 to index
        %get3A_1488 = arith.index_cast %scan3A_1052 : i32 to index
        %get3A_1489 = arith.constant 496 : index
        %get3A_1490 = tpu.vector_load %arg8[%get3A_1487, %get3A_1488, %get3A_1489] {strides = array<i32>} : memref<4x32x768xf32, #tpu.memory_space<vmem>>, vector<1x1x16xf32>,
        %get3A_1491 = vector.shape_cast %get3A_1490 : vector<1x1x16xf32> to vector<16xf32>
        %add3A_1492 = arith.addf %get3A_1491, %get3A_963 : vector<16xf32>
        %swap3A_1493 = arith.constant 3 : i32
        %swap3A_1494 = arith.index_cast %swap3A_1493 : i32 to index
        %swap3A_1495 = arith.index_cast %scan3A_1052 : i32 to index
        %swap3A_1496 = arith.constant 496 : index
        %swap3A_1497 = tpu.vector_load %arg8[%swap3A_1494, %swap3A_1495, %swap3A_1496] {strides = array<i32>} : memref<4x32x768xf32, #tpu.memory_space<vmem>>, vector<1x1x16xf32>,
        %swap3A_1498 = vector.shape_cast %swap3A_1497 : vector<1x1x16xf32> to vector<16xf32>
        %swap3A_1499 = vector.shape_cast %add3A_1492 : vector<16xf32> to vector<1x1x16xf32>
        tpu.vector_store %arg8[%swap3A_1494, %swap3A_1495, %swap3A_1496], %swap3A_1499 {strides = array<i32>} : memref<4x32x768xf32, #tpu.memory_space<vmem>>, vector<1x1x16xf32>,
        %get3A_1500 = arith.constant 3 : i32
        %get3A_1501 = arith.index_cast %get3A_1500 : i32 to index
        %get3A_1502 = arith.index_cast %scan3A_1052 : i32 to index
        %get3A_1503 = arith.constant 512 : index
        %get3A_1504 = tpu.vector_load %arg8[%get3A_1501, %get3A_1502, %get3A_1503] {strides = array<i32>} : memref<4x32x768xf32, #tpu.memory_space<vmem>>, vector<1x1x16xf32>,
        %get3A_1505 = vector.shape_cast %get3A_1504 : vector<1x1x16xf32> to vector<16xf32>
        %add3A_1506 = arith.addf %get3A_1505, %get3A_967 : vector<16xf32>
        %swap3A_1507 = arith.constant 3 : i32
        %swap3A_1508 = arith.index_cast %swap3A_1507 : i32 to index
        %swap3A_1509 = arith.index_cast %scan3A_1052 : i32 to index
        %swap3A_1510 = arith.constant 512 : index
        %swap3A_1511 = tpu.vector_load %arg8[%swap3A_1508, %swap3A_1509, %swap3A_1510] {strides = array<i32>} : memref<4x32x768xf32, #tpu.memory_space<vmem>>, vector<1x1x16xf32>,
        %swap3A_1512 = vector.shape_cast %swap3A_1511 : vector<1x1x16xf32> to vector<16xf32>
        %swap3A_1513 = vector.shape_cast %add3A_1506 : vector<16xf32> to vector<1x1x16xf32>
        tpu.vector_store %arg8[%swap3A_1508, %swap3A_1509, %swap3A_1510], %swap3A_1513 {strides = array<i32>} : memref<4x32x768xf32, #tpu.memory_space<vmem>>, vector<1x1x16xf32>,
        %get3A_1514 = arith.constant 3 : i32
        %get3A_1515 = arith.index_cast %get3A_1514 : i32 to index
        %get3A_1516 = arith.index_cast %scan3A_1052 : i32 to index
        %get3A_1517 = arith.constant 528 : index
        %get3A_1518 = tpu.vector_load %arg8[%get3A_1515, %get3A_1516, %get3A_1517] {strides = array<i32>} : memref<4x32x768xf32, #tpu.memory_space<vmem>>, vector<1x1x16xf32>,
        %get3A_1519 = vector.shape_cast %get3A_1518 : vector<1x1x16xf32> to vector<16xf32>
        %add3A_1520 = arith.addf %get3A_1519, %get3A_971 : vector<16xf32>
        %swap3A_1521 = arith.constant 3 : i32
        %swap3A_1522 = arith.index_cast %swap3A_1521 : i32 to index
        %swap3A_1523 = arith.index_cast %scan3A_1052 : i32 to index
        %swap3A_1524 = arith.constant 528 : index
        %swap3A_1525 = tpu.vector_load %arg8[%swap3A_1522, %swap3A_1523, %swap3A_1524] {strides = array<i32>} : memref<4x32x768xf32, #tpu.memory_space<vmem>>, vector<1x1x16xf32>,
        %swap3A_1526 = vector.shape_cast %swap3A_1525 : vector<1x1x16xf32> to vector<16xf32>
        %swap3A_1527 = vector.shape_cast %add3A_1520 : vector<16xf32> to vector<1x1x16xf32>
        tpu.vector_store %arg8[%swap3A_1522, %swap3A_1523, %swap3A_1524], %swap3A_1527 {strides = array<i32>} : memref<4x32x768xf32, #tpu.memory_space<vmem>>, vector<1x1x16xf32>,
        %get3A_1528 = arith.constant 3 : i32
        %get3A_1529 = arith.index_cast %get3A_1528 : i32 to index
        %get3A_1530 = arith.index_cast %scan3A_1052 : i32 to index
        %get3A_1531 = arith.constant 544 : index
        %get3A_1532 = tpu.vector_load %arg8[%get3A_1529, %get3A_1530, %get3A_1531] {strides = array<i32>} : memref<4x32x768xf32, #tpu.memory_space<vmem>>, vector<1x1x16xf32>,
        %get3A_1533 = vector.shape_cast %get3A_1532 : vector<1x1x16xf32> to vector<16xf32>
        %add3A_1534 = arith.addf %get3A_1533, %get3A_975 : vector<16xf32>
        %swap3A_1535 = arith.constant 3 : i32
        %swap3A_1536 = arith.index_cast %swap3A_1535 : i32 to index
        %swap3A_1537 = arith.index_cast %scan3A_1052 : i32 to index
        %swap3A_1538 = arith.constant 544 : index
        %swap3A_1539 = tpu.vector_load %arg8[%swap3A_1536, %swap3A_1537, %swap3A_1538] {strides = array<i32>} : memref<4x32x768xf32, #tpu.memory_space<vmem>>, vector<1x1x16xf32>,
        %swap3A_1540 = vector.shape_cast %swap3A_1539 : vector<1x1x16xf32> to vector<16xf32>
        %swap3A_1541 = vector.shape_cast %add3A_1534 : vector<16xf32> to vector<1x1x16xf32>
        tpu.vector_store %arg8[%swap3A_1536, %swap3A_1537, %swap3A_1538], %swap3A_1541 {strides = array<i32>} : memref<4x32x768xf32, #tpu.memory_space<vmem>>, vector<1x1x16xf32>,
        %get3A_1542 = arith.constant 3 : i32
        %get3A_1543 = arith.index_cast %get3A_1542 : i32 to index
        %get3A_1544 = arith.index_cast %scan3A_1052 : i32 to index
        %get3A_1545 = arith.constant 560 : index
        %get3A_1546 = tpu.vector_load %arg8[%get3A_1543, %get3A_1544, %get3A_1545] {strides = array<i32>} : memref<4x32x768xf32, #tpu.memory_space<vmem>>, vector<1x1x16xf32>,
        %get3A_1547 = vector.shape_cast %get3A_1546 : vector<1x1x16xf32> to vector<16xf32>
        %add3A_1548 = arith.addf %get3A_1547, %get3A_979 : vector<16xf32>
        %swap3A_1549 = arith.constant 3 : i32
        %swap3A_1550 = arith.index_cast %swap3A_1549 : i32 to index
        %swap3A_1551 = arith.index_cast %scan3A_1052 : i32 to index
        %swap3A_1552 = arith.constant 560 : index
        %swap3A_1553 = tpu.vector_load %arg8[%swap3A_1550, %swap3A_1551, %swap3A_1552] {strides = array<i32>} : memref<4x32x768xf32, #tpu.memory_space<vmem>>, vector<1x1x16xf32>,
        %swap3A_1554 = vector.shape_cast %swap3A_1553 : vector<1x1x16xf32> to vector<16xf32>
        %swap3A_1555 = vector.shape_cast %add3A_1548 : vector<16xf32> to vector<1x1x16xf32>
        tpu.vector_store %arg8[%swap3A_1550, %swap3A_1551, %swap3A_1552], %swap3A_1555 {strides = array<i32>} : memref<4x32x768xf32, #tpu.memory_space<vmem>>, vector<1x1x16xf32>,
        %get3A_1556 = arith.constant 3 : i32
        %get3A_1557 = arith.index_cast %get3A_1556 : i32 to index
        %get3A_1558 = arith.index_cast %scan3A_1052 : i32 to index
        %get3A_1559 = arith.constant 576 : index
        %get3A_1560 = tpu.vector_load %arg8[%get3A_1557, %get3A_1558, %get3A_1559] {strides = array<i32>} : memref<4x32x768xf32, #tpu.memory_space<vmem>>, vector<1x1x16xf32>,
        %get3A_1561 = vector.shape_cast %get3A_1560 : vector<1x1x16xf32> to vector<16xf32>
        %add3A_1562 = arith.addf %get3A_1561, %get3A_983 : vector<16xf32>
        %swap3A_1563 = arith.constant 3 : i32
        %swap3A_1564 = arith.index_cast %swap3A_1563 : i32 to index
        %swap3A_1565 = arith.index_cast %scan3A_1052 : i32 to index
        %swap3A_1566 = arith.constant 576 : index
        %swap3A_1567 = tpu.vector_load %arg8[%swap3A_1564, %swap3A_1565, %swap3A_1566] {strides = array<i32>} : memref<4x32x768xf32, #tpu.memory_space<vmem>>, vector<1x1x16xf32>,
        %swap3A_1568 = vector.shape_cast %swap3A_1567 : vector<1x1x16xf32> to vector<16xf32>
        %swap3A_1569 = vector.shape_cast %add3A_1562 : vector<16xf32> to vector<1x1x16xf32>
        tpu.vector_store %arg8[%swap3A_1564, %swap3A_1565, %swap3A_1566], %swap3A_1569 {strides = array<i32>} : memref<4x32x768xf32, #tpu.memory_space<vmem>>, vector<1x1x16xf32>,
        %get3A_1570 = arith.constant 3 : i32
        %get3A_1571 = arith.index_cast %get3A_1570 : i32 to index
        %get3A_1572 = arith.index_cast %scan3A_1052 : i32 to index
        %get3A_1573 = arith.constant 592 : index
        %get3A_1574 = tpu.vector_load %arg8[%get3A_1571, %get3A_1572, %get3A_1573] {strides = array<i32>} : memref<4x32x768xf32, #tpu.memory_space<vmem>>, vector<1x1x16xf32>,
        %get3A_1575 = vector.shape_cast %get3A_1574 : vector<1x1x16xf32> to vector<16xf32>
        %add3A_1576 = arith.addf %get3A_1575, %get3A_987 : vector<16xf32>
        %swap3A_1577 = arith.constant 3 : i32
        %swap3A_1578 = arith.index_cast %swap3A_1577 : i32 to index
        %swap3A_1579 = arith.index_cast %scan3A_1052 : i32 to index
        %swap3A_1580 = arith.constant 592 : index
        %swap3A_1581 = tpu.vector_load %arg8[%swap3A_1578, %swap3A_1579, %swap3A_1580] {strides = array<i32>} : memref<4x32x768xf32, #tpu.memory_space<vmem>>, vector<1x1x16xf32>,
        %swap3A_1582 = vector.shape_cast %swap3A_1581 : vector<1x1x16xf32> to vector<16xf32>
        %swap3A_1583 = vector.shape_cast %add3A_1576 : vector<16xf32> to vector<1x1x16xf32>
        tpu.vector_store %arg8[%swap3A_1578, %swap3A_1579, %swap3A_1580], %swap3A_1583 {strides = array<i32>} : memref<4x32x768xf32, #tpu.memory_space<vmem>>, vector<1x1x16xf32>,
        %get3A_1584 = arith.constant 3 : i32
        %get3A_1585 = arith.index_cast %get3A_1584 : i32 to index
        %get3A_1586 = arith.index_cast %scan3A_1052 : i32 to index
        %get3A_1587 = arith.constant 608 : index
        %get3A_1588 = tpu.vector_load %arg8[%get3A_1585, %get3A_1586, %get3A_1587] {strides = array<i32>} : memref<4x32x768xf32, #tpu.memory_space<vmem>>, vector<1x1x16xf32>,
        %get3A_1589 = vector.shape_cast %get3A_1588 : vector<1x1x16xf32> to vector<16xf32>
        %add3A_1590 = arith.addf %get3A_1589, %get3A_991 : vector<16xf32>
        %swap3A_1591 = arith.constant 3 : i32
        %swap3A_1592 = arith.index_cast %swap3A_1591 : i32 to index
        %swap3A_1593 = arith.index_cast %scan3A_1052 : i32 to index
        %swap3A_1594 = arith.constant 608 : index
        %swap3A_1595 = tpu.vector_load %arg8[%swap3A_1592, %swap3A_1593, %swap3A_1594] {strides = array<i32>} : memref<4x32x768xf32, #tpu.memory_space<vmem>>, vector<1x1x16xf32>,
        %swap3A_1596 = vector.shape_cast %swap3A_1595 : vector<1x1x16xf32> to vector<16xf32>
        %swap3A_1597 = vector.shape_cast %add3A_1590 : vector<16xf32> to vector<1x1x16xf32>
        tpu.vector_store %arg8[%swap3A_1592, %swap3A_1593, %swap3A_1594], %swap3A_1597 {strides = array<i32>} : memref<4x32x768xf32, #tpu.memory_space<vmem>>, vector<1x1x16xf32>,
        %get3A_1598 = arith.constant 3 : i32
        %get3A_1599 = arith.index_cast %get3A_1598 : i32 to index
        %get3A_1600 = arith.index_cast %scan3A_1052 : i32 to index
        %get3A_1601 = arith.constant 624 : index
        %get3A_1602 = tpu.vector_load %arg8[%get3A_1599, %get3A_1600, %get3A_1601] {strides = array<i32>} : memref<4x32x768xf32, #tpu.memory_space<vmem>>, vector<1x1x16xf32>,
        %get3A_1603 = vector.shape_cast %get3A_1602 : vector<1x1x16xf32> to vector<16xf32>
        %add3A_1604 = arith.addf %get3A_1603, %get3A_995 : vector<16xf32>
        %swap3A_1605 = arith.constant 3 : i32
        %swap3A_1606 = arith.index_cast %swap3A_1605 : i32 to index
        %swap3A_1607 = arith.index_cast %scan3A_1052 : i32 to index
        %swap3A_1608 = arith.constant 624 : index
        %swap3A_1609 = tpu.vector_load %arg8[%swap3A_1606, %swap3A_1607, %swap3A_1608] {strides = array<i32>} : memref<4x32x768xf32, #tpu.memory_space<vmem>>, vector<1x1x16xf32>,
        %swap3A_1610 = vector.shape_cast %swap3A_1609 : vector<1x1x16xf32> to vector<16xf32>
        %swap3A_1611 = vector.shape_cast %add3A_1604 : vector<16xf32> to vector<1x1x16xf32>
        tpu.vector_store %arg8[%swap3A_1606, %swap3A_1607, %swap3A_1608], %swap3A_1611 {strides = array<i32>} : memref<4x32x768xf32, #tpu.memory_space<vmem>>, vector<1x1x16xf32>,
        %get3A_1612 = arith.constant 3 : i32
        %get3A_1613 = arith.index_cast %get3A_1612 : i32 to index
        %get3A_1614 = arith.index_cast %scan3A_1052 : i32 to index
        %get3A_1615 = arith.constant 640 : index
        %get3A_1616 = tpu.vector_load %arg8[%get3A_1613, %get3A_1614, %get3A_1615] {strides = array<i32>} : memref<4x32x768xf32, #tpu.memory_space<vmem>>, vector<1x1x16xf32>,
        %get3A_1617 = vector.shape_cast %get3A_1616 : vector<1x1x16xf32> to vector<16xf32>
        %add3A_1618 = arith.addf %get3A_1617, %get3A_999 : vector<16xf32>
        %swap3A_1619 = arith.constant 3 : i32
        %swap3A_1620 = arith.index_cast %swap3A_1619 : i32 to index
        %swap3A_1621 = arith.index_cast %scan3A_1052 : i32 to index
        %swap3A_1622 = arith.constant 640 : index
        %swap3A_1623 = tpu.vector_load %arg8[%swap3A_1620, %swap3A_1621, %swap3A_1622] {strides = array<i32>} : memref<4x32x768xf32, #tpu.memory_space<vmem>>, vector<1x1x16xf32>,
        %swap3A_1624 = vector.shape_cast %swap3A_1623 : vector<1x1x16xf32> to vector<16xf32>
        %swap3A_1625 = vector.shape_cast %add3A_1618 : vector<16xf32> to vector<1x1x16xf32>
        tpu.vector_store %arg8[%swap3A_1620, %swap3A_1621, %swap3A_1622], %swap3A_1625 {strides = array<i32>} : memref<4x32x768xf32, #tpu.memory_space<vmem>>, vector<1x1x16xf32>,
        %get3A_1626 = arith.constant 3 : i32
        %get3A_1627 = arith.index_cast %get3A_1626 : i32 to index
        %get3A_1628 = arith.index_cast %scan3A_1052 : i32 to index
        %get3A_1629 = arith.constant 656 : index
        %get3A_1630 = tpu.vector_load %arg8[%get3A_1627, %get3A_1628, %get3A_1629] {strides = array<i32>} : memref<4x32x768xf32, #tpu.memory_space<vmem>>, vector<1x1x16xf32>,
        %get3A_1631 = vector.shape_cast %get3A_1630 : vector<1x1x16xf32> to vector<16xf32>
        %add3A_1632 = arith.addf %get3A_1631, %get3A_1003 : vector<16xf32>
        %swap3A_1633 = arith.constant 3 : i32
        %swap3A_1634 = arith.index_cast %swap3A_1633 : i32 to index
        %swap3A_1635 = arith.index_cast %scan3A_1052 : i32 to index
        %swap3A_1636 = arith.constant 656 : index
        %swap3A_1637 = tpu.vector_load %arg8[%swap3A_1634, %swap3A_1635, %swap3A_1636] {strides = array<i32>} : memref<4x32x768xf32, #tpu.memory_space<vmem>>, vector<1x1x16xf32>,
        %swap3A_1638 = vector.shape_cast %swap3A_1637 : vector<1x1x16xf32> to vector<16xf32>
        %swap3A_1639 = vector.shape_cast %add3A_1632 : vector<16xf32> to vector<1x1x16xf32>
        tpu.vector_store %arg8[%swap3A_1634, %swap3A_1635, %swap3A_1636], %swap3A_1639 {strides = array<i32>} : memref<4x32x768xf32, #tpu.memory_space<vmem>>, vector<1x1x16xf32>,
        %get3A_1640 = arith.constant 3 : i32
        %get3A_1641 = arith.index_cast %get3A_1640 : i32 to index
        %get3A_1642 = arith.index_cast %scan3A_1052 : i32 to index
        %get3A_1643 = arith.constant 672 : index
        %get3A_1644 = tpu.vector_load %arg8[%get3A_1641, %get3A_1642, %get3A_1643] {strides = array<i32>} : memref<4x32x768xf32, #tpu.memory_space<vmem>>, vector<1x1x16xf32>,
        %get3A_1645 = vector.shape_cast %get3A_1644 : vector<1x1x16xf32> to vector<16xf32>
        %add3A_1646 = arith.addf %get3A_1645, %get3A_1007 : vector<16xf32>
        %swap3A_1647 = arith.constant 3 : i32
        %swap3A_1648 = arith.index_cast %swap3A_1647 : i32 to index
        %swap3A_1649 = arith.index_cast %scan3A_1052 : i32 to index
        %swap3A_1650 = arith.constant 672 : index
        %swap3A_1651 = tpu.vector_load %arg8[%swap3A_1648, %swap3A_1649, %swap3A_1650] {strides = array<i32>} : memref<4x32x768xf32, #tpu.memory_space<vmem>>, vector<1x1x16xf32>,
        %swap3A_1652 = vector.shape_cast %swap3A_1651 : vector<1x1x16xf32> to vector<16xf32>
        %swap3A_1653 = vector.shape_cast %add3A_1646 : vector<16xf32> to vector<1x1x16xf32>
        tpu.vector_store %arg8[%swap3A_1648, %swap3A_1649, %swap3A_1650], %swap3A_1653 {strides = array<i32>} : memref<4x32x768xf32, #tpu.memory_space<vmem>>, vector<1x1x16xf32>,
        %get3A_1654 = arith.constant 3 : i32
        %get3A_1655 = arith.index_cast %get3A_1654 : i32 to index
        %get3A_1656 = arith.index_cast %scan3A_1052 : i32 to index
        %get3A_1657 = arith.constant 688 : index
        %get3A_1658 = tpu.vector_load %arg8[%get3A_1655, %get3A_1656, %get3A_1657] {strides = array<i32>} : memref<4x32x768xf32, #tpu.memory_space<vmem>>, vector<1x1x16xf32>,
        %get3A_1659 = vector.shape_cast %get3A_1658 : vector<1x1x16xf32> to vector<16xf32>
        %add3A_1660 = arith.addf %get3A_1659, %get3A_1011 : vector<16xf32>
        %swap3A_1661 = arith.constant 3 : i32
        %swap3A_1662 = arith.index_cast %swap3A_1661 : i32 to index
        %swap3A_1663 = arith.index_cast %scan3A_1052 : i32 to index
        %swap3A_1664 = arith.constant 688 : index
        %swap3A_1665 = tpu.vector_load %arg8[%swap3A_1662, %swap3A_1663, %swap3A_1664] {strides = array<i32>} : memref<4x32x768xf32, #tpu.memory_space<vmem>>, vector<1x1x16xf32>,
        %swap3A_1666 = vector.shape_cast %swap3A_1665 : vector<1x1x16xf32> to vector<16xf32>
        %swap3A_1667 = vector.shape_cast %add3A_1660 : vector<16xf32> to vector<1x1x16xf32>
        tpu.vector_store %arg8[%swap3A_1662, %swap3A_1663, %swap3A_1664], %swap3A_1667 {strides = array<i32>} : memref<4x32x768xf32, #tpu.memory_space<vmem>>, vector<1x1x16xf32>,
        %get3A_1668 = arith.constant 3 : i32
        %get3A_1669 = arith.index_cast %get3A_1668 : i32 to index
        %get3A_1670 = arith.index_cast %scan3A_1052 : i32 to index
        %get3A_1671 = arith.constant 704 : index
        %get3A_1672 = tpu.vector_load %arg8[%get3A_1669, %get3A_1670, %get3A_1671] {strides = array<i32>} : memref<4x32x768xf32, #tpu.memory_space<vmem>>, vector<1x1x16xf32>,
        %get3A_1673 = vector.shape_cast %get3A_1672 : vector<1x1x16xf32> to vector<16xf32>
        %add3A_1674 = arith.addf %get3A_1673, %get3A_1015 : vector<16xf32>
        %swap3A_1675 = arith.constant 3 : i32
        %swap3A_1676 = arith.index_cast %swap3A_1675 : i32 to index
        %swap3A_1677 = arith.index_cast %scan3A_1052 : i32 to index
        %swap3A_1678 = arith.constant 704 : index
        %swap3A_1679 = tpu.vector_load %arg8[%swap3A_1676, %swap3A_1677, %swap3A_1678] {strides = array<i32>} : memref<4x32x768xf32, #tpu.memory_space<vmem>>, vector<1x1x16xf32>,
        %swap3A_1680 = vector.shape_cast %swap3A_1679 : vector<1x1x16xf32> to vector<16xf32>
        %swap3A_1681 = vector.shape_cast %add3A_1674 : vector<16xf32> to vector<1x1x16xf32>
        tpu.vector_store %arg8[%swap3A_1676, %swap3A_1677, %swap3A_1678], %swap3A_1681 {strides = array<i32>} : memref<4x32x768xf32, #tpu.memory_space<vmem>>, vector<1x1x16xf32>,
        %get3A_1682 = arith.constant 3 : i32
        %get3A_1683 = arith.index_cast %get3A_1682 : i32 to index
        %get3A_1684 = arith.index_cast %scan3A_1052 : i32 to index
        %get3A_1685 = arith.constant 720 : index
        %get3A_1686 = tpu.vector_load %arg8[%get3A_1683, %get3A_1684, %get3A_1685] {strides = array<i32>} : memref<4x32x768xf32, #tpu.memory_space<vmem>>, vector<1x1x16xf32>,
        %get3A_1687 = vector.shape_cast %get3A_1686 : vector<1x1x16xf32> to vector<16xf32>
        %add3A_1688 = arith.addf %get3A_1687, %get3A_1019 : vector<16xf32>
        %swap3A_1689 = arith.constant 3 : i32
        %swap3A_1690 = arith.index_cast %swap3A_1689 : i32 to index
        %swap3A_1691 = arith.index_cast %scan3A_1052 : i32 to index
        %swap3A_1692 = arith.constant 720 : index
        %swap3A_1693 = tpu.vector_load %arg8[%swap3A_1690, %swap3A_1691, %swap3A_1692] {strides = array<i32>} : memref<4x32x768xf32, #tpu.memory_space<vmem>>, vector<1x1x16xf32>,
        %swap3A_1694 = vector.shape_cast %swap3A_1693 : vector<1x1x16xf32> to vector<16xf32>
        %swap3A_1695 = vector.shape_cast %add3A_1688 : vector<16xf32> to vector<1x1x16xf32>
        tpu.vector_store %arg8[%swap3A_1690, %swap3A_1691, %swap3A_1692], %swap3A_1695 {strides = array<i32>} : memref<4x32x768xf32, #tpu.memory_space<vmem>>, vector<1x1x16xf32>,
        %get3A_1696 = arith.constant 3 : i32
        %get3A_1697 = arith.index_cast %get3A_1696 : i32 to index
        %get3A_1698 = arith.index_cast %scan3A_1052 : i32 to index
        %get3A_1699 = arith.constant 736 : index
        %get3A_1700 = tpu.vector_load %arg8[%get3A_1697, %get3A_1698, %get3A_1699] {strides = array<i32>} : memref<4x32x768xf32, #tpu.memory_space<vmem>>, vector<1x1x16xf32>,
        %get3A_1701 = vector.shape_cast %get3A_1700 : vector<1x1x16xf32> to vector<16xf32>
        %add3A_1702 = arith.addf %get3A_1701, %get3A_1023 : vector<16xf32>
        %swap3A_1703 = arith.constant 3 : i32
        %swap3A_1704 = arith.index_cast %swap3A_1703 : i32 to index
        %swap3A_1705 = arith.index_cast %scan3A_1052 : i32 to index
        %swap3A_1706 = arith.constant 736 : index
        %swap3A_1707 = tpu.vector_load %arg8[%swap3A_1704, %swap3A_1705, %swap3A_1706] {strides = array<i32>} : memref<4x32x768xf32, #tpu.memory_space<vmem>>, vector<1x1x16xf32>,
        %swap3A_1708 = vector.shape_cast %swap3A_1707 : vector<1x1x16xf32> to vector<16xf32>
        %swap3A_1709 = vector.shape_cast %add3A_1702 : vector<16xf32> to vector<1x1x16xf32>
        tpu.vector_store %arg8[%swap3A_1704, %swap3A_1705, %swap3A_1706], %swap3A_1709 {strides = array<i32>} : memref<4x32x768xf32, #tpu.memory_space<vmem>>, vector<1x1x16xf32>,
        %get3A_1710 = arith.constant 3 : i32
        %get3A_1711 = arith.index_cast %get3A_1710 : i32 to index
        %get3A_1712 = arith.index_cast %scan3A_1052 : i32 to index
        %get3A_1713 = arith.constant 752 : index
        %get3A_1714 = tpu.vector_load %arg8[%get3A_1711, %get3A_1712, %get3A_1713] {strides = array<i32>} : memref<4x32x768xf32, #tpu.memory_space<vmem>>, vector<1x1x16xf32>,
        %get3A_1715 = vector.shape_cast %get3A_1714 : vector<1x1x16xf32> to vector<16xf32>
        %add3A_1716 = arith.addf %get3A_1715, %get3A_1027 : vector<16xf32>
        %swap3A_1717 = arith.constant 3 : i32
        %swap3A_1718 = arith.index_cast %swap3A_1717 : i32 to index
        %swap3A_1719 = arith.index_cast %scan3A_1052 : i32 to index
        %swap3A_1720 = arith.constant 752 : index
        %swap3A_1721 = tpu.vector_load %arg8[%swap3A_1718, %swap3A_1719, %swap3A_1720] {strides = array<i32>} : memref<4x32x768xf32, #tpu.memory_space<vmem>>, vector<1x1x16xf32>,
        %swap3A_1722 = vector.shape_cast %swap3A_1721 : vector<1x1x16xf32> to vector<16xf32>
        %swap3A_1723 = vector.shape_cast %add3A_1716 : vector<16xf32> to vector<1x1x16xf32>
        tpu.vector_store %arg8[%swap3A_1718, %swap3A_1719, %swap3A_1720], %swap3A_1723 {strides = array<i32>} : memref<4x32x768xf32, #tpu.memory_space<vmem>>, vector<1x1x16xf32>,
      }
      %scan3A_1033 = arith.constant 32 : i32
      %add3A_1034 = arith.addi %mul3A_2, %scan3A_106 : i32
      %dma_start3A_1035 = arith.constant 3 : i32
      %dma_start3A_1036 = arith.constant 0 : i32
      %dma_start3A_1037 = arith.constant 0 : i32
      %dma_start3A_1038 = tpu.memref_slice %arg8[%dma_start3A_1035, %dma_start3A_1036, %dma_start3A_1037] : memref<4x32x768xf32, #tpu.memory_space<vmem>> -> memref<1x32x768xf32, #tpu.memory_space<vmem>>
      %dma_start3A_1039 = tpu.memref_squeeze %dma_start3A_1038 : memref<1x32x768xf32, #tpu.memory_space<vmem>> -> memref<32x768xf32, #tpu.memory_space<vmem>>
      %dma_start3A_1040 = arith.constant 96 : i32
      %dma_start3A_1041 = arith.constant 0 : i32
      %dma_start3A_1042 = tpu.memref_slice %arg5[%dma_start3A_1040, %add3A_1034, %dma_start3A_1041] : memref<128x512x768xf32, #tpu.memory_space<hbm>> -> memref<32x1x768xf32, #tpu.memory_space<hbm>>
      %dma_start3A_1043 = tpu.memref_squeeze %dma_start3A_1042 : memref<32x1x768xf32, #tpu.memory_space<hbm>> -> memref<32x768xf32, #tpu.memory_space<hbm>>
      %dma_start3A_1044 = arith.constant 96 : i32
      %dma_start3A_1045 = arith.constant 0 : i32
      %dma_start3A_1046 = tpu.memref_slice %arg5[%dma_start3A_1044, %add3A_1034, %dma_start3A_1045] : memref<128x512x768xf32, #tpu.memory_space<hbm>> -> memref<32x1x768xf32, #tpu.memory_space<hbm>>
      %dma_start3A_1047 = tpu.memref_squeeze %dma_start3A_1046 : memref<32x1x768xf32, #tpu.memory_space<hbm>> -> memref<32x768xf32, #tpu.memory_space<hbm>>
      %dma_start3A_1048 = arith.constant 0 : i32
      %dma_start3A_1049 = arith.constant 0 : i32
      %dma_start3A_1050 = tpu.memref_slice %arg8[%dma_start3A_1035, %dma_start3A_1048, %dma_start3A_1049] : memref<4x32x768xf32, #tpu.memory_space<vmem>> -> memref<1x32x768xf32, #tpu.memory_space<vmem>>
      %dma_start3A_1051 = tpu.memref_squeeze %dma_start3A_1050 : memref<1x32x768xf32, #tpu.memory_space<vmem>> -> memref<32x768xf32, #tpu.memory_space<vmem>>
      tpu.enqueue_dma source(%dma_start3A_1051 : memref<32x768xf32, #tpu.memory_space<vmem>>) target(%dma_start3A_1047 : memref<32x768xf32, #tpu.memory_space<hbm>>) target_semaphore(%arg16 : memref<!tpu.dma_semaphore, #tpu.memory_space<semaphore_mem>>)
    }
    %scan3A_30 = arith.constant 16 : i32
    %add3A_31 = arith.constant 15 : i32
    %add3A_32 = arith.addi %mul3A_2, %add3A_31 : i32
    %dma_wait3A = arith.constant 0 : i32
    %dma_wait3A_33 = arith.constant 0 : i32
    %dma_wait3A_34 = arith.constant 0 : i32
    %dma_wait3A_35 = tpu.memref_slice %arg8[%dma_wait3A, %dma_wait3A_33, %dma_wait3A_34] : memref<4x32x768xf32, #tpu.memory_space<vmem>> -> memref<1x32x768xf32, #tpu.memory_space<vmem>>
    %dma_wait3A_36 = tpu.memref_squeeze %dma_wait3A_35 : memref<1x32x768xf32, #tpu.memory_space<vmem>> -> memref<32x768xf32, #tpu.memory_space<vmem>>
    %dma_wait3A_37 = arith.constant 0 : i32
    %dma_wait3A_38 = arith.constant 0 : i32
    %dma_wait3A_39 = tpu.memref_slice %arg5[%dma_wait3A_37, %add3A_32, %dma_wait3A_38] : memref<128x512x768xf32, #tpu.memory_space<hbm>> -> memref<32x1x768xf32, #tpu.memory_space<hbm>>
    %dma_wait3A_40 = tpu.memref_squeeze %dma_wait3A_39 : memref<32x1x768xf32, #tpu.memory_space<hbm>> -> memref<32x768xf32, #tpu.memory_space<hbm>>
    %dma_wait3A_41 = arith.constant 0 : i32
    %dma_wait3A_42 = arith.constant 0 : i32
    %dma_wait3A_43 = tpu.memref_slice %arg5[%dma_wait3A_41, %add3A_32, %dma_wait3A_42] : memref<128x512x768xf32, #tpu.memory_space<hbm>> -> memref<32x1x768xf32, #tpu.memory_space<hbm>>
    %dma_wait3A_44 = tpu.memref_squeeze %dma_wait3A_43 : memref<32x1x768xf32, #tpu.memory_space<hbm>> -> memref<32x768xf32, #tpu.memory_space<hbm>>
    %dma_wait3A_45 = arith.constant 0 : i32
    %dma_wait3A_46 = arith.constant 0 : i32
    %dma_wait3A_47 = tpu.memref_slice %arg8[%dma_wait3A, %dma_wait3A_45, %dma_wait3A_46] : memref<4x32x768xf32, #tpu.memory_space<vmem>> -> memref<1x32x768xf32, #tpu.memory_space<vmem>>
    %dma_wait3A_48 = tpu.memref_squeeze %dma_wait3A_47 : memref<1x32x768xf32, #tpu.memory_space<vmem>> -> memref<32x768xf32, #tpu.memory_space<vmem>>
    tpu.wait_dma2 semaphore(%arg13 : memref<!tpu.dma_semaphore, #tpu.memory_space<semaphore_mem>>) src(%dma_wait3A_48 : memref<32x768xf32, #tpu.memory_space<vmem>>) dst(%dma_wait3A_44 : memref<32x768xf32, #tpu.memory_space<hbm>>)
    %add3A_49 = arith.constant 15 : i32
    %add3A_50 = arith.addi %mul3A_2, %add3A_49 : i32
    %dma_wait3A_51 = arith.constant 1 : i32
    %dma_wait3A_52 = arith.constant 0 : i32
    %dma_wait3A_53 = arith.constant 0 : i32
    %dma_wait3A_54 = tpu.memref_slice %arg8[%dma_wait3A_51, %dma_wait3A_52, %dma_wait3A_53] : memref<4x32x768xf32, #tpu.memory_space<vmem>> -> memref<1x32x768xf32, #tpu.memory_space<vmem>>
    %dma_wait3A_55 = tpu.memref_squeeze %dma_wait3A_54 : memref<1x32x768xf32, #tpu.memory_space<vmem>> -> memref<32x768xf32, #tpu.memory_space<vmem>>
    %dma_wait3A_56 = arith.constant 32 : i32
    %dma_wait3A_57 = arith.constant 0 : i32
    %dma_wait3A_58 = tpu.memref_slice %arg5[%dma_wait3A_56, %add3A_50, %dma_wait3A_57] : memref<128x512x768xf32, #tpu.memory_space<hbm>> -> memref<32x1x768xf32, #tpu.memory_space<hbm>>
    %dma_wait3A_59 = tpu.memref_squeeze %dma_wait3A_58 : memref<32x1x768xf32, #tpu.memory_space<hbm>> -> memref<32x768xf32, #tpu.memory_space<hbm>>
    %dma_wait3A_60 = arith.constant 32 : i32
    %dma_wait3A_61 = arith.constant 0 : i32
    %dma_wait3A_62 = tpu.memref_slice %arg5[%dma_wait3A_60, %add3A_50, %dma_wait3A_61] : memref<128x512x768xf32, #tpu.memory_space<hbm>> -> memref<32x1x768xf32, #tpu.memory_space<hbm>>
    %dma_wait3A_63 = tpu.memref_squeeze %dma_wait3A_62 : memref<32x1x768xf32, #tpu.memory_space<hbm>> -> memref<32x768xf32, #tpu.memory_space<hbm>>
    %dma_wait3A_64 = arith.constant 0 : i32
    %dma_wait3A_65 = arith.constant 0 : i32
    %dma_wait3A_66 = tpu.memref_slice %arg8[%dma_wait3A_51, %dma_wait3A_64, %dma_wait3A_65] : memref<4x32x768xf32, #tpu.memory_space<vmem>> -> memref<1x32x768xf32, #tpu.memory_space<vmem>>
    %dma_wait3A_67 = tpu.memref_squeeze %dma_wait3A_66 : memref<1x32x768xf32, #tpu.memory_space<vmem>> -> memref<32x768xf32, #tpu.memory_space<vmem>>
    tpu.wait_dma2 semaphore(%arg14 : memref<!tpu.dma_semaphore, #tpu.memory_space<semaphore_mem>>) src(%dma_wait3A_67 : memref<32x768xf32, #tpu.memory_space<vmem>>) dst(%dma_wait3A_63 : memref<32x768xf32, #tpu.memory_space<hbm>>)
    %add3A_68 = arith.constant 15 : i32
    %add3A_69 = arith.addi %mul3A_2, %add3A_68 : i32
    %dma_wait3A_70 = arith.constant 2 : i32
    %dma_wait3A_71 = arith.constant 0 : i32
    %dma_wait3A_72 = arith.constant 0 : i32
    %dma_wait3A_73 = tpu.memref_slice %arg8[%dma_wait3A_70, %dma_wait3A_71, %dma_wait3A_72] : memref<4x32x768xf32, #tpu.memory_space<vmem>> -> memref<1x32x768xf32, #tpu.memory_space<vmem>>
    %dma_wait3A_74 = tpu.memref_squeeze %dma_wait3A_73 : memref<1x32x768xf32, #tpu.memory_space<vmem>> -> memref<32x768xf32, #tpu.memory_space<vmem>>
    %dma_wait3A_75 = arith.constant 64 : i32
    %dma_wait3A_76 = arith.constant 0 : i32
    %dma_wait3A_77 = tpu.memref_slice %arg5[%dma_wait3A_75, %add3A_69, %dma_wait3A_76] : memref<128x512x768xf32, #tpu.memory_space<hbm>> -> memref<32x1x768xf32, #tpu.memory_space<hbm>>
    %dma_wait3A_78 = tpu.memref_squeeze %dma_wait3A_77 : memref<32x1x768xf32, #tpu.memory_space<hbm>> -> memref<32x768xf32, #tpu.memory_space<hbm>>
    %dma_wait3A_79 = arith.constant 64 : i32
    %dma_wait3A_80 = arith.constant 0 : i32
    %dma_wait3A_81 = tpu.memref_slice %arg5[%dma_wait3A_79, %add3A_69, %dma_wait3A_80] : memref<128x512x768xf32, #tpu.memory_space<hbm>> -> memref<32x1x768xf32, #tpu.memory_space<hbm>>
    %dma_wait3A_82 = tpu.memref_squeeze %dma_wait3A_81 : memref<32x1x768xf32, #tpu.memory_space<hbm>> -> memref<32x768xf32, #tpu.memory_space<hbm>>
    %dma_wait3A_83 = arith.constant 0 : i32
    %dma_wait3A_84 = arith.constant 0 : i32
    %dma_wait3A_85 = tpu.memref_slice %arg8[%dma_wait3A_70, %dma_wait3A_83, %dma_wait3A_84] : memref<4x32x768xf32, #tpu.memory_space<vmem>> -> memref<1x32x768xf32, #tpu.memory_space<vmem>>
    %dma_wait3A_86 = tpu.memref_squeeze %dma_wait3A_85 : memref<1x32x768xf32, #tpu.memory_space<vmem>> -> memref<32x768xf32, #tpu.memory_space<vmem>>
    tpu.wait_dma2 semaphore(%arg15 : memref<!tpu.dma_semaphore, #tpu.memory_space<semaphore_mem>>) src(%dma_wait3A_86 : memref<32x768xf32, #tpu.memory_space<vmem>>) dst(%dma_wait3A_82 : memref<32x768xf32, #tpu.memory_space<hbm>>)
    %add3A_87 = arith.constant 15 : i32
    %add3A_88 = arith.addi %mul3A_2, %add3A_87 : i32
    %dma_wait3A_89 = arith.constant 3 : i32
    %dma_wait3A_90 = arith.constant 0 : i32
    %dma_wait3A_91 = arith.constant 0 : i32
    %dma_wait3A_92 = tpu.memref_slice %arg8[%dma_wait3A_89, %dma_wait3A_90, %dma_wait3A_91] : memref<4x32x768xf32, #tpu.memory_space<vmem>> -> memref<1x32x768xf32, #tpu.memory_space<vmem>>
    %dma_wait3A_93 = tpu.memref_squeeze %dma_wait3A_92 : memref<1x32x768xf32, #tpu.memory_space<vmem>> -> memref<32x768xf32, #tpu.memory_space<vmem>>
    %dma_wait3A_94 = arith.constant 96 : i32
    %dma_wait3A_95 = arith.constant 0 : i32
    %dma_wait3A_96 = tpu.memref_slice %arg5[%dma_wait3A_94, %add3A_88, %dma_wait3A_95] : memref<128x512x768xf32, #tpu.memory_space<hbm>> -> memref<32x1x768xf32, #tpu.memory_space<hbm>>
    %dma_wait3A_97 = tpu.memref_squeeze %dma_wait3A_96 : memref<32x1x768xf32, #tpu.memory_space<hbm>> -> memref<32x768xf32, #tpu.memory_space<hbm>>
    %dma_wait3A_98 = arith.constant 96 : i32
    %dma_wait3A_99 = arith.constant 0 : i32
    %dma_wait3A_100 = tpu.memref_slice %arg5[%dma_wait3A_98, %add3A_88, %dma_wait3A_99] : memref<128x512x768xf32, #tpu.memory_space<hbm>> -> memref<32x1x768xf32, #tpu.memory_space<hbm>>
    %dma_wait3A_101 = tpu.memref_squeeze %dma_wait3A_100 : memref<32x1x768xf32, #tpu.memory_space<hbm>> -> memref<32x768xf32, #tpu.memory_space<hbm>>
    %dma_wait3A_102 = arith.constant 0 : i32
    %dma_wait3A_103 = arith.constant 0 : i32
    %dma_wait3A_104 = tpu.memref_slice %arg8[%dma_wait3A_89, %dma_wait3A_102, %dma_wait3A_103] : memref<4x32x768xf32, #tpu.memory_space<vmem>> -> memref<1x32x768xf32, #tpu.memory_space<vmem>>
    %dma_wait3A_105 = tpu.memref_squeeze %dma_wait3A_104 : memref<1x32x768xf32, #tpu.memory_space<vmem>> -> memref<32x768xf32, #tpu.memory_space<vmem>>
    tpu.wait_dma2 semaphore(%arg16 : memref<!tpu.dma_semaphore, #tpu.memory_space<semaphore_mem>>) src(%dma_wait3A_105 : memref<32x768xf32, #tpu.memory_space<vmem>>) dst(%dma_wait3A_101 : memref<32x768xf32, #tpu.memory_space<hbm>>)
    return
  }
}

</mosaic_0001>

<sc_bundles>
// kernel: kernel.3.cloned.1.call-start
scs
__scs_entry_jumppad:
0x0: {  	(pc) =	sbr.rel $0x88, $3  }
0x1: {  	(tag) =	ssettag $0x0;
	lr =	simm.s32 $0x1  }
0x2: {  	[smem:$0x3F9E] =	sst lr;
	_ =	strace $0xD0000000  }
0x3: {  	_ = 	snop  }
0x4: {  	_ = 	snop  }
0x5: {  	_ = 	snop  }
0x6: {  	_ = 	snop  }
0x7: {  	_ = 	snop  }
__scs_overlays_trampoline_lowered:
0x8: {  	[smem:$0x3FAD] =	sst s0  }
0x9: {  	[smem:$0x3FAE] =	sst s1  }
0xa: {  	[smem:$0x3FAF] =	sst s2  }
0xb: {  	[smem:$0x3FB0] =	sst s3  }
0xc: {  	[smem:$0x3FB1] =	sst s4  }
0xd: {  	[smem:$0x3FB2] =	sst s5  }
0xe: {  	[smem:$0x3FB3] =	sst s6  }
0xf: {  	[smem:$0x3FB4] =	sst s7  }
0x10: {  	[smem:$0x3FB5] =	sst s8  }
0x11: {  	[smem:$0x3FB6] =	sst s9;
	s0 =	simm.s32 @!p0 $0x0  }
0x12: {  	s1 =	sld [smem:$0x3F9C];
	s0 =	simm.s32 @p0 $0x1  }
0x13: {  	[smem:$0x3FB7] =	sst s0;
	s0 =	simm.s32 @!p1 $0x0  }
0x14: {  	s2 =	sld [smem:$0x3F9B];
	s0 =	simm.s32 @p1 $0x1  }
0x15: {  	[smem:$0x3FB8] =	sst s0;
	s0 =	simm.s32 @!p2 $0x0  }
0x16: {  	s3 =	sld [smem:$0x3FDB];
	s0 =	simm.s32 @p2 $0x1  }
0x17: {  	s4 =	simm.s32 $0x1BF5;
	[smem:$0x3FBA] =	sst s0  }
0x18: {  	s0 =	sld [smem:$0x3F9D];
	_ =	swait.ge [sflag:s4], $0x0  }
0x19: {  	s7 =	sld [smem:$0x3F9E]  }
0x1a: {  	s8 =	sadd.s32 $0xFFFFE003, lr  }
0x1b: {  	s9 =	sadd.s32 $0xFFFFFEF7, lr;
	s5 =	simm.s32 $0xFFFFFFFF;
	p2 =	slt.u32 s8, $0xFFFFF086  }
0x1c: {  	p1 =	slt.u32 s9, $0xF7A;
	s5 =	simm.s32 @!p2 $0x0  }
0x1d: {  	s5 =	simm.s32 @p1 $0x1;
	p0 =	seq.s32 s7, s2  }
0x1e: {  	s7 =	smul.u32 @!p0 $0xF7A, s2;
	p2 =	seq.s32 @!p0 s5, $0x0  }
0x1f: {  	s9 =	smul.u32 $0xF7A, s1;
	s8 =	simm.s32 @!p0 $0x1BF5;
	p2 =	por !p2, p0  }
0x20: {  	[sflag:s8] =	ssyncset.s32 @!p0 $0xFFFFF086;
	s6 =	sadd.s32 @!p0 s3, s7;
	s7 =	simm.s32 @!p0 $0x108  }
0x21: {  	s3 =	sadd.s32 s3, s9;
	s6 =	sadd.s32 @!p0 $0x88, s6;
	s7 =	simm.s32 @p2 $0x1082  }
0x22: {  	[simem:s7], [sflag:s8] =	dma.local @!p0 [hbm:s6], $0xF7A  }
0x23: {  	s9 =	sor.u32 $0xD0000000, s2;
	s6 =	simm.s32 $0x108;
	_ =	swait.ge @!p0 [sflag:s8], $0x0  }
0x24: {  	s3 =	sadd.s32 $0x88, s3;
	s6 =	simm.s32 @!p1 $0x1082;
	[sflag:s4] =	ssyncset.s32 $0xFFFFF086  }
0x25: {  	[simem:s6], [sflag:s4] =	dma.local [hbm:s3], $0xF7A  }
0x26: {  	[smem:$0x3F9E] =	sst s1;
	(tag) =	ssettag s2;
	_ =	strace s9  }
0x27: {  	s1 =	sld [smem:$0x3FAE]  }
0x28: {  	s2 =	sld [smem:$0x3FAF]  }
0x29: {  	s4 =	sld [smem:$0x3FB1]  }
0x2a: {  	p0 =	seq.s32 s5, $0x0;
	s5 =	sld [smem:$0x3FB2]  }
0x2b: {  	s6 =	sld [smem:$0x3FB3]  }
0x2c: {  	s7 =	sld [smem:$0x3FB4]  }
0x2d: {  	s3 =	simm.s32 $0x108;
	s8 =	sld [smem:$0x3FB5]  }
0x2e: {  	s3 =	simm.s32 @!p0 $0x1082;
	s9 =	sld [smem:$0x3FB6]  }
0x2f: {  	lr =	sadd.s32 s0, s3;
	s0 =	sld [smem:$0x3FAD]  }
0x30: {  	s3 =	sld [smem:$0x3FB0]  }
0x31: {  	[smem:$0x3FB9] =	sst s10  }
0x32: {  	s10 =	sld [smem:$0x3FB7];
	_ =	sdelay $0x3  }
0x33: {  	p0 =	seq.s32 s10, $0x1;
	s10 =	sld [smem:$0x3FB9];
	_ =	sdelay $0x3  }
0x34: {  	[smem:$0x3FB9] =	sst s10  }
0x35: {  	s10 =	sld [smem:$0x3FB8];
	_ =	sdelay $0x3  }
0x36: {  	p1 =	seq.s32 s10, $0x1;
	s10 =	sld [smem:$0x3FB9];
	_ =	sdelay $0x3  }
0x37: {  	[smem:$0x3FB9] =	sst s10  }
0x38: {  	s10 =	sld [smem:$0x3FBA]  }
0x39: {  	_ = 	snop;
	(pc) =	sbr.ind lr, $3  }
0x3a: {  	_ = 	snop  }
0x3b: {  	_ = 	snop  }
0x3c: {  	p2 =	seq.s32 s10, $0x1;
	s10 =	sld [smem:$0x3FB9]  }
0x3d: {  	_ =	shalt  }
0x3e: {  	_ =	shalt  }
0x3f: {  	_ =	shalt  }
0x40: {  	_ =	shalt  }
0x41: {  	_ =	shalt  }
0x42: {  	_ =	shalt  }
0x43: {  	_ =	shalt  }
0x44: {  	_ =	shalt  }
0x45: {  	_ =	shalt  }
0x46: {  	_ =	shalt  }
0x47: {  	_ =	shalt  }
0x48: {  	_ =	shalt  }
0x49: {  	_ =	shalt  }
0x4a: {  	_ =	shalt  }
0x4b: {  	_ =	shalt  }
0x4c: {  	_ =	shalt  }
0x4d: {  	_ =	shalt  }
0x4e: {  	_ =	shalt  }
0x4f: {  	_ =	shalt  }
0x50: {  	_ =	shalt  }
0x51: {  	_ =	shalt  }
0x52: {  	_ =	shalt  }
0x53: {  	_ =	shalt  }
0x54: {  	_ =	shalt  }
0x55: {  	_ =	shalt  }
0x56: {  	_ =	shalt  }
0x57: {  	_ =	shalt  }
0x58: {  	_ =	shalt  }
0x59: {  	_ =	shalt  }
0x5a: {  	_ =	shalt  }
0x5b: {  	_ =	shalt  }
0x5c: {  	_ =	shalt  }
0x5d: {  	_ =	shalt  }
0x5e: {  	_ =	shalt  }
0x5f: {  	_ =	shalt  }
0x60: {  	_ =	shalt  }
0x61: {  	_ =	shalt  }
0x62: {  	_ =	shalt  }
0x63: {  	_ =	shalt  }
0x64: {  	_ =	shalt  }
0x65: {  	_ =	shalt  }
0x66: {  	_ =	shalt  }
0x67: {  	_ =	shalt  }
0x68: {  	_ =	shalt  }
0x69: {  	_ =	shalt  }
0x6a: {  	_ =	shalt  }
0x6b: {  	_ =	shalt  }
0x6c: {  	_ =	shalt  }
0x6d: {  	_ =	shalt  }
0x6e: {  	_ =	shalt  }
0x6f: {  	_ =	shalt  }
0x70: {  	_ =	shalt  }
0x71: {  	_ =	shalt  }
0x72: {  	_ =	shalt  }
0x73: {  	_ =	shalt  }
0x74: {  	_ =	shalt  }
0x75: {  	_ =	shalt  }
0x76: {  	_ =	shalt  }
0x77: {  	_ =	shalt  }
0x78: {  	_ =	shalt  }
0x79: {  	_ =	shalt  }
0x7a: {  	_ =	shalt  }
0x7b: {  	_ =	shalt  }
0x7c: {  	_ =	shalt  }
0x7d: {  	_ =	shalt  }
0x7e: {  	_ =	shalt  }
0x7f: {  	_ =	shalt  }
0x80: {  	_ =	shalt  }
0x81: {  	_ =	shalt  }
0x82: {  	_ =	shalt  }
0x83: {  	_ =	shalt  }
0x84: {  	_ =	shalt  }
0x85: {  	_ =	shalt  }
0x86: {  	_ =	shalt  }
0x87: {  	_ =	shalt  }
.Lfunc_end0:
.L_simem_size_0:
called_computation_lowered:
.L_overlay_start_0:
0x88: {  	s2 =	sld [smem:$0x3FD9]  }
0x89: {  	s3 =	sld [smem:$0x3FFE];
	_ =	sdelay $0x1  }
0x8a: {  	s1 =	srdreg.scid  }
0x8b: {  	s0 =	sand.u32 $0x1, s1  }
0x8c: {  	s17 =	sshll.u32 s0, $0xA;
	s2 =	sadd.s32 s3, s2  }
0x8d: {  	s2 =	sadd.s32 s2, s17  }
0x8e: {  	[smem:$0x3FC5] =	sst s2  }
0x8f: {  	_ = 	snop  }
0x90: {  	s2 =	sld [smem:$0x3FC8]  }
0x91: {  	s18 =	sld [smem:$0x3FC7]  }
0x92: {  	s4 =	sld [smem:$0x3FD0];
	(tm) =	ssettm $0x1  }
0x93: {  	s5 =	sld [smem:$0x3FFB];
	_ =	sdelay $0x3  }
0x94: {  	_ =	strace s5  }
0x95: {  	s5 =	sld [smem:$0x3FFC];
	_ =	sdelay $0x3  }
0x96: {  	_ =	strace s5  }
0x97: {  	s5 =	sld [smem:$0x3FFD];
	_ =	sdelay $0x3  }
0x98: {  	_ =	strace s5  }
0x99: {  	_ =	strace $0x8FFFFFFF  }
0x9a: {  	s19 =	sld [smem:$0x3FDB];
	_ =	sdelay $0x1  }
0x9b: {  	s6 =	simm.s32 $_scs_section_size  }
0x9c: {  	s7 =	simm.s32 $_size__tile_overlayer_lowered;
	s8 =	simm.s32 $_tile_overlayer_lowered  }
0x9d: {  	s22 =	simm.s32 $0x1BFF;
	s21 =	sshll.u32 s8, $0x1;
	s5 =	sadd.s32 s6, s19  }
0x9e: {  	s9 =	simm.s32 $0x0;
	s20 =	sshll.u32 s7, $0x1;
	s7 =	sadd.s32 s21, s5  }
0x9f: {  	[timem:s9], [sflag:s22] =	dma.local [hbm:s7], s20  }
0xa0: {  	_ =	swait.ge [sflag:s22], s20  }
0xa1: {  	s6 =	ssub.s32 $0x0, s20;
	[sflag:s22] =	ssyncset.done $0x0  }
0xa2: {  	[sflag:s22] =	ssyncadd.s32 s6;
	_ =	sdelay $0x1  }
0xa3: {  	s23 =	simm.s32 $0x1B8B  }
0xa4: {  	_ =	swait.ge [sflag:s23], $0x1  }
0xa5: {  	[sflag:s23] =	ssyncset.done $0x0  }
0xa6: {  	s25 =	simm.s32 $0x1B8E;
	s24 =	sld [smem:$0x3FFE];
	[sflag:s23] =	ssyncadd.s32 $0xFFFFFFFF  }
0xa7: {  	s26 =	simm.s32 $execute0_lowered;
	[smem:$0x3FD2] =	sst s25  }
0xa8: {  	s7 =	sshll.u32 s26, $0x1;
	_ =	strace $0x80000046;
	[dreg:$0x1] =	wrdreg $0xFFFFFFFF  }
0xa9: {  	s28 =	simm.s32 $_size_execute0_lowered;
	s5 =	sadd.s32 s5, s7;
	[dreg:$0x0] =	wrdreg $0x0  }
0xaa: {  	s7 =	sshll.u32 s28, $0x1;
	[dreg:$0x2] =	wrdreg s5  }
0xab: {  	[dreg:$0x3] =	wrdreg s7  }
0xac: {  	[dreg:$0x4] =	wrdreg $0xC0  }
0xad: {  	_ =	task [dreg:s9], $0x5FFFF  }
0xae: {  	[dreg:$0x1] =	wrdreg $0xFFFFFFFF  }
0xaf: {  	[dreg:$0x0] =	wrdreg $0x60  }
0xb0: {  	[dreg:$0x2] =	wrdreg s24  }
0xb1: {  	[dreg:$0x3] =	wrdreg s2  }
0xb2: {  	[dreg:$0x4] =	wrdreg s18  }
0xb3: {  	[dreg:$0x5] =	wrdreg s4  }
0xb4: {  	[dreg:$0x6] =	wrdreg $0x9  }
0xb5: {  	_ =	task.clear_ibuf [dreg:s9], $0x7FFFF;
	_ =	strace $0x90000046  }
0xb6: {  	s29 =	simm.s32 $0x9;
	_ =	strace $0x80000048  }
0xb7: {  	_ =	swait.ge [sflag:s29], $0x1  }
0xb8: {  	[sflag:s29] =	ssyncadd.s32 $0xFFFFFFFF  }
0xb9: {  	_ =	strace $0x90000048  }
0xba: {  	_ =	sfence  }
0xbb: {  	s30 =	sld [smem:$0x0];
	_ =	sdelay $0x2  }
0xbc: {  	s31 =	sshll.u32 s1, $0xD;
	s1 =	sshrl.u32 s1, $0x2  }
0xbd: {  	s3 =	sand.u32 $0x4000, s31;
	s1 =	sadd.s32 s1, s30  }
0xbe: {  	s0 =	sor.u32 s3, s0;
	s1 =	sshll.u32 s1, $0x11  }
0xbf: {  	s0 =	sor.u32 s1, s0  }
0xc0: {  	s0 =	sadd.s32 $0x8F2B, s0  }
0xc1: {  	[sflag:s0] =	ssyncadd.remote.s32 $0x1  }
0xc2: {  	_ =	sfence.sel $0xFFFF  }
0xc3: {  	[dreg:$0x0] =	wrdreg $0xFFFFFFFF;
	(pc) =	sbr.abs _section_cstart, $3  }
0xc4: {  	[dreg:$0x1] =	wrdreg $0xFFFFFFFF  }
0xc5: {  	_ =	task.clear_ibuf [dreg:s9], $0x2FFFF;
	_ =	strace $0x9FFFFFFF  }
0xc6: {  	(tm) =	ssettm $0x7FFFFFFF  }
0xc7: {  	_ =	shalt  }
tec
execute0_lowered:
.L_overlay_start_1:
0x0: {  	(tag) =	ssettag $0x1  }
0x1: {  	s0 =	rddreg [dreg:$0x0]  }
0x2: {  	s1 =	rddreg [dreg:$0x1]  }
0x3: {  	s2 =	srdreg.scid;
	s4 =	rddreg [dreg:$0x2]  }
0x4: {  	s5 =	stileid.u32;
	s3 =	rddreg [dreg:$0x3];
	s7 =	simm.s32 $0x0  }
0x5: {  	s11 =	simm.s32 $0x1;
	s30 =	simm.s32 $0xF800;
	s31 =	simm.s32 $0x10000  }
0x6: {  	s12 =	simm.s32 $0x13800;
	s29 =	simm.s32 $0x14000;
	s24 =	simm.s32 $0x80  }
0x7: {  	s10 =	simm.s32 $0x1A000;
	s13 =	simm.s32 $0x3;
	s14 =	simm.s32 $0x4  }
0x8: {  	s16 =	simm.s32 $0x0;
	s2 =	sand.u32 $0x1, s2;
	s5 =	sshll.u32 s5, $0x5  }
0x9: {  	[smem:$0x7FF] =	sst s7;
	s8 =	sadd.s32 $0x100, s1;
	s6 =	sshll.u32 s2, $0x4  }
0xa: {  	s9 =	sadd.s32 $0x200, s1;
	s2 =	ssub.s32 $0x2, s2;
	s6 =	sor.u32 s6, s5  }
0xb: {  	s7 =	simm.s32 $0x19800;
	s25 =	sshrl.u32 s2, $0x1;
	s5 =	sshrl.u32 s6, $0x3  }
0xc: {  	[dreg:$0x5] =	wrdreg s6;
	s6 =	sshll.u32 s6, $0x4;
	s2 =	ssub.s32 s2, s25  }
0xd: {  	s5 =	smul.u32 $0x300, s5;
	s0 =	sadd.s32 s6, s0;
	s28 =	smax.u32 s2, $0x1  }
0xe: {  	_ =	strace $0x80000047;
	s0 =	sadd.s32 $0x400, s0;
	[dreg:$0x8] =	wrdreg s28  }
0xf: {  	v2 =	vlaneseq.u32;
	s25 =	simm.s32 $0x60000;
	s6 =	simm.s32 $0x15000;
	[dreg:$0x6] =	wrdreg s0  }
0x10: {  	vm0 =	vmmov $0xffff;
	v1 =	vshrl.u32 v2, $0x3;
	s26 =	sadd.s32 s4, s5;
	s0 =	simm.s32 $0x12000;
	s5 =	simm.s32 $0x1A800  }
0x11: {  	v0 =	vand.u32 $0x7, v2;
	v2 =	vor.u32 $0x8, v2;
	v1 =	vmul.u32 $0x8, v1;
	s4 =	simm.s32 $0x1B000;
	[dreg:$0x7] =	wrdreg s26;
	s26 =	simm.s32 $0x2  }
.LBB2_1:
0x12: {  	[dreg:$0x9] =	wrdreg s16  }
0x13: {  	s2 =	simm.s32 $0x0;
	s15 =	rddreg [dreg:$0x6];
	s28 =	simm.s32 $0x9  }
0x14: {  	[tilespmem:s2], [sflag:$0x9] =	stream.linear.gather [hbm4b:s15+s2], $0x800, $0x38;
	[tilespmem:$0x1B800] =	vst v63  }
0x15: {  	_ =	swait.ge [sflag:s28], $0x800  }
0x16: {  	[sflag:s28] =	ssyncset.done $0x0  }
0x17: {  	s17 =	simm.s32 $0x800;
	s18 =	rddreg [dreg:$0x7];
	[sflag:s28] =	ssyncadd.s32 $0xFFFFF800  }
0x18: {  	[tilespmem:s17], [sflag:$0x9] =	stream.linear.gather [hbm4b:s18+s2], $0x3000, $0x38;
	[tilespmem:$0x1B800] =	vst v63  }
0x19: {  	_ =	swait.ge [sflag:s28], $0x3000  }
0x1a: {  	[sflag:s28] =	ssyncset.done $0x0  }
0x1b: {  	[sflag:s28] =	ssyncadd.s32 $0xFFFFD000  }
0x1c: {  	v3 =	vld [tilespmem:$0x0];
	_ =	sdelay $0x4  }
0x1d: {  	v4 =	vshrl.u32 v3, $0x3  }
0x1e: {  	v4 =	vmul.u32 $0x30, v4  }
0x1f: {  	v3 =	vand.u32 $0x7, v3  }
0x20: {  	v3 =	vor.u32 v3, v4  }
0x21: {  	v4 =	vperm.xlane v3, v0;
	_ =	sdelay $0x1  }
0x22: {  	v4 =	vadd.s32 v1, v4;
	_ =	sdelay $0x3  }
0x23: {  	s19 =	simm.s32 $0x3800;
	v3 =	vperm.xlane v3, v2  }
0x24: {  	[tilespmem:s19], [sflag:$0x1] =	stream.indirect_vreg.gather [hbm4b:s1+s2], $0x80, v4, vm0, $0xb8;
	[tilespmem:$0x1B800] =	vst v63  }
0x25: {  	s20 =	simm.s32 $0x4000;
	v3 =	vadd.s32 v1, v3  }
0x26: {  	[tilespmem:s20], [sflag:$0x1] =	stream.indirect_vreg.gather [hbm4b:s8+s2], $0x80, v4, vm0, $0xb8;
	[tilespmem:$0x1B800] =	vst v63  }
0x27: {  	s21 =	simm.s32 $0x4800  }
0x28: {  	[tilespmem:s21], [sflag:$0x1] =	stream.indirect_vreg.gather [hbm4b:s9+s2], $0x80, v4, vm0, $0xb8;
	[tilespmem:$0x1B800] =	vst v63  }
0x29: {  	s22 =	simm.s32 $0x5000  }
0x2a: {  	[tilespmem:s22], [sflag:$0x1] =	stream.indirect_vreg.gather [hbm4b:s1+s2], $0x80, v3, vm0, $0xb8;
	[tilespmem:$0x1B800] =	vst v63  }
0x2b: {  	s23 =	simm.s32 $0x5800  }
0x2c: {  	[tilespmem:s23], [sflag:$0x1] =	stream.indirect_vreg.gather [hbm4b:s8+s2], $0x80, v3, vm0, $0xb8;
	[tilespmem:$0x1B800] =	vst v63  }
0x2d: {  	s28 =	simm.s32 $0x6000  }
0x2e: {  	[tilespmem:s28], [sflag:$0x1] =	stream.indirect_vreg.gather [hbm4b:s9+s2], $0x80, v3, vm0, $0xb8;
	[tilespmem:$0x1B800] =	vst v63  }
0x2f: {  	v3 =	vld [tilespmem:$0x10];
	_ =	sdelay $0x4  }
0x30: {  	v61 =	vshrl.u32 v3, $0x3  }
0x31: {  	v4 =	vmul.u32 $0x30, v61  }
0x32: {  	v3 =	vand.u32 $0x7, v3  }
0x33: {  	v3 =	vor.u32 v3, v4  }
0x34: {  	v4 =	vperm.xlane v3, v0;
	_ =	sdelay $0x1  }
0x35: {  	v4 =	vadd.s32 v1, v4;
	_ =	sdelay $0x3  }
0x36: {  	s16 =	simm.s32 $0x6800;
	v3 =	vperm.xlane v3, v2  }
0x37: {  	[tilespmem:s16], [sflag:$0x1] =	stream.indirect_vreg.gather [hbm4b:s1+s2], $0x80, v4, vm0, $0xb8;
	[tilespmem:$0x1B800] =	vst v63  }
0x38: {  	s17 =	simm.s32 $0x7000;
	v3 =	vadd.s32 v1, v3  }
0x39: {  	[tilespmem:s17], [sflag:$0x1] =	stream.indirect_vreg.gather [hbm4b:s8+s2], $0x80, v4, vm0, $0xb8;
	[tilespmem:$0x1B800] =	vst v63  }
0x3a: {  	s18 =	simm.s32 $0x7800  }
0x3b: {  	[tilespmem:s18], [sflag:$0x1] =	stream.indirect_vreg.gather [hbm4b:s9+s2], $0x80, v4, vm0, $0xb8;
	[tilespmem:$0x1B800] =	vst v63  }
0x3c: {  	s19 =	simm.s32 $0x8000  }
0x3d: {  	[tilespmem:s19], [sflag:$0x1] =	stream.indirect_vreg.gather [hbm4b:s1+s2], $0x80, v3, vm0, $0xb8;
	[tilespmem:$0x1B800] =	vst v63  }
0x3e: {  	s20 =	simm.s32 $0x8800  }
0x3f: {  	[tilespmem:s20], [sflag:$0x1] =	stream.indirect_vreg.gather [hbm4b:s8+s2], $0x80, v3, vm0, $0xb8;
	[tilespmem:$0x1B800] =	vst v63  }
0x40: {  	s21 =	simm.s32 $0x9000  }
0x41: {  	[tilespmem:s21], [sflag:$0x1] =	stream.indirect_vreg.gather [hbm4b:s9+s2], $0x80, v3, vm0, $0xb8;
	[tilespmem:$0x1B800] =	vst v63  }
0x42: {  	v3 =	vld [tilespmem:$0x20];
	_ =	sdelay $0x4  }
0x43: {  	v62 =	vshrl.u32 v3, $0x3  }
0x44: {  	v4 =	vmul.u32 $0x30, v62  }
0x45: {  	v3 =	vand.u32 $0x7, v3  }
0x46: {  	v3 =	vor.u32 v3, v4  }
0x47: {  	v4 =	vperm.xlane v3, v0;
	_ =	sdelay $0x1  }
0x48: {  	v4 =	vadd.s32 v1, v4;
	_ =	sdelay $0x3  }
0x49: {  	s22 =	simm.s32 $0x9800;
	v3 =	vperm.xlane v3, v2  }
0x4a: {  	[tilespmem:s22], [sflag:$0x2] =	stream.indirect_vreg.gather [hbm4b:s1+s2], $0x80, v4, vm0, $0xb8;
	[tilespmem:$0x1B800] =	vst v63  }
0x4b: {  	s23 =	simm.s32 $0xA000;
	v3 =	vadd.s32 v1, v3  }
0x4c: {  	[tilespmem:s23], [sflag:$0x2] =	stream.indirect_vreg.gather [hbm4b:s8+s2], $0x80, v4, vm0, $0xb8;
	[tilespmem:$0x1B800] =	vst v63  }
0x4d: {  	s28 =	simm.s32 $0xA800  }
0x4e: {  	[tilespmem:s28], [sflag:$0x2] =	stream.indirect_vreg.gather [hbm4b:s9+s2], $0x80, v4, vm0, $0xb8;
	[tilespmem:$0x1B800] =	vst v63  }
0x4f: {  	s16 =	simm.s32 $0xB000  }
0x50: {  	[tilespmem:s16], [sflag:$0x2] =	stream.indirect_vreg.gather [hbm4b:s1+s2], $0x80, v3, vm0, $0xb8;
	[tilespmem:$0x1B800] =	vst v63  }
0x51: {  	s17 =	simm.s32 $0xB800  }
0x52: {  	[tilespmem:s17], [sflag:$0x2] =	stream.indirect_vreg.gather [hbm4b:s8+s2], $0x80, v3, vm0, $0xb8;
	[tilespmem:$0x1B800] =	vst v63  }
0x53: {  	s18 =	simm.s32 $0xC000  }
0x54: {  	[tilespmem:s18], [sflag:$0x2] =	stream.indirect_vreg.gather [hbm4b:s9+s2], $0x80, v3, vm0, $0xb8;
	[tilespmem:$0x1B800] =	vst v63  }
0x55: {  	v3 =	vld [tilespmem:$0x30];
	_ =	sdelay $0x4  }
0x56: {  	v63 =	vshrl.u32 v3, $0x3  }
0x57: {  	v4 =	vmul.u32 $0x30, v63  }
0x58: {  	v3 =	vand.u32 $0x7, v3  }
0x59: {  	v3 =	vor.u32 v3, v4  }
0x5a: {  	v4 =	vperm.xlane v3, v0;
	_ =	sdelay $0x1  }
0x5b: {  	v4 =	vadd.s32 v1, v4;
	_ =	sdelay $0x3  }
0x5c: {  	s19 =	simm.s32 $0xC800;
	v3 =	vperm.xlane v3, v2  }
0x5d: {  	[tilespmem:s19], [sflag:$0x2] =	stream.indirect_vreg.gather [hbm4b:s1+s2], $0x80, v4, vm0, $0xb8;
	[tilespmem:$0x1B800] =	vst v63  }
0x5e: {  	s20 =	simm.s32 $0xD000;
	v3 =	vadd.s32 v1, v3  }
0x5f: {  	[tilespmem:s20], [sflag:$0x2] =	stream.indirect_vreg.gather [hbm4b:s8+s2], $0x80, v4, vm0, $0xb8;
	[tilespmem:$0x1B800] =	vst v63  }
0x60: {  	s21 =	simm.s32 $0xD800  }
0x61: {  	[tilespmem:s21], [sflag:$0x2] =	stream.indirect_vreg.gather [hbm4b:s9+s2], $0x80, v4, vm0, $0xb8;
	[tilespmem:$0x1B800] =	vst v63  }
0x62: {  	s22 =	simm.s32 $0xE000  }
0x63: {  	[tilespmem:s22], [sflag:$0x2] =	stream.indirect_vreg.gather [hbm4b:s1+s2], $0x80, v3, vm0, $0xb8;
	[tilespmem:$0x1B800] =	vst v63  }
0x64: {  	s23 =	simm.s32 $0xE800  }
0x65: {  	[tilespmem:s23], [sflag:$0x2] =	stream.indirect_vreg.gather [hbm4b:s8+s2], $0x80, v3, vm0, $0xb8;
	[tilespmem:$0x1B800] =	vst v63  }
0x66: {  	s15 =	simm.s32 $0x0;
	s28 =	simm.s32 $0xF000  }
0x67: {  	[tilespmem:s28], [sflag:$0x2] =	stream.indirect_vreg.gather [hbm4b:s9+s2], $0x80, v3, vm0, $0xb8;
	[tilespmem:$0x1B800] =	vst v63  }
.LBB2_2:
0x68: {  	_ =	swait.ge [sflag:s11], $0x6000  }
0x69: {  	p0 =	seq.s32 s15, $0x0;
	[sflag:s11] =	ssyncset.done $0x0  }
0x6a: {  	s16 =	simm.s32 @!p0 $0x7;
	[sflag:s11] =	ssyncadd.s32 $0xFFFFA000  }
0x6b: {  	_ =	swait.ge @!p0 [sflag:s16], $0x6000  }
0x6c: {  	[sflag:s16] =	ssyncset.done @!p0 $0x0  }
0x6d: {  	s23 =	sshll.u32 s15, $0x7;
	[sflag:s16] =	ssyncadd.s32 @!p0 $0xFFFFA000  }
0x6e: {  	v3 =	vld [tilespmem:s23+$0x40];
	_ =	sdelay $0x4  }
0x6f: {  	v4 =	vshrl.u32 v3, $0x3  }
0x70: {  	v4 =	vmul.u32 $0x30, v4  }
0x71: {  	v3 =	vand.u32 $0x7, v3  }
0x72: {  	v3 =	vor.u32 v3, v4  }
0x73: {  	v4 =	vperm.xlane v3, v0;
	_ =	sdelay $0x1  }
0x74: {  	v4 =	vadd.s32 v1, v4;
	_ =	sdelay $0x3  }
0x75: {  	s28 =	simm.s32 $0x0;
	v3 =	vperm.xlane v3, v2  }
0x76: {  	[tilespmem:s30], [sflag:$0x3] =	stream.indirect_vreg.gather [hbm4b:s1+s28], $0x80, v4, vm0, $0xb8;
	[tilespmem:$0x1B800] =	vst v63  }
0x77: {  	v3 =	vadd.s32 v1, v3  }
0x78: {  	[tilespmem:s31], [sflag:$0x3] =	stream.indirect_vreg.gather [hbm4b:s8+s28], $0x80, v4, vm0, $0xb8;
	[tilespmem:$0x1B800] =	vst v63  }
0x79: {  	s2 =	simm.s32 $0x10800  }
0x7a: {  	[tilespmem:s2], [sflag:$0x3] =	stream.indirect_vreg.gather [hbm4b:s9+s28], $0x80, v4, vm0, $0xb8;
	[tilespmem:$0x1B800] =	vst v63  }
0x7b: {  	s18 =	simm.s32 $0x11000  }
0x7c: {  	[tilespmem:s18], [sflag:$0x3] =	stream.indirect_vreg.gather [hbm4b:s1+s28], $0x80, v3, vm0, $0xb8;
	[tilespmem:$0x1B800] =	vst v63  }
0x7d: {  	s19 =	simm.s32 $0x11800  }
0x7e: {  	[tilespmem:s19], [sflag:$0x3] =	stream.indirect_vreg.gather [hbm4b:s8+s28], $0x80, v3, vm0, $0xb8;
	[tilespmem:$0x1B800] =	vst v63  }
0x7f: {  	_ = 	snop  }
0x80: {  	[tilespmem:s0], [sflag:$0x3] =	stream.indirect_vreg.gather [hbm4b:s9+s28], $0x80, v3, vm0, $0xb8;
	[tilespmem:$0x1B800] =	vst v63  }
0x81: {  	v3 =	vld [tilespmem:s23+$0x50];
	_ =	sdelay $0x4  }
0x82: {  	v4 =	vshrl.u32 v3, $0x3  }
0x83: {  	v4 =	vmul.u32 $0x30, v4  }
0x84: {  	v3 =	vand.u32 $0x7, v3  }
0x85: {  	v3 =	vor.u32 v3, v4  }
0x86: {  	v4 =	vperm.xlane v3, v0;
	_ =	sdelay $0x1  }
0x87: {  	v4 =	vadd.s32 v1, v4;
	_ =	sdelay $0x3  }
0x88: {  	s20 =	simm.s32 $0x12800;
	v3 =	vperm.xlane v3, v2  }
0x89: {  	[tilespmem:s20], [sflag:$0x3] =	stream.indirect_vreg.gather [hbm4b:s1+s28], $0x80, v4, vm0, $0xb8;
	[tilespmem:$0x1B800] =	vst v63  }
0x8a: {  	s21 =	simm.s32 $0x13000;
	v3 =	vadd.s32 v1, v3  }
0x8b: {  	[tilespmem:s21], [sflag:$0x3] =	stream.indirect_vreg.gather [hbm4b:s8+s28], $0x80, v4, vm0, $0xb8;
	[tilespmem:$0x1B800] =	vst v63  }
0x8c: {  	s31 =	sshrl.u32 s15, $0x3  }
0x8d: {  	[tilespmem:s12], [sflag:$0x3] =	stream.indirect_vreg.gather [hbm4b:s9+s28], $0x80, v4, vm0, $0xb8;
	[tilespmem:$0x1B800] =	vst v63  }
0x8e: {  	s17 =	smul.u32 $0x6000, s31  }
0x8f: {  	[tilespmem:s29], [sflag:$0x3] =	stream.indirect_vreg.gather [hbm4b:s1+s28], $0x80, v3, vm0, $0xb8;
	[tilespmem:$0x1B800] =	vst v63  }
0x90: {  	s22 =	simm.s32 $0x14800;
	s16 =	sand.u32 $0x380, s23;
	s17 =	sshra.s32 s17, $0x2  }
0x91: {  	[tilespmem:s22], [sflag:$0x3] =	stream.indirect_vreg.gather [hbm4b:s8+s28], $0x80, v3, vm0, $0xb8;
	[tilespmem:$0x1B800] =	vst v63  }
0x92: {  	s17 =	sor.u32 s16, s17  }
0x93: {  	[tilespmem:s6], [sflag:$0x3] =	stream.indirect_vreg.gather [hbm4b:s9+s28], $0x80, v3, vm0, $0xb8;
	[tilespmem:$0x1B800] =	vst v63  }
0x94: {  	v3 =	vld [tilespmem:s17+$0x800]  }
0x95: {  	v4 =	vld [tilespmem:s17+$0x810]  }
0x96: {  	v5 =	vld [tilespmem:s17+$0x820]  }
0x97: {  	v6 =	vld [tilespmem:s17+$0x830]  }
0x98: {  	v7 =	vld [tilespmem:s17+$0x840]  }
0x99: {  	v8 =	vld [tilespmem:s17+$0x850]  }
0x9a: {  	v9 =	vld [tilespmem:s17+$0x860]  }
0x9b: {  	v10 =	vld [tilespmem:s17+$0x870]  }
0x9c: {  	v11 =	vld [tilespmem:s17+$0xC00]  }
0x9d: {  	v12 =	vld [tilespmem:s17+$0xC10]  }
0x9e: {  	v13 =	vld [tilespmem:s17+$0xC20]  }
0x9f: {  	v14 =	vld [tilespmem:s17+$0xC30]  }
0xa0: {  	v15 =	vld [tilespmem:s17+$0xC40]  }
0xa1: {  	v16 =	vld [tilespmem:s17+$0xC50]  }
0xa2: {  	v17 =	vld [tilespmem:s17+$0xC60]  }
0xa3: {  	v18 =	vld [tilespmem:s17+$0xC70]  }
0xa4: {  	v19 =	vld [tilespmem:s17+$0x1000]  }
0xa5: {  	v20 =	vld [tilespmem:s17+$0x1010]  }
0xa6: {  	v21 =	vld [tilespmem:s17+$0x1020]  }
0xa7: {  	v22 =	vld [tilespmem:s17+$0x1030]  }
0xa8: {  	v23 =	vld [tilespmem:s17+$0x1040]  }
0xa9: {  	v24 =	vld [tilespmem:s17+$0x1050]  }
0xaa: {  	v26 =	vld [tilespmem:s17+$0x1060]  }
0xab: {  	v28 =	vld [tilespmem:s17+$0x1070]  }
0xac: {  	v30 =	vld [tilespmem:s17+$0x1400]  }
0xad: {  	v32 =	vld [tilespmem:s17+$0x1410]  }
0xae: {  	v34 =	vld [tilespmem:s17+$0x1420]  }
0xaf: {  	v35 =	vld [tilespmem:s17+$0x1430]  }
0xb0: {  	v37 =	vld [tilespmem:s17+$0x1440]  }
0xb1: {  	v38 =	vld [tilespmem:s17+$0x1450]  }
0xb2: {  	v40 =	vld [tilespmem:s17+$0x1460]  }
0xb3: {  	v42 =	vld [tilespmem:s17+$0x1470]  }
0xb4: {  	v43 =	vld [tilespmem:s17+$0x1800]  }
0xb5: {  	v45 =	vld [tilespmem:s17+$0x1810]  }
0xb6: {  	v46 =	vld [tilespmem:s17+$0x1820]  }
0xb7: {  	v48 =	vld [tilespmem:s17+$0x1830]  }
0xb8: {  	v49 =	vld [tilespmem:s17+$0x1840]  }
0xb9: {  	v50 =	vld [tilespmem:s17+$0x1850]  }
0xba: {  	v47 =	vld [tilespmem:s17+$0x1860]  }
0xbb: {  	v44 =	vld [tilespmem:s17+$0x1870]  }
0xbc: {  	v41 =	vld [tilespmem:s17+$0x1C00]  }
0xbd: {  	v39 =	vld [tilespmem:s17+$0x1C10]  }
0xbe: {  	v36 =	vld [tilespmem:s17+$0x1C20]  }
0xbf: {  	s18 =	simm.s32 $0x0;
	v33 =	vld [tilespmem:s17+$0x1C30]  }
0xc0: {  	s18 =	smul.u32 $0x6000, s18;
	v31 =	vld [tilespmem:s17+$0x1C40]  }
0xc1: {  	v29 =	vld [tilespmem:s17+$0x1C50]  }
0xc2: {  	s19 =	sand.u32 $0x380, s28;
	s18 =	sshra.s32 s18, $0x2;
	v25 =	vld [tilespmem:s17+$0x1C60]  }
0xc3: {  	s29 =	sor.u32 s19, s18;
	v27 =	vld [tilespmem:s17+$0x1C70]  }
0xc4: {  	v51 =	vld [tilespmem:s29+$0x3800]  }
0xc5: {  	v52 =	vld [tilespmem:s29+$0x3810]  }
0xc6: {  	v53 =	vld [tilespmem:s29+$0x3820]  }
0xc7: {  	v54 =	vld [tilespmem:s29+$0x3830]  }
0xc8: {  	v55 =	vld [tilespmem:s29+$0x3840]  }
0xc9: {  	v56 =	vld [tilespmem:s29+$0x3850]  }
0xca: {  	v57 =	vld [tilespmem:s29+$0x3860];
	v51 =	vadd.f32 v51, v3  }
0xcb: {  	v52 =	vadd.f32 v52, v4;
	v61 =	vadd.f32 v53, v5;
	v53 =	vld [tilespmem:s29+$0x3870]  }
0xcc: {  	v62 =	vadd.f32 v54, v6;
	v54 =	vld [tilespmem:s29+$0x3C00];
	[tilespmem:s29+$0x3800] =	vst v51  }
0xcd: {  	v63 =	vadd.f32 v55, v7;
	v55 =	vld [tilespmem:s29+$0x3C10];
	[tilespmem:s29+$0x3810] =	vst v52  }
0xce: {  	v60 =	vadd.f32 v56, v8;
	v56 =	vld [tilespmem:s29+$0x3C20];
	[tilespmem:s29+$0x3820] =	vst v61  }
0xcf: {  	[tilespmem:s29+$0x3840] =	vst v63;
	v63 =	vld [tilespmem:s29+$0x3C30]  }
0xd0: {  	[tilespmem:s29+$0x3830] =	vst v62;
	v61 =	vadd.f32 v57, v9;
	v52 =	vld [tilespmem:s29+$0x4000]  }
0xd1: {  	[tilespmem:s29+$0x3850] =	vst v60;
	v60 =	vld [tilespmem:s29+$0x3C40];
	v62 =	vadd.f32 v53, v10  }
0xd2: {  	v51 =	vld [tilespmem:s29+$0x3C50];
	[tilespmem:s29+$0x3860] =	vst v61;
	v58 =	vadd.f32 v54, v11  }
0xd3: {  	v59 =	vadd.f32 v55, v12;
	v55 =	vld [tilespmem:s29+$0x4010];
	[tilespmem:s29+$0x3870] =	vst v62  }
0xd4: {  	v61 =	vadd.f32 v56, v13;
	[tilespmem:s29+$0x3C00] =	vst v58;
	v62 =	vld [tilespmem:s29+$0x3C60]  }
0xd5: {  	[tilespmem:s29+$0x3C10] =	vst v59;
	v53 =	vadd.f32 v63, v14;
	v63 =	vld [tilespmem:s29+$0x3C70];
	v52 =	vadd.f32 v52, v19  }
0xd6: {  	[tilespmem:s29+$0x3C20] =	vst v61;
	v54 =	vadd.f32 v60, v15;
	v60 =	vld [tilespmem:s29+$0x4020]  }
0xd7: {  	[tilespmem:s29+$0x4000] =	vst v52;
	v52 =	vld [tilespmem:s29+$0x4410]  }
0xd8: {  	v51 =	vadd.f32 v51, v16;
	v61 =	vld [tilespmem:s29+$0x4030];
	[tilespmem:s29+$0x3C30] =	vst v53  }
0xd9: {  	[tilespmem:s29+$0x3C40] =	vst v54;
	v53 =	vld [tilespmem:s29+$0x4400];
	v55 =	vadd.f32 v55, v20  }
0xda: {  	[tilespmem:s29+$0x3C50] =	vst v51;
	v56 =	vadd.f32 v62, v17;
	v62 =	vld [tilespmem:s29+$0x4040]  }
0xdb: {  	v57 =	vadd.f32 v63, v18;
	v63 =	vld [tilespmem:s29+$0x4050];
	[tilespmem:s29+$0x4010] =	vst v55  }
0xdc: {  	v59 =	vadd.f32 v60, v21;
	v60 =	vld [tilespmem:s29+$0x4060];
	[tilespmem:s29+$0x3C60] =	vst v56;
	v52 =	vadd.f32 v52, v32  }
0xdd: {  	v54 =	vadd.f32 v61, v22;
	v61 =	vld [tilespmem:s29+$0x4070];
	[tilespmem:s29+$0x3C70] =	vst v57  }
0xde: {  	v53 =	vadd.f32 v53, v30;
	[tilespmem:s29+$0x4410] =	vst v52;
	v52 =	vld [tilespmem:s29+$0x4800]  }
0xdf: {  	[tilespmem:s29+$0x4020] =	vst v59;
	v51 =	vadd.f32 v62, v23;
	v62 =	vld [tilespmem:s29+$0x4420]  }
0xe0: {  	[tilespmem:s29+$0x4400] =	vst v53;
	v53 =	vld [tilespmem:s29+$0x4810]  }
0xe1: {  	[tilespmem:s29+$0x4030] =	vst v54;
	v56 =	vadd.f32 v63, v24;
	v63 =	vld [tilespmem:s29+$0x4430]  }
0xe2: {  	v55 =	vadd.f32 v60, v26;
	v60 =	vld [tilespmem:s29+$0x4440];
	[tilespmem:s29+$0x4040] =	vst v51  }
0xe3: {  	v57 =	vadd.f32 v61, v28;
	[tilespmem:s29+$0x4050] =	vst v56  }
0xe4: {  	[tilespmem:s29+$0x4060] =	vst v55;
	v52 =	vadd.f32 v52, v43;
	v61 =	vadd.f32 v62, v34;
	v62 =	vld [tilespmem:s29+$0x4460]  }
0xe5: {  	v55 =	vld [tilespmem:s29+$0x4450];
	[tilespmem:s29+$0x4070] =	vst v57;
	v53 =	vadd.f32 v53, v45  }
0xe6: {  	v51 =	vadd.f32 v63, v35;
	v63 =	vld [tilespmem:s29+$0x4470];
	[tilespmem:s29+$0x4800] =	vst v52  }
0xe7: {  	v56 =	vadd.f32 v60, v37;
	v60 =	vld [tilespmem:s29+$0x4820];
	[tilespmem:s29+$0x4810] =	vst v53  }
0xe8: {  	[tilespmem:s29+$0x4420] =	vst v61;
	v61 =	vld [tilespmem:s29+$0x4830]  }
0xe9: {  	v58 =	vld [tilespmem:s29+$0x4840];
	[tilespmem:s29+$0x4430] =	vst v51;
	v54 =	vadd.f32 v62, v40  }
0xea: {  	v59 =	vld [tilespmem:s29+$0x4850];
	v55 =	vadd.f32 v55, v38;
	[tilespmem:s29+$0x4440] =	vst v56  }
0xeb: {  	v62 =	vadd.f32 v63, v42;
	[tilespmem:s29+$0x4460] =	vst v54;
	v54 =	vld [tilespmem:s29+$0x4860]  }
0xec: {  	[tilespmem:s29+$0x4450] =	vst v55;
	v55 =	vld [tilespmem:s29+$0x4870];
	v51 =	vadd.f32 v60, v46  }
0xed: {  	v52 =	vld [tilespmem:s29+$0x4C00];
	[tilespmem:s29+$0x4470] =	vst v62;
	v63 =	vadd.f32 v61, v48  }
0xee: {  	s30 =	simm.s32 $0x1;
	s20 =	sadd.s32 $0x1400, s17;
	s21 =	sadd.s32 $0x1000, s17;
	v57 =	vadd.f32 v58, v49;
	[tilespmem:s29+$0x4820] =	vst v51;
	v51 =	vld [tilespmem:s29+$0x4C10]  }
0xef: {  	s19 =	sadd.s32 $0x1800, s17;
	s18 =	sadd.s32 $0x1C00, s17;
	s22 =	sadd.s32 $0x800, s17;
	v53 =	vld [tilespmem:s29+$0x4C20];
	v56 =	vadd.f32 v59, v50;
	[tilespmem:s29+$0x4830] =	vst v63  }
.LBB2_3:
0xf0: {  	s31 =	sshrl.u32 s30, $0x3;
	p1 =	sne.s32 s30, $0x1F;
	[tilespmem:s29+$0x4840] =	vst v57;
	v54 =	vadd.f32 v54, v47;
	v57 =	vld [tilespmem:s29+$0x4C30]  }
0xf1: {  	s31 =	smul.u32 $0x6000, s31;
	[tilespmem:s29+$0x4850] =	vst v56;
	v55 =	vadd.f32 v55, v44;
	v56 =	vld [tilespmem:s29+$0x4C40]  }
0xf2: {  	s28 =	sadd.s32 $0x80, s28;
	[tilespmem:s29+$0x4860] =	vst v54;
	v52 =	vadd.f32 v52, v41;
	v54 =	vld [tilespmem:s29+$0x4C50]  }
0xf3: {  	s2 =	sand.u32 $0x380, s28;
	s31 =	sshra.s32 s31, $0x2;
	[tilespmem:s29+$0x4870] =	vst v55;
	v51 =	vadd.f32 v51, v39;
	v55 =	vld [tilespmem:s29+$0x4C60]  }
0xf4: {  	s2 =	sor.u32 s2, s31;
	[tilespmem:s29+$0x4C00] =	vst v52;
	v52 =	vadd.f32 v53, v36;
	v53 =	vld [tilespmem:s29+$0x4C70]  }
0xf5: {  	v58 =	vld [tilespmem:s2+$0x3800];
	[tilespmem:s29+$0x4C10] =	vst v51;
	v51 =	vadd.f32 v57, v33  }
0xf6: {  	v57 =	vld [tilespmem:s2+$0x3810];
	[tilespmem:s29+$0x4C20] =	vst v52;
	v52 =	vadd.f32 v56, v31  }
0xf7: {  	v56 =	vld [tilespmem:s2+$0x3820];
	[tilespmem:s29+$0x4C30] =	vst v51;
	v51 =	vadd.f32 v54, v29  }
0xf8: {  	v54 =	vld [tilespmem:s2+$0x3830];
	[tilespmem:s29+$0x4C40] =	vst v52;
	v52 =	vadd.f32 v55, v25  }
0xf9: {  	v55 =	vld [tilespmem:s2+$0x3840];
	[tilespmem:s29+$0x4C50] =	vst v51;
	v51 =	vadd.f32 v53, v27  }
0xfa: {  	v53 =	vadd.f32 v58, v3;
	v58 =	vld [tilespmem:s2+$0x3850];
	[tilespmem:s29+$0x4C60] =	vst v52  }
0xfb: {  	v52 =	vadd.f32 v57, v4;
	v57 =	vld [tilespmem:s2+$0x3860];
	[tilespmem:s29+$0x4C70] =	vst v51;
	s29 =	smov.u32 s2  }
0xfc: {  	[tilespmem:s29+$0x3800] =	vst v53;
	v51 =	vadd.f32 v56, v5;
	v53 =	vld [tilespmem:s29+$0x3870]  }
0xfd: {  	[tilespmem:s29+$0x3810] =	vst v52;
	v52 =	vadd.f32 v54, v6;
	v54 =	vld [tilespmem:s29+$0x3C00]  }
0xfe: {  	[tilespmem:s29+$0x3820] =	vst v51;
	v51 =	vadd.f32 v55, v7;
	v55 =	vld [tilespmem:s29+$0x3C10]  }
0xff: {  	[tilespmem:s29+$0x3830] =	vst v52;
	v52 =	vadd.f32 v58, v8;
	v56 =	vld [tilespmem:s29+$0x3C20]  }
0x100: {  	[tilespmem:s29+$0x3840] =	vst v51;
	v51 =	vadd.f32 v57, v9;
	v57 =	vld [tilespmem:s29+$0x3C30]  }
0x101: {  	[tilespmem:s29+$0x3850] =	vst v52;
	v52 =	vadd.f32 v53, v10;
	v53 =	vld [tilespmem:s29+$0x3C40]  }
0x102: {  	[tilespmem:s29+$0x3860] =	vst v51;
	v51 =	vadd.f32 v54, v11;
	v54 =	vld [tilespmem:s29+$0x3C50]  }
0x103: {  	[tilespmem:s29+$0x3870] =	vst v52;
	v52 =	vadd.f32 v55, v12;
	v55 =	vld [tilespmem:s29+$0x3C60]  }
0x104: {  	[tilespmem:s29+$0x3C00] =	vst v51;
	v51 =	vadd.f32 v56, v13;
	v56 =	vld [tilespmem:s29+$0x3C70]  }
0x105: {  	[tilespmem:s29+$0x3C10] =	vst v52;
	v52 =	vadd.f32 v57, v14;
	v57 =	vld [tilespmem:s29+$0x4000]  }
0x106: {  	[tilespmem:s29+$0x3C20] =	vst v51;
	v51 =	vadd.f32 v53, v15;
	v53 =	vld [tilespmem:s29+$0x4010]  }
0x107: {  	[tilespmem:s29+$0x3C30] =	vst v52;
	v52 =	vadd.f32 v54, v16;
	v54 =	vld [tilespmem:s29+$0x4020]  }
0x108: {  	[tilespmem:s29+$0x3C40] =	vst v51;
	v51 =	vadd.f32 v55, v17;
	v55 =	vld [tilespmem:s29+$0x4030]  }
0x109: {  	[tilespmem:s29+$0x3C50] =	vst v52;
	v52 =	vadd.f32 v56, v18;
	v56 =	vld [tilespmem:s29+$0x4040]  }
0x10a: {  	[tilespmem:s29+$0x3C60] =	vst v51;
	v51 =	vadd.f32 v57, v19;
	v57 =	vld [tilespmem:s29+$0x4050]  }
0x10b: {  	[tilespmem:s29+$0x3C70] =	vst v52;
	v52 =	vadd.f32 v53, v20;
	v53 =	vld [tilespmem:s29+$0x4060]  }
0x10c: {  	[tilespmem:s29+$0x4000] =	vst v51;
	v51 =	vadd.f32 v54, v21;
	v54 =	vld [tilespmem:s29+$0x4070]  }
0x10d: {  	[tilespmem:s29+$0x4010] =	vst v52;
	v52 =	vadd.f32 v55, v22;
	v55 =	vld [tilespmem:s29+$0x4400]  }
0x10e: {  	[tilespmem:s29+$0x4020] =	vst v51;
	v51 =	vadd.f32 v56, v23;
	v56 =	vld [tilespmem:s29+$0x4410]  }
0x10f: {  	[tilespmem:s29+$0x4030] =	vst v52;
	v52 =	vadd.f32 v57, v24;
	v57 =	vld [tilespmem:s29+$0x4420]  }
0x110: {  	[tilespmem:s29+$0x4040] =	vst v51;
	v51 =	vadd.f32 v53, v26;
	v53 =	vld [tilespmem:s29+$0x4430]  }
0x111: {  	[tilespmem:s29+$0x4050] =	vst v52;
	v52 =	vadd.f32 v54, v28;
	v54 =	vld [tilespmem:s29+$0x4440]  }
0x112: {  	[tilespmem:s29+$0x4060] =	vst v51;
	v51 =	vadd.f32 v55, v30;
	v55 =	vld [tilespmem:s29+$0x4450]  }
0x113: {  	[tilespmem:s29+$0x4070] =	vst v52;
	v52 =	vadd.f32 v56, v32;
	v56 =	vld [tilespmem:s29+$0x4460]  }
0x114: {  	[tilespmem:s29+$0x4400] =	vst v51;
	v51 =	vadd.f32 v57, v34;
	v57 =	vld [tilespmem:s29+$0x4470]  }
0x115: {  	[tilespmem:s29+$0x4410] =	vst v52;
	v52 =	vadd.f32 v53, v35;
	v53 =	vld [tilespmem:s29+$0x4800]  }
0x116: {  	[tilespmem:s29+$0x4420] =	vst v51;
	v51 =	vadd.f32 v54, v37;
	v54 =	vld [tilespmem:s29+$0x4810]  }
0x117: {  	[tilespmem:s29+$0x4430] =	vst v52;
	v52 =	vadd.f32 v55, v38;
	v55 =	vld [tilespmem:s29+$0x4820]  }
0x118: {  	[tilespmem:s29+$0x4440] =	vst v51;
	v51 =	vadd.f32 v56, v40;
	v56 =	vld [tilespmem:s29+$0x4830]  }
0x119: {  	[tilespmem:s29+$0x4450] =	vst v52;
	v52 =	vadd.f32 v57, v42;
	v57 =	vld [tilespmem:s29+$0x4840]  }
0x11a: {  	[tilespmem:s29+$0x4460] =	vst v51;
	v51 =	vadd.f32 v53, v43;
	v53 =	vld [tilespmem:s29+$0x4850]  }
.Ltmp0:
0x11b: {  	[tilespmem:s29+$0x4470] =	vst v52;
	v52 =	vadd.f32 v54, v45;
	v54 =	vld [tilespmem:s29+$0x4860];
	(pc) =	sbr.rel @p1 .LBB2_3-.Ltmp0, $4  }
0x11c: {  	[tilespmem:s29+$0x4800] =	vst v51;
	v51 =	vadd.f32 v55, v46;
	v55 =	vld [tilespmem:s29+$0x4870]  }
0x11d: {  	[tilespmem:s29+$0x4810] =	vst v52;
	v56 =	vadd.f32 v56, v48;
	v52 =	vld [tilespmem:s29+$0x4C00]  }
0x11e: {  	[tilespmem:s29+$0x4820] =	vst v51;
	v57 =	vadd.f32 v57, v49;
	v51 =	vld [tilespmem:s29+$0x4C10]  }
0x11f: {  	s30 =	sadd.s32 $0x1, s30;
	[tilespmem:s29+$0x4830] =	vst v56;
	v56 =	vadd.f32 v53, v50;
	v53 =	vld [tilespmem:s29+$0x4C20]  }
0x120: {  	[tilespmem:s29+$0x4840] =	vst v57;
	v3 =	vld [tilespmem:s29+$0x4C30];
	v4 =	vadd.f32 v54, v47  }
0x121: {  	v5 =	vld [tilespmem:s29+$0x4C40];
	[tilespmem:s29+$0x4850] =	vst v56;
	v6 =	vadd.f32 v55, v44  }
0x122: {  	[tilespmem:s29+$0x4860] =	vst v4;
	v4 =	vld [tilespmem:s29+$0x4C50];
	v7 =	vadd.f32 v52, v41  }
0x123: {  	v8 =	vld [tilespmem:s29+$0x4C60];
	[tilespmem:s29+$0x4870] =	vst v6;
	v6 =	vadd.f32 v51, v39  }
0x124: {  	v9 =	vld [tilespmem:s29+$0x4C70];
	s2 =	rddreg [dreg:$0x5];
	[tilespmem:s29+$0x4C00] =	vst v7;
	v7 =	vadd.f32 v53, v36  }
0x125: {  	s2 =	sor.u32 s2, s15;
	[tilespmem:s29+$0x4C10] =	vst v6;
	v3 =	vadd.f32 v3, v33  }
0x126: {  	s2 =	sshrl.u32 s2, $0x3;
	v5 =	vadd.f32 v5, v31;
	[tilespmem:s29+$0x4C20] =	vst v7  }
0x127: {  	s2 =	smul.u32 $0x1800, s2;
	[tilespmem:s29+$0x4C30] =	vst v3;
	v3 =	vadd.f32 v4, v29  }
0x128: {  	[tilespmem:s29+$0x4C40] =	vst v5;
	v4 =	vadd.f32 v8, v25  }
0x129: {  	s2 =	sor.u32 s16, s2;
	[tilespmem:s29+$0x4C50] =	vst v3;
	v3 =	vadd.f32 v9, v27  }
0x12a: {  	s16 =	sshrl.u32 s2, $0x3;
	[tilespmem:s29+$0x4C60] =	vst v4  }
0x12b: {  	s28 =	simm.s32 $0x3800;
	s2 =	sadd.s32 s3, s16;
	[tilespmem:s29+$0x4C70] =	vst v3  }
0x12c: {  	[hbm4b:s2+s24] =	stream.strided.scatter [tilespmem:s28], [sflag:$0x5], $0x400, s25, s24, $0x38;
	[tilespmem:$0x1B800] =	vst v63  }
0x12d: {  	s0 =	simm.s32 $0x3C00;
	s28 =	sadd.s32 $0x80, s2  }
0x12e: {  	[hbm4b:s28+s24] =	stream.strided.scatter [tilespmem:s0], [sflag:$0x5], $0x400, s25, s24, $0x38;
	[tilespmem:$0x1B800] =	vst v63  }
0x12f: {  	s29 =	simm.s32 $0x4000;
	s28 =	sadd.s32 $0x100, s2  }
0x130: {  	[hbm4b:s28+s24] =	stream.strided.scatter [tilespmem:s29], [sflag:$0x5], $0x400, s25, s24, $0x38;
	[tilespmem:$0x1B800] =	vst v63  }
0x131: {  	s12 =	simm.s32 $0x4400;
	s28 =	sadd.s32 $0x180, s2  }
0x132: {  	[hbm4b:s28+s24] =	stream.strided.scatter [tilespmem:s12], [sflag:$0x5], $0x400, s25, s24, $0x38;
	[tilespmem:$0x1B800] =	vst v63  }
0x133: {  	s29 =	simm.s32 $0x4800;
	s28 =	sadd.s32 $0x200, s2  }
0x134: {  	[hbm4b:s28+s24] =	stream.strided.scatter [tilespmem:s29], [sflag:$0x5], $0x400, s25, s24, $0x38;
	[tilespmem:$0x1B800] =	vst v63  }
0x135: {  	s30 =	simm.s32 $0x4C00;
	s28 =	sadd.s32 $0x280, s2  }
0x136: {  	[hbm4b:s28+s24] =	stream.strided.scatter [tilespmem:s30], [sflag:$0x5], $0x400, s25, s24, $0x38;
	[tilespmem:$0x1B800] =	vst v63  }
0x137: {  	s29 =	simm.s32 $0x5000;
	s28 =	sadd.s32 $0x60000, s2  }
0x138: {  	[hbm4b:s28+s24] =	stream.strided.scatter [tilespmem:s29], [sflag:$0x5], $0x400, s25, s24, $0x38;
	[tilespmem:$0x1B800] =	vst v63  }
0x139: {  	s31 =	simm.s32 $0x5400;
	s29 =	sadd.s32 $0x80, s28  }
0x13a: {  	[hbm4b:s29+s24] =	stream.strided.scatter [tilespmem:s31], [sflag:$0x5], $0x400, s25, s24, $0x38;
	[tilespmem:$0x1B800] =	vst v63  }
0x13b: {  	s30 =	simm.s32 $0x5800;
	s29 =	sadd.s32 $0x100, s28  }
0x13c: {  	[hbm4b:s29+s24] =	stream.strided.scatter [tilespmem:s30], [sflag:$0x5], $0x400, s25, s24, $0x38;
	[tilespmem:$0x1B800] =	vst v63  }
0x13d: {  	s6 =	simm.s32 $0x5C00;
	s29 =	sadd.s32 $0x180, s28  }
0x13e: {  	[hbm4b:s29+s24] =	stream.strided.scatter [tilespmem:s6], [sflag:$0x5], $0x400, s25, s24, $0x38;
	[tilespmem:$0x1B800] =	vst v63  }
0x13f: {  	s12 =	simm.s32 $0x6000;
	s29 =	sadd.s32 $0x200, s28  }
0x140: {  	[hbm4b:s29+s24] =	stream.strided.scatter [tilespmem:s12], [sflag:$0x5], $0x400, s25, s24, $0x38;
	[tilespmem:$0x1B800] =	vst v63  }
0x141: {  	s31 =	simm.s32 $0x6400;
	s28 =	sadd.s32 $0x280, s28  }
0x142: {  	[hbm4b:s28+s24] =	stream.strided.scatter [tilespmem:s31], [sflag:$0x5], $0x400, s25, s24, $0x38;
	[tilespmem:$0x1B800] =	vst v63  }
0x143: {  	s29 =	simm.s32 $0x6800;
	s28 =	sadd.s32 $0xC0000, s2  }
0x144: {  	[hbm4b:s28+s24] =	stream.strided.scatter [tilespmem:s29], [sflag:$0x5], $0x400, s25, s24, $0x38;
	[tilespmem:$0x1B800] =	vst v63  }
0x145: {  	s6 =	simm.s32 $0x6C00;
	s29 =	sadd.s32 $0x80, s28  }
0x146: {  	[hbm4b:s29+s24] =	stream.strided.scatter [tilespmem:s6], [sflag:$0x5], $0x400, s25, s24, $0x38;
	[tilespmem:$0x1B800] =	vst v63  }
0x147: {  	s12 =	simm.s32 $0x7000;
	s29 =	sadd.s32 $0x100, s28  }
0x148: {  	[hbm4b:s29+s24] =	stream.strided.scatter [tilespmem:s12], [sflag:$0x5], $0x400, s25, s24, $0x38;
	[tilespmem:$0x1B800] =	vst v63  }
0x149: {  	s31 =	simm.s32 $0x7400;
	s29 =	sadd.s32 $0x180, s28  }
0x14a: {  	[hbm4b:s29+s24] =	stream.strided.scatter [tilespmem:s31], [sflag:$0x5], $0x400, s25, s24, $0x38;
	[tilespmem:$0x1B800] =	vst v63  }
0x14b: {  	s0 =	simm.s32 $0x7800;
	s29 =	sadd.s32 $0x200, s28  }
0x14c: {  	[hbm4b:s29+s24] =	stream.strided.scatter [tilespmem:s0], [sflag:$0x5], $0x400, s25, s24, $0x38;
	[tilespmem:$0x1B800] =	vst v63  }
0x14d: {  	s6 =	simm.s32 $0x7C00;
	s28 =	sadd.s32 $0x280, s28  }
0x14e: {  	[hbm4b:s28+s24] =	stream.strided.scatter [tilespmem:s6], [sflag:$0x5], $0x400, s25, s24, $0x38;
	[tilespmem:$0x1B800] =	vst v63  }
0x14f: {  	s2 =	sadd.s32 $0x120000, s2;
	s28 =	simm.s32 $0x8000  }
0x150: {  	[hbm4b:s2+s24] =	stream.strided.scatter [tilespmem:s28], [sflag:$0x5], $0x400, s25, s24, $0x38;
	[tilespmem:$0x1B800] =	vst v63  }
0x151: {  	s12 =	simm.s32 $0x8400;
	s28 =	sadd.s32 $0x80, s2  }
0x152: {  	[hbm4b:s28+s24] =	stream.strided.scatter [tilespmem:s12], [sflag:$0x5], $0x400, s25, s24, $0x38;
	[tilespmem:$0x1B800] =	vst v63  }
0x153: {  	s29 =	simm.s32 $0x8800;
	s28 =	sadd.s32 $0x100, s2  }
0x154: {  	[hbm4b:s28+s24] =	stream.strided.scatter [tilespmem:s29], [sflag:$0x5], $0x400, s25, s24, $0x38;
	[tilespmem:$0x1B800] =	vst v63  }
0x155: {  	s30 =	simm.s32 $0x8C00;
	s28 =	sadd.s32 $0x180, s2  }
0x156: {  	[hbm4b:s28+s24] =	stream.strided.scatter [tilespmem:s30], [sflag:$0x5], $0x400, s25, s24, $0x38;
	[tilespmem:$0x1B800] =	vst v63  }
0x157: {  	s29 =	simm.s32 $0x9000;
	s28 =	sadd.s32 $0x200, s2  }
0x158: {  	[hbm4b:s28+s24] =	stream.strided.scatter [tilespmem:s29], [sflag:$0x5], $0x400, s25, s24, $0x38;
	[tilespmem:$0x1B800] =	vst v63  }
0x159: {  	s31 =	simm.s32 $0x9400;
	s2 =	sadd.s32 $0x280, s2  }
0x15a: {  	[hbm4b:s2+s24] =	stream.strided.scatter [tilespmem:s31], [sflag:$0x5], $0x400, s25, s24, $0x38;
	[tilespmem:$0x1B800] =	vst v63  }
0x15b: {  	_ =	swait.ge [sflag:s26], $0x6000  }
0x15c: {  	[sflag:s26] =	ssyncset.done $0x0  }
0x15d: {  	s2 =	simm.s32 @!p0 $0x8;
	[sflag:s26] =	ssyncadd.s32 $0xFFFFA000  }
0x15e: {  	_ =	swait.ge @!p0 [sflag:s2], $0x6000  }
0x15f: {  	[sflag:s2] =	ssyncset.done @!p0 $0x0  }
0x160: {  	[sflag:s2] =	ssyncadd.s32 @!p0 $0xFFFFA000  }
0x161: {  	v3 =	vld [tilespmem:s23+$0x60];
	_ =	sdelay $0x4  }
0x162: {  	v4 =	vshrl.u32 v3, $0x3  }
0x163: {  	v4 =	vmul.u32 $0x30, v4  }
0x164: {  	v3 =	vand.u32 $0x7, v3  }
0x165: {  	v3 =	vor.u32 v3, v4  }
0x166: {  	v4 =	vperm.xlane v3, v0;
	_ =	sdelay $0x1  }
0x167: {  	v4 =	vadd.s32 v1, v4;
	_ =	sdelay $0x3  }
0x168: {  	s6 =	simm.s32 $0x15800;
	s28 =	simm.s32 $0x0;
	v3 =	vperm.xlane v3, v2  }
0x169: {  	[tilespmem:s6], [sflag:$0x4] =	stream.indirect_vreg.gather [hbm4b:s1+s28], $0x80, v4, vm0, $0xb8;
	[tilespmem:$0x1B800] =	vst v63  }
0x16a: {  	s12 =	simm.s32 $0x16000;
	v3 =	vadd.s32 v1, v3  }
0x16b: {  	[tilespmem:s12], [sflag:$0x4] =	stream.indirect_vreg.gather [hbm4b:s8+s28], $0x80, v4, vm0, $0xb8;
	[tilespmem:$0x1B800] =	vst v63  }
0x16c: {  	s30 =	simm.s32 $0x16800  }
0x16d: {  	[tilespmem:s30], [sflag:$0x4] =	stream.indirect_vreg.gather [hbm4b:s9+s28], $0x80, v4, vm0, $0xb8;
	[tilespmem:$0x1B800] =	vst v63  }
0x16e: {  	s31 =	simm.s32 $0x17000  }
0x16f: {  	[tilespmem:s31], [sflag:$0x4] =	stream.indirect_vreg.gather [hbm4b:s1+s28], $0x80, v3, vm0, $0xb8;
	[tilespmem:$0x1B800] =	vst v63  }
0x170: {  	s2 =	simm.s32 $0x17800  }
0x171: {  	[tilespmem:s2], [sflag:$0x4] =	stream.indirect_vreg.gather [hbm4b:s8+s28], $0x80, v3, vm0, $0xb8;
	[tilespmem:$0x1B800] =	vst v63  }
0x172: {  	s6 =	simm.s32 $0x18000  }
0x173: {  	[tilespmem:s6], [sflag:$0x4] =	stream.indirect_vreg.gather [hbm4b:s9+s28], $0x80, v3, vm0, $0xb8;
	[tilespmem:$0x1B800] =	vst v63  }
0x174: {  	v3 =	vld [tilespmem:s23+$0x70];
	_ =	sdelay $0x4  }
0x175: {  	v4 =	vshrl.u32 v3, $0x3  }
0x176: {  	v4 =	vmul.u32 $0x30, v4  }
0x177: {  	v3 =	vand.u32 $0x7, v3  }
0x178: {  	v3 =	vor.u32 v3, v4  }
0x179: {  	v4 =	vperm.xlane v3, v0;
	_ =	sdelay $0x1  }
0x17a: {  	v4 =	vadd.s32 v1, v4;
	_ =	sdelay $0x3  }
0x17b: {  	s12 =	simm.s32 $0x18800;
	v3 =	vperm.xlane v3, v2  }
0x17c: {  	[tilespmem:s12], [sflag:$0x4] =	stream.indirect_vreg.gather [hbm4b:s1+s28], $0x80, v4, vm0, $0xb8;
	[tilespmem:$0x1B800] =	vst v63  }
0x17d: {  	s23 =	simm.s32 $0x19000;
	v3 =	vadd.s32 v1, v3  }
0x17e: {  	[tilespmem:s23], [sflag:$0x4] =	stream.indirect_vreg.gather [hbm4b:s8+s28], $0x80, v4, vm0, $0xb8;
	[tilespmem:$0x1B800] =	vst v63  }
0x17f: {  	_ = 	snop  }
0x180: {  	[tilespmem:s7], [sflag:$0x4] =	stream.indirect_vreg.gather [hbm4b:s9+s28], $0x80, v4, vm0, $0xb8;
	[tilespmem:$0x1B800] =	vst v63  }
0x181: {  	_ = 	snop  }
0x182: {  	[tilespmem:s10], [sflag:$0x4] =	stream.indirect_vreg.gather [hbm4b:s1+s28], $0x80, v3, vm0, $0xb8;
	[tilespmem:$0x1B800] =	vst v63  }
0x183: {  	_ = 	snop  }
0x184: {  	[tilespmem:s5], [sflag:$0x4] =	stream.indirect_vreg.gather [hbm4b:s8+s28], $0x80, v3, vm0, $0xb8;
	[tilespmem:$0x1B800] =	vst v63  }
0x185: {  	_ = 	snop  }
0x186: {  	[tilespmem:s4], [sflag:$0x4] =	stream.indirect_vreg.gather [hbm4b:s9+s28], $0x80, v3, vm0, $0xb8;
	[tilespmem:$0x1B800] =	vst v63  }
0x187: {  	v3 =	vld [tilespmem:s17+$0x800]  }
0x188: {  	v4 =	vld [tilespmem:s22+$0x10]  }
0x189: {  	v5 =	vld [tilespmem:s22+$0x20]  }
0x18a: {  	v6 =	vld [tilespmem:s22+$0x30]  }
0x18b: {  	v7 =	vld [tilespmem:s22+$0x40]  }
0x18c: {  	v8 =	vld [tilespmem:s22+$0x50]  }
0x18d: {  	v9 =	vld [tilespmem:s22+$0x60]  }
0x18e: {  	v10 =	vld [tilespmem:s22+$0x70]  }
0x18f: {  	v11 =	vld [tilespmem:s22+$0x400]  }
0x190: {  	v12 =	vld [tilespmem:s22+$0x410]  }
0x191: {  	v13 =	vld [tilespmem:s22+$0x420]  }
0x192: {  	v14 =	vld [tilespmem:s22+$0x430]  }
0x193: {  	v15 =	vld [tilespmem:s22+$0x440]  }
0x194: {  	v16 =	vld [tilespmem:s22+$0x450]  }
0x195: {  	v17 =	vld [tilespmem:s22+$0x460]  }
0x196: {  	v18 =	vld [tilespmem:s22+$0x470]  }
0x197: {  	v19 =	vld [tilespmem:s17+$0x1000]  }
0x198: {  	v20 =	vld [tilespmem:s21+$0x10]  }
0x199: {  	v21 =	vld [tilespmem:s21+$0x20]  }
0x19a: {  	v22 =	vld [tilespmem:s21+$0x30]  }
0x19b: {  	v23 =	vld [tilespmem:s21+$0x40]  }
0x19c: {  	v24 =	vld [tilespmem:s21+$0x50]  }
0x19d: {  	v25 =	vld [tilespmem:s21+$0x60]  }
0x19e: {  	v26 =	vld [tilespmem:s21+$0x70]  }
0x19f: {  	v27 =	vld [tilespmem:s17+$0x1400]  }
0x1a0: {  	v28 =	vld [tilespmem:s20+$0x10]  }
0x1a1: {  	v29 =	vld [tilespmem:s20+$0x20]  }
0x1a2: {  	v30 =	vld [tilespmem:s20+$0x30]  }
0x1a3: {  	v32 =	vld [tilespmem:s20+$0x40]  }
0x1a4: {  	v34 =	vld [tilespmem:s20+$0x50]  }
0x1a5: {  	v36 =	vld [tilespmem:s20+$0x60]  }
0x1a6: {  	v41 =	vld [tilespmem:s20+$0x70]  }
0x1a7: {  	v43 =	vld [tilespmem:s17+$0x1800]  }
0x1a8: {  	v45 =	vld [tilespmem:s19+$0x10]  }
0x1a9: {  	v46 =	vld [tilespmem:s19+$0x20]  }
0x1aa: {  	v48 =	vld [tilespmem:s19+$0x30]  }
0x1ab: {  	v49 =	vld [tilespmem:s19+$0x40]  }
0x1ac: {  	v50 =	vld [tilespmem:s19+$0x50]  }
0x1ad: {  	v47 =	vld [tilespmem:s19+$0x60]  }
0x1ae: {  	v44 =	vld [tilespmem:s19+$0x70]  }
0x1af: {  	s30 =	simm.s32 $0x0;
	v37 =	vld [tilespmem:s17+$0x1C00]  }
0x1b0: {  	s2 =	smul.u32 $0x6000, s30;
	v38 =	vld [tilespmem:s18+$0x10]  }
0x1b1: {  	v35 =	vld [tilespmem:s18+$0x20]  }
0x1b2: {  	s31 =	sand.u32 $0x380, s28;
	s2 =	sshra.s32 s2, $0x2;
	v31 =	vld [tilespmem:s18+$0x30]  }
0x1b3: {  	s23 =	sor.u32 s31, s2;
	v33 =	vld [tilespmem:s18+$0x40]  }
0x1b4: {  	v42 =	vld [tilespmem:s23+$0x9800]  }
0x1b5: {  	v59 =	vld [tilespmem:s23+$0x9810]  }
0x1b6: {  	v39 =	vld [tilespmem:s18+$0x50]  }
0x1b7: {  	v60 =	vld [tilespmem:s23+$0x9820]  }
0x1b8: {  	v40 =	vld [tilespmem:s18+$0x60]  }
0x1b9: {  	v62 =	vld [tilespmem:s23+$0x9840]  }
0x1ba: {  	v63 =	vld [tilespmem:s23+$0x9850]  }
0x1bb: {  	v53 =	vld [tilespmem:s23+$0x9830]  }
0x1bc: {  	v61 =	vadd.f32 v42, v3;
	v42 =	vld [tilespmem:s18+$0x70]  }
0x1bd: {  	v52 =	vadd.f32 v60, v5;
	v60 =	vld [tilespmem:s23+$0x9860]  }
0x1be: {  	v55 =	vadd.f32 v62, v7;
	v62 =	vld [tilespmem:s23+$0x9C20]  }
0x1bf: {  	v54 =	vadd.f32 v63, v8;
	v63 =	vld [tilespmem:s23+$0x9C30]  }
0x1c0: {  	v51 =	vadd.f32 v59, v4;
	[tilespmem:s23+$0x9820] =	vst v52;
	v52 =	vld [tilespmem:s23+$0x9C10]  }
0x1c1: {  	[tilespmem:s23+$0x9800] =	vst v61;
	v61 =	vld [tilespmem:s23+$0x9870]  }
0x1c2: {  	v53 =	vadd.f32 v53, v6;
	[tilespmem:s23+$0x9810] =	vst v51;
	v51 =	vld [tilespmem:s23+$0x9C00];
	_ =	sdelay $0x1  }
0x1c3: {  	[tilespmem:s23+$0x9830] =	vst v53;
	v56 =	vadd.f32 v60, v9;
	v60 =	vld [tilespmem:s23+$0x9C40]  }
0x1c4: {  	[tilespmem:s23+$0x9840] =	vst v55;
	v55 =	vadd.f32 v63, v14;
	v63 =	vld [tilespmem:s23+$0x9C70]  }
0x1c5: {  	v57 =	vadd.f32 v61, v10;
	[tilespmem:s23+$0x9860] =	vst v56;
	v56 =	vld [tilespmem:s23+$0x9C50];
	v52 =	vadd.f32 v52, v12  }
0x1c6: {  	[tilespmem:s23+$0x9850] =	vst v54;
	v51 =	vadd.f32 v51, v11;
	v61 =	vadd.f32 v62, v13;
	v62 =	vld [tilespmem:s23+$0x9C60]  }
0x1c7: {  	[tilespmem:s23+$0x9C10] =	vst v52;
	v52 =	vld [tilespmem:s23+$0xA000]  }
0x1c8: {  	[tilespmem:s23+$0x9C00] =	vst v51;
	v51 =	vld [tilespmem:s23+$0xA010]  }
0x1c9: {  	[tilespmem:s23+$0x9C20] =	vst v61;
	v61 =	vld [tilespmem:s23+$0xA030]  }
0x1ca: {  	[tilespmem:s23+$0x9C30] =	vst v55;
	v54 =	vadd.f32 v60, v15;
	v60 =	vld [tilespmem:s23+$0xA020]  }
0x1cb: {  	[tilespmem:s23+$0x9870] =	vst v57;
	v57 =	vadd.f32 v63, v18;
	v63 =	vld [tilespmem:s23+$0xA050]  }
0x1cc: {  	v56 =	vadd.f32 v56, v16;
	[tilespmem:s23+$0x9C40] =	vst v54  }
0x1cd: {  	v53 =	vadd.f32 v62, v17;
	v62 =	vld [tilespmem:s23+$0xA040];
	[tilespmem:s23+$0x9C70] =	vst v57  }
0x1ce: {  	[tilespmem:s23+$0x9C50] =	vst v56;
	v52 =	vadd.f32 v52, v19;
	v54 =	vadd.f32 v61, v22;
	v61 =	vld [tilespmem:s23+$0xA070]  }
0x1cf: {  	[tilespmem:s23+$0x9C60] =	vst v53;
	v51 =	vadd.f32 v51, v20;
	v59 =	vadd.f32 v60, v21;
	v60 =	vld [tilespmem:s23+$0xA060]  }
0x1d0: {  	v53 =	vadd.f32 v63, v24;
	v63 =	vld [tilespmem:s23+$0xA430];
	[tilespmem:s23+$0xA000] =	vst v52  }
0x1d1: {  	[tilespmem:s23+$0xA010] =	vst v51;
	v52 =	vld [tilespmem:s23+$0xA410]  }
0x1d2: {  	[tilespmem:s23+$0xA030] =	vst v54;
	v56 =	vadd.f32 v62, v23;
	v62 =	vld [tilespmem:s23+$0xA420]  }
0x1d3: {  	v51 =	vld [tilespmem:s23+$0xA400];
	[tilespmem:s23+$0xA020] =	vst v59  }
0x1d4: {  	[tilespmem:s23+$0xA050] =	vst v53;
	v55 =	vadd.f32 v60, v25  }
0x1d5: {  	[tilespmem:s23+$0xA040] =	vst v56;
	v57 =	vadd.f32 v61, v26;
	v60 =	vld [tilespmem:s23+$0xA440]  }
0x1d6: {  	v56 =	vadd.f32 v63, v30;
	[tilespmem:s23+$0xA060] =	vst v55;
	v55 =	vld [tilespmem:s23+$0xA450]  }
0x1d7: {  	[tilespmem:s23+$0xA070] =	vst v57;
	v52 =	vadd.f32 v52, v28;
	v61 =	vadd.f32 v62, v29;
	v62 =	vld [tilespmem:s23+$0xA460]  }
0x1d8: {  	v63 =	vld [tilespmem:s23+$0xA470];
	v51 =	vadd.f32 v51, v27;
	[tilespmem:s23+$0xA430] =	vst v56  }
0x1d9: {  	[tilespmem:s23+$0xA410] =	vst v52;
	v52 =	vld [tilespmem:s23+$0xA800]  }
0x1da: {  	[tilespmem:s23+$0xA400] =	vst v51;
	v51 =	vld [tilespmem:s23+$0xA810];
	v53 =	vadd.f32 v60, v32  }
0x1db: {  	[tilespmem:s23+$0xA420] =	vst v61;
	v61 =	vld [tilespmem:s23+$0xA830];
	v55 =	vadd.f32 v55, v34  }
0x1dc: {  	v60 =	vld [tilespmem:s23+$0xA820];
	[tilespmem:s23+$0xA440] =	vst v53;
	v54 =	vadd.f32 v62, v36  }
0x1dd: {  	v58 =	vld [tilespmem:s23+$0xA840];
	v62 =	vadd.f32 v63, v41;
	[tilespmem:s23+$0xA450] =	vst v55  }
0x1de: {  	v59 =	vld [tilespmem:s23+$0xA850];
	v52 =	vadd.f32 v52, v43;
	[tilespmem:s23+$0xA460] =	vst v54  }
0x1df: {  	v51 =	vadd.f32 v51, v45;
	[tilespmem:s23+$0xA470] =	vst v62;
	v54 =	vld [tilespmem:s23+$0xA860]  }
0x1e0: {  	v53 =	vadd.f32 v61, v48;
	v55 =	vld [tilespmem:s23+$0xA870];
	[tilespmem:s23+$0xA800] =	vst v52  }
0x1e1: {  	v63 =	vadd.f32 v60, v46;
	[tilespmem:s23+$0xA810] =	vst v51;
	v52 =	vld [tilespmem:s23+$0xAC00]  }
0x1e2: {  	v57 =	vadd.f32 v58, v49;
	v51 =	vld [tilespmem:s23+$0xAC10];
	[tilespmem:s23+$0xA830] =	vst v53  }
0x1e3: {  	s29 =	simm.s32 $0x1;
	v56 =	vadd.f32 v59, v50;
	v53 =	vld [tilespmem:s23+$0xAC20];
	[tilespmem:s23+$0xA820] =	vst v63  }
.LBB2_5:
0x1e4: {  	s2 =	sshrl.u32 s29, $0x3;
	p0 =	sne.s32 s29, $0x1F;
	[tilespmem:s23+$0xA840] =	vst v57;
	v54 =	vadd.f32 v54, v47;
	v57 =	vld [tilespmem:s23+$0xAC30]  }
0x1e5: {  	s2 =	smul.u32 $0x6000, s2;
	[tilespmem:s23+$0xA850] =	vst v56;
	v55 =	vadd.f32 v55, v44;
	v56 =	vld [tilespmem:s23+$0xAC40]  }
0x1e6: {  	s28 =	sadd.s32 $0x80, s28;
	[tilespmem:s23+$0xA860] =	vst v54;
	v52 =	vadd.f32 v52, v37;
	v54 =	vld [tilespmem:s23+$0xAC50]  }
0x1e7: {  	s30 =	sand.u32 $0x380, s28;
	s2 =	sshra.s32 s2, $0x2;
	[tilespmem:s23+$0xA870] =	vst v55;
	v51 =	vadd.f32 v51, v38;
	v55 =	vld [tilespmem:s23+$0xAC60]  }
0x1e8: {  	s2 =	sor.u32 s30, s2;
	[tilespmem:s23+$0xAC00] =	vst v52;
	v52 =	vadd.f32 v53, v35;
	v53 =	vld [tilespmem:s23+$0xAC70]  }
0x1e9: {  	v58 =	vld [tilespmem:s2+$0x9800];
	[tilespmem:s23+$0xAC10] =	vst v51;
	v51 =	vadd.f32 v57, v31  }
0x1ea: {  	v57 =	vld [tilespmem:s2+$0x9810];
	[tilespmem:s23+$0xAC20] =	vst v52;
	v52 =	vadd.f32 v56, v33  }
0x1eb: {  	v56 =	vld [tilespmem:s2+$0x9820];
	[tilespmem:s23+$0xAC30] =	vst v51;
	v51 =	vadd.f32 v54, v39  }
0x1ec: {  	v54 =	vld [tilespmem:s2+$0x9830];
	[tilespmem:s23+$0xAC40] =	vst v52;
	v52 =	vadd.f32 v55, v40  }
0x1ed: {  	v55 =	vld [tilespmem:s2+$0x9840];
	[tilespmem:s23+$0xAC50] =	vst v51;
	v51 =	vadd.f32 v53, v42  }
0x1ee: {  	v53 =	vadd.f32 v58, v3;
	v58 =	vld [tilespmem:s2+$0x9850];
	[tilespmem:s23+$0xAC60] =	vst v52  }
0x1ef: {  	v52 =	vadd.f32 v57, v4;
	v57 =	vld [tilespmem:s2+$0x9860];
	[tilespmem:s23+$0xAC70] =	vst v51;
	s23 =	smov.u32 s2  }
0x1f0: {  	[tilespmem:s23+$0x9800] =	vst v53;
	v51 =	vadd.f32 v56, v5;
	v53 =	vld [tilespmem:s23+$0x9870]  }
0x1f1: {  	[tilespmem:s23+$0x9810] =	vst v52;
	v52 =	vadd.f32 v54, v6;
	v54 =	vld [tilespmem:s23+$0x9C00]  }
0x1f2: {  	[tilespmem:s23+$0x9820] =	vst v51;
	v51 =	vadd.f32 v55, v7;
	v55 =	vld [tilespmem:s23+$0x9C10]  }
0x1f3: {  	[tilespmem:s23+$0x9830] =	vst v52;
	v52 =	vadd.f32 v58, v8;
	v56 =	vld [tilespmem:s23+$0x9C20]  }
0x1f4: {  	[tilespmem:s23+$0x9840] =	vst v51;
	v51 =	vadd.f32 v57, v9;
	v57 =	vld [tilespmem:s23+$0x9C30]  }
0x1f5: {  	[tilespmem:s23+$0x9850] =	vst v52;
	v52 =	vadd.f32 v53, v10;
	v53 =	vld [tilespmem:s23+$0x9C40]  }
0x1f6: {  	[tilespmem:s23+$0x9860] =	vst v51;
	v51 =	vadd.f32 v54, v11;
	v54 =	vld [tilespmem:s23+$0x9C50]  }
0x1f7: {  	[tilespmem:s23+$0x9870] =	vst v52;
	v52 =	vadd.f32 v55, v12;
	v55 =	vld [tilespmem:s23+$0x9C60]  }
0x1f8: {  	[tilespmem:s23+$0x9C00] =	vst v51;
	v51 =	vadd.f32 v56, v13;
	v56 =	vld [tilespmem:s23+$0x9C70]  }
0x1f9: {  	[tilespmem:s23+$0x9C10] =	vst v52;
	v52 =	vadd.f32 v57, v14;
	v57 =	vld [tilespmem:s23+$0xA000]  }
0x1fa: {  	[tilespmem:s23+$0x9C20] =	vst v51;
	v51 =	vadd.f32 v53, v15;
	v53 =	vld [tilespmem:s23+$0xA010]  }
0x1fb: {  	[tilespmem:s23+$0x9C30] =	vst v52;
	v52 =	vadd.f32 v54, v16;
	v54 =	vld [tilespmem:s23+$0xA020]  }
0x1fc: {  	[tilespmem:s23+$0x9C40] =	vst v51;
	v51 =	vadd.f32 v55, v17;
	v55 =	vld [tilespmem:s23+$0xA030]  }
0x1fd: {  	[tilespmem:s23+$0x9C50] =	vst v52;
	v52 =	vadd.f32 v56, v18;
	v56 =	vld [tilespmem:s23+$0xA040]  }
0x1fe: {  	[tilespmem:s23+$0x9C60] =	vst v51;
	v51 =	vadd.f32 v57, v19;
	v57 =	vld [tilespmem:s23+$0xA050]  }
0x1ff: {  	[tilespmem:s23+$0x9C70] =	vst v52;
	v52 =	vadd.f32 v53, v20;
	v53 =	vld [tilespmem:s23+$0xA060]  }
0x200: {  	[tilespmem:s23+$0xA000] =	vst v51;
	v51 =	vadd.f32 v54, v21;
	v54 =	vld [tilespmem:s23+$0xA070]  }
0x201: {  	[tilespmem:s23+$0xA010] =	vst v52;
	v52 =	vadd.f32 v55, v22;
	v55 =	vld [tilespmem:s23+$0xA400]  }
0x202: {  	[tilespmem:s23+$0xA020] =	vst v51;
	v51 =	vadd.f32 v56, v23;
	v56 =	vld [tilespmem:s23+$0xA410]  }
0x203: {  	[tilespmem:s23+$0xA030] =	vst v52;
	v52 =	vadd.f32 v57, v24;
	v57 =	vld [tilespmem:s23+$0xA420]  }
0x204: {  	[tilespmem:s23+$0xA040] =	vst v51;
	v51 =	vadd.f32 v53, v25;
	v53 =	vld [tilespmem:s23+$0xA430]  }
0x205: {  	[tilespmem:s23+$0xA050] =	vst v52;
	v52 =	vadd.f32 v54, v26;
	v54 =	vld [tilespmem:s23+$0xA440]  }
0x206: {  	[tilespmem:s23+$0xA060] =	vst v51;
	v51 =	vadd.f32 v55, v27;
	v55 =	vld [tilespmem:s23+$0xA450]  }
0x207: {  	[tilespmem:s23+$0xA070] =	vst v52;
	v52 =	vadd.f32 v56, v28;
	v56 =	vld [tilespmem:s23+$0xA460]  }
0x208: {  	[tilespmem:s23+$0xA400] =	vst v51;
	v51 =	vadd.f32 v57, v29;
	v57 =	vld [tilespmem:s23+$0xA470]  }
0x209: {  	[tilespmem:s23+$0xA410] =	vst v52;
	v52 =	vadd.f32 v53, v30;
	v53 =	vld [tilespmem:s23+$0xA800]  }
0x20a: {  	[tilespmem:s23+$0xA420] =	vst v51;
	v51 =	vadd.f32 v54, v32;
	v54 =	vld [tilespmem:s23+$0xA810]  }
0x20b: {  	[tilespmem:s23+$0xA430] =	vst v52;
	v52 =	vadd.f32 v55, v34;
	v55 =	vld [tilespmem:s23+$0xA820]  }
0x20c: {  	[tilespmem:s23+$0xA440] =	vst v51;
	v51 =	vadd.f32 v56, v36;
	v56 =	vld [tilespmem:s23+$0xA830]  }
0x20d: {  	[tilespmem:s23+$0xA450] =	vst v52;
	v52 =	vadd.f32 v57, v41;
	v57 =	vld [tilespmem:s23+$0xA840]  }
0x20e: {  	[tilespmem:s23+$0xA460] =	vst v51;
	v51 =	vadd.f32 v53, v43;
	v53 =	vld [tilespmem:s23+$0xA850]  }
.Ltmp1:
0x20f: {  	[tilespmem:s23+$0xA470] =	vst v52;
	v52 =	vadd.f32 v54, v45;
	v54 =	vld [tilespmem:s23+$0xA860];
	(pc) =	sbr.rel @p0 .LBB2_5-.Ltmp1, $4  }
0x210: {  	[tilespmem:s23+$0xA800] =	vst v51;
	v51 =	vadd.f32 v55, v46;
	v55 =	vld [tilespmem:s23+$0xA870]  }
0x211: {  	[tilespmem:s23+$0xA810] =	vst v52;
	v56 =	vadd.f32 v56, v48;
	v52 =	vld [tilespmem:s23+$0xAC00]  }
0x212: {  	[tilespmem:s23+$0xA820] =	vst v51;
	v57 =	vadd.f32 v57, v49;
	v51 =	vld [tilespmem:s23+$0xAC10]  }
0x213: {  	s29 =	sadd.s32 $0x1, s29;
	[tilespmem:s23+$0xA830] =	vst v56;
	v56 =	vadd.f32 v53, v50;
	v53 =	vld [tilespmem:s23+$0xAC20]  }
0x214: {  	[tilespmem:s23+$0xA840] =	vst v57;
	v3 =	vld [tilespmem:s23+$0xAC30];
	v4 =	vadd.f32 v54, v47  }
0x215: {  	v5 =	vld [tilespmem:s23+$0xAC40];
	[tilespmem:s23+$0xA850] =	vst v56;
	v6 =	vadd.f32 v55, v44  }
0x216: {  	[tilespmem:s23+$0xA860] =	vst v4;
	v4 =	vld [tilespmem:s23+$0xAC50];
	v7 =	vadd.f32 v52, v37  }
0x217: {  	v8 =	vld [tilespmem:s23+$0xAC60];
	[tilespmem:s23+$0xA870] =	vst v6;
	v6 =	vadd.f32 v51, v38  }
0x218: {  	v9 =	vld [tilespmem:s23+$0xAC70];
	[tilespmem:s23+$0xAC00] =	vst v7;
	v7 =	vadd.f32 v53, v35  }
0x219: {  	[tilespmem:s23+$0xAC10] =	vst v6;
	v3 =	vadd.f32 v3, v31  }
0x21a: {  	v5 =	vadd.f32 v5, v33;
	[tilespmem:s23+$0xAC20] =	vst v7  }
0x21b: {  	[tilespmem:s23+$0xAC30] =	vst v3;
	v3 =	vadd.f32 v4, v39  }
0x21c: {  	[tilespmem:s23+$0xAC40] =	vst v5;
	v4 =	vadd.f32 v8, v40  }
0x21d: {  	[tilespmem:s23+$0xAC50] =	vst v3;
	v3 =	vadd.f32 v9, v42  }
0x21e: {  	s2 =	sor.u32 $0x180000, s16;
	[tilespmem:s23+$0xAC60] =	vst v4  }
0x21f: {  	s12 =	simm.s32 $0x9800;
	s2 =	sadd.s32 s3, s2;
	[tilespmem:s23+$0xAC70] =	vst v3  }
0x220: {  	[hbm4b:s2+s24] =	stream.strided.scatter [tilespmem:s12], [sflag:$0x6], $0x400, s25, s24, $0x38;
	[tilespmem:$0x1B800] =	vst v63  }
0x221: {  	s0 =	simm.s32 $0x9C00;
	s31 =	sadd.s32 $0x80, s2  }
0x222: {  	[hbm4b:s31+s24] =	stream.strided.scatter [tilespmem:s0], [sflag:$0x6], $0x400, s25, s24, $0x38;
	[tilespmem:$0x1B800] =	vst v63  }
0x223: {  	s28 =	simm.s32 $0xA000;
	s0 =	sadd.s32 $0x100, s2  }
0x224: {  	[hbm4b:s0+s24] =	stream.strided.scatter [tilespmem:s28], [sflag:$0x6], $0x400, s25, s24, $0x38;
	[tilespmem:$0x1B800] =	vst v63  }
0x225: {  	s6 =	sadd.s32 $0x180, s2;
	s12 =	simm.s32 $0xA400  }
0x226: {  	[hbm4b:s6+s24] =	stream.strided.scatter [tilespmem:s12], [sflag:$0x6], $0x400, s25, s24, $0x38;
	[tilespmem:$0x1B800] =	vst v63  }
0x227: {  	s31 =	sadd.s32 $0x200, s2;
	s28 =	simm.s32 $0xA800  }
0x228: {  	[hbm4b:s31+s24] =	stream.strided.scatter [tilespmem:s28], [sflag:$0x6], $0x400, s25, s24, $0x38;
	[tilespmem:$0x1B800] =	vst v63  }
0x229: {  	s0 =	sadd.s32 $0x280, s2;
	s6 =	simm.s32 $0xAC00  }
0x22a: {  	[hbm4b:s0+s24] =	stream.strided.scatter [tilespmem:s6], [sflag:$0x6], $0x400, s25, s24, $0x38;
	[tilespmem:$0x1B800] =	vst v63  }
0x22b: {  	s12 =	sadd.s32 $0x60000, s2;
	s28 =	simm.s32 $0xB000  }
0x22c: {  	[hbm4b:s12+s24] =	stream.strided.scatter [tilespmem:s28], [sflag:$0x6], $0x400, s25, s24, $0x38;
	[tilespmem:$0x1B800] =	vst v63  }
0x22d: {  	s31 =	simm.s32 $0xB400;
	s28 =	sadd.s32 $0x80, s12  }
0x22e: {  	[hbm4b:s28+s24] =	stream.strided.scatter [tilespmem:s31], [sflag:$0x6], $0x400, s25, s24, $0x38;
	[tilespmem:$0x1B800] =	vst v63  }
0x22f: {  	s29 =	simm.s32 $0xB800;
	s28 =	sadd.s32 $0x100, s12  }
0x230: {  	[hbm4b:s28+s24] =	stream.strided.scatter [tilespmem:s29], [sflag:$0x6], $0x400, s25, s24, $0x38;
	[tilespmem:$0x1B800] =	vst v63  }
0x231: {  	s6 =	simm.s32 $0xBC00;
	s28 =	sadd.s32 $0x180, s12  }
0x232: {  	[hbm4b:s28+s24] =	stream.strided.scatter [tilespmem:s6], [sflag:$0x6], $0x400, s25, s24, $0x38;
	[tilespmem:$0x1B800] =	vst v63  }
0x233: {  	s29 =	simm.s32 $0xC000;
	s28 =	sadd.s32 $0x200, s12  }
0x234: {  	[hbm4b:s28+s24] =	stream.strided.scatter [tilespmem:s29], [sflag:$0x6], $0x400, s25, s24, $0x38;
	[tilespmem:$0x1B800] =	vst v63  }
0x235: {  	s23 =	sadd.s32 $0x280, s12;
	s12 =	simm.s32 $0xC400  }
0x236: {  	[hbm4b:s23+s24] =	stream.strided.scatter [tilespmem:s12], [sflag:$0x6], $0x400, s25, s24, $0x38;
	[tilespmem:$0x1B800] =	vst v63  }
0x237: {  	s31 =	sadd.s32 $0xC0000, s2;
	s28 =	simm.s32 $0xC800  }
0x238: {  	[hbm4b:s31+s24] =	stream.strided.scatter [tilespmem:s28], [sflag:$0x6], $0x400, s25, s24, $0x38;
	[tilespmem:$0x1B800] =	vst v63  }
0x239: {  	s6 =	simm.s32 $0xCC00;
	s28 =	sadd.s32 $0x80, s31  }
0x23a: {  	[hbm4b:s28+s24] =	stream.strided.scatter [tilespmem:s6], [sflag:$0x6], $0x400, s25, s24, $0x38;
	[tilespmem:$0x1B800] =	vst v63  }
0x23b: {  	s29 =	simm.s32 $0xD000;
	s28 =	sadd.s32 $0x100, s31  }
0x23c: {  	[hbm4b:s28+s24] =	stream.strided.scatter [tilespmem:s29], [sflag:$0x6], $0x400, s25, s24, $0x38;
	[tilespmem:$0x1B800] =	vst v63  }
0x23d: {  	s12 =	simm.s32 $0xD400;
	s28 =	sadd.s32 $0x180, s31  }
0x23e: {  	[hbm4b:s28+s24] =	stream.strided.scatter [tilespmem:s12], [sflag:$0x6], $0x400, s25, s24, $0x38;
	[tilespmem:$0x1B800] =	vst v63  }
0x23f: {  	s29 =	simm.s32 $0xD800;
	s28 =	sadd.s32 $0x200, s31  }
0x240: {  	[hbm4b:s28+s24] =	stream.strided.scatter [tilespmem:s29], [sflag:$0x6], $0x400, s25, s24, $0x38;
	[tilespmem:$0x1B800] =	vst v63  }
0x241: {  	s23 =	sadd.s32 $0x280, s31;
	s31 =	simm.s32 $0xDC00  }
0x242: {  	[hbm4b:s23+s24] =	stream.strided.scatter [tilespmem:s31], [sflag:$0x6], $0x400, s25, s24, $0x38;
	[tilespmem:$0x1B800] =	vst v63  }
0x243: {  	s2 =	sadd.s32 $0x120000, s2;
	s6 =	simm.s32 $0xE000  }
0x244: {  	[hbm4b:s2+s24] =	stream.strided.scatter [tilespmem:s6], [sflag:$0x6], $0x400, s25, s24, $0x38;
	[tilespmem:$0x1B800] =	vst v63  }
0x245: {  	s12 =	sadd.s32 $0x80, s2;
	s31 =	simm.s32 $0xE400  }
0x246: {  	[hbm4b:s12+s24] =	stream.strided.scatter [tilespmem:s31], [sflag:$0x6], $0x400, s25, s24, $0x38;
	[tilespmem:$0x1B800] =	vst v63  }
0x247: {  	s28 =	simm.s32 $0xE800;
	s6 =	sadd.s32 $0x100, s2  }
0x248: {  	[hbm4b:s6+s24] =	stream.strided.scatter [tilespmem:s28], [sflag:$0x6], $0x400, s25, s24, $0x38;
	[tilespmem:$0x1B800] =	vst v63  }
0x249: {  	s12 =	sadd.s32 $0x180, s2;
	s31 =	simm.s32 $0xEC00  }
0x24a: {  	[hbm4b:s12+s24] =	stream.strided.scatter [tilespmem:s31], [sflag:$0x6], $0x400, s25, s24, $0x38;
	[tilespmem:$0x1B800] =	vst v63  }
0x24b: {  	s0 =	sadd.s32 $0x200, s2;
	s28 =	simm.s32 $0xF000  }
0x24c: {  	[hbm4b:s0+s24] =	stream.strided.scatter [tilespmem:s28], [sflag:$0x6], $0x400, s25, s24, $0x38;
	[tilespmem:$0x1B800] =	vst v63  }
0x24d: {  	s2 =	sadd.s32 $0x280, s2;
	s6 =	simm.s32 $0xF400  }
0x24e: {  	[hbm4b:s2+s24] =	stream.strided.scatter [tilespmem:s6], [sflag:$0x6], $0x400, s25, s24, $0x38;
	[tilespmem:$0x1B800] =	vst v63  }
0x24f: {  	_ =	swait.ge [sflag:s13], $0x6000  }
0x250: {  	p0 =	seq.s32 s15, $0xF;
	[sflag:s13] =	ssyncset.done $0x0  }
0x251: {  	s2 =	simm.s32 @!p0 $0x5;
	[sflag:s13] =	ssyncadd.s32 $0xFFFFA000  }
0x252: {  	_ =	swait.ge @!p0 [sflag:s2], $0x6000  }
0x253: {  	s23 =	sshll.u32 @!p0 s15, $0x7;
	[sflag:s2] =	ssyncset.done @!p0 $0x0  }
0x254: {  	s23 =	sand.u32 @!p0 $0x3FFFFF80, s23;
	[sflag:s2] =	ssyncadd.s32 @!p0 $0xFFFFA000  }
0x255: {  	v3 =	vld @!p0 [tilespmem:s23+$0x80];
	_ =	sdelay $0x4  }
0x256: {  	v4 =	vshrl.u32 @!p0 v3, $0x3  }
0x257: {  	v4 =	vmul.u32 @!p0 $0x30, v4  }
0x258: {  	v5 =	vlaneseq.u32 @!p0;
	v3 =	vand.u32 @!p0 $0x7, v3  }
0x259: {  	v6 =	vshrl.u32 @!p0 v5, $0x3;
	v3 =	vor.u32 @!p0 v3, v4;
	v4 =	vand.u32 @!p0 $0x7, v5  }
0x25a: {  	v6 =	vmul.u32 @!p0 $0x8, v6;
	v7 =	vperm.xlane @!p0 v3, v4;
	_ =	sdelay $0x1  }
0x25b: {  	v7 =	vadd.s32 @!p0 v6, v7;
	_ =	sdelay $0x2  }
0x25c: {  	v5 =	vor.u32 @!p0 $0x8, v5  }
0x25d: {  	vm1 =	vmmov @!p0 $0xffff;
	s28 =	simm.s32 @!p0 $0x3800;
	s2 =	simm.s32 @!p0 $0x0;
	v3 =	vperm.xlane @!p0 v3, v5  }
0x25e: {  	[tilespmem:s28], [sflag:$0x1] =	stream.indirect_vreg.gather @!p0 [hbm4b:s1+s2], $0x80, v7, vm1, $0xb8;
	[tilespmem:$0x1B800] =	vst v63  }
0x25f: {  	v3 =	vadd.s32 @!p0 v6, v3;
	s28 =	simm.s32 @!p0 $0x4000  }
0x260: {  	[tilespmem:s28], [sflag:$0x1] =	stream.indirect_vreg.gather @!p0 [hbm4b:s8+s2], $0x80, v7, vm1, $0xb8;
	[tilespmem:$0x1B800] =	vst v63  }
0x261: {  	s28 =	simm.s32 @!p0 $0x4800  }
0x262: {  	[tilespmem:s28], [sflag:$0x1] =	stream.indirect_vreg.gather @!p0 [hbm4b:s9+s2], $0x80, v7, vm1, $0xb8;
	[tilespmem:$0x1B800] =	vst v63  }
0x263: {  	s28 =	simm.s32 @!p0 $0x5000  }
0x264: {  	[tilespmem:s28], [sflag:$0x1] =	stream.indirect_vreg.gather @!p0 [hbm4b:s1+s2], $0x80, v3, vm1, $0xb8;
	[tilespmem:$0x1B800] =	vst v63  }
0x265: {  	s28 =	simm.s32 @!p0 $0x5800  }
0x266: {  	[tilespmem:s28], [sflag:$0x1] =	stream.indirect_vreg.gather @!p0 [hbm4b:s8+s2], $0x80, v3, vm1, $0xb8;
	[tilespmem:$0x1B800] =	vst v63  }
0x267: {  	s28 =	simm.s32 @!p0 $0x6000  }
0x268: {  	[tilespmem:s28], [sflag:$0x1] =	stream.indirect_vreg.gather @!p0 [hbm4b:s9+s2], $0x80, v3, vm1, $0xb8;
	[tilespmem:$0x1B800] =	vst v63  }
0x269: {  	v3 =	vld @!p0 [tilespmem:s23+$0x90];
	_ =	sdelay $0x4  }
0x26a: {  	v7 =	vshrl.u32 @!p0 v3, $0x3  }
0x26b: {  	v7 =	vmul.u32 @!p0 $0x30, v7  }
0x26c: {  	v3 =	vand.u32 @!p0 $0x7, v3  }
0x26d: {  	v3 =	vor.u32 @!p0 v3, v7  }
0x26e: {  	v4 =	vperm.xlane @!p0 v3, v4;
	_ =	sdelay $0x1  }
0x26f: {  	v4 =	vadd.s32 @!p0 v6, v4;
	_ =	sdelay $0x3  }
0x270: {  	s28 =	simm.s32 @!p0 $0x6800;
	v3 =	vperm.xlane @!p0 v3, v5  }
0x271: {  	[tilespmem:s28], [sflag:$0x1] =	stream.indirect_vreg.gather @!p0 [hbm4b:s1+s2], $0x80, v4, vm1, $0xb8;
	[tilespmem:$0x1B800] =	vst v63  }
0x272: {  	v3 =	vadd.s32 @!p0 v6, v3;
	s28 =	simm.s32 @!p0 $0x7000  }
0x273: {  	[tilespmem:s28], [sflag:$0x1] =	stream.indirect_vreg.gather @!p0 [hbm4b:s8+s2], $0x80, v4, vm1, $0xb8;
	[tilespmem:$0x1B800] =	vst v63  }
0x274: {  	s28 =	simm.s32 @!p0 $0x7800  }
0x275: {  	[tilespmem:s28], [sflag:$0x1] =	stream.indirect_vreg.gather @!p0 [hbm4b:s9+s2], $0x80, v4, vm1, $0xb8;
	[tilespmem:$0x1B800] =	vst v63  }
0x276: {  	s28 =	simm.s32 @!p0 $0x8000  }
0x277: {  	[tilespmem:s28], [sflag:$0x1] =	stream.indirect_vreg.gather @!p0 [hbm4b:s1+s2], $0x80, v3, vm1, $0xb8;
	[tilespmem:$0x1B800] =	vst v63  }
0x278: {  	s28 =	simm.s32 @!p0 $0x8800  }
0x279: {  	[tilespmem:s28], [sflag:$0x1] =	stream.indirect_vreg.gather @!p0 [hbm4b:s8+s2], $0x80, v3, vm1, $0xb8;
	[tilespmem:$0x1B800] =	vst v63  }
0x27a: {  	s28 =	simm.s32 @!p0 $0x9000  }
0x27b: {  	[tilespmem:s28], [sflag:$0x1] =	stream.indirect_vreg.gather @!p0 [hbm4b:s9+s2], $0x80, v3, vm1, $0xb8;
	[tilespmem:$0x1B800] =	vst v63  }
0x27c: {  	v6 =	vld [tilespmem:s17+$0x800]  }
0x27d: {  	v7 =	vld [tilespmem:s22+$0x10]  }
0x27e: {  	v8 =	vld [tilespmem:s22+$0x20]  }
0x27f: {  	v9 =	vld [tilespmem:s22+$0x30]  }
0x280: {  	v10 =	vld [tilespmem:s22+$0x40]  }
0x281: {  	v11 =	vld [tilespmem:s22+$0x50]  }
0x282: {  	v12 =	vld [tilespmem:s22+$0x60]  }
0x283: {  	v13 =	vld [tilespmem:s22+$0x70]  }
0x284: {  	v14 =	vld [tilespmem:s22+$0x400]  }
0x285: {  	v16 =	vld [tilespmem:s22+$0x410]  }
0x286: {  	v21 =	vld [tilespmem:s22+$0x420]  }
0x287: {  	v22 =	vld [tilespmem:s22+$0x430]  }
0x288: {  	v24 =	vld [tilespmem:s22+$0x440]  }
0x289: {  	v26 =	vld [tilespmem:s22+$0x450]  }
0x28a: {  	v27 =	vld [tilespmem:s22+$0x460]  }
0x28b: {  	v28 =	vld [tilespmem:s22+$0x470]  }
0x28c: {  	v29 =	vld [tilespmem:s17+$0x1000]  }
0x28d: {  	v31 =	vld [tilespmem:s21+$0x10]  }
0x28e: {  	v32 =	vld [tilespmem:s21+$0x20]  }
0x28f: {  	v33 =	vld [tilespmem:s21+$0x30]  }
0x290: {  	v35 =	vld [tilespmem:s21+$0x40]  }
0x291: {  	v36 =	vld [tilespmem:s21+$0x50]  }
0x292: {  	v37 =	vld [tilespmem:s21+$0x60]  }
0x293: {  	v39 =	vld [tilespmem:s21+$0x70]  }
0x294: {  	v40 =	vld [tilespmem:s17+$0x1400]  }
0x295: {  	v42 =	vld [tilespmem:s20+$0x10]  }
0x296: {  	v43 =	vld [tilespmem:s20+$0x20]  }
0x297: {  	v44 =	vld [tilespmem:s20+$0x30]  }
0x298: {  	v47 =	vld [tilespmem:s20+$0x40]  }
0x299: {  	v48 =	vld [tilespmem:s20+$0x50]  }
0x29a: {  	v49 =	vld [tilespmem:s20+$0x60]  }
0x29b: {  	v50 =	vld [tilespmem:s20+$0x70]  }
0x29c: {  	v45 =	vld [tilespmem:s17+$0x1800]  }
0x29d: {  	v25 =	vld [tilespmem:s19+$0x10]  }
0x29e: {  	v23 =	vld [tilespmem:s19+$0x20]  }
0x29f: {  	v30 =	vld [tilespmem:s19+$0x30]  }
0x2a0: {  	v34 =	vld [tilespmem:s19+$0x40]  }
0x2a1: {  	v38 =	vld [tilespmem:s19+$0x50]  }
0x2a2: {  	v41 =	vld [tilespmem:s19+$0x60]  }
0x2a3: {  	v46 =	vld [tilespmem:s19+$0x70]  }
0x2a4: {  	v17 =	vld [tilespmem:s17+$0x1C00]  }
0x2a5: {  	v5 =	vld [tilespmem:s18+$0x10]  }
0x2a6: {  	v4 =	vld [tilespmem:s18+$0x20]  }
0x2a7: {  	s12 =	simm.s32 $0x0;
	v3 =	vld [tilespmem:s18+$0x30]  }
0x2a8: {  	s2 =	smul.u32 $0x6000, s12;
	v18 =	vld [tilespmem:s18+$0x40]  }
0x2a9: {  	s29 =	simm.s32 $0x0;
	v19 =	vld [tilespmem:s18+$0x50]  }
0x2aa: {  	s28 =	sand.u32 $0x380, s29;
	v15 =	vld [tilespmem:s18+$0x60];
	s2 =	sshra.s32 s2, $0x2  }
0x2ab: {  	v20 =	vld [tilespmem:s18+$0x70];
	s28 =	sor.u32 s28, s2  }
0x2ac: {  	v61 =	vld [tilespmem:s28+$0xFC10]  }
0x2ad: {  	v62 =	vld [tilespmem:s28+$0xF870]  }
0x2ae: {  	v52 =	vld [tilespmem:s28+$0xF860]  }
0x2af: {  	v55 =	vld [tilespmem:s28+$0xF850]  }
0x2b0: {  	v56 =	vld [tilespmem:s28+$0xF840]  }
0x2b1: {  	v60 =	vld [tilespmem:s28+$0xFC50];
	v53 =	vadd.f32 v61, v16  }
0x2b2: {  	v51 =	vld [tilespmem:s28+$0xF830];
	v54 =	vadd.f32 v62, v13  }
0x2b3: {  	v57 =	vld [tilespmem:s28+$0xFC40];
	v52 =	vadd.f32 v52, v12;
	[tilespmem:s28+$0xFC10] =	vst v53  }
0x2b4: {  	v58 =	vld [tilespmem:s28+$0xF800];
	v63 =	vadd.f32 v55, v11;
	[tilespmem:s28+$0xF870] =	vst v54  }
0x2b5: {  	v59 =	vld [tilespmem:s28+$0xF810];
	v61 =	vadd.f32 v56, v10;
	[tilespmem:s28+$0xF860] =	vst v52  }
0x2b6: {  	v62 =	vadd.f32 v60, v26;
	v56 =	vld [tilespmem:s28+$0xFC30];
	[tilespmem:s28+$0xF850] =	vst v63  }
0x2b7: {  	v51 =	vadd.f32 v51, v9;
	v60 =	vld [tilespmem:s28+$0xF820];
	[tilespmem:s28+$0xF840] =	vst v61  }
0x2b8: {  	v55 =	vadd.f32 v57, v24;
	v53 =	vld [tilespmem:s28+$0xFC70];
	[tilespmem:s28+$0xFC50] =	vst v62  }
0x2b9: {  	v52 =	vld [tilespmem:s28+$0xFC20];
	[tilespmem:s28+$0xF830] =	vst v51;
	v63 =	vadd.f32 v58, v6  }
0x2ba: {  	v54 =	vld [tilespmem:s28+$0xFC60];
	v61 =	vadd.f32 v59, v7;
	[tilespmem:s28+$0xFC40] =	vst v55  }
0x2bb: {  	v62 =	vld [tilespmem:s28+$0xFC00];
	[tilespmem:s28+$0xF800] =	vst v63;
	v63 =	vadd.f32 v56, v22  }
0x2bc: {  	v58 =	vld [tilespmem:s28+$0x10000];
	[tilespmem:s28+$0xF810] =	vst v61;
	v60 =	vadd.f32 v60, v8  }
0x2bd: {  	v53 =	vadd.f32 v53, v28;
	[tilespmem:s28+$0xFC30] =	vst v63  }
0x2be: {  	v52 =	vadd.f32 v52, v21;
	[tilespmem:s28+$0xF820] =	vst v60  }
0x2bf: {  	v54 =	vadd.f32 v54, v27;
	[tilespmem:s28+$0xFC70] =	vst v53  }
0x2c0: {  	v59 =	vadd.f32 v62, v14;
	[tilespmem:s28+$0xFC20] =	vst v52  }
0x2c1: {  	v61 =	vadd.f32 v58, v29;
	[tilespmem:s28+$0xFC60] =	vst v54  }
0x2c2: {  	s2 =	sadd.s32 $0x10000, s28;
	[tilespmem:s28+$0xFC00] =	vst v59  }
0x2c3: {  	[tilespmem:s28+$0x10000] =	vst v61;
	v62 =	vld [tilespmem:s2+$0x70]  }
0x2c4: {  	v52 =	vld [tilespmem:s2+$0x20]  }
0x2c5: {  	v63 =	vld [tilespmem:s2+$0x40]  }
0x2c6: {  	v54 =	vld [tilespmem:s2+$0x50]  }
0x2c7: {  	v55 =	vld [tilespmem:s2+$0x10]  }
0x2c8: {  	v60 =	vld [tilespmem:s2+$0x30];
	v51 =	vadd.f32 v62, v39  }
0x2c9: {  	v61 =	vld [tilespmem:s2+$0x60];
	v52 =	vadd.f32 v52, v32  }
0x2ca: {  	v53 =	vadd.f32 v63, v35;
	[tilespmem:s2+$0x70] =	vst v51  }
0x2cb: {  	v62 =	vadd.f32 v54, v36;
	[tilespmem:s2+$0x20] =	vst v52  }
0x2cc: {  	v63 =	vadd.f32 v55, v31;
	[tilespmem:s2+$0x40] =	vst v53  }
0x2cd: {  	v58 =	vadd.f32 v60, v33;
	[tilespmem:s2+$0x50] =	vst v62  }
0x2ce: {  	v59 =	vadd.f32 v61, v37;
	[tilespmem:s2+$0x10] =	vst v63  }
0x2cf: {  	[tilespmem:s2+$0x30] =	vst v58  }
0x2d0: {  	[tilespmem:s2+$0x60] =	vst v59  }
0x2d1: {  	v51 =	vld [tilespmem:s28+$0x10400];
	_ =	sdelay $0x2  }
0x2d2: {  	s31 =	sadd.s32 $0x10400, s28  }
0x2d3: {  	v52 =	vld [tilespmem:s31+$0x40]  }
0x2d4: {  	v53 =	vld [tilespmem:s31+$0x50];
	v51 =	vadd.f32 v51, v40  }
0x2d5: {  	v60 =	vld [tilespmem:s31+$0x60]  }
0x2d6: {  	v61 =	vld [tilespmem:s31+$0x70];
	[tilespmem:s28+$0x10400] =	vst v51  }
0x2d7: {  	v51 =	vld [tilespmem:s31+$0x10]  }
0x2d8: {  	v52 =	vadd.f32 v52, v47;
	v62 =	vld [tilespmem:s31+$0x20]  }
0x2d9: {  	v53 =	vadd.f32 v53, v48;
	v63 =	vld [tilespmem:s31+$0x30]  }
0x2da: {  	v60 =	vadd.f32 v60, v49;
	[tilespmem:s31+$0x40] =	vst v52  }
0x2db: {  	v61 =	vadd.f32 v61, v50;
	[tilespmem:s31+$0x50] =	vst v53  }
0x2dc: {  	[tilespmem:s31+$0x60] =	vst v60;
	v51 =	vadd.f32 v51, v42  }
0x2dd: {  	[tilespmem:s31+$0x70] =	vst v61;
	v62 =	vadd.f32 v62, v43  }
0x2de: {  	v63 =	vadd.f32 v63, v44;
	[tilespmem:s31+$0x10] =	vst v51  }
0x2df: {  	[tilespmem:s31+$0x20] =	vst v62  }
0x2e0: {  	s30 =	simm.s32 $0x1;
	[tilespmem:s31+$0x30] =	vst v63  }
.LBB2_7:
0x2e1: {  	p1 =	sne.s32 s30, $0x1F  }
0x2e2: {  	v51 =	vld [tilespmem:s28+$0x10800];
	s29 =	sadd.s32 $0x80, s29;
	s31 =	smov.u32 s30;
	s30 =	sadd.s32 $0x1, s30  }
0x2e3: {  	_ =	sdelay $0x1  }
0x2e4: {  	s2 =	sadd.s32 $0x10800, s28  }
0x2e5: {  	v52 =	vld [tilespmem:s2+$0x70]  }
0x2e6: {  	v51 =	vadd.f32 v51, v45;
	v53 =	vld [tilespmem:s2+$0x60]  }
0x2e7: {  	v54 =	vld [tilespmem:s2+$0x50]  }
0x2e8: {  	[tilespmem:s28+$0x10800] =	vst v51;
	v51 =	vld [tilespmem:s2+$0x40]  }
0x2e9: {  	v55 =	vld [tilespmem:s2+$0x30]  }
0x2ea: {  	v56 =	vld [tilespmem:s2+$0x10];
	v52 =	vadd.f32 v52, v46  }
0x2eb: {  	v57 =	vld [tilespmem:s2+$0x20];
	v53 =	vadd.f32 v53, v41  }
0x2ec: {  	v54 =	vadd.f32 v54, v38;
	[tilespmem:s2+$0x70] =	vst v52  }
0x2ed: {  	v51 =	vadd.f32 v51, v34;
	[tilespmem:s2+$0x60] =	vst v53  }
0x2ee: {  	v52 =	vadd.f32 v55, v30;
	[tilespmem:s2+$0x50] =	vst v54  }
0x2ef: {  	v53 =	vadd.f32 v56, v25;
	[tilespmem:s2+$0x40] =	vst v51  }
0x2f0: {  	v51 =	vadd.f32 v57, v23;
	[tilespmem:s2+$0x30] =	vst v52  }
0x2f1: {  	[tilespmem:s2+$0x10] =	vst v53  }
0x2f2: {  	[tilespmem:s2+$0x20] =	vst v51  }
0x2f3: {  	s2 =	sadd.s32 $0x10C00, s28;
	v51 =	vld [tilespmem:s28+$0x10C00]  }
0x2f4: {  	v52 =	vld [tilespmem:s2+$0x40]  }
0x2f5: {  	v53 =	vld [tilespmem:s2+$0x50]  }
0x2f6: {  	v54 =	vld [tilespmem:s2+$0x60]  }
0x2f7: {  	v55 =	vld [tilespmem:s2+$0x70]  }
0x2f8: {  	v51 =	vadd.f32 v51, v17  }
0x2f9: {  	v52 =	vadd.f32 v52, v18  }
0x2fa: {  	[tilespmem:s28+$0x10C00] =	vst v51;
	v51 =	vadd.f32 v53, v19  }
0x2fb: {  	v53 =	vld [tilespmem:s2+$0x10];
	[tilespmem:s2+$0x40] =	vst v52;
	v52 =	vadd.f32 v54, v15  }
0x2fc: {  	s28 =	sshrl.u32 s31, $0x3;
	v54 =	vld [tilespmem:s2+$0x20];
	[tilespmem:s2+$0x50] =	vst v51;
	v51 =	vadd.f32 v55, v20  }
0x2fd: {  	s28 =	smul.u32 $0x6000, s28;
	v55 =	vld [tilespmem:s2+$0x30];
	[tilespmem:s2+$0x60] =	vst v52  }
0x2fe: {  	[tilespmem:s2+$0x70] =	vst v51  }
0x2ff: {  	s31 =	sand.u32 $0x380, s29;
	s28 =	sshra.s32 s28, $0x2  }
0x300: {  	s28 =	sor.u32 s31, s28;
	v51 =	vadd.f32 v53, v5  }
0x301: {  	v52 =	vadd.f32 v54, v4  }
0x302: {  	[tilespmem:s2+$0x10] =	vst v51;
	v51 =	vadd.f32 v55, v3  }
0x303: {  	[tilespmem:s2+$0x20] =	vst v52  }
0x304: {  	[tilespmem:s2+$0x30] =	vst v51;
	_ =	sdelay $0x1  }
0x305: {  	v51 =	vld [tilespmem:s28+$0xF830]  }
0x306: {  	v52 =	vld [tilespmem:s28+$0xF860]  }
0x307: {  	v53 =	vld [tilespmem:s28+$0xFC10]  }
0x308: {  	v54 =	vld [tilespmem:s28+$0xF870]  }
0x309: {  	v55 =	vld [tilespmem:s28+$0xF850]  }
0x30a: {  	v56 =	vld [tilespmem:s28+$0xF840]  }
0x30b: {  	v57 =	vld [tilespmem:s28+$0xFC50]  }
0x30c: {  	v53 =	vadd.f32 v53, v16;
	v58 =	vld [tilespmem:s28+$0xFC40]  }
0x30d: {  	v52 =	vadd.f32 v52, v12;
	v59 =	vld [tilespmem:s28+$0xF800];
	v54 =	vadd.f32 v54, v13  }
0x30e: {  	v60 =	vld [tilespmem:s28+$0xF810];
	v55 =	vadd.f32 v55, v11;
	[tilespmem:s28+$0xFC10] =	vst v53  }
0x30f: {  	v53 =	vadd.f32 v56, v10;
	[tilespmem:s28+$0xF870] =	vst v54;
	v54 =	vld [tilespmem:s28+$0xFC70]  }
0x310: {  	v51 =	vadd.f32 v51, v9;
	[tilespmem:s28+$0xF860] =	vst v52;
	v52 =	vld [tilespmem:s28+$0xFC20];
	v56 =	vadd.f32 v57, v26  }
0x311: {  	[tilespmem:s28+$0xF850] =	vst v55;
	v55 =	vld [tilespmem:s28+$0xFC30];
	v57 =	vadd.f32 v58, v24  }
0x312: {  	v58 =	vadd.f32 v59, v6;
	[tilespmem:s28+$0xF840] =	vst v53  }
0x313: {  	v53 =	vadd.f32 v60, v7;
	[tilespmem:s28+$0xFC50] =	vst v56;
	v56 =	vld [tilespmem:s28+$0xFC60]  }
0x314: {  	[tilespmem:s28+$0xF830] =	vst v51;
	v51 =	vld [tilespmem:s28+$0xFC00];
	v54 =	vadd.f32 v54, v28  }
0x315: {  	v59 =	vld [tilespmem:s28+$0xF820];
	v52 =	vadd.f32 v52, v21;
	[tilespmem:s28+$0xFC40] =	vst v57  }
0x316: {  	[tilespmem:s28+$0xF800] =	vst v58;
	v55 =	vadd.f32 v55, v22  }
0x317: {  	[tilespmem:s28+$0xF810] =	vst v53  }
0x318: {  	v53 =	vadd.f32 v56, v27;
	[tilespmem:s28+$0xFC70] =	vst v54;
	v54 =	vld [tilespmem:s28+$0x10000]  }
0x319: {  	v51 =	vadd.f32 v51, v14;
	[tilespmem:s28+$0xFC30] =	vst v55  }
0x31a: {  	v55 =	vadd.f32 v59, v8;
	[tilespmem:s28+$0xFC20] =	vst v52  }
0x31b: {  	[tilespmem:s28+$0xFC60] =	vst v53  }
0x31c: {  	[tilespmem:s28+$0xFC00] =	vst v51  }
0x31d: {  	s2 =	sadd.s32 $0x10000, s28;
	[tilespmem:s28+$0xF820] =	vst v55;
	v51 =	vadd.f32 v54, v29  }
0x31e: {  	v52 =	vld [tilespmem:s2+$0x50]  }
0x31f: {  	[tilespmem:s28+$0x10000] =	vst v51;
	v51 =	vld [tilespmem:s2+$0x70]  }
0x320: {  	v53 =	vld [tilespmem:s2+$0x20]  }
0x321: {  	v54 =	vld [tilespmem:s2+$0x40]  }
0x322: {  	v55 =	vld [tilespmem:s2+$0x30]  }
0x323: {  	v56 =	vld [tilespmem:s2+$0x10]  }
0x324: {  	v57 =	vld [tilespmem:s2+$0x60];
	v51 =	vadd.f32 v51, v39  }
0x325: {  	v53 =	vadd.f32 v53, v32  }
0x326: {  	v54 =	vadd.f32 v54, v35;
	[tilespmem:s2+$0x70] =	vst v51  }
0x327: {  	v52 =	vadd.f32 v52, v36;
	[tilespmem:s2+$0x20] =	vst v53;
	v51 =	vadd.f32 v55, v33  }
0x328: {  	v53 =	vadd.f32 v56, v31;
	[tilespmem:s2+$0x40] =	vst v54  }
0x329: {  	[tilespmem:s2+$0x50] =	vst v52  }
0x32a: {  	v52 =	vadd.f32 v57, v37;
	[tilespmem:s2+$0x10] =	vst v53  }
0x32b: {  	[tilespmem:s2+$0x30] =	vst v51  }
0x32c: {  	[tilespmem:s2+$0x60] =	vst v52  }
0x32d: {  	s2 =	sadd.s32 $0x10400, s28;
	v51 =	vld [tilespmem:s28+$0x10400]  }
0x32e: {  	v52 =	vld [tilespmem:s2+$0x40]  }
0x32f: {  	v53 =	vld [tilespmem:s2+$0x50]  }
0x330: {  	v54 =	vld [tilespmem:s2+$0x60]  }
0x331: {  	v55 =	vld [tilespmem:s2+$0x70]  }
0x332: {  	v51 =	vadd.f32 v51, v40  }
0x333: {  	v52 =	vadd.f32 v52, v47  }
0x334: {  	[tilespmem:s28+$0x10400] =	vst v51;
	v51 =	vadd.f32 v53, v48  }
0x335: {  	v53 =	vld [tilespmem:s2+$0x10];
	[tilespmem:s2+$0x40] =	vst v52;
	v52 =	vadd.f32 v54, v49  }
0x336: {  	v54 =	vld [tilespmem:s2+$0x20];
	[tilespmem:s2+$0x50] =	vst v51;
	v51 =	vadd.f32 v55, v50  }
0x337: {  	v55 =	vld [tilespmem:s2+$0x30];
	[tilespmem:s2+$0x60] =	vst v52  }
0x338: {  	[tilespmem:s2+$0x70] =	vst v51;
	_ =	sdelay $0x1  }
.Ltmp2:
0x339: {  	v51 =	vadd.f32 v53, v42;
	(pc) =	sbr.rel @p1 .LBB2_7-.Ltmp2, $4  }
0x33a: {  	v52 =	vadd.f32 v54, v43  }
0x33b: {  	[tilespmem:s2+$0x10] =	vst v51;
	v51 =	vadd.f32 v55, v44  }
0x33c: {  	[tilespmem:s2+$0x20] =	vst v52  }
0x33d: {  	[tilespmem:s2+$0x30] =	vst v51  }
0x33e: {  	v6 =	vld [tilespmem:s28+$0x10800];
	_ =	sdelay $0x2  }
0x33f: {  	s2 =	sadd.s32 $0x10800, s28  }
0x340: {  	v7 =	vld [tilespmem:s2+$0x70]  }
0x341: {  	v8 =	vld [tilespmem:s2+$0x60];
	v6 =	vadd.f32 v6, v45  }
0x342: {  	v9 =	vld [tilespmem:s2+$0x50]  }
0x343: {  	[tilespmem:s28+$0x10800] =	vst v6;
	v6 =	vld [tilespmem:s2+$0x40]  }
0x344: {  	v10 =	vld [tilespmem:s2+$0x30]  }
0x345: {  	v7 =	vadd.f32 v7, v46;
	v11 =	vld [tilespmem:s2+$0x10]  }
0x346: {  	v8 =	vadd.f32 v8, v41;
	v12 =	vld [tilespmem:s2+$0x20]  }
0x347: {  	v9 =	vadd.f32 v9, v38;
	[tilespmem:s2+$0x70] =	vst v7  }
0x348: {  	[tilespmem:s2+$0x60] =	vst v8;
	v6 =	vadd.f32 v6, v34  }
0x349: {  	[tilespmem:s2+$0x50] =	vst v9;
	v7 =	vadd.f32 v10, v30  }
0x34a: {  	v8 =	vadd.f32 v11, v25;
	[tilespmem:s2+$0x40] =	vst v6  }
0x34b: {  	v6 =	vadd.f32 v12, v23;
	[tilespmem:s2+$0x30] =	vst v7  }
0x34c: {  	[tilespmem:s2+$0x10] =	vst v8  }
0x34d: {  	[tilespmem:s2+$0x20] =	vst v6  }
0x34e: {  	v6 =	vld [tilespmem:s28+$0x10C00];
	_ =	sdelay $0x2  }
0x34f: {  	s6 =	sadd.s32 $0x10C00, s28  }
0x350: {  	v7 =	vld [tilespmem:s6+$0x40]  }
0x351: {  	v8 =	vld [tilespmem:s6+$0x50];
	v6 =	vadd.f32 v6, v17  }
0x352: {  	v9 =	vld [tilespmem:s6+$0x60]  }
0x353: {  	v10 =	vld [tilespmem:s6+$0x70];
	[tilespmem:s28+$0x10C00] =	vst v6  }
0x354: {  	v6 =	vld [tilespmem:s6+$0x10]  }
0x355: {  	v7 =	vadd.f32 v7, v18;
	v11 =	vld [tilespmem:s6+$0x20]  }
0x356: {  	v8 =	vadd.f32 v8, v19;
	v12 =	vld [tilespmem:s6+$0x30]  }
0x357: {  	[tilespmem:s6+$0x40] =	vst v7;
	v7 =	vadd.f32 v9, v15  }
0x358: {  	[tilespmem:s6+$0x50] =	vst v8;
	v8 =	vadd.f32 v10, v20  }
0x359: {  	[tilespmem:s6+$0x60] =	vst v7;
	v5 =	vadd.f32 v6, v5  }
0x35a: {  	[tilespmem:s6+$0x70] =	vst v8;
	v4 =	vadd.f32 v11, v4  }
0x35b: {  	v3 =	vadd.f32 v12, v3;
	[tilespmem:s6+$0x10] =	vst v5  }
0x35c: {  	s12 =	sor.u32 $0x300000, s16;
	[tilespmem:s6+$0x20] =	vst v4  }
0x35d: {  	s30 =	simm.s32 $0xF800;
	s2 =	sadd.s32 s3, s12;
	[tilespmem:s6+$0x30] =	vst v3  }
0x35e: {  	[hbm4b:s2+s24] =	stream.strided.scatter [tilespmem:s30], [sflag:$0x7], $0x400, s25, s24, $0x38;
	[tilespmem:$0x1B800] =	vst v63  }
0x35f: {  	s0 =	simm.s32 $0xFC00;
	s28 =	sadd.s32 $0x80, s2  }
0x360: {  	[hbm4b:s28+s24] =	stream.strided.scatter [tilespmem:s0], [sflag:$0x7], $0x400, s25, s24, $0x38;
	[tilespmem:$0x1B800] =	vst v63  }
0x361: {  	s31 =	simm.s32 $0x10000;
	s0 =	sadd.s32 $0x100, s2  }
0x362: {  	[hbm4b:s0+s24] =	stream.strided.scatter [tilespmem:s31], [sflag:$0x7], $0x400, s25, s24, $0x38;
	[tilespmem:$0x1B800] =	vst v63  }
0x363: {  	s12 =	simm.s32 $0x10400;
	s6 =	sadd.s32 $0x180, s2  }
0x364: {  	[hbm4b:s6+s24] =	stream.strided.scatter [tilespmem:s12], [sflag:$0x7], $0x400, s25, s24, $0x38;
	[tilespmem:$0x1B800] =	vst v63  }
0x365: {  	s29 =	simm.s32 $0x10800;
	s0 =	sadd.s32 $0x200, s2  }
0x366: {  	[hbm4b:s0+s24] =	stream.strided.scatter [tilespmem:s29], [sflag:$0x7], $0x400, s25, s24, $0x38;
	[tilespmem:$0x1B800] =	vst v63  }
0x367: {  	s6 =	sadd.s32 $0x280, s2;
	s12 =	simm.s32 $0x10C00  }
0x368: {  	[hbm4b:s6+s24] =	stream.strided.scatter [tilespmem:s12], [sflag:$0x7], $0x400, s25, s24, $0x38;
	[tilespmem:$0x1B800] =	vst v63  }
0x369: {  	s28 =	sadd.s32 $0x60000, s2;
	s29 =	simm.s32 $0x11000  }
0x36a: {  	[hbm4b:s28+s24] =	stream.strided.scatter [tilespmem:s29], [sflag:$0x7], $0x400, s25, s24, $0x38;
	[tilespmem:$0x1B800] =	vst v63  }
0x36b: {  	s6 =	simm.s32 $0x11400;
	s29 =	sadd.s32 $0x80, s28  }
0x36c: {  	[hbm4b:s29+s24] =	stream.strided.scatter [tilespmem:s6], [sflag:$0x7], $0x400, s25, s24, $0x38;
	[tilespmem:$0x1B800] =	vst v63  }
0x36d: {  	s12 =	simm.s32 $0x11800;
	s29 =	sadd.s32 $0x100, s28  }
0x36e: {  	[hbm4b:s29+s24] =	stream.strided.scatter [tilespmem:s12], [sflag:$0x7], $0x400, s25, s24, $0x38;
	[tilespmem:$0x1B800] =	vst v63  }
0x36f: {  	s6 =	simm.s32 $0x11C00;
	s29 =	sadd.s32 $0x180, s28  }
0x370: {  	[hbm4b:s29+s24] =	stream.strided.scatter [tilespmem:s6], [sflag:$0x7], $0x400, s25, s24, $0x38;
	[tilespmem:$0x1B800] =	vst v63  }
0x371: {  	s0 =	simm.s32 $0x12000;
	s29 =	sadd.s32 $0x200, s28  }
0x372: {  	[hbm4b:s29+s24] =	stream.strided.scatter [tilespmem:s0], [sflag:$0x7], $0x400, s25, s24, $0x38;
	[tilespmem:$0x1B800] =	vst v63  }
0x373: {  	s28 =	sadd.s32 $0x280, s28;
	s6 =	simm.s32 $0x12400  }
0x374: {  	[hbm4b:s28+s24] =	stream.strided.scatter [tilespmem:s6], [sflag:$0x7], $0x400, s25, s24, $0x38;
	[tilespmem:$0x1B800] =	vst v63  }
0x375: {  	s29 =	simm.s32 $0x12800;
	s28 =	sadd.s32 $0xC0000, s2  }
0x376: {  	[hbm4b:s28+s24] =	stream.strided.scatter [tilespmem:s29], [sflag:$0x7], $0x400, s25, s24, $0x38;
	[tilespmem:$0x1B800] =	vst v63  }
0x377: {  	s12 =	simm.s32 $0x12C00;
	s29 =	sadd.s32 $0x80, s28  }
0x378: {  	[hbm4b:s29+s24] =	stream.strided.scatter [tilespmem:s12], [sflag:$0x7], $0x400, s25, s24, $0x38;
	[tilespmem:$0x1B800] =	vst v63  }
0x379: {  	s29 =	sadd.s32 $0x100, s28;
	s12 =	simm.s32 $0x13000  }
0x37a: {  	[hbm4b:s29+s24] =	stream.strided.scatter [tilespmem:s12], [sflag:$0x7], $0x400, s25, s24, $0x38;
	[tilespmem:$0x1B800] =	vst v63  }
0x37b: {  	s29 =	sadd.s32 $0x180, s28;
	s12 =	simm.s32 $0x13400  }
0x37c: {  	[hbm4b:s29+s24] =	stream.strided.scatter [tilespmem:s12], [sflag:$0x7], $0x400, s25, s24, $0x38;
	[tilespmem:$0x1B800] =	vst v63  }
0x37d: {  	s29 =	sadd.s32 $0x200, s28;
	s12 =	simm.s32 $0x13800  }
0x37e: {  	[hbm4b:s29+s24] =	stream.strided.scatter [tilespmem:s12], [sflag:$0x7], $0x400, s25, s24, $0x38;
	[tilespmem:$0x1B800] =	vst v63  }
0x37f: {  	s6 =	simm.s32 $0x13C00;
	s28 =	sadd.s32 $0x280, s28  }
0x380: {  	[hbm4b:s28+s24] =	stream.strided.scatter [tilespmem:s6], [sflag:$0x7], $0x400, s25, s24, $0x38;
	[tilespmem:$0x1B800] =	vst v63  }
0x381: {  	s2 =	sadd.s32 $0x120000, s2;
	s29 =	simm.s32 $0x14000  }
0x382: {  	[hbm4b:s2+s24] =	stream.strided.scatter [tilespmem:s29], [sflag:$0x7], $0x400, s25, s24, $0x38;
	[tilespmem:$0x1B800] =	vst v63  }
0x383: {  	s28 =	sadd.s32 $0x80, s2;
	s6 =	simm.s32 $0x14400  }
0x384: {  	[hbm4b:s28+s24] =	stream.strided.scatter [tilespmem:s6], [sflag:$0x7], $0x400, s25, s24, $0x38;
	[tilespmem:$0x1B800] =	vst v63  }
0x385: {  	s28 =	sadd.s32 $0x100, s2;
	s6 =	simm.s32 $0x14800  }
0x386: {  	[hbm4b:s28+s24] =	stream.strided.scatter [tilespmem:s6], [sflag:$0x7], $0x400, s25, s24, $0x38;
	[tilespmem:$0x1B800] =	vst v63  }
0x387: {  	s28 =	sadd.s32 $0x180, s2;
	s6 =	simm.s32 $0x14C00  }
0x388: {  	[hbm4b:s28+s24] =	stream.strided.scatter [tilespmem:s6], [sflag:$0x7], $0x400, s25, s24, $0x38;
	[tilespmem:$0x1B800] =	vst v63  }
0x389: {  	s28 =	sadd.s32 $0x200, s2;
	s6 =	simm.s32 $0x15000  }
0x38a: {  	[hbm4b:s28+s24] =	stream.strided.scatter [tilespmem:s6], [sflag:$0x7], $0x400, s25, s24, $0x38;
	[tilespmem:$0x1B800] =	vst v63  }
0x38b: {  	s2 =	sadd.s32 $0x280, s2;
	s28 =	simm.s32 $0x15400  }
0x38c: {  	[hbm4b:s2+s24] =	stream.strided.scatter [tilespmem:s28], [sflag:$0x7], $0x400, s25, s24, $0x38;
	[tilespmem:$0x1B800] =	vst v63  }
0x38d: {  	_ =	swait.ge [sflag:s14], $0x6000  }
0x38e: {  	[sflag:s14] =	ssyncset.done $0x0  }
0x38f: {  	s2 =	simm.s32 @!p0 $0x6;
	[sflag:s14] =	ssyncadd.s32 $0xFFFFA000  }
0x390: {  	_ =	swait.ge @!p0 [sflag:s2], $0x6000  }
0x391: {  	[sflag:s2] =	ssyncset.done @!p0 $0x0  }
0x392: {  	[sflag:s2] =	ssyncadd.s32 @!p0 $0xFFFFA000  }
0x393: {  	v3 =	vld @!p0 [tilespmem:s23+$0xA0];
	_ =	sdelay $0x4  }
0x394: {  	v4 =	vshrl.u32 @!p0 v3, $0x3  }
0x395: {  	v4 =	vmul.u32 @!p0 $0x30, v4  }
0x396: {  	v5 =	vlaneseq.u32 @!p0;
	v3 =	vand.u32 @!p0 $0x7, v3  }
0x397: {  	v6 =	vshrl.u32 @!p0 v5, $0x3;
	v3 =	vor.u32 @!p0 v3, v4;
	v4 =	vand.u32 @!p0 $0x7, v5  }
0x398: {  	v6 =	vmul.u32 @!p0 $0x8, v6;
	v7 =	vperm.xlane @!p0 v3, v4;
	_ =	sdelay $0x1  }
0x399: {  	v7 =	vadd.s32 @!p0 v6, v7;
	_ =	sdelay $0x2  }
0x39a: {  	v5 =	vor.u32 @!p0 $0x8, v5  }
0x39b: {  	s28 =	simm.s32 @!p0 $0x9800;
	s2 =	simm.s32 @!p0 $0x0;
	v3 =	vperm.xlane @!p0 v3, v5  }
0x39c: {  	[tilespmem:s28], [sflag:$0x2] =	stream.indirect_vreg.gather @!p0 [hbm4b:s1+s2], $0x80, v7, vm1, $0xb8;
	[tilespmem:$0x1B800] =	vst v63  }
0x39d: {  	v3 =	vadd.s32 @!p0 v6, v3;
	s28 =	simm.s32 @!p0 $0xA000  }
0x39e: {  	[tilespmem:s28], [sflag:$0x2] =	stream.indirect_vreg.gather @!p0 [hbm4b:s8+s2], $0x80, v7, vm1, $0xb8;
	[tilespmem:$0x1B800] =	vst v63  }
0x39f: {  	s28 =	simm.s32 @!p0 $0xA800  }
0x3a0: {  	[tilespmem:s28], [sflag:$0x2] =	stream.indirect_vreg.gather @!p0 [hbm4b:s9+s2], $0x80, v7, vm1, $0xb8;
	[tilespmem:$0x1B800] =	vst v63  }
0x3a1: {  	s28 =	simm.s32 @!p0 $0xB000  }
0x3a2: {  	[tilespmem:s28], [sflag:$0x2] =	stream.indirect_vreg.gather @!p0 [hbm4b:s1+s2], $0x80, v3, vm1, $0xb8;
	[tilespmem:$0x1B800] =	vst v63  }
0x3a3: {  	s28 =	simm.s32 @!p0 $0xB800  }
0x3a4: {  	[tilespmem:s28], [sflag:$0x2] =	stream.indirect_vreg.gather @!p0 [hbm4b:s8+s2], $0x80, v3, vm1, $0xb8;
	[tilespmem:$0x1B800] =	vst v63  }
0x3a5: {  	s28 =	simm.s32 @!p0 $0xC000  }
0x3a6: {  	[tilespmem:s28], [sflag:$0x2] =	stream.indirect_vreg.gather @!p0 [hbm4b:s9+s2], $0x80, v3, vm1, $0xb8;
	[tilespmem:$0x1B800] =	vst v63  }
0x3a7: {  	v3 =	vld @!p0 [tilespmem:s23+$0xB0];
	_ =	sdelay $0x4  }
0x3a8: {  	v7 =	vshrl.u32 @!p0 v3, $0x3  }
0x3a9: {  	v7 =	vmul.u32 @!p0 $0x30, v7  }
0x3aa: {  	v3 =	vand.u32 @!p0 $0x7, v3  }
0x3ab: {  	v3 =	vor.u32 @!p0 v3, v7  }
0x3ac: {  	v4 =	vperm.xlane @!p0 v3, v4;
	_ =	sdelay $0x1  }
0x3ad: {  	v4 =	vadd.s32 @!p0 v6, v4;
	_ =	sdelay $0x3  }
0x3ae: {  	s23 =	simm.s32 @!p0 $0xC800;
	v3 =	vperm.xlane @!p0 v3, v5  }
0x3af: {  	[tilespmem:s23], [sflag:$0x2] =	stream.indirect_vreg.gather @!p0 [hbm4b:s1+s2], $0x80, v4, vm1, $0xb8;
	[tilespmem:$0x1B800] =	vst v63  }
0x3b0: {  	v3 =	vadd.s32 @!p0 v6, v3;
	s23 =	simm.s32 @!p0 $0xD000  }
0x3b1: {  	[tilespmem:s23], [sflag:$0x2] =	stream.indirect_vreg.gather @!p0 [hbm4b:s8+s2], $0x80, v4, vm1, $0xb8;
	[tilespmem:$0x1B800] =	vst v63  }
0x3b2: {  	s23 =	simm.s32 @!p0 $0xD800  }
0x3b3: {  	[tilespmem:s23], [sflag:$0x2] =	stream.indirect_vreg.gather @!p0 [hbm4b:s9+s2], $0x80, v4, vm1, $0xb8;
	[tilespmem:$0x1B800] =	vst v63  }
0x3b4: {  	s23 =	simm.s32 @!p0 $0xE000  }
0x3b5: {  	[tilespmem:s23], [sflag:$0x2] =	stream.indirect_vreg.gather @!p0 [hbm4b:s1+s2], $0x80, v3, vm1, $0xb8;
	[tilespmem:$0x1B800] =	vst v63  }
0x3b6: {  	s23 =	simm.s32 @!p0 $0xE800  }
0x3b7: {  	[tilespmem:s23], [sflag:$0x2] =	stream.indirect_vreg.gather @!p0 [hbm4b:s8+s2], $0x80, v3, vm1, $0xb8;
	[tilespmem:$0x1B800] =	vst v63  }
0x3b8: {  	s23 =	simm.s32 @!p0 $0xF000  }
0x3b9: {  	[tilespmem:s23], [sflag:$0x2] =	stream.indirect_vreg.gather @!p0 [hbm4b:s9+s2], $0x80, v3, vm1, $0xb8;
	[tilespmem:$0x1B800] =	vst v63  }
0x3ba: {  	v7 =	vld [tilespmem:s22+$0x10]  }
0x3bb: {  	v8 =	vld [tilespmem:s22+$0x20]  }
0x3bc: {  	v10 =	vld [tilespmem:s22+$0x30]  }
0x3bd: {  	v11 =	vld [tilespmem:s22+$0x40]  }
0x3be: {  	v13 =	vld [tilespmem:s22+$0x50]  }
0x3bf: {  	v15 =	vld [tilespmem:s22+$0x60]  }
0x3c0: {  	v18 =	vld [tilespmem:s22+$0x70]  }
0x3c1: {  	v19 =	vld [tilespmem:s22+$0x400]  }
0x3c2: {  	v21 =	vld [tilespmem:s22+$0x410]  }
0x3c3: {  	v23 =	vld [tilespmem:s22+$0x420]  }
0x3c4: {  	v24 =	vld [tilespmem:s22+$0x430]  }
0x3c5: {  	v25 =	vld [tilespmem:s22+$0x440]  }
0x3c6: {  	v26 =	vld [tilespmem:s22+$0x450]  }
0x3c7: {  	v27 =	vld [tilespmem:s22+$0x460]  }
0x3c8: {  	v29 =	vld [tilespmem:s22+$0x470]  }
0x3c9: {  	v31 =	vld [tilespmem:s21+$0x10]  }
0x3ca: {  	v32 =	vld [tilespmem:s21+$0x20]  }
0x3cb: {  	v34 =	vld [tilespmem:s21+$0x30]  }
0x3cc: {  	v36 =	vld [tilespmem:s21+$0x40]  }
0x3cd: {  	v38 =	vld [tilespmem:s21+$0x50]  }
0x3ce: {  	v39 =	vld [tilespmem:s21+$0x60]  }
0x3cf: {  	v41 =	vld [tilespmem:s21+$0x70]  }
0x3d0: {  	v42 =	vld [tilespmem:s17+$0x800]  }
0x3d1: {  	v45 =	vld [tilespmem:s17+$0x1000]  }
0x3d2: {  	v46 =	vld [tilespmem:s17+$0x1400]  }
0x3d3: {  	v43 =	vld [tilespmem:s20+$0x10]  }
0x3d4: {  	v44 =	vld [tilespmem:s20+$0x20]  }
0x3d5: {  	v40 =	vld [tilespmem:s20+$0x30]  }
0x3d6: {  	v47 =	vld [tilespmem:s20+$0x40]  }
0x3d7: {  	v48 =	vld [tilespmem:s20+$0x50]  }
0x3d8: {  	v50 =	vld [tilespmem:s20+$0x60]  }
0x3d9: {  	v49 =	vld [tilespmem:s20+$0x70]  }
0x3da: {  	v37 =	vld [tilespmem:s17+$0x1800]  }
0x3db: {  	v16 =	vld [tilespmem:s19+$0x10]  }
0x3dc: {  	v14 =	vld [tilespmem:s19+$0x20]  }
0x3dd: {  	v12 =	vld [tilespmem:s19+$0x30]  }
0x3de: {  	v35 =	vld [tilespmem:s19+$0x40]  }
0x3df: {  	v33 =	vld [tilespmem:s19+$0x50]  }
0x3e0: {  	v30 =	vld [tilespmem:s19+$0x60]  }
0x3e1: {  	v28 =	vld [tilespmem:s19+$0x70]  }
0x3e2: {  	v9 =	vld [tilespmem:s17+$0x1C00];
	s21 =	simm.s32 $0x0  }
0x3e3: {  	v3 =	vld [tilespmem:s18+$0x10];
	s2 =	smul.u32 $0x6000, s21  }
0x3e4: {  	v4 =	vld [tilespmem:s18+$0x20];
	s19 =	simm.s32 $0x0  }
0x3e5: {  	v5 =	vld [tilespmem:s18+$0x30];
	s22 =	sand.u32 $0x380, s19;
	s2 =	sshra.s32 s2, $0x2  }
0x3e6: {  	v6 =	vld [tilespmem:s18+$0x40];
	s17 =	sor.u32 s22, s2  }
0x3e7: {  	v51 =	vld [tilespmem:s17+$0x15800]  }
0x3e8: {  	v22 =	vld [tilespmem:s18+$0x50]  }
0x3e9: {  	v20 =	vld [tilespmem:s18+$0x60]  }
0x3ea: {  	v17 =	vld [tilespmem:s18+$0x70];
	s2 =	sadd.s32 $0x15800, s17  }
0x3eb: {  	v52 =	vld [tilespmem:s2+$0x70]  }
0x3ec: {  	v53 =	vld [tilespmem:s2+$0x60];
	v51 =	vadd.f32 v51, v42  }
0x3ed: {  	v54 =	vld [tilespmem:s2+$0x50]  }
0x3ee: {  	v63 =	vld [tilespmem:s2+$0x40];
	[tilespmem:s17+$0x15800] =	vst v51  }
0x3ef: {  	v55 =	vld [tilespmem:s2+$0x20]  }
0x3f0: {  	v52 =	vadd.f32 v52, v18;
	v56 =	vld [tilespmem:s2+$0x10]  }
0x3f1: {  	v53 =	vadd.f32 v53, v15;
	v57 =	vld [tilespmem:s2+$0x30]  }
0x3f2: {  	v54 =	vadd.f32 v54, v13;
	[tilespmem:s2+$0x70] =	vst v52  }
0x3f3: {  	v51 =	vadd.f32 v63, v11;
	[tilespmem:s2+$0x60] =	vst v53  }
0x3f4: {  	[tilespmem:s2+$0x50] =	vst v54;
	v60 =	vadd.f32 v55, v8  }
0x3f5: {  	[tilespmem:s2+$0x40] =	vst v51;
	v61 =	vadd.f32 v56, v7  }
0x3f6: {  	v62 =	vadd.f32 v57, v10;
	[tilespmem:s2+$0x20] =	vst v60  }
0x3f7: {  	[tilespmem:s2+$0x10] =	vst v61  }
0x3f8: {  	[tilespmem:s2+$0x30] =	vst v62  }
0x3f9: {  	v51 =	vld [tilespmem:s17+$0x15C00];
	_ =	sdelay $0x2  }
0x3fa: {  	s23 =	sadd.s32 $0x15C00, s17  }
0x3fb: {  	v52 =	vld [tilespmem:s23+$0x70]  }
0x3fc: {  	v53 =	vld [tilespmem:s23+$0x60];
	v51 =	vadd.f32 v51, v19  }
0x3fd: {  	v54 =	vld [tilespmem:s23+$0x50]  }
0x3fe: {  	v63 =	vld [tilespmem:s23+$0x40];
	[tilespmem:s17+$0x15C00] =	vst v51  }
0x3ff: {  	v60 =	vld [tilespmem:s23+$0x10]  }
0x400: {  	v52 =	vadd.f32 v52, v29;
	v61 =	vld [tilespmem:s23+$0x20]  }
0x401: {  	v53 =	vadd.f32 v53, v27;
	v62 =	vld [tilespmem:s23+$0x30]  }
0x402: {  	v54 =	vadd.f32 v54, v26;
	[tilespmem:s23+$0x70] =	vst v52  }
0x403: {  	v51 =	vadd.f32 v63, v25;
	[tilespmem:s23+$0x60] =	vst v53  }
0x404: {  	[tilespmem:s23+$0x50] =	vst v54;
	v63 =	vadd.f32 v60, v21  }
0x405: {  	[tilespmem:s23+$0x40] =	vst v51;
	v58 =	vadd.f32 v61, v23  }
0x406: {  	v59 =	vadd.f32 v62, v24;
	[tilespmem:s23+$0x10] =	vst v63  }
0x407: {  	[tilespmem:s23+$0x20] =	vst v58  }
0x408: {  	[tilespmem:s23+$0x30] =	vst v59  }
0x409: {  	v51 =	vld [tilespmem:s17+$0x16000];
	_ =	sdelay $0x2  }
0x40a: {  	s28 =	sadd.s32 $0x16000, s17  }
0x40b: {  	v52 =	vld [tilespmem:s28+$0x40]  }
0x40c: {  	v53 =	vld [tilespmem:s28+$0x50];
	v51 =	vadd.f32 v51, v45  }
0x40d: {  	v54 =	vld [tilespmem:s28+$0x60]  }
0x40e: {  	v60 =	vld [tilespmem:s28+$0x70];
	[tilespmem:s17+$0x16000] =	vst v51  }
0x40f: {  	v51 =	vld [tilespmem:s28+$0x30]  }
0x410: {  	v52 =	vadd.f32 v52, v36;
	v61 =	vld [tilespmem:s28+$0x10]  }
0x411: {  	v53 =	vadd.f32 v53, v38;
	v62 =	vld [tilespmem:s28+$0x20]  }
0x412: {  	v63 =	vadd.f32 v54, v39;
	[tilespmem:s28+$0x40] =	vst v52  }
0x413: {  	v58 =	vadd.f32 v60, v41;
	[tilespmem:s28+$0x50] =	vst v53  }
0x414: {  	[tilespmem:s28+$0x60] =	vst v63;
	v51 =	vadd.f32 v51, v34  }
0x415: {  	[tilespmem:s28+$0x70] =	vst v58;
	v59 =	vadd.f32 v61, v31  }
0x416: {  	v60 =	vadd.f32 v62, v32;
	[tilespmem:s28+$0x30] =	vst v51  }
0x417: {  	[tilespmem:s28+$0x10] =	vst v59  }
0x418: {  	[tilespmem:s28+$0x20] =	vst v60  }
0x419: {  	s20 =	sadd.s32 $0x16400, s17;
	v51 =	vld [tilespmem:s17+$0x16400]  }
0x41a: {  	v52 =	vld [tilespmem:s20+$0x40]  }
0x41b: {  	v53 =	vld [tilespmem:s20+$0x50]  }
0x41c: {  	v62 =	vld [tilespmem:s20+$0x60];
	_ =	sdelay $0x1  }
0x41d: {  	v61 =	vadd.f32 v51, v46  }
0x41e: {  	v63 =	vadd.f32 v52, v47  }
0x41f: {  	v51 =	vld [tilespmem:s20+$0x70];
	v53 =	vadd.f32 v53, v48;
	[tilespmem:s17+$0x16400] =	vst v61  }
0x420: {  	v55 =	vadd.f32 v62, v50;
	[tilespmem:s20+$0x40] =	vst v63;
	v52 =	vld [tilespmem:s20+$0x10]  }
0x421: {  	[tilespmem:s20+$0x50] =	vst v53;
	v54 =	vld [tilespmem:s20+$0x20]  }
0x422: {  	s18 =	simm.s32 $0x1;
	[tilespmem:s20+$0x60] =	vst v55;
	v53 =	vld [tilespmem:s20+$0x30]  }
.LBB2_9:
0x423: {  	p0 =	sne.s32 s18, $0x1F  }
0x424: {  	s19 =	sadd.s32 $0x80, s19;
	s2 =	smov.u32 s18;
	s18 =	sadd.s32 $0x1, s18  }
0x425: {  	v51 =	vadd.f32 v51, v49  }
0x426: {  	v52 =	vadd.f32 v52, v43  }
0x427: {  	v54 =	vadd.f32 v54, v44;
	[tilespmem:s20+$0x70] =	vst v51  }
0x428: {  	[tilespmem:s20+$0x10] =	vst v52;
	v51 =	vadd.f32 v53, v40  }
0x429: {  	[tilespmem:s20+$0x20] =	vst v54  }
0x42a: {  	[tilespmem:s20+$0x30] =	vst v51  }
0x42b: {  	s21 =	sadd.s32 $0x16800, s17;
	v51 =	vld [tilespmem:s17+$0x16800]  }
0x42c: {  	s2 =	sshrl.u32 s2, $0x3;
	v52 =	vld [tilespmem:s21+$0x40]  }
0x42d: {  	s2 =	smul.u32 $0x6000, s2;
	v53 =	vld [tilespmem:s21+$0x50]  }
0x42e: {  	v54 =	vld [tilespmem:s21+$0x60]  }
0x42f: {  	s2 =	sshra.s32 s2, $0x2;
	s20 =	sand.u32 $0x380, s19;
	v55 =	vld [tilespmem:s21+$0x70]  }
0x430: {  	s2 =	sor.u32 s20, s2;
	v51 =	vadd.f32 v51, v37  }
0x431: {  	v52 =	vadd.f32 v52, v35  }
0x432: {  	[tilespmem:s17+$0x16800] =	vst v51;
	v51 =	vadd.f32 v53, v33  }
0x433: {  	v53 =	vld [tilespmem:s21+$0x10];
	[tilespmem:s21+$0x40] =	vst v52;
	v52 =	vadd.f32 v54, v30  }
0x434: {  	v54 =	vld [tilespmem:s21+$0x20];
	[tilespmem:s21+$0x50] =	vst v51;
	v51 =	vadd.f32 v55, v28  }
0x435: {  	v55 =	vld [tilespmem:s21+$0x30];
	[tilespmem:s21+$0x60] =	vst v52  }
0x436: {  	[tilespmem:s21+$0x70] =	vst v51;
	_ =	sdelay $0x1  }
0x437: {  	s20 =	sadd.s32 $0x15800, s2;
	v51 =	vadd.f32 v53, v16  }
0x438: {  	v52 =	vadd.f32 v54, v14  }
0x439: {  	[tilespmem:s21+$0x10] =	vst v51;
	v51 =	vadd.f32 v55, v12  }
0x43a: {  	[tilespmem:s21+$0x20] =	vst v52  }
0x43b: {  	[tilespmem:s21+$0x30] =	vst v51  }
0x43c: {  	s21 =	sadd.s32 $0x16C00, s17;
	v51 =	vld [tilespmem:s17+$0x16C00]  }
0x43d: {  	v52 =	vld [tilespmem:s21+$0x50]  }
0x43e: {  	v53 =	vld [tilespmem:s21+$0x60]  }
0x43f: {  	v54 =	vld [tilespmem:s21+$0x70]  }
0x440: {  	v55 =	vld [tilespmem:s21+$0x40]  }
0x441: {  	v51 =	vadd.f32 v51, v9  }
0x442: {  	v52 =	vadd.f32 v52, v22  }
0x443: {  	[tilespmem:s17+$0x16C00] =	vst v51;
	v51 =	vadd.f32 v53, v20;
	s17 =	smov.u32 s2  }
0x444: {  	v53 =	vld [tilespmem:s21+$0x30];
	[tilespmem:s21+$0x50] =	vst v52;
	v52 =	vadd.f32 v54, v17  }
0x445: {  	v54 =	vld [tilespmem:s21+$0x20];
	v55 =	vadd.f32 v55, v6;
	[tilespmem:s21+$0x60] =	vst v51  }
0x446: {  	v51 =	vld [tilespmem:s21+$0x10];
	[tilespmem:s21+$0x70] =	vst v52  }
0x447: {  	[tilespmem:s21+$0x40] =	vst v55;
	_ =	sdelay $0x1  }
0x448: {  	v52 =	vadd.f32 v53, v5  }
0x449: {  	v53 =	vadd.f32 v54, v4  }
0x44a: {  	v51 =	vadd.f32 v51, v3;
	[tilespmem:s21+$0x30] =	vst v52  }
0x44b: {  	[tilespmem:s21+$0x20] =	vst v53  }
0x44c: {  	[tilespmem:s21+$0x10] =	vst v51  }
0x44d: {  	v51 =	vld [tilespmem:s17+$0x15800];
	_ =	sdelay $0x3  }
0x44e: {  	v52 =	vld [tilespmem:s20+$0x70]  }
0x44f: {  	v51 =	vadd.f32 v51, v42;
	v53 =	vld [tilespmem:s20+$0x60]  }
0x450: {  	v54 =	vld [tilespmem:s20+$0x50]  }
0x451: {  	[tilespmem:s17+$0x15800] =	vst v51;
	v51 =	vld [tilespmem:s20+$0x40]  }
0x452: {  	v55 =	vld [tilespmem:s20+$0x20]  }
0x453: {  	v56 =	vld [tilespmem:s20+$0x10];
	v52 =	vadd.f32 v52, v18  }
0x454: {  	v57 =	vld [tilespmem:s20+$0x30];
	v53 =	vadd.f32 v53, v15  }
0x455: {  	v54 =	vadd.f32 v54, v13;
	[tilespmem:s20+$0x70] =	vst v52  }
0x456: {  	v51 =	vadd.f32 v51, v11;
	[tilespmem:s20+$0x60] =	vst v53  }
0x457: {  	v52 =	vadd.f32 v55, v8;
	[tilespmem:s20+$0x50] =	vst v54  }
0x458: {  	v53 =	vadd.f32 v56, v7;
	[tilespmem:s20+$0x40] =	vst v51  }
0x459: {  	[tilespmem:s20+$0x20] =	vst v52;
	v51 =	vadd.f32 v57, v10  }
0x45a: {  	[tilespmem:s20+$0x10] =	vst v53  }
0x45b: {  	[tilespmem:s20+$0x30] =	vst v51  }
0x45c: {  	v51 =	vld [tilespmem:s17+$0x15C00];
	_ =	sdelay $0x2  }
0x45d: {  	s2 =	sadd.s32 $0x15C00, s17  }
0x45e: {  	v52 =	vld [tilespmem:s2+$0x70]  }
0x45f: {  	v51 =	vadd.f32 v51, v19;
	v53 =	vld [tilespmem:s2+$0x60]  }
0x460: {  	v54 =	vld [tilespmem:s2+$0x50]  }
0x461: {  	[tilespmem:s17+$0x15C00] =	vst v51;
	v51 =	vld [tilespmem:s2+$0x40]  }
0x462: {  	v55 =	vld [tilespmem:s2+$0x10]  }
0x463: {  	v56 =	vld [tilespmem:s2+$0x20];
	v52 =	vadd.f32 v52, v29  }
0x464: {  	v57 =	vld [tilespmem:s2+$0x30];
	v53 =	vadd.f32 v53, v27  }
0x465: {  	v54 =	vadd.f32 v54, v26;
	[tilespmem:s2+$0x70] =	vst v52  }
0x466: {  	v51 =	vadd.f32 v51, v25;
	[tilespmem:s2+$0x60] =	vst v53  }
0x467: {  	v52 =	vadd.f32 v55, v21;
	[tilespmem:s2+$0x50] =	vst v54  }
0x468: {  	v53 =	vadd.f32 v56, v23;
	[tilespmem:s2+$0x40] =	vst v51  }
0x469: {  	[tilespmem:s2+$0x10] =	vst v52;
	v51 =	vadd.f32 v57, v24  }
0x46a: {  	[tilespmem:s2+$0x20] =	vst v53  }
0x46b: {  	[tilespmem:s2+$0x30] =	vst v51  }
0x46c: {  	s2 =	sadd.s32 $0x16000, s17;
	v51 =	vld [tilespmem:s17+$0x16000]  }
0x46d: {  	v52 =	vld [tilespmem:s2+$0x40]  }
0x46e: {  	v53 =	vld [tilespmem:s2+$0x50]  }
0x46f: {  	v54 =	vld [tilespmem:s2+$0x60]  }
0x470: {  	v55 =	vld [tilespmem:s2+$0x70]  }
0x471: {  	v51 =	vadd.f32 v51, v45  }
0x472: {  	v52 =	vadd.f32 v52, v36  }
0x473: {  	[tilespmem:s17+$0x16000] =	vst v51;
	v51 =	vadd.f32 v53, v38  }
0x474: {  	v53 =	vld [tilespmem:s2+$0x30];
	[tilespmem:s2+$0x40] =	vst v52;
	v52 =	vadd.f32 v54, v39  }
0x475: {  	v54 =	vld [tilespmem:s2+$0x10];
	[tilespmem:s2+$0x50] =	vst v51;
	v51 =	vadd.f32 v55, v41  }
0x476: {  	v55 =	vld [tilespmem:s2+$0x20];
	[tilespmem:s2+$0x60] =	vst v52  }
0x477: {  	[tilespmem:s2+$0x70] =	vst v51;
	_ =	sdelay $0x1  }
0x478: {  	v51 =	vadd.f32 v53, v34  }
0x479: {  	v52 =	vadd.f32 v54, v31  }
0x47a: {  	v53 =	vadd.f32 v55, v32;
	[tilespmem:s2+$0x30] =	vst v51  }
0x47b: {  	[tilespmem:s2+$0x10] =	vst v52  }
0x47c: {  	[tilespmem:s2+$0x20] =	vst v53  }
0x47d: {  	s20 =	sadd.s32 $0x16400, s17;
	v52 =	vld [tilespmem:s17+$0x16400]  }
0x47e: {  	v53 =	vld [tilespmem:s20+$0x40]  }
0x47f: {  	v54 =	vld [tilespmem:s20+$0x50]  }
0x480: {  	v55 =	vld [tilespmem:s20+$0x60]  }
0x481: {  	v51 =	vld [tilespmem:s20+$0x70]  }
0x482: {  	v52 =	vadd.f32 v52, v46  }
.Ltmp3:
0x483: {  	v53 =	vadd.f32 v53, v47;
	(pc) =	sbr.rel @p0 .LBB2_9-.Ltmp3, $4  }
0x484: {  	[tilespmem:s17+$0x16400] =	vst v52;
	v56 =	vadd.f32 v54, v48  }
0x485: {  	v52 =	vld [tilespmem:s20+$0x10];
	[tilespmem:s20+$0x40] =	vst v53;
	v55 =	vadd.f32 v55, v50  }
0x486: {  	v54 =	vld [tilespmem:s20+$0x20];
	[tilespmem:s20+$0x50] =	vst v56  }
0x487: {  	v53 =	vld [tilespmem:s20+$0x30];
	[tilespmem:s20+$0x60] =	vst v55  }
0x488: {  	_ = 	snop  }
0x489: {  	v7 =	vadd.f32 v51, v49  }
0x48a: {  	v8 =	vadd.f32 v52, v43  }
0x48b: {  	[tilespmem:s20+$0x70] =	vst v7;
	v10 =	vadd.f32 v54, v44  }
0x48c: {  	[tilespmem:s20+$0x10] =	vst v8;
	v54 =	vadd.f32 v53, v40  }
0x48d: {  	[tilespmem:s20+$0x20] =	vst v10  }
0x48e: {  	[tilespmem:s20+$0x30] =	vst v54  }
0x48f: {  	v7 =	vld [tilespmem:s17+$0x16800];
	_ =	sdelay $0x2  }
0x490: {  	s2 =	sadd.s32 $0x16800, s17  }
0x491: {  	v8 =	vld [tilespmem:s2+$0x40]  }
0x492: {  	v10 =	vld [tilespmem:s2+$0x50];
	v7 =	vadd.f32 v7, v37  }
0x493: {  	v11 =	vld [tilespmem:s2+$0x60]  }
0x494: {  	v13 =	vld [tilespmem:s2+$0x70];
	[tilespmem:s17+$0x16800] =	vst v7  }
0x495: {  	v7 =	vld [tilespmem:s2+$0x10]  }
0x496: {  	v8 =	vadd.f32 v8, v35;
	v15 =	vld [tilespmem:s2+$0x20]  }
0x497: {  	v10 =	vadd.f32 v10, v33;
	v18 =	vld [tilespmem:s2+$0x30]  }
0x498: {  	v55 =	vadd.f32 v11, v30;
	[tilespmem:s2+$0x40] =	vst v8  }
0x499: {  	v56 =	vadd.f32 v13, v28;
	[tilespmem:s2+$0x50] =	vst v10  }
0x49a: {  	[tilespmem:s2+$0x60] =	vst v55;
	v7 =	vadd.f32 v7, v16  }
0x49b: {  	[tilespmem:s2+$0x70] =	vst v56;
	v57 =	vadd.f32 v15, v14  }
0x49c: {  	v58 =	vadd.f32 v18, v12;
	[tilespmem:s2+$0x10] =	vst v7  }
0x49d: {  	[tilespmem:s2+$0x20] =	vst v57  }
0x49e: {  	[tilespmem:s2+$0x30] =	vst v58  }
0x49f: {  	v7 =	vld [tilespmem:s17+$0x16C00];
	_ =	sdelay $0x2  }
0x4a0: {  	s23 =	sadd.s32 $0x16C00, s17  }
0x4a1: {  	v8 =	vld [tilespmem:s23+$0x50]  }
0x4a2: {  	v10 =	vld [tilespmem:s23+$0x60];
	v7 =	vadd.f32 v7, v9  }
0x4a3: {  	v59 =	vld [tilespmem:s23+$0x70]  }
0x4a4: {  	v60 =	vld [tilespmem:s23+$0x40];
	[tilespmem:s17+$0x16C00] =	vst v7  }
0x4a5: {  	v7 =	vld [tilespmem:s23+$0x30]  }
0x4a6: {  	v8 =	vadd.f32 v8, v22;
	v61 =	vld [tilespmem:s23+$0x20]  }
0x4a7: {  	v10 =	vadd.f32 v10, v20;
	v62 =	vld [tilespmem:s23+$0x10]  }
0x4a8: {  	v63 =	vadd.f32 v59, v17;
	[tilespmem:s23+$0x50] =	vst v8  }
0x4a9: {  	v6 =	vadd.f32 v60, v6;
	[tilespmem:s23+$0x60] =	vst v10  }
0x4aa: {  	[tilespmem:s23+$0x70] =	vst v63;
	v5 =	vadd.f32 v7, v5  }
0x4ab: {  	[tilespmem:s23+$0x40] =	vst v6;
	v4 =	vadd.f32 v61, v4  }
0x4ac: {  	v3 =	vadd.f32 v62, v3;
	[tilespmem:s23+$0x30] =	vst v5  }
0x4ad: {  	s16 =	sor.u32 $0x480000, s16;
	[tilespmem:s23+$0x20] =	vst v4  }
0x4ae: {  	s28 =	simm.s32 $0x15800;
	s2 =	sadd.s32 s3, s16;
	[tilespmem:s23+$0x10] =	vst v3  }
0x4af: {  	[hbm4b:s2+s24] =	stream.strided.scatter [tilespmem:s28], [sflag:$0x8], $0x400, s25, s24, $0x38;
	[tilespmem:$0x1B800] =	vst v63  }
0x4b0: {  	s18 =	simm.s32 $0x15C00;
	s17 =	sadd.s32 $0x80, s2  }
0x4b1: {  	[hbm4b:s17+s24] =	stream.strided.scatter [tilespmem:s18], [sflag:$0x8], $0x400, s25, s24, $0x38;
	[tilespmem:$0x1B800] =	vst v63  }
0x4b2: {  	s20 =	simm.s32 $0x16000;
	s19 =	sadd.s32 $0x100, s2  }
0x4b3: {  	[hbm4b:s19+s24] =	stream.strided.scatter [tilespmem:s20], [sflag:$0x8], $0x400, s25, s24, $0x38;
	[tilespmem:$0x1B800] =	vst v63  }
0x4b4: {  	s22 =	simm.s32 $0x16400;
	s21 =	sadd.s32 $0x180, s2  }
0x4b5: {  	[hbm4b:s21+s24] =	stream.strided.scatter [tilespmem:s22], [sflag:$0x8], $0x400, s25, s24, $0x38;
	[tilespmem:$0x1B800] =	vst v63  }
0x4b6: {  	s23 =	sadd.s32 $0x200, s2;
	s28 =	simm.s32 $0x16800  }
0x4b7: {  	[hbm4b:s23+s24] =	stream.strided.scatter [tilespmem:s28], [sflag:$0x8], $0x400, s25, s24, $0x38;
	[tilespmem:$0x1B800] =	vst v63  }
0x4b8: {  	s17 =	sadd.s32 $0x280, s2;
	s18 =	simm.s32 $0x16C00  }
0x4b9: {  	[hbm4b:s17+s24] =	stream.strided.scatter [tilespmem:s18], [sflag:$0x8], $0x400, s25, s24, $0x38;
	[tilespmem:$0x1B800] =	vst v63  }
0x4ba: {  	s16 =	sadd.s32 $0x60000, s2;
	s19 =	simm.s32 $0x17000  }
0x4bb: {  	[hbm4b:s16+s24] =	stream.strided.scatter [tilespmem:s19], [sflag:$0x8], $0x400, s25, s24, $0x38;
	[tilespmem:$0x1B800] =	vst v63  }
0x4bc: {  	s20 =	sadd.s32 $0x80, s16;
	s18 =	simm.s32 $0x17400  }
0x4bd: {  	[hbm4b:s20+s24] =	stream.strided.scatter [tilespmem:s18], [sflag:$0x8], $0x400, s25, s24, $0x38;
	[tilespmem:$0x1B800] =	vst v63  }
0x4be: {  	s21 =	sadd.s32 $0x100, s16;
	s22 =	simm.s32 $0x17800  }
0x4bf: {  	[hbm4b:s21+s24] =	stream.strided.scatter [tilespmem:s22], [sflag:$0x8], $0x400, s25, s24, $0x38;
	[tilespmem:$0x1B800] =	vst v63  }
0x4c0: {  	s23 =	sadd.s32 $0x180, s16;
	s28 =	simm.s32 $0x17C00  }
0x4c1: {  	[hbm4b:s23+s24] =	stream.strided.scatter [tilespmem:s28], [sflag:$0x8], $0x400, s25, s24, $0x38;
	[tilespmem:$0x1B800] =	vst v63  }
0x4c2: {  	s19 =	sadd.s32 $0x200, s16;
	s20 =	simm.s32 $0x18000  }
0x4c3: {  	[hbm4b:s19+s24] =	stream.strided.scatter [tilespmem:s20], [sflag:$0x8], $0x400, s25, s24, $0x38;
	[tilespmem:$0x1B800] =	vst v63  }
0x4c4: {  	s16 =	sadd.s32 $0x280, s16;
	s21 =	simm.s32 $0x18400  }
0x4c5: {  	[hbm4b:s16+s24] =	stream.strided.scatter [tilespmem:s21], [sflag:$0x8], $0x400, s25, s24, $0x38;
	[tilespmem:$0x1B800] =	vst v63  }
0x4c6: {  	s22 =	simm.s32 $0x18800;
	s16 =	sadd.s32 $0xC0000, s2  }
0x4c7: {  	[hbm4b:s16+s24] =	stream.strided.scatter [tilespmem:s22], [sflag:$0x8], $0x400, s25, s24, $0x38;
	[tilespmem:$0x1B800] =	vst v63  }
0x4c8: {  	s28 =	simm.s32 $0x18C00;
	s23 =	sadd.s32 $0x80, s16  }
0x4c9: {  	[hbm4b:s23+s24] =	stream.strided.scatter [tilespmem:s28], [sflag:$0x8], $0x400, s25, s24, $0x38;
	[tilespmem:$0x1B800] =	vst v63  }
0x4ca: {  	s20 =	simm.s32 $0x19000;
	s19 =	sadd.s32 $0x100, s16  }
0x4cb: {  	[hbm4b:s19+s24] =	stream.strided.scatter [tilespmem:s20], [sflag:$0x8], $0x400, s25, s24, $0x38;
	[tilespmem:$0x1B800] =	vst v63  }
0x4cc: {  	s21 =	sadd.s32 $0x180, s16;
	s22 =	simm.s32 $0x19400  }
0x4cd: {  	[hbm4b:s21+s24] =	stream.strided.scatter [tilespmem:s22], [sflag:$0x8], $0x400, s25, s24, $0x38;
	[tilespmem:$0x1B800] =	vst v63  }
0x4ce: {  	s23 =	sadd.s32 $0x200, s16  }
0x4cf: {  	[hbm4b:s23+s24] =	stream.strided.scatter [tilespmem:s7], [sflag:$0x8], $0x400, s25, s24, $0x38;
	[tilespmem:$0x1B800] =	vst v63  }
0x4d0: {  	s16 =	sadd.s32 $0x280, s16;
	s28 =	simm.s32 $0x19C00  }
0x4d1: {  	[hbm4b:s16+s24] =	stream.strided.scatter [tilespmem:s28], [sflag:$0x8], $0x400, s25, s24, $0x38;
	[tilespmem:$0x1B800] =	vst v63  }
0x4d2: {  	s2 =	sadd.s32 $0x120000, s2  }
0x4d3: {  	[hbm4b:s2+s24] =	stream.strided.scatter [tilespmem:s10], [sflag:$0x8], $0x400, s25, s24, $0x38;
	[tilespmem:$0x1B800] =	vst v63  }
0x4d4: {  	s18 =	sadd.s32 $0x80, s2;
	s19 =	simm.s32 $0x1A400  }
0x4d5: {  	[hbm4b:s18+s24] =	stream.strided.scatter [tilespmem:s19], [sflag:$0x8], $0x400, s25, s24, $0x38;
	[tilespmem:$0x1B800] =	vst v63  }
0x4d6: {  	s15 =	sadd.s32 $0x1, s15;
	s20 =	sadd.s32 $0x100, s2  }
0x4d7: {  	[hbm4b:s20+s24] =	stream.strided.scatter [tilespmem:s5], [sflag:$0x8], $0x400, s25, s24, $0x38;
	[tilespmem:$0x1B800] =	vst v63  }
0x4d8: {  	p0 =	sne.s32 s15, $0x10;
	s21 =	sadd.s32 $0x180, s2;
	s22 =	simm.s32 $0x1AC00  }
0x4d9: {  	[hbm4b:s21+s24] =	stream.strided.scatter [tilespmem:s22], [sflag:$0x8], $0x400, s25, s24, $0x38;
	[tilespmem:$0x1B800] =	vst v63  }
.Ltmp4:
0x4da: {  	_ = 	snop;
	(pc) =	sbr.rel @p0 .LBB2_2-.Ltmp4, $4  }
0x4db: {  	s23 =	sadd.s32 $0x200, s2  }
0x4dc: {  	[hbm4b:s23+s24] =	stream.strided.scatter [tilespmem:s4], [sflag:$0x8], $0x400, s25, s24, $0x38;
	[tilespmem:$0x1B800] =	vst v63  }
0x4dd: {  	s28 =	simm.s32 $0x1B400;
	s2 =	sadd.s32 $0x280, s2  }
0x4de: {  	[hbm4b:s2+s24] =	stream.strided.scatter [tilespmem:s28], [sflag:$0x8], $0x400, s25, s24, $0x38;
	[tilespmem:$0x1B800] =	vst v63  }
0x4df: {  	s2 =	simm.s32 $0x5  }
0x4e0: {  	_ =	swait.ge [sflag:s2], $0x6000  }
0x4e1: {  	[sflag:s2] =	ssyncset.done $0x0  }
0x4e2: {  	s22 =	simm.s32 $0x6;
	[sflag:s2] =	ssyncadd.s32 $0xFFFFA000  }
0x4e3: {  	_ =	swait.ge [sflag:s22], $0x6000  }
0x4e4: {  	[sflag:s22] =	ssyncset.done $0x0  }
0x4e5: {  	s23 =	simm.s32 $0x7;
	[sflag:s22] =	ssyncadd.s32 $0xFFFFA000  }
0x4e6: {  	_ =	swait.ge [sflag:s23], $0x6000  }
0x4e7: {  	[sflag:s23] =	ssyncset.done $0x0  }
0x4e8: {  	s15 =	simm.s32 $0x8;
	[sflag:s23] =	ssyncadd.s32 $0xFFFFA000  }
0x4e9: {  	_ =	swait.ge [sflag:s15], $0x6000  }
0x4ea: {  	s16 =	rddreg [dreg:$0x9]  }
0x4eb: {  	s28 =	rddreg [dreg:$0x8];
	s16 =	sadd.s32 $0x1, s16  }
0x4ec: {  	p0 =	sne.s32 s16, s28  }
.Ltmp5:
0x4ed: {  	_ = 	snop;
	(pc) =	sbr.rel @p0 .LBB2_1-.Ltmp5, $3  }
0x4ee: {  	_ =	sdelay $0x1  }
0x4ef: {  	[sflag:s15] =	ssyncset.done $0x0  }
0x4f0: {  	[sflag:s15] =	ssyncadd.s32 $0xFFFFA000  }
0x4f1: {  	_ =	sfence.sel $0x180000  }
0x4f2: {  	[bflag:$0x0] =	sbarrier.arrive $0xFFFF  }
0x4f3: {  	_ =	strace $0x90000047  }
0x4f4: {  	s0 =	stileid.u32;
	[bflag:$0x2] =	sbarrier.arrive $0xFFFF  }
0x4f5: {  	p0 =	sne.s32 s0, $0x0;
	s0 =	rddreg [dreg:$0x4]  }
0x4f6: {  	s0 =	sadd.s32 @!p0 $0x100000, s0  }
0x4f7: {  	[sflag:s0] =	ssyncadd.tile.s32 @!p0 $0x1;
	_ =	shalt  }
.Lfunc_end2:
_tile_overlayer_lowered:
.L_overlay_start_2:
0x4f8: {  	(tag) =	ssettag $0x2  }
0x4f9: {  	s0 =	rddreg [dreg:$0x0];
	s2 =	stileid.u32  }
0x4fa: {  	s1 =	rddreg [dreg:$0x1];
	p0 =	sne.s32 s2, $0x0  }
0x4fb: {  	s3 =	rddreg [dreg:$0x2];
	[bflag:$0x3] =	sbarrier.arrive $0xFFFF;
	s2 =	simm.s32 @!p0 $0x1C09  }
0x4fc: {  	[timem:s3], [sflag:s2] =	dma.local @!p0 [hbm:s0], s1  }
0x4fd: {  	s0 =	simm.s32 @!p0 $0x9  }
0x4fe: {  	_ =	swait.ge @!p0 [sflag:s0], s1  }
0x4ff: {  	s1 =	ssub.s32 @!p0 $0x0, s1;
	[sflag:s0] =	ssyncset.done @!p0 $0x0  }
0x500: {  	[sflag:s0] =	ssyncadd.s32 @!p0 s1  }
0x501: {  	[bflag:$0x3] =	sbarrier.arrive $0xFFFF  }
0x502: {  	_ =	shalt  }

</sc_bundles>
